<compile_context>
chip_gen: v7x
topology: tpu7x:2x2x1
jax: 0.10.2.dev20260603
libtpu: 0.0.44.dev20260713+nightly
codegen_flags: <defaults>
</compile_context>

<pallas_src>
import functools

import jax
import jax.numpy as jnp
from jax import lax
from jax.experimental import pallas as pl
from jax.experimental.pallas import tpu as pltpu
from jax.experimental.pallas import tpu_sc as plsc

NC = 2
NS = 16
NW = NC * NS
LANES = 16
CHUNK = 128


def _matmul_body(x_ref, w_ref, o_ref):
    o_ref[...] = jnp.dot(x_ref[...], w_ref[...],
                         preferred_element_type=jnp.float32)


def _combine_body(p0_ref, p1_ref, b_ref, o_ref):
    o_ref[...] = p0_ref[...] + p1_ref[...] + b_ref[...]


def _make_spmm(n_nodes, d, nck):
    zpt = (((n_nodes + NS - 1) // NS) + 7) // 8 * 8
    spm_rows = zpt * NS
    opt = (n_nodes // NS) // 8 * 8
    o_tail = n_nodes - opt * NS
    h_full = n_nodes // zpt
    h_tail = n_nodes - h_full * zpt
    assert n_nodes % 8 == 0 and o_tail < CHUNK and h_tail % 8 == 0
    npairs = nck // 2
    nckh = nck // 2
    assert nck % 4 == 0
    p_src = npairs // 2 - 1
    p_dw = npairs // 2

    mesh = plsc.VectorSubcoreMesh(core_axis_name="c", subcore_axis_name="s")

    @functools.partial(
        pl.kernel,
        out_type=[
            jax.ShapeDtypeStruct((NC * n_nodes, d), jnp.float32),
            jax.ShapeDtypeStruct((NW * nck * CHUNK, d), jnp.float32),
        ],
        mesh=mesh,
        scratch_types=[
            pltpu.VMEM((nckh, CHUNK), jnp.int32),
            pltpu.VMEM((nckh, CHUNK), jnp.float32),
            pltpu.VMEM((CHUNK, d), jnp.float32),
            pltpu.VMEM((CHUNK, d), jnp.float32),
            pltpu.VMEM_SHARED((spm_rows, d), jnp.float32),
            pltpu.SemaphoreType.DMA,
            pltpu.SemaphoreType.DMA,
            pltpu.SemaphoreType.DMA,
            pltpu.SemaphoreType.DMA,
        ],
    )
    def spmm(h_hbm, src_hbm, dst_hbm, w_hbm, out_hbm, msgs_hbm,
             idx_v, w_v, rows0_v, rows1_v, spm,
             gsem0, gsem1, ssem0, ssem1):
        cid = lax.axis_index("c")
        sid = lax.axis_index("s")
        wid = sid * NC + cid
        zero = jnp.zeros((LANES,), jnp.float32)
        rows = (rows0_v, rows1_v)
        gsem = (gsem0, gsem1)
        ssem = (ssem0, ssem1)
        mrow0 = wid * nck * CHUNK

        pltpu.sync_copy(src_hbm.at[wid, 0], idx_v)
        pltpu.sync_copy(w_hbm.at[wid, 0], w_v)

        hb0 = sid * zpt

        @pl.when(sid < h_full)
        def _():
            pltpu.sync_copy(h_hbm.at[pl.ds(hb0, zpt)],
                            spm.at[pl.ds(hb0, zpt)])
        if h_tail:
            @pl.when(sid == h_full)
            def _():
                pltpu.sync_copy(h_hbm.at[pl.ds(hb0, h_tail)],
                                spm.at[pl.ds(hb0, h_tail)])
        plsc.subcore_barrier()

        def scale_buf(buf, ck):
            def scale(g, carry):
                wg = w_v[ck, pl.ds(g * LANES, LANES)]
                for l in range(LANES):
                    wvec = lax.gather(
                        wg, jnp.full((LANES, 1), l, jnp.int32),
                        lax.GatherDimensionNumbers(
                            offset_dims=(), collapsed_slice_dims=(0,),
                            start_index_map=(0,)),
                        slice_sizes=(1,),
                        mode=lax.GatherScatterMode.PROMISE_IN_BOUNDS)
                    e = g * LANES + l
                    for c2 in range(d // LANES):
                        sl = pl.ds(c2 * LANES, LANES)
                        buf[e, sl] = buf[e, sl] * wvec
                return carry
            lax.fori_loop(0, CHUNK // LANES, scale, 0)

        pltpu.async_copy(spm.at[idx_v.at[0]], rows0_v, gsem0)

        def p1_body(p, carry):
            for b in (0, 1):
                ci = 2 * p + b
                ck = lax.rem(ci, nckh)
                cn = lax.rem(ci + 1, nckh)
                pltpu.make_async_copy(
                    spm.at[idx_v.at[ck]], rows[b], gsem[b]).wait()
                if b == 0:
                    @pl.when(p > 0)
                    def _():
                        pltpu.make_async_copy(
                            rows[1], msgs_hbm.at[pl.ds(mrow0, CHUNK)],
                            ssem[1]).wait()

                    @pl.when(p == p_dw)
                    def _():
                        pltpu.sync_copy(w_hbm.at[wid, 1], w_v)
                    pltpu.async_copy(
                        spm.at[idx_v.at[cn]], rows[1], gsem[1])
                else:
                    pltpu.make_async_copy(
                        rows[0], msgs_hbm.at[pl.ds(mrow0, CHUNK)],
                        ssem[0]).wait()

                    @pl.when(p == p_src)
                    def _():
                        pltpu.sync_copy(src_hbm.at[wid, 1], idx_v)

                    @pl.when(p < npairs - 1)
                    def _():
                        pltpu.async_copy(
                            spm.at[idx_v.at[cn]], rows[0], gsem[0])
                scale_buf(rows[b], ck)
                pltpu.async_copy(
                    rows[b], msgs_hbm.at[pl.ds(mrow0 + ci * CHUNK, CHUNK)],
                    ssem[b])
            return carry
        lax.fori_loop(0, npairs, p1_body, 0)
        pltpu.make_async_copy(
            rows1_v, msgs_hbm.at[pl.ds(mrow0, CHUNK)], ssem[1]).wait()
        plsc.subcore_barrier()

        def zrow(i, carry):
            for g in range(d // LANES):
                rows0_v[i, pl.ds(g * LANES, LANES)] = zero
            return carry
        lax.fori_loop(0, CHUNK, zrow, 0)

        n_full = zpt // CHUNK
        rem = zpt - n_full * CHUNK
        for k in range(n_full):
            pltpu.sync_copy(rows0_v, spm.at[pl.ds(hb0 + k * CHUNK, CHUNK)])
        if rem:
            pltpu.sync_copy(rows0_v.at[pl.ds(0, rem)],
                            spm.at[pl.ds(hb0 + n_full * CHUNK, rem)])
        pltpu.sync_copy(dst_hbm.at[wid, 0], idx_v)
        plsc.subcore_barrier()

        pltpu.async_copy(msgs_hbm.at[pl.ds(mrow0, CHUNK)], rows0_v, gsem0)

        def p2_body(p, carry):
            for b in (0, 1):
                ci = 2 * p + b
                ck = lax.rem(ci, nckh)
                cn = lax.rem(ci + 1, nckh)
                pltpu.make_async_copy(
                    msgs_hbm.at[pl.ds(mrow0, CHUNK)], rows[b],
                    gsem[b]).wait()
                if b == 0:
                    @pl.when(p > 0)
                    def _():
                        pltpu.make_async_copy(
                            rows[1], spm.at[idx_v.at[ck]], ssem[1]).wait()

                    @pl.when(p == p_dw)
                    def _():
                        pltpu.sync_copy(dst_hbm.at[wid, 1], idx_v)
                    pltpu.async_copy(
                        msgs_hbm.at[pl.ds(mrow0 + (ci + 1) * CHUNK, CHUNK)],
                        rows[1], gsem[1])
                else:
                    pltpu.make_async_copy(
                        rows[0], spm.at[idx_v.at[ck]], ssem[0]).wait()

                    @pl.when(p < npairs - 1)
                    def _():
                        pltpu.async_copy(
                            msgs_hbm.at[
                                pl.ds(mrow0 + (ci + 1) * CHUNK, CHUNK)],
                            rows[0], gsem[0])
                pltpu.async_copy(
                    rows[b], spm.at[idx_v.at[ck]], ssem[b], add=True)
            return carry
        lax.fori_loop(0, npairs, p2_body, 0)
        pltpu.make_async_copy(
            rows1_v, spm.at[idx_v.at[0]], ssem[1]).wait()
        plsc.subcore_barrier()

        obase = sid * opt
        hbase = cid * n_nodes + obase
        o_full = opt // CHUNK
        orem = opt - o_full * CHUNK
        for k in range(o_full):
            pltpu.sync_copy(spm.at[pl.ds(obase + k * CHUNK, CHUNK)], rows0_v)
            pltpu.sync_copy(rows0_v,
                            out_hbm.at[pl.ds(hbase + k * CHUNK, CHUNK)])
        if orem:
            r0 = o_full * CHUNK
            pltpu.sync_copy(spm.at[pl.ds(obase + r0, orem)],
                            rows0_v.at[pl.ds(0, orem)])
            pltpu.sync_copy(rows0_v.at[pl.ds(0, orem)],
                            out_hbm.at[pl.ds(hbase + r0, orem)])
        if o_tail:
            @pl.when(sid == 0)
            def _():
                t0 = opt * NS
                pltpu.sync_copy(spm.at[pl.ds(t0, o_tail)],
                                rows0_v.at[pl.ds(0, o_tail)])
                pltpu.sync_copy(rows0_v.at[pl.ds(0, o_tail)],
                                out_hbm.at[pl.ds(cid * n_nodes + t0, o_tail)])

    return spmm


def kernel(x, edge_index, edge_weight, W, b):
    n, d_in = x.shape
    d_out = W.shape[1]
    e = edge_weight.shape[0]

    nck = -(-e // (NW * CHUNK))
    nck = ((nck + 15) // 16) * 16
    epad = nck * CHUNK * NW
    pad = epad - e
    src = jnp.pad(edge_index[0].astype(jnp.int32),
                  (0, pad)).reshape(NW, 2, nck // 2, CHUNK)
    dst = jnp.pad(edge_index[1].astype(jnp.int32),
                  (0, pad)).reshape(NW, 2, nck // 2, CHUNK)
    ew = jnp.pad(edge_weight, (0, pad)).reshape(NW, 2, nck // 2, CHUNK)

    blk = 1000
    h = pl.pallas_call(
        _matmul_body,
        grid=(n // blk,),
        in_specs=[pl.BlockSpec((blk, d_in), lambda i: (i, 0)),
                  pl.BlockSpec((d_in, d_out), lambda i: (0, 0))],
        out_specs=pl.BlockSpec((blk, d_out), lambda i: (i, 0)),
        out_shape=jax.ShapeDtypeStruct((n, d_out), jnp.float32),
    )(x, W)

    partials, _ = _make_spmm(n, d_out, nck)(h, src, dst, ew)

    b2 = b[None, :]
    nb = n // blk
    out = pl.pallas_call(
        _combine_body,
        grid=(nb,),
        in_specs=[pl.BlockSpec((blk, d_out), lambda i: (i, 0)),
                  pl.BlockSpec((blk, d_out), lambda i: (i + nb, 0)),
                  pl.BlockSpec((1, d_out), lambda i: (0, 0))],
        out_specs=pl.BlockSpec((blk, d_out), lambda i: (i, 0)),
        out_shape=jax.ShapeDtypeStruct((n, d_out), jnp.float32),
    )(partials, partials, b2)
    return out

# --- scband reference (transcript-rebuilt; emitter-appended) ---
"""Pipeline reference for scband-graph-convolution-38388417691969 (READ-ONLY COPY).

The authoritative reference and input builder live on the scoring server;
editing this copy changes nothing except your own understanding.
"""

import jax, jax.numpy as jnp
import numpy as np

N_NODES = 10000
N_EDGES = 320000
D_IN = 128
D_OUT = 128


def setup_inputs(seed: int = 0) -> dict:
    key = jax.random.key(seed)
    k1, k2, k3, k4, k5 = jax.random.split(key, 5)
    x = jax.random.normal(k1, (N_NODES, D_IN), dtype=jnp.float32)
    edge_index = jax.random.randint(k2, (2, N_EDGES), 0, N_NODES, dtype=jnp.int64)
    edge_weight = jax.random.uniform(k3, (N_EDGES,), dtype=jnp.float32)
    stdv = 1.0 / np.sqrt(D_OUT)
    W = jax.random.uniform(k4, (D_IN, D_OUT), minval=-stdv, maxval=stdv, dtype=jnp.float32)
    b = jax.random.uniform(k5, (D_OUT,), minval=-stdv, maxval=stdv, dtype=jnp.float32)
    return {"x": x, "edge_index": edge_index, "edge_weight": edge_weight, "W": W, "b": b}


def reference(x, edge_index, edge_weight, W, b):
    # x = torch.mm(x, self.weight)
    h = jnp.dot(x, W)
    # x = torch.spmm(adjacency_matrix, x)  -- adjacency in COO form (edge_index, edge_weight)
    # spmm(A, h)[i] = sum_j A[i, j] * h[j]; edge (src=j, dst=i) with weight w
    src = edge_index[0]
    dst = edge_index[1]
    msgs = jnp.take(h, src, axis=0) * edge_weight[:, None]
    agg = jax.ops.segment_sum(msgs, dst, num_segments=x.shape[0])
    # return x + self.bias
    return agg + b

if __name__ == "__main__":
    import jax
    _d = setup_inputs()
    print(jax.jit(kernel)(*tuple(_d.values())))

</pallas_src>

<mosaic_0001>
#map = affine_map<(d0, d1) -> (0, 0)>
#map1 = affine_map<(d0, d1) -> (0, 0, 0, 0)>
module attributes {stable_mosaic.version = 14 : i64} {
  func.func @spmm(%arg0: i32, %arg1: i32, %arg2: memref<10000x128xf32, #tpu.memory_space<hbm>>, %arg3: memref<32x2x40x128xi32, #tpu.memory_space<hbm>>, %arg4: memref<32x2x40x128xi32, #tpu.memory_space<hbm>>, %arg5: memref<32x2x40x128xf32, #tpu.memory_space<hbm>>, %arg6: memref<20000x128xf32, #tpu.memory_space<hbm>>, %arg7: memref<327680x128xf32, #tpu.memory_space<hbm>>, %arg8: memref<40x128xi32, #tpu.memory_space<vmem>>, %arg9: memref<40x128xf32, #tpu.memory_space<vmem>>, %arg10: memref<128x128xf32, #tpu.memory_space<vmem>>, %arg11: memref<128x128xf32, #tpu.memory_space<vmem>>, %arg12: memref<10112x128xf32, #tpu.memory_space<vmem_shared>>, %arg13: memref<!tpu.dma_semaphore, #tpu.memory_space<semaphore_mem>>, %arg14: memref<!tpu.dma_semaphore, #tpu.memory_space<semaphore_mem>>, %arg15: memref<!tpu.dma_semaphore, #tpu.memory_space<semaphore_mem>>, %arg16: memref<!tpu.dma_semaphore, #tpu.memory_space<semaphore_mem>>) attributes {dimension_semantics = [#tpu.dimension_semantics<core_parallel>, #tpu.dimension_semantics<subcore_parallel>], iteration_bounds = array<i64: 2, 16>, scalar_prefetch = 0 : i64, scratch_operands = 9 : i64, tpu.core_type = #tpu.core_type<sc_vector_subcore>, window_params = [{transform_indices = #map}, {transform_indices = #map1}, {transform_indices = #map1}, {transform_indices = #map1}, {transform_indices = #map}, {transform_indices = #map}]} {
    %mul3A = arith.constant 2 : i32
    %mul3A_0 = arith.muli %arg1, %mul3A : i32
    %add3A = arith.addi %mul3A_0, %arg0 : i32
    %broadcast_in_dim3A = arith.constant 0.000000e+00 : f32
    %broadcast_in_dim3A_1 = vector.broadcast %broadcast_in_dim3A : f32 to vector<16xf32>
    %mul3A_2 = arith.constant 80 : i32
    %mul3A_3 = arith.muli %add3A, %mul3A_2 : i32
    %mul3A_4 = arith.constant 128 : i32
    %mul3A_5 = arith.muli %mul3A_3, %mul3A_4 : i32
    %run_scoped3A = arith.constant 0 : i32
    "tpu.region"() ({
      %run_scoped3A_96 = tpu.sem_alloc : memref<!tpu.dma_semaphore, #tpu.memory_space<semaphore_mem>>
      %dma_start3A_97 = arith.constant 0 : i32
      %dma_start3A_98 = arith.constant 0 : i32
      %dma_start3A_99 = tpu.memref_slice %arg3[%add3A, %run_scoped3A, %dma_start3A_97, %dma_start3A_98] : memref<32x2x40x128xi32, #tpu.memory_space<hbm>> -> memref<1x1x40x128xi32, #tpu.memory_space<hbm>>
      %dma_start3A_100 = tpu.memref_squeeze %dma_start3A_99 : memref<1x1x40x128xi32, #tpu.memory_space<hbm>> -> memref<40x128xi32, #tpu.memory_space<hbm>>
      %dma_start3A_101 = arith.constant 0 : i32
      %dma_start3A_102 = arith.constant 0 : i32
      %dma_start3A_103 = tpu.memref_slice %arg3[%add3A, %run_scoped3A, %dma_start3A_101, %dma_start3A_102] : memref<32x2x40x128xi32, #tpu.memory_space<hbm>> -> memref<1x1x40x128xi32, #tpu.memory_space<hbm>>
      %dma_start3A_104 = tpu.memref_squeeze %dma_start3A_103 : memref<1x1x40x128xi32, #tpu.memory_space<hbm>> -> memref<40x128xi32, #tpu.memory_space<hbm>>
      tpu.enqueue_dma source(%dma_start3A_104 : memref<40x128xi32, #tpu.memory_space<hbm>>) target(%arg8 : memref<40x128xi32, #tpu.memory_space<vmem>>) target_semaphore(%run_scoped3A_96 : memref<!tpu.dma_semaphore, #tpu.memory_space<semaphore_mem>>)
      %dma_wait3A_105 = arith.constant 0 : i32
      %dma_wait3A_106 = arith.constant 0 : i32
      %dma_wait3A_107 = tpu.memref_slice %arg3[%add3A, %run_scoped3A, %dma_wait3A_105, %dma_wait3A_106] : memref<32x2x40x128xi32, #tpu.memory_space<hbm>> -> memref<1x1x40x128xi32, #tpu.memory_space<hbm>>
      %dma_wait3A_108 = tpu.memref_squeeze %dma_wait3A_107 : memref<1x1x40x128xi32, #tpu.memory_space<hbm>> -> memref<40x128xi32, #tpu.memory_space<hbm>>
      %dma_wait3A_109 = arith.constant 0 : i32
      %dma_wait3A_110 = arith.constant 0 : i32
      %dma_wait3A_111 = tpu.memref_slice %arg3[%add3A, %run_scoped3A, %dma_wait3A_109, %dma_wait3A_110] : memref<32x2x40x128xi32, #tpu.memory_space<hbm>> -> memref<1x1x40x128xi32, #tpu.memory_space<hbm>>
      %dma_wait3A_112 = tpu.memref_squeeze %dma_wait3A_111 : memref<1x1x40x128xi32, #tpu.memory_space<hbm>> -> memref<40x128xi32, #tpu.memory_space<hbm>>
      tpu.wait_dma2 semaphore(%run_scoped3A_96 : memref<!tpu.dma_semaphore, #tpu.memory_space<semaphore_mem>>) src(%dma_wait3A_112 : memref<40x128xi32, #tpu.memory_space<hbm>>) dst(%arg8 : memref<40x128xi32, #tpu.memory_space<vmem>>)
      tpu.yield
    }) : () -> ()
    %run_scoped3A_6 = arith.constant 0 : i32
    "tpu.region"() ({
      %run_scoped3A_96 = tpu.sem_alloc : memref<!tpu.dma_semaphore, #tpu.memory_space<semaphore_mem>>
      %dma_start3A_97 = arith.constant 0 : i32
      %dma_start3A_98 = arith.constant 0 : i32
      %dma_start3A_99 = tpu.memref_slice %arg5[%add3A, %run_scoped3A_6, %dma_start3A_97, %dma_start3A_98] : memref<32x2x40x128xf32, #tpu.memory_space<hbm>> -> memref<1x1x40x128xf32, #tpu.memory_space<hbm>>
      %dma_start3A_100 = tpu.memref_squeeze %dma_start3A_99 : memref<1x1x40x128xf32, #tpu.memory_space<hbm>> -> memref<40x128xf32, #tpu.memory_space<hbm>>
      %dma_start3A_101 = arith.constant 0 : i32
      %dma_start3A_102 = arith.constant 0 : i32
      %dma_start3A_103 = tpu.memref_slice %arg5[%add3A, %run_scoped3A_6, %dma_start3A_101, %dma_start3A_102] : memref<32x2x40x128xf32, #tpu.memory_space<hbm>> -> memref<1x1x40x128xf32, #tpu.memory_space<hbm>>
      %dma_start3A_104 = tpu.memref_squeeze %dma_start3A_103 : memref<1x1x40x128xf32, #tpu.memory_space<hbm>> -> memref<40x128xf32, #tpu.memory_space<hbm>>
      tpu.enqueue_dma source(%dma_start3A_104 : memref<40x128xf32, #tpu.memory_space<hbm>>) target(%arg9 : memref<40x128xf32, #tpu.memory_space<vmem>>) target_semaphore(%run_scoped3A_96 : memref<!tpu.dma_semaphore, #tpu.memory_space<semaphore_mem>>)
      %dma_wait3A_105 = arith.constant 0 : i32
      %dma_wait3A_106 = arith.constant 0 : i32
      %dma_wait3A_107 = tpu.memref_slice %arg5[%add3A, %run_scoped3A_6, %dma_wait3A_105, %dma_wait3A_106] : memref<32x2x40x128xf32, #tpu.memory_space<hbm>> -> memref<1x1x40x128xf32, #tpu.memory_space<hbm>>
      %dma_wait3A_108 = tpu.memref_squeeze %dma_wait3A_107 : memref<1x1x40x128xf32, #tpu.memory_space<hbm>> -> memref<40x128xf32, #tpu.memory_space<hbm>>
      %dma_wait3A_109 = arith.constant 0 : i32
      %dma_wait3A_110 = arith.constant 0 : i32
      %dma_wait3A_111 = tpu.memref_slice %arg5[%add3A, %run_scoped3A_6, %dma_wait3A_109, %dma_wait3A_110] : memref<32x2x40x128xf32, #tpu.memory_space<hbm>> -> memref<1x1x40x128xf32, #tpu.memory_space<hbm>>
      %dma_wait3A_112 = tpu.memref_squeeze %dma_wait3A_111 : memref<1x1x40x128xf32, #tpu.memory_space<hbm>> -> memref<40x128xf32, #tpu.memory_space<hbm>>
      tpu.wait_dma2 semaphore(%run_scoped3A_96 : memref<!tpu.dma_semaphore, #tpu.memory_space<semaphore_mem>>) src(%dma_wait3A_112 : memref<40x128xf32, #tpu.memory_space<hbm>>) dst(%arg9 : memref<40x128xf32, #tpu.memory_space<vmem>>)
      tpu.yield
    }) : () -> ()
    %mul3A_7 = arith.constant 632 : i32
    %mul3A_8 = arith.muli %arg1, %mul3A_7 : i32
    %lt3A = arith.constant 15 : i32
    %lt3A_9 = arith.cmpi slt, %arg1, %lt3A : i32
    %convert_element_type3A = arith.extui %lt3A_9 : i1 to i32
    %cond3A = arith.constant 0 : i32
    %cond3A_10 = arith.cmpi ne, %convert_element_type3A, %cond3A : i32
    scf.if %cond3A_10 {
      "tpu.region"() ({
        %run_scoped3A_96 = tpu.sem_alloc : memref<!tpu.dma_semaphore, #tpu.memory_space<semaphore_mem>>
        %dma_start3A_97 = arith.constant 0 : i32
        %dma_start3A_98 = tpu.memref_slice %arg12[%mul3A_8, %dma_start3A_97] : memref<10112x128xf32, #tpu.memory_space<vmem_shared>> -> memref<632x128xf32, #tpu.memory_space<vmem_shared>>
        %dma_start3A_99 = arith.constant 0 : i32
        %dma_start3A_100 = tpu.memref_slice %arg2[%mul3A_8, %dma_start3A_99] : memref<10000x128xf32, #tpu.memory_space<hbm>> -> memref<632x128xf32, #tpu.memory_space<hbm>>
        tpu.enqueue_dma source(%dma_start3A_100 : memref<632x128xf32, #tpu.memory_space<hbm>>) target(%dma_start3A_98 : memref<632x128xf32, #tpu.memory_space<vmem_shared>>) target_semaphore(%run_scoped3A_96 : memref<!tpu.dma_semaphore, #tpu.memory_space<semaphore_mem>>)
        %dma_wait3A_101 = arith.constant 0 : i32
        %dma_wait3A_102 = tpu.memref_slice %arg12[%mul3A_8, %dma_wait3A_101] : memref<10112x128xf32, #tpu.memory_space<vmem_shared>> -> memref<632x128xf32, #tpu.memory_space<vmem_shared>>
        %dma_wait3A_103 = arith.constant 0 : i32
        %dma_wait3A_104 = tpu.memref_slice %arg2[%mul3A_8, %dma_wait3A_103] : memref<10000x128xf32, #tpu.memory_space<hbm>> -> memref<632x128xf32, #tpu.memory_space<hbm>>
        tpu.wait_dma2 semaphore(%run_scoped3A_96 : memref<!tpu.dma_semaphore, #tpu.memory_space<semaphore_mem>>) src(%dma_wait3A_104 : memref<632x128xf32, #tpu.memory_space<hbm>>) dst(%dma_wait3A_102 : memref<632x128xf32, #tpu.memory_space<vmem_shared>>)
        tpu.yield
      }) : () -> ()
    } else {
    }
    %eq3A = arith.constant 15 : i32
    %eq3A_11 = arith.cmpi eq, %arg1, %eq3A : i32
    %convert_element_type3A_12 = arith.extui %eq3A_11 : i1 to i32
    %cond3A_13 = arith.constant 0 : i32
    %cond3A_14 = arith.cmpi ne, %convert_element_type3A_12, %cond3A_13 : i32
    scf.if %cond3A_14 {
      "tpu.region"() ({
        %run_scoped3A_96 = tpu.sem_alloc : memref<!tpu.dma_semaphore, #tpu.memory_space<semaphore_mem>>
        %dma_start3A_97 = arith.constant 0 : i32
        %dma_start3A_98 = tpu.memref_slice %arg12[%mul3A_8, %dma_start3A_97] : memref<10112x128xf32, #tpu.memory_space<vmem_shared>> -> memref<520x128xf32, #tpu.memory_space<vmem_shared>>
        %dma_start3A_99 = arith.constant 0 : i32
        %dma_start3A_100 = tpu.memref_slice %arg2[%mul3A_8, %dma_start3A_99] : memref<10000x128xf32, #tpu.memory_space<hbm>> -> memref<520x128xf32, #tpu.memory_space<hbm>>
        tpu.enqueue_dma source(%dma_start3A_100 : memref<520x128xf32, #tpu.memory_space<hbm>>) target(%dma_start3A_98 : memref<520x128xf32, #tpu.memory_space<vmem_shared>>) target_semaphore(%run_scoped3A_96 : memref<!tpu.dma_semaphore, #tpu.memory_space<semaphore_mem>>)
        %dma_wait3A_101 = arith.constant 0 : i32
        %dma_wait3A_102 = tpu.memref_slice %arg12[%mul3A_8, %dma_wait3A_101] : memref<10112x128xf32, #tpu.memory_space<vmem_shared>> -> memref<520x128xf32, #tpu.memory_space<vmem_shared>>
        %dma_wait3A_103 = arith.constant 0 : i32
        %dma_wait3A_104 = tpu.memref_slice %arg2[%mul3A_8, %dma_wait3A_103] : memref<10000x128xf32, #tpu.memory_space<hbm>> -> memref<520x128xf32, #tpu.memory_space<hbm>>
        tpu.wait_dma2 semaphore(%run_scoped3A_96 : memref<!tpu.dma_semaphore, #tpu.memory_space<semaphore_mem>>) src(%dma_wait3A_104 : memref<520x128xf32, #tpu.memory_space<hbm>>) dst(%dma_wait3A_102 : memref<520x128xf32, #tpu.memory_space<vmem_shared>>)
        tpu.yield
      }) : () -> ()
    } else {
    }
    %barrier3A = arith.constant 0 : index
    tpu.barrier barrier_id(%barrier3A)
    %dma_start3A = arith.constant 0 : i32
    %dma_start3A_15 = arith.constant 0 : i32
    %dma_start3A_16 = tpu.memref_slice %arg8[%dma_start3A, %dma_start3A_15] : memref<40x128xi32, #tpu.memory_space<vmem>> -> memref<1x128xi32, #tpu.memory_space<vmem>>
    %dma_start3A_17 = tpu.memref_squeeze %dma_start3A_16 : memref<1x128xi32, #tpu.memory_space<vmem>> -> memref<128xi32, #tpu.memory_space<vmem>>
    %dma_start3A_18 = arith.constant 0 : i32
    %dma_start3A_19 = arith.constant 0 : i32
    %dma_start3A_20 = tpu.memref_slice %arg12[%dma_start3A_18, %dma_start3A_19] : memref<10112x128xf32, #tpu.memory_space<vmem_shared>> -> memref<10112x128xf32, #tpu.memory_space<vmem_shared>>
    tpu.enqueue_indirect_dma source(%dma_start3A_20 : memref<10112x128xf32, #tpu.memory_space<vmem_shared>>) target(%arg10 : memref<128x128xf32, #tpu.memory_space<vmem>>) offsets(%dma_start3A_17 : memref<128xi32, #tpu.memory_space<vmem>>) semaphore(%arg13 : memref<!tpu.dma_semaphore, #tpu.memory_space<semaphore_mem>>)
    %scan3A = arith.constant 0 : i32
    %scan3A_21 = arith.constant 0 : i32
    %scan3A_22 = arith.constant 40 : i32
    %scan3A_23 = arith.addi %scan3A_21, %scan3A_22 : i32
    %scan3A_24 = arith.constant 1 : i32
    scf.for %scan3A_96 = %scan3A_21 to %scan3A_23 step %scan3A_24  : i32 {
      %mul3A_97 = arith.constant 2 : i32
      %mul3A_98 = arith.muli %mul3A_97, %scan3A_96 : i32
      %add3A_99 = arith.constant 0 : i32
      %add3A_100 = arith.addi %mul3A_98, %add3A_99 : i32
      %rem3A = arith.constant 40 : i32
      %rem3A_101 = arith.remsi %add3A_100, %rem3A : i32
      %add3A_102 = arith.constant 1 : i32
      %add3A_103 = arith.addi %add3A_100, %add3A_102 : i32
      %rem3A_104 = arith.constant 40 : i32
      %rem3A_105 = arith.remsi %add3A_103, %rem3A_104 : i32
      %dma_wait3A_106 = arith.constant 0 : i32
      %dma_wait3A_107 = tpu.memref_slice %arg8[%rem3A_101, %dma_wait3A_106] : memref<40x128xi32, #tpu.memory_space<vmem>> -> memref<1x128xi32, #tpu.memory_space<vmem>>
      %dma_wait3A_108 = tpu.memref_squeeze %dma_wait3A_107 : memref<1x128xi32, #tpu.memory_space<vmem>> -> memref<128xi32, #tpu.memory_space<vmem>>
      %dma_wait3A_109 = arith.constant 0 : i32
      %dma_wait3A_110 = arith.constant 0 : i32
      %dma_wait3A_111 = tpu.memref_slice %arg12[%dma_wait3A_109, %dma_wait3A_110] : memref<10112x128xf32, #tpu.memory_space<vmem_shared>> -> memref<10112x128xf32, #tpu.memory_space<vmem_shared>>
      tpu.wait_indirect_dma semaphore(%arg13 : memref<!tpu.dma_semaphore, #tpu.memory_space<semaphore_mem>>) src(%dma_wait3A_111 : memref<10112x128xf32, #tpu.memory_space<vmem_shared>>) dst(%arg10 : memref<128x128xf32, #tpu.memory_space<vmem>>)
      %gt3A = arith.constant 0 : i32
      %gt3A_112 = arith.cmpi sgt, %scan3A_96, %gt3A : i32
      %convert_element_type3A_113 = arith.extui %gt3A_112 : i1 to i32
      %cond3A_114 = arith.constant 0 : i32
      %cond3A_115 = arith.cmpi ne, %convert_element_type3A_113, %cond3A_114 : i32
      scf.if %cond3A_115 {
        %dma_wait3A_183 = arith.constant 0 : i32
        %dma_wait3A_184 = tpu.memref_slice %arg7[%mul3A_5, %dma_wait3A_183] : memref<327680x128xf32, #tpu.memory_space<hbm>> -> memref<128x128xf32, #tpu.memory_space<hbm>>
        %dma_wait3A_185 = arith.constant 0 : i32
        %dma_wait3A_186 = tpu.memref_slice %arg7[%mul3A_5, %dma_wait3A_185] : memref<327680x128xf32, #tpu.memory_space<hbm>> -> memref<128x128xf32, #tpu.memory_space<hbm>>
        tpu.wait_dma2 semaphore(%arg16 : memref<!tpu.dma_semaphore, #tpu.memory_space<semaphore_mem>>) src(%arg11 : memref<128x128xf32, #tpu.memory_space<vmem>>) dst(%dma_wait3A_186 : memref<128x128xf32, #tpu.memory_space<hbm>>)
      } else {
      }
      %eq3A_116 = arith.constant 20 : i32
      %eq3A_117 = arith.cmpi eq, %scan3A_96, %eq3A_116 : i32
      %convert_element_type3A_118 = arith.extui %eq3A_117 : i1 to i32
      %cond3A_119 = arith.constant 0 : i32
      %cond3A_120 = arith.cmpi ne, %convert_element_type3A_118, %cond3A_119 : i32
      scf.if %cond3A_120 {
        %run_scoped3A_183 = arith.constant 1 : i32
        "tpu.region"() ({
          %run_scoped3A_184 = tpu.sem_alloc : memref<!tpu.dma_semaphore, #tpu.memory_space<semaphore_mem>>
          %dma_start3A_185 = arith.constant 0 : i32
          %dma_start3A_186 = arith.constant 0 : i32
          %dma_start3A_187 = tpu.memref_slice %arg5[%add3A, %run_scoped3A_183, %dma_start3A_185, %dma_start3A_186] : memref<32x2x40x128xf32, #tpu.memory_space<hbm>> -> memref<1x1x40x128xf32, #tpu.memory_space<hbm>>
          %dma_start3A_188 = tpu.memref_squeeze %dma_start3A_187 : memref<1x1x40x128xf32, #tpu.memory_space<hbm>> -> memref<40x128xf32, #tpu.memory_space<hbm>>
          %dma_start3A_189 = arith.constant 0 : i32
          %dma_start3A_190 = arith.constant 0 : i32
          %dma_start3A_191 = tpu.memref_slice %arg5[%add3A, %run_scoped3A_183, %dma_start3A_189, %dma_start3A_190] : memref<32x2x40x128xf32, #tpu.memory_space<hbm>> -> memref<1x1x40x128xf32, #tpu.memory_space<hbm>>
          %dma_start3A_192 = tpu.memref_squeeze %dma_start3A_191 : memref<1x1x40x128xf32, #tpu.memory_space<hbm>> -> memref<40x128xf32, #tpu.memory_space<hbm>>
          tpu.enqueue_dma source(%dma_start3A_192 : memref<40x128xf32, #tpu.memory_space<hbm>>) target(%arg9 : memref<40x128xf32, #tpu.memory_space<vmem>>) target_semaphore(%run_scoped3A_184 : memref<!tpu.dma_semaphore, #tpu.memory_space<semaphore_mem>>)
          %dma_wait3A_193 = arith.constant 0 : i32
          %dma_wait3A_194 = arith.constant 0 : i32
          %dma_wait3A_195 = tpu.memref_slice %arg5[%add3A, %run_scoped3A_183, %dma_wait3A_193, %dma_wait3A_194] : memref<32x2x40x128xf32, #tpu.memory_space<hbm>> -> memref<1x1x40x128xf32, #tpu.memory_space<hbm>>
          %dma_wait3A_196 = tpu.memref_squeeze %dma_wait3A_195 : memref<1x1x40x128xf32, #tpu.memory_space<hbm>> -> memref<40x128xf32, #tpu.memory_space<hbm>>
          %dma_wait3A_197 = arith.constant 0 : i32
          %dma_wait3A_198 = arith.constant 0 : i32
          %dma_wait3A_199 = tpu.memref_slice %arg5[%add3A, %run_scoped3A_183, %dma_wait3A_197, %dma_wait3A_198] : memref<32x2x40x128xf32, #tpu.memory_space<hbm>> -> memref<1x1x40x128xf32, #tpu.memory_space<hbm>>
          %dma_wait3A_200 = tpu.memref_squeeze %dma_wait3A_199 : memref<1x1x40x128xf32, #tpu.memory_space<hbm>> -> memref<40x128xf32, #tpu.memory_space<hbm>>
          tpu.wait_dma2 semaphore(%run_scoped3A_184 : memref<!tpu.dma_semaphore, #tpu.memory_space<semaphore_mem>>) src(%dma_wait3A_200 : memref<40x128xf32, #tpu.memory_space<hbm>>) dst(%arg9 : memref<40x128xf32, #tpu.memory_space<vmem>>)
          tpu.yield
        }) : () -> ()
      } else {
      }
      %dma_start3A_121 = arith.constant 0 : i32
      %dma_start3A_122 = tpu.memref_slice %arg8[%rem3A_105, %dma_start3A_121] : memref<40x128xi32, #tpu.memory_space<vmem>> -> memref<1x128xi32, #tpu.memory_space<vmem>>
      %dma_start3A_123 = tpu.memref_squeeze %dma_start3A_122 : memref<1x128xi32, #tpu.memory_space<vmem>> -> memref<128xi32, #tpu.memory_space<vmem>>
      %dma_start3A_124 = arith.constant 0 : i32
      %dma_start3A_125 = arith.constant 0 : i32
      %dma_start3A_126 = tpu.memref_slice %arg12[%dma_start3A_124, %dma_start3A_125] : memref<10112x128xf32, #tpu.memory_space<vmem_shared>> -> memref<10112x128xf32, #tpu.memory_space<vmem_shared>>
      tpu.enqueue_indirect_dma source(%dma_start3A_126 : memref<10112x128xf32, #tpu.memory_space<vmem_shared>>) target(%arg11 : memref<128x128xf32, #tpu.memory_space<vmem>>) offsets(%dma_start3A_123 : memref<128xi32, #tpu.memory_space<vmem>>) semaphore(%arg14 : memref<!tpu.dma_semaphore, #tpu.memory_space<semaphore_mem>>)
      %scan3A_127 = arith.constant 0 : i32
      %scan3A_128 = arith.constant 0 : i32
      %scan3A_129 = arith.constant 8 : i32
      %scan3A_130 = arith.addi %scan3A_128, %scan3A_129 : i32
      %scan3A_131 = arith.constant 1 : i32
      scf.for %scan3A_183 = %scan3A_128 to %scan3A_130 step %scan3A_131  : i32 {
        %mul3A_184 = arith.constant 16 : i32
        %mul3A_185 = arith.muli %scan3A_183, %mul3A_184 : i32
        %get3A = arith.index_cast %rem3A_101 : i32 to index
        %get3A_186 = arith.index_cast %mul3A_185 : i32 to index
        %get3A_187 = tpu.vector_load %arg9[%get3A, %get3A_186] {strides = array<i32>} : memref<40x128xf32, #tpu.memory_space<vmem>>, vector<1x16xf32>,
        %get3A_188 = vector.shape_cast %get3A_187 : vector<1x16xf32> to vector<16xf32>
        %broadcast_in_dim3A_189 = arith.constant 0 : i32
        %broadcast_in_dim3A_190 = vector.broadcast %broadcast_in_dim3A_189 : i32 to vector<16x1xi32>
        %gather3A = vector.shape_cast %broadcast_in_dim3A_190 : vector<16x1xi32> to vector<16xi32>
        %gather3A_191 = tpu.dynamic_gather %get3A_188[%gather3A] in [0] : vector<16xf32>, vector<16xi32> -> vector<16xf32>
        %mul3A_192 = arith.constant 16 : i32
        %mul3A_193 = arith.muli %scan3A_183, %mul3A_192 : i32
        %add3A_194 = arith.constant 0 : i32
        %add3A_195 = arith.addi %mul3A_193, %add3A_194 : i32
        %get3A_196 = arith.index_cast %add3A_195 : i32 to index
        %get3A_197 = arith.constant 0 : index
        %get3A_198 = tpu.vector_load %arg10[%get3A_196, %get3A_197] {strides = array<i32>} : memref<128x128xf32, #tpu.memory_space<vmem>>, vector<1x16xf32>,
        %get3A_199 = vector.shape_cast %get3A_198 : vector<1x16xf32> to vector<16xf32>
        %mul3A_200 = arith.mulf %get3A_199, %gather3A_191 : vector<16xf32>
        %swap3A = arith.index_cast %add3A_195 : i32 to index
        %swap3A_201 = arith.constant 0 : index
        %swap3A_202 = tpu.vector_load %arg10[%swap3A, %swap3A_201] {strides = array<i32>} : memref<128x128xf32, #tpu.memory_space<vmem>>, vector<1x16xf32>,
        %swap3A_203 = vector.shape_cast %swap3A_202 : vector<1x16xf32> to vector<16xf32>
        %swap3A_204 = vector.shape_cast %mul3A_200 : vector<16xf32> to vector<1x16xf32>
        tpu.vector_store %arg10[%swap3A, %swap3A_201], %swap3A_204 {strides = array<i32>} : memref<128x128xf32, #tpu.memory_space<vmem>>, vector<1x16xf32>,
        %get3A_205 = arith.index_cast %add3A_195 : i32 to index
        %get3A_206 = arith.constant 16 : index
        %get3A_207 = tpu.vector_load %arg10[%get3A_205, %get3A_206] {strides = array<i32>} : memref<128x128xf32, #tpu.memory_space<vmem>>, vector<1x16xf32>,
        %get3A_208 = vector.shape_cast %get3A_207 : vector<1x16xf32> to vector<16xf32>
        %mul3A_209 = arith.mulf %get3A_208, %gather3A_191 : vector<16xf32>
        %swap3A_210 = arith.index_cast %add3A_195 : i32 to index
        %swap3A_211 = arith.constant 16 : index
        %swap3A_212 = tpu.vector_load %arg10[%swap3A_210, %swap3A_211] {strides = array<i32>} : memref<128x128xf32, #tpu.memory_space<vmem>>, vector<1x16xf32>,
        %swap3A_213 = vector.shape_cast %swap3A_212 : vector<1x16xf32> to vector<16xf32>
        %swap3A_214 = vector.shape_cast %mul3A_209 : vector<16xf32> to vector<1x16xf32>
        tpu.vector_store %arg10[%swap3A_210, %swap3A_211], %swap3A_214 {strides = array<i32>} : memref<128x128xf32, #tpu.memory_space<vmem>>, vector<1x16xf32>,
        %get3A_215 = arith.index_cast %add3A_195 : i32 to index
        %get3A_216 = arith.constant 32 : index
        %get3A_217 = tpu.vector_load %arg10[%get3A_215, %get3A_216] {strides = array<i32>} : memref<128x128xf32, #tpu.memory_space<vmem>>, vector<1x16xf32>,
        %get3A_218 = vector.shape_cast %get3A_217 : vector<1x16xf32> to vector<16xf32>
        %mul3A_219 = arith.mulf %get3A_218, %gather3A_191 : vector<16xf32>
        %swap3A_220 = arith.index_cast %add3A_195 : i32 to index
        %swap3A_221 = arith.constant 32 : index
        %swap3A_222 = tpu.vector_load %arg10[%swap3A_220, %swap3A_221] {strides = array<i32>} : memref<128x128xf32, #tpu.memory_space<vmem>>, vector<1x16xf32>,
        %swap3A_223 = vector.shape_cast %swap3A_222 : vector<1x16xf32> to vector<16xf32>
        %swap3A_224 = vector.shape_cast %mul3A_219 : vector<16xf32> to vector<1x16xf32>
        tpu.vector_store %arg10[%swap3A_220, %swap3A_221], %swap3A_224 {strides = array<i32>} : memref<128x128xf32, #tpu.memory_space<vmem>>, vector<1x16xf32>,
        %get3A_225 = arith.index_cast %add3A_195 : i32 to index
        %get3A_226 = arith.constant 48 : index
        %get3A_227 = tpu.vector_load %arg10[%get3A_225, %get3A_226] {strides = array<i32>} : memref<128x128xf32, #tpu.memory_space<vmem>>, vector<1x16xf32>,
        %get3A_228 = vector.shape_cast %get3A_227 : vector<1x16xf32> to vector<16xf32>
        %mul3A_229 = arith.mulf %get3A_228, %gather3A_191 : vector<16xf32>
        %swap3A_230 = arith.index_cast %add3A_195 : i32 to index
        %swap3A_231 = arith.constant 48 : index
        %swap3A_232 = tpu.vector_load %arg10[%swap3A_230, %swap3A_231] {strides = array<i32>} : memref<128x128xf32, #tpu.memory_space<vmem>>, vector<1x16xf32>,
        %swap3A_233 = vector.shape_cast %swap3A_232 : vector<1x16xf32> to vector<16xf32>
        %swap3A_234 = vector.shape_cast %mul3A_229 : vector<16xf32> to vector<1x16xf32>
        tpu.vector_store %arg10[%swap3A_230, %swap3A_231], %swap3A_234 {strides = array<i32>} : memref<128x128xf32, #tpu.memory_space<vmem>>, vector<1x16xf32>,
        %get3A_235 = arith.index_cast %add3A_195 : i32 to index
        %get3A_236 = arith.constant 64 : index
        %get3A_237 = tpu.vector_load %arg10[%get3A_235, %get3A_236] {strides = array<i32>} : memref<128x128xf32, #tpu.memory_space<vmem>>, vector<1x16xf32>,
        %get3A_238 = vector.shape_cast %get3A_237 : vector<1x16xf32> to vector<16xf32>
        %mul3A_239 = arith.mulf %get3A_238, %gather3A_191 : vector<16xf32>
        %swap3A_240 = arith.index_cast %add3A_195 : i32 to index
        %swap3A_241 = arith.constant 64 : index
        %swap3A_242 = tpu.vector_load %arg10[%swap3A_240, %swap3A_241] {strides = array<i32>} : memref<128x128xf32, #tpu.memory_space<vmem>>, vector<1x16xf32>,
        %swap3A_243 = vector.shape_cast %swap3A_242 : vector<1x16xf32> to vector<16xf32>
        %swap3A_244 = vector.shape_cast %mul3A_239 : vector<16xf32> to vector<1x16xf32>
        tpu.vector_store %arg10[%swap3A_240, %swap3A_241], %swap3A_244 {strides = array<i32>} : memref<128x128xf32, #tpu.memory_space<vmem>>, vector<1x16xf32>,
        %get3A_245 = arith.index_cast %add3A_195 : i32 to index
        %get3A_246 = arith.constant 80 : index
        %get3A_247 = tpu.vector_load %arg10[%get3A_245, %get3A_246] {strides = array<i32>} : memref<128x128xf32, #tpu.memory_space<vmem>>, vector<1x16xf32>,
        %get3A_248 = vector.shape_cast %get3A_247 : vector<1x16xf32> to vector<16xf32>
        %mul3A_249 = arith.mulf %get3A_248, %gather3A_191 : vector<16xf32>
        %swap3A_250 = arith.index_cast %add3A_195 : i32 to index
        %swap3A_251 = arith.constant 80 : index
        %swap3A_252 = tpu.vector_load %arg10[%swap3A_250, %swap3A_251] {strides = array<i32>} : memref<128x128xf32, #tpu.memory_space<vmem>>, vector<1x16xf32>,
        %swap3A_253 = vector.shape_cast %swap3A_252 : vector<1x16xf32> to vector<16xf32>
        %swap3A_254 = vector.shape_cast %mul3A_249 : vector<16xf32> to vector<1x16xf32>
        tpu.vector_store %arg10[%swap3A_250, %swap3A_251], %swap3A_254 {strides = array<i32>} : memref<128x128xf32, #tpu.memory_space<vmem>>, vector<1x16xf32>,
        %get3A_255 = arith.index_cast %add3A_195 : i32 to index
        %get3A_256 = arith.constant 96 : index
        %get3A_257 = tpu.vector_load %arg10[%get3A_255, %get3A_256] {strides = array<i32>} : memref<128x128xf32, #tpu.memory_space<vmem>>, vector<1x16xf32>,
        %get3A_258 = vector.shape_cast %get3A_257 : vector<1x16xf32> to vector<16xf32>
        %mul3A_259 = arith.mulf %get3A_258, %gather3A_191 : vector<16xf32>
        %swap3A_260 = arith.index_cast %add3A_195 : i32 to index
        %swap3A_261 = arith.constant 96 : index
        %swap3A_262 = tpu.vector_load %arg10[%swap3A_260, %swap3A_261] {strides = array<i32>} : memref<128x128xf32, #tpu.memory_space<vmem>>, vector<1x16xf32>,
        %swap3A_263 = vector.shape_cast %swap3A_262 : vector<1x16xf32> to vector<16xf32>
        %swap3A_264 = vector.shape_cast %mul3A_259 : vector<16xf32> to vector<1x16xf32>
        tpu.vector_store %arg10[%swap3A_260, %swap3A_261], %swap3A_264 {strides = array<i32>} : memref<128x128xf32, #tpu.memory_space<vmem>>, vector<1x16xf32>,
        %get3A_265 = arith.index_cast %add3A_195 : i32 to index
        %get3A_266 = arith.constant 112 : index
        %get3A_267 = tpu.vector_load %arg10[%get3A_265, %get3A_266] {strides = array<i32>} : memref<128x128xf32, #tpu.memory_space<vmem>>, vector<1x16xf32>,
        %get3A_268 = vector.shape_cast %get3A_267 : vector<1x16xf32> to vector<16xf32>
        %mul3A_269 = arith.mulf %get3A_268, %gather3A_191 : vector<16xf32>
        %swap3A_270 = arith.index_cast %add3A_195 : i32 to index
        %swap3A_271 = arith.constant 112 : index
        %swap3A_272 = tpu.vector_load %arg10[%swap3A_270, %swap3A_271] {strides = array<i32>} : memref<128x128xf32, #tpu.memory_space<vmem>>, vector<1x16xf32>,
        %swap3A_273 = vector.shape_cast %swap3A_272 : vector<1x16xf32> to vector<16xf32>
        %swap3A_274 = vector.shape_cast %mul3A_269 : vector<16xf32> to vector<1x16xf32>
        tpu.vector_store %arg10[%swap3A_270, %swap3A_271], %swap3A_274 {strides = array<i32>} : memref<128x128xf32, #tpu.memory_space<vmem>>, vector<1x16xf32>,
        %broadcast_in_dim3A_275 = arith.constant 1 : i32
        %broadcast_in_dim3A_276 = vector.broadcast %broadcast_in_dim3A_275 : i32 to vector<16x1xi32>
        %gather3A_277 = vector.shape_cast %broadcast_in_dim3A_276 : vector<16x1xi32> to vector<16xi32>
        %gather3A_278 = tpu.dynamic_gather %get3A_188[%gather3A_277] in [0] : vector<16xf32>, vector<16xi32> -> vector<16xf32>
        %mul3A_279 = arith.constant 16 : i32
        %mul3A_280 = arith.muli %scan3A_183, %mul3A_279 : i32
        %add3A_281 = arith.constant 1 : i32
        %add3A_282 = arith.addi %mul3A_280, %add3A_281 : i32
        %get3A_283 = arith.index_cast %add3A_282 : i32 to index
        %get3A_284 = arith.constant 0 : index
        %get3A_285 = tpu.vector_load %arg10[%get3A_283, %get3A_284] {strides = array<i32>} : memref<128x128xf32, #tpu.memory_space<vmem>>, vector<1x16xf32>,
        %get3A_286 = vector.shape_cast %get3A_285 : vector<1x16xf32> to vector<16xf32>
        %mul3A_287 = arith.mulf %get3A_286, %gather3A_278 : vector<16xf32>
        %swap3A_288 = arith.index_cast %add3A_282 : i32 to index
        %swap3A_289 = arith.constant 0 : index
        %swap3A_290 = tpu.vector_load %arg10[%swap3A_288, %swap3A_289] {strides = array<i32>} : memref<128x128xf32, #tpu.memory_space<vmem>>, vector<1x16xf32>,
        %swap3A_291 = vector.shape_cast %swap3A_290 : vector<1x16xf32> to vector<16xf32>
        %swap3A_292 = vector.shape_cast %mul3A_287 : vector<16xf32> to vector<1x16xf32>
        tpu.vector_store %arg10[%swap3A_288, %swap3A_289], %swap3A_292 {strides = array<i32>} : memref<128x128xf32, #tpu.memory_space<vmem>>, vector<1x16xf32>,
        %get3A_293 = arith.index_cast %add3A_282 : i32 to index
        %get3A_294 = arith.constant 16 : index
        %get3A_295 = tpu.vector_load %arg10[%get3A_293, %get3A_294] {strides = array<i32>} : memref<128x128xf32, #tpu.memory_space<vmem>>, vector<1x16xf32>,
        %get3A_296 = vector.shape_cast %get3A_295 : vector<1x16xf32> to vector<16xf32>
        %mul3A_297 = arith.mulf %get3A_296, %gather3A_278 : vector<16xf32>
        %swap3A_298 = arith.index_cast %add3A_282 : i32 to index
        %swap3A_299 = arith.constant 16 : index
        %swap3A_300 = tpu.vector_load %arg10[%swap3A_298, %swap3A_299] {strides = array<i32>} : memref<128x128xf32, #tpu.memory_space<vmem>>, vector<1x16xf32>,
        %swap3A_301 = vector.shape_cast %swap3A_300 : vector<1x16xf32> to vector<16xf32>
        %swap3A_302 = vector.shape_cast %mul3A_297 : vector<16xf32> to vector<1x16xf32>
        tpu.vector_store %arg10[%swap3A_298, %swap3A_299], %swap3A_302 {strides = array<i32>} : memref<128x128xf32, #tpu.memory_space<vmem>>, vector<1x16xf32>,
        %get3A_303 = arith.index_cast %add3A_282 : i32 to index
        %get3A_304 = arith.constant 32 : index
        %get3A_305 = tpu.vector_load %arg10[%get3A_303, %get3A_304] {strides = array<i32>} : memref<128x128xf32, #tpu.memory_space<vmem>>, vector<1x16xf32>,
        %get3A_306 = vector.shape_cast %get3A_305 : vector<1x16xf32> to vector<16xf32>
        %mul3A_307 = arith.mulf %get3A_306, %gather3A_278 : vector<16xf32>
        %swap3A_308 = arith.index_cast %add3A_282 : i32 to index
        %swap3A_309 = arith.constant 32 : index
        %swap3A_310 = tpu.vector_load %arg10[%swap3A_308, %swap3A_309] {strides = array<i32>} : memref<128x128xf32, #tpu.memory_space<vmem>>, vector<1x16xf32>,
        %swap3A_311 = vector.shape_cast %swap3A_310 : vector<1x16xf32> to vector<16xf32>
        %swap3A_312 = vector.shape_cast %mul3A_307 : vector<16xf32> to vector<1x16xf32>
        tpu.vector_store %arg10[%swap3A_308, %swap3A_309], %swap3A_312 {strides = array<i32>} : memref<128x128xf32, #tpu.memory_space<vmem>>, vector<1x16xf32>,
        %get3A_313 = arith.index_cast %add3A_282 : i32 to index
        %get3A_314 = arith.constant 48 : index
        %get3A_315 = tpu.vector_load %arg10[%get3A_313, %get3A_314] {strides = array<i32>} : memref<128x128xf32, #tpu.memory_space<vmem>>, vector<1x16xf32>,
        %get3A_316 = vector.shape_cast %get3A_315 : vector<1x16xf32> to vector<16xf32>
        %mul3A_317 = arith.mulf %get3A_316, %gather3A_278 : vector<16xf32>
        %swap3A_318 = arith.index_cast %add3A_282 : i32 to index
        %swap3A_319 = arith.constant 48 : index
        %swap3A_320 = tpu.vector_load %arg10[%swap3A_318, %swap3A_319] {strides = array<i32>} : memref<128x128xf32, #tpu.memory_space<vmem>>, vector<1x16xf32>,
        %swap3A_321 = vector.shape_cast %swap3A_320 : vector<1x16xf32> to vector<16xf32>
        %swap3A_322 = vector.shape_cast %mul3A_317 : vector<16xf32> to vector<1x16xf32>
        tpu.vector_store %arg10[%swap3A_318, %swap3A_319], %swap3A_322 {strides = array<i32>} : memref<128x128xf32, #tpu.memory_space<vmem>>, vector<1x16xf32>,
        %get3A_323 = arith.index_cast %add3A_282 : i32 to index
        %get3A_324 = arith.constant 64 : index
        %get3A_325 = tpu.vector_load %arg10[%get3A_323, %get3A_324] {strides = array<i32>} : memref<128x128xf32, #tpu.memory_space<vmem>>, vector<1x16xf32>,
        %get3A_326 = vector.shape_cast %get3A_325 : vector<1x16xf32> to vector<16xf32>
        %mul3A_327 = arith.mulf %get3A_326, %gather3A_278 : vector<16xf32>
        %swap3A_328 = arith.index_cast %add3A_282 : i32 to index
        %swap3A_329 = arith.constant 64 : index
        %swap3A_330 = tpu.vector_load %arg10[%swap3A_328, %swap3A_329] {strides = array<i32>} : memref<128x128xf32, #tpu.memory_space<vmem>>, vector<1x16xf32>,
        %swap3A_331 = vector.shape_cast %swap3A_330 : vector<1x16xf32> to vector<16xf32>
        %swap3A_332 = vector.shape_cast %mul3A_327 : vector<16xf32> to vector<1x16xf32>
        tpu.vector_store %arg10[%swap3A_328, %swap3A_329], %swap3A_332 {strides = array<i32>} : memref<128x128xf32, #tpu.memory_space<vmem>>, vector<1x16xf32>,
        %get3A_333 = arith.index_cast %add3A_282 : i32 to index
        %get3A_334 = arith.constant 80 : index
        %get3A_335 = tpu.vector_load %arg10[%get3A_333, %get3A_334] {strides = array<i32>} : memref<128x128xf32, #tpu.memory_space<vmem>>, vector<1x16xf32>,
        %get3A_336 = vector.shape_cast %get3A_335 : vector<1x16xf32> to vector<16xf32>
        %mul3A_337 = arith.mulf %get3A_336, %gather3A_278 : vector<16xf32>
        %swap3A_338 = arith.index_cast %add3A_282 : i32 to index
        %swap3A_339 = arith.constant 80 : index
        %swap3A_340 = tpu.vector_load %arg10[%swap3A_338, %swap3A_339] {strides = array<i32>} : memref<128x128xf32, #tpu.memory_space<vmem>>, vector<1x16xf32>,
        %swap3A_341 = vector.shape_cast %swap3A_340 : vector<1x16xf32> to vector<16xf32>
        %swap3A_342 = vector.shape_cast %mul3A_337 : vector<16xf32> to vector<1x16xf32>
        tpu.vector_store %arg10[%swap3A_338, %swap3A_339], %swap3A_342 {strides = array<i32>} : memref<128x128xf32, #tpu.memory_space<vmem>>, vector<1x16xf32>,
        %get3A_343 = arith.index_cast %add3A_282 : i32 to index
        %get3A_344 = arith.constant 96 : index
        %get3A_345 = tpu.vector_load %arg10[%get3A_343, %get3A_344] {strides = array<i32>} : memref<128x128xf32, #tpu.memory_space<vmem>>, vector<1x16xf32>,
        %get3A_346 = vector.shape_cast %get3A_345 : vector<1x16xf32> to vector<16xf32>
        %mul3A_347 = arith.mulf %get3A_346, %gather3A_278 : vector<16xf32>
        %swap3A_348 = arith.index_cast %add3A_282 : i32 to index
        %swap3A_349 = arith.constant 96 : index
        %swap3A_350 = tpu.vector_load %arg10[%swap3A_348, %swap3A_349] {strides = array<i32>} : memref<128x128xf32, #tpu.memory_space<vmem>>, vector<1x16xf32>,
        %swap3A_351 = vector.shape_cast %swap3A_350 : vector<1x16xf32> to vector<16xf32>
        %swap3A_352 = vector.shape_cast %mul3A_347 : vector<16xf32> to vector<1x16xf32>
        tpu.vector_store %arg10[%swap3A_348, %swap3A_349], %swap3A_352 {strides = array<i32>} : memref<128x128xf32, #tpu.memory_space<vmem>>, vector<1x16xf32>,
        %get3A_353 = arith.index_cast %add3A_282 : i32 to index
        %get3A_354 = arith.constant 112 : index
        %get3A_355 = tpu.vector_load %arg10[%get3A_353, %get3A_354] {strides = array<i32>} : memref<128x128xf32, #tpu.memory_space<vmem>>, vector<1x16xf32>,
        %get3A_356 = vector.shape_cast %get3A_355 : vector<1x16xf32> to vector<16xf32>
        %mul3A_357 = arith.mulf %get3A_356, %gather3A_278 : vector<16xf32>
        %swap3A_358 = arith.index_cast %add3A_282 : i32 to index
        %swap3A_359 = arith.constant 112 : index
        %swap3A_360 = tpu.vector_load %arg10[%swap3A_358, %swap3A_359] {strides = array<i32>} : memref<128x128xf32, #tpu.memory_space<vmem>>, vector<1x16xf32>,
        %swap3A_361 = vector.shape_cast %swap3A_360 : vector<1x16xf32> to vector<16xf32>
        %swap3A_362 = vector.shape_cast %mul3A_357 : vector<16xf32> to vector<1x16xf32>
        tpu.vector_store %arg10[%swap3A_358, %swap3A_359], %swap3A_362 {strides = array<i32>} : memref<128x128xf32, #tpu.memory_space<vmem>>, vector<1x16xf32>,
        %broadcast_in_dim3A_363 = arith.constant 2 : i32
        %broadcast_in_dim3A_364 = vector.broadcast %broadcast_in_dim3A_363 : i32 to vector<16x1xi32>
        %gather3A_365 = vector.shape_cast %broadcast_in_dim3A_364 : vector<16x1xi32> to vector<16xi32>
        %gather3A_366 = tpu.dynamic_gather %get3A_188[%gather3A_365] in [0] : vector<16xf32>, vector<16xi32> -> vector<16xf32>
        %mul3A_367 = arith.constant 16 : i32
        %mul3A_368 = arith.muli %scan3A_183, %mul3A_367 : i32
        %add3A_369 = arith.constant 2 : i32
        %add3A_370 = arith.addi %mul3A_368, %add3A_369 : i32
        %get3A_371 = arith.index_cast %add3A_370 : i32 to index
        %get3A_372 = arith.constant 0 : index
        %get3A_373 = tpu.vector_load %arg10[%get3A_371, %get3A_372] {strides = array<i32>} : memref<128x128xf32, #tpu.memory_space<vmem>>, vector<1x16xf32>,
        %get3A_374 = vector.shape_cast %get3A_373 : vector<1x16xf32> to vector<16xf32>
        %mul3A_375 = arith.mulf %get3A_374, %gather3A_366 : vector<16xf32>
        %swap3A_376 = arith.index_cast %add3A_370 : i32 to index
        %swap3A_377 = arith.constant 0 : index
        %swap3A_378 = tpu.vector_load %arg10[%swap3A_376, %swap3A_377] {strides = array<i32>} : memref<128x128xf32, #tpu.memory_space<vmem>>, vector<1x16xf32>,
        %swap3A_379 = vector.shape_cast %swap3A_378 : vector<1x16xf32> to vector<16xf32>
        %swap3A_380 = vector.shape_cast %mul3A_375 : vector<16xf32> to vector<1x16xf32>
        tpu.vector_store %arg10[%swap3A_376, %swap3A_377], %swap3A_380 {strides = array<i32>} : memref<128x128xf32, #tpu.memory_space<vmem>>, vector<1x16xf32>,
        %get3A_381 = arith.index_cast %add3A_370 : i32 to index
        %get3A_382 = arith.constant 16 : index
        %get3A_383 = tpu.vector_load %arg10[%get3A_381, %get3A_382] {strides = array<i32>} : memref<128x128xf32, #tpu.memory_space<vmem>>, vector<1x16xf32>,
        %get3A_384 = vector.shape_cast %get3A_383 : vector<1x16xf32> to vector<16xf32>
        %mul3A_385 = arith.mulf %get3A_384, %gather3A_366 : vector<16xf32>
        %swap3A_386 = arith.index_cast %add3A_370 : i32 to index
        %swap3A_387 = arith.constant 16 : index
        %swap3A_388 = tpu.vector_load %arg10[%swap3A_386, %swap3A_387] {strides = array<i32>} : memref<128x128xf32, #tpu.memory_space<vmem>>, vector<1x16xf32>,
        %swap3A_389 = vector.shape_cast %swap3A_388 : vector<1x16xf32> to vector<16xf32>
        %swap3A_390 = vector.shape_cast %mul3A_385 : vector<16xf32> to vector<1x16xf32>
        tpu.vector_store %arg10[%swap3A_386, %swap3A_387], %swap3A_390 {strides = array<i32>} : memref<128x128xf32, #tpu.memory_space<vmem>>, vector<1x16xf32>,
        %get3A_391 = arith.index_cast %add3A_370 : i32 to index
        %get3A_392 = arith.constant 32 : index
        %get3A_393 = tpu.vector_load %arg10[%get3A_391, %get3A_392] {strides = array<i32>} : memref<128x128xf32, #tpu.memory_space<vmem>>, vector<1x16xf32>,
        %get3A_394 = vector.shape_cast %get3A_393 : vector<1x16xf32> to vector<16xf32>
        %mul3A_395 = arith.mulf %get3A_394, %gather3A_366 : vector<16xf32>
        %swap3A_396 = arith.index_cast %add3A_370 : i32 to index
        %swap3A_397 = arith.constant 32 : index
        %swap3A_398 = tpu.vector_load %arg10[%swap3A_396, %swap3A_397] {strides = array<i32>} : memref<128x128xf32, #tpu.memory_space<vmem>>, vector<1x16xf32>,
        %swap3A_399 = vector.shape_cast %swap3A_398 : vector<1x16xf32> to vector<16xf32>
        %swap3A_400 = vector.shape_cast %mul3A_395 : vector<16xf32> to vector<1x16xf32>
        tpu.vector_store %arg10[%swap3A_396, %swap3A_397], %swap3A_400 {strides = array<i32>} : memref<128x128xf32, #tpu.memory_space<vmem>>, vector<1x16xf32>,
        %get3A_401 = arith.index_cast %add3A_370 : i32 to index
        %get3A_402 = arith.constant 48 : index
        %get3A_403 = tpu.vector_load %arg10[%get3A_401, %get3A_402] {strides = array<i32>} : memref<128x128xf32, #tpu.memory_space<vmem>>, vector<1x16xf32>,
        %get3A_404 = vector.shape_cast %get3A_403 : vector<1x16xf32> to vector<16xf32>
        %mul3A_405 = arith.mulf %get3A_404, %gather3A_366 : vector<16xf32>
        %swap3A_406 = arith.index_cast %add3A_370 : i32 to index
        %swap3A_407 = arith.constant 48 : index
        %swap3A_408 = tpu.vector_load %arg10[%swap3A_406, %swap3A_407] {strides = array<i32>} : memref<128x128xf32, #tpu.memory_space<vmem>>, vector<1x16xf32>,
        %swap3A_409 = vector.shape_cast %swap3A_408 : vector<1x16xf32> to vector<16xf32>
        %swap3A_410 = vector.shape_cast %mul3A_405 : vector<16xf32> to vector<1x16xf32>
        tpu.vector_store %arg10[%swap3A_406, %swap3A_407], %swap3A_410 {strides = array<i32>} : memref<128x128xf32, #tpu.memory_space<vmem>>, vector<1x16xf32>,
        %get3A_411 = arith.index_cast %add3A_370 : i32 to index
        %get3A_412 = arith.constant 64 : index
        %get3A_413 = tpu.vector_load %arg10[%get3A_411, %get3A_412] {strides = array<i32>} : memref<128x128xf32, #tpu.memory_space<vmem>>, vector<1x16xf32>,
        %get3A_414 = vector.shape_cast %get3A_413 : vector<1x16xf32> to vector<16xf32>
        %mul3A_415 = arith.mulf %get3A_414, %gather3A_366 : vector<16xf32>
        %swap3A_416 = arith.index_cast %add3A_370 : i32 to index
        %swap3A_417 = arith.constant 64 : index
        %swap3A_418 = tpu.vector_load %arg10[%swap3A_416, %swap3A_417] {strides = array<i32>} : memref<128x128xf32, #tpu.memory_space<vmem>>, vector<1x16xf32>,
        %swap3A_419 = vector.shape_cast %swap3A_418 : vector<1x16xf32> to vector<16xf32>
        %swap3A_420 = vector.shape_cast %mul3A_415 : vector<16xf32> to vector<1x16xf32>
        tpu.vector_store %arg10[%swap3A_416, %swap3A_417], %swap3A_420 {strides = array<i32>} : memref<128x128xf32, #tpu.memory_space<vmem>>, vector<1x16xf32>,
        %get3A_421 = arith.index_cast %add3A_370 : i32 to index
        %get3A_422 = arith.constant 80 : index
        %get3A_423 = tpu.vector_load %arg10[%get3A_421, %get3A_422] {strides = array<i32>} : memref<128x128xf32, #tpu.memory_space<vmem>>, vector<1x16xf32>,
        %get3A_424 = vector.shape_cast %get3A_423 : vector<1x16xf32> to vector<16xf32>
        %mul3A_425 = arith.mulf %get3A_424, %gather3A_366 : vector<16xf32>
        %swap3A_426 = arith.index_cast %add3A_370 : i32 to index
        %swap3A_427 = arith.constant 80 : index
        %swap3A_428 = tpu.vector_load %arg10[%swap3A_426, %swap3A_427] {strides = array<i32>} : memref<128x128xf32, #tpu.memory_space<vmem>>, vector<1x16xf32>,
        %swap3A_429 = vector.shape_cast %swap3A_428 : vector<1x16xf32> to vector<16xf32>
        %swap3A_430 = vector.shape_cast %mul3A_425 : vector<16xf32> to vector<1x16xf32>
        tpu.vector_store %arg10[%swap3A_426, %swap3A_427], %swap3A_430 {strides = array<i32>} : memref<128x128xf32, #tpu.memory_space<vmem>>, vector<1x16xf32>,
        %get3A_431 = arith.index_cast %add3A_370 : i32 to index
        %get3A_432 = arith.constant 96 : index
        %get3A_433 = tpu.vector_load %arg10[%get3A_431, %get3A_432] {strides = array<i32>} : memref<128x128xf32, #tpu.memory_space<vmem>>, vector<1x16xf32>,
        %get3A_434 = vector.shape_cast %get3A_433 : vector<1x16xf32> to vector<16xf32>
        %mul3A_435 = arith.mulf %get3A_434, %gather3A_366 : vector<16xf32>
        %swap3A_436 = arith.index_cast %add3A_370 : i32 to index
        %swap3A_437 = arith.constant 96 : index
        %swap3A_438 = tpu.vector_load %arg10[%swap3A_436, %swap3A_437] {strides = array<i32>} : memref<128x128xf32, #tpu.memory_space<vmem>>, vector<1x16xf32>,
        %swap3A_439 = vector.shape_cast %swap3A_438 : vector<1x16xf32> to vector<16xf32>
        %swap3A_440 = vector.shape_cast %mul3A_435 : vector<16xf32> to vector<1x16xf32>
        tpu.vector_store %arg10[%swap3A_436, %swap3A_437], %swap3A_440 {strides = array<i32>} : memref<128x128xf32, #tpu.memory_space<vmem>>, vector<1x16xf32>,
        %get3A_441 = arith.index_cast %add3A_370 : i32 to index
        %get3A_442 = arith.constant 112 : index
        %get3A_443 = tpu.vector_load %arg10[%get3A_441, %get3A_442] {strides = array<i32>} : memref<128x128xf32, #tpu.memory_space<vmem>>, vector<1x16xf32>,
        %get3A_444 = vector.shape_cast %get3A_443 : vector<1x16xf32> to vector<16xf32>
        %mul3A_445 = arith.mulf %get3A_444, %gather3A_366 : vector<16xf32>
        %swap3A_446 = arith.index_cast %add3A_370 : i32 to index
        %swap3A_447 = arith.constant 112 : index
        %swap3A_448 = tpu.vector_load %arg10[%swap3A_446, %swap3A_447] {strides = array<i32>} : memref<128x128xf32, #tpu.memory_space<vmem>>, vector<1x16xf32>,
        %swap3A_449 = vector.shape_cast %swap3A_448 : vector<1x16xf32> to vector<16xf32>
        %swap3A_450 = vector.shape_cast %mul3A_445 : vector<16xf32> to vector<1x16xf32>
        tpu.vector_store %arg10[%swap3A_446, %swap3A_447], %swap3A_450 {strides = array<i32>} : memref<128x128xf32, #tpu.memory_space<vmem>>, vector<1x16xf32>,
        %broadcast_in_dim3A_451 = arith.constant 3 : i32
        %broadcast_in_dim3A_452 = vector.broadcast %broadcast_in_dim3A_451 : i32 to vector<16x1xi32>
        %gather3A_453 = vector.shape_cast %broadcast_in_dim3A_452 : vector<16x1xi32> to vector<16xi32>
        %gather3A_454 = tpu.dynamic_gather %get3A_188[%gather3A_453] in [0] : vector<16xf32>, vector<16xi32> -> vector<16xf32>
        %mul3A_455 = arith.constant 16 : i32
        %mul3A_456 = arith.muli %scan3A_183, %mul3A_455 : i32
        %add3A_457 = arith.constant 3 : i32
        %add3A_458 = arith.addi %mul3A_456, %add3A_457 : i32
        %get3A_459 = arith.index_cast %add3A_458 : i32 to index
        %get3A_460 = arith.constant 0 : index
        %get3A_461 = tpu.vector_load %arg10[%get3A_459, %get3A_460] {strides = array<i32>} : memref<128x128xf32, #tpu.memory_space<vmem>>, vector<1x16xf32>,
        %get3A_462 = vector.shape_cast %get3A_461 : vector<1x16xf32> to vector<16xf32>
        %mul3A_463 = arith.mulf %get3A_462, %gather3A_454 : vector<16xf32>
        %swap3A_464 = arith.index_cast %add3A_458 : i32 to index
        %swap3A_465 = arith.constant 0 : index
        %swap3A_466 = tpu.vector_load %arg10[%swap3A_464, %swap3A_465] {strides = array<i32>} : memref<128x128xf32, #tpu.memory_space<vmem>>, vector<1x16xf32>,
        %swap3A_467 = vector.shape_cast %swap3A_466 : vector<1x16xf32> to vector<16xf32>
        %swap3A_468 = vector.shape_cast %mul3A_463 : vector<16xf32> to vector<1x16xf32>
        tpu.vector_store %arg10[%swap3A_464, %swap3A_465], %swap3A_468 {strides = array<i32>} : memref<128x128xf32, #tpu.memory_space<vmem>>, vector<1x16xf32>,
        %get3A_469 = arith.index_cast %add3A_458 : i32 to index
        %get3A_470 = arith.constant 16 : index
        %get3A_471 = tpu.vector_load %arg10[%get3A_469, %get3A_470] {strides = array<i32>} : memref<128x128xf32, #tpu.memory_space<vmem>>, vector<1x16xf32>,
        %get3A_472 = vector.shape_cast %get3A_471 : vector<1x16xf32> to vector<16xf32>
        %mul3A_473 = arith.mulf %get3A_472, %gather3A_454 : vector<16xf32>
        %swap3A_474 = arith.index_cast %add3A_458 : i32 to index
        %swap3A_475 = arith.constant 16 : index
        %swap3A_476 = tpu.vector_load %arg10[%swap3A_474, %swap3A_475] {strides = array<i32>} : memref<128x128xf32, #tpu.memory_space<vmem>>, vector<1x16xf32>,
        %swap3A_477 = vector.shape_cast %swap3A_476 : vector<1x16xf32> to vector<16xf32>
        %swap3A_478 = vector.shape_cast %mul3A_473 : vector<16xf32> to vector<1x16xf32>
        tpu.vector_store %arg10[%swap3A_474, %swap3A_475], %swap3A_478 {strides = array<i32>} : memref<128x128xf32, #tpu.memory_space<vmem>>, vector<1x16xf32>,
        %get3A_479 = arith.index_cast %add3A_458 : i32 to index
        %get3A_480 = arith.constant 32 : index
        %get3A_481 = tpu.vector_load %arg10[%get3A_479, %get3A_480] {strides = array<i32>} : memref<128x128xf32, #tpu.memory_space<vmem>>, vector<1x16xf32>,
        %get3A_482 = vector.shape_cast %get3A_481 : vector<1x16xf32> to vector<16xf32>
        %mul3A_483 = arith.mulf %get3A_482, %gather3A_454 : vector<16xf32>
        %swap3A_484 = arith.index_cast %add3A_458 : i32 to index
        %swap3A_485 = arith.constant 32 : index
        %swap3A_486 = tpu.vector_load %arg10[%swap3A_484, %swap3A_485] {strides = array<i32>} : memref<128x128xf32, #tpu.memory_space<vmem>>, vector<1x16xf32>,
        %swap3A_487 = vector.shape_cast %swap3A_486 : vector<1x16xf32> to vector<16xf32>
        %swap3A_488 = vector.shape_cast %mul3A_483 : vector<16xf32> to vector<1x16xf32>
        tpu.vector_store %arg10[%swap3A_484, %swap3A_485], %swap3A_488 {strides = array<i32>} : memref<128x128xf32, #tpu.memory_space<vmem>>, vector<1x16xf32>,
        %get3A_489 = arith.index_cast %add3A_458 : i32 to index
        %get3A_490 = arith.constant 48 : index
        %get3A_491 = tpu.vector_load %arg10[%get3A_489, %get3A_490] {strides = array<i32>} : memref<128x128xf32, #tpu.memory_space<vmem>>, vector<1x16xf32>,
        %get3A_492 = vector.shape_cast %get3A_491 : vector<1x16xf32> to vector<16xf32>
        %mul3A_493 = arith.mulf %get3A_492, %gather3A_454 : vector<16xf32>
        %swap3A_494 = arith.index_cast %add3A_458 : i32 to index
        %swap3A_495 = arith.constant 48 : index
        %swap3A_496 = tpu.vector_load %arg10[%swap3A_494, %swap3A_495] {strides = array<i32>} : memref<128x128xf32, #tpu.memory_space<vmem>>, vector<1x16xf32>,
        %swap3A_497 = vector.shape_cast %swap3A_496 : vector<1x16xf32> to vector<16xf32>
        %swap3A_498 = vector.shape_cast %mul3A_493 : vector<16xf32> to vector<1x16xf32>
        tpu.vector_store %arg10[%swap3A_494, %swap3A_495], %swap3A_498 {strides = array<i32>} : memref<128x128xf32, #tpu.memory_space<vmem>>, vector<1x16xf32>,
        %get3A_499 = arith.index_cast %add3A_458 : i32 to index
        %get3A_500 = arith.constant 64 : index
        %get3A_501 = tpu.vector_load %arg10[%get3A_499, %get3A_500] {strides = array<i32>} : memref<128x128xf32, #tpu.memory_space<vmem>>, vector<1x16xf32>,
        %get3A_502 = vector.shape_cast %get3A_501 : vector<1x16xf32> to vector<16xf32>
        %mul3A_503 = arith.mulf %get3A_502, %gather3A_454 : vector<16xf32>
        %swap3A_504 = arith.index_cast %add3A_458 : i32 to index
        %swap3A_505 = arith.constant 64 : index
        %swap3A_506 = tpu.vector_load %arg10[%swap3A_504, %swap3A_505] {strides = array<i32>} : memref<128x128xf32, #tpu.memory_space<vmem>>, vector<1x16xf32>,
        %swap3A_507 = vector.shape_cast %swap3A_506 : vector<1x16xf32> to vector<16xf32>
        %swap3A_508 = vector.shape_cast %mul3A_503 : vector<16xf32> to vector<1x16xf32>
        tpu.vector_store %arg10[%swap3A_504, %swap3A_505], %swap3A_508 {strides = array<i32>} : memref<128x128xf32, #tpu.memory_space<vmem>>, vector<1x16xf32>,
        %get3A_509 = arith.index_cast %add3A_458 : i32 to index
        %get3A_510 = arith.constant 80 : index
        %get3A_511 = tpu.vector_load %arg10[%get3A_509, %get3A_510] {strides = array<i32>} : memref<128x128xf32, #tpu.memory_space<vmem>>, vector<1x16xf32>,
        %get3A_512 = vector.shape_cast %get3A_511 : vector<1x16xf32> to vector<16xf32>
        %mul3A_513 = arith.mulf %get3A_512, %gather3A_454 : vector<16xf32>
        %swap3A_514 = arith.index_cast %add3A_458 : i32 to index
        %swap3A_515 = arith.constant 80 : index
        %swap3A_516 = tpu.vector_load %arg10[%swap3A_514, %swap3A_515] {strides = array<i32>} : memref<128x128xf32, #tpu.memory_space<vmem>>, vector<1x16xf32>,
        %swap3A_517 = vector.shape_cast %swap3A_516 : vector<1x16xf32> to vector<16xf32>
        %swap3A_518 = vector.shape_cast %mul3A_513 : vector<16xf32> to vector<1x16xf32>
        tpu.vector_store %arg10[%swap3A_514, %swap3A_515], %swap3A_518 {strides = array<i32>} : memref<128x128xf32, #tpu.memory_space<vmem>>, vector<1x16xf32>,
        %get3A_519 = arith.index_cast %add3A_458 : i32 to index
        %get3A_520 = arith.constant 96 : index
        %get3A_521 = tpu.vector_load %arg10[%get3A_519, %get3A_520] {strides = array<i32>} : memref<128x128xf32, #tpu.memory_space<vmem>>, vector<1x16xf32>,
        %get3A_522 = vector.shape_cast %get3A_521 : vector<1x16xf32> to vector<16xf32>
        %mul3A_523 = arith.mulf %get3A_522, %gather3A_454 : vector<16xf32>
        %swap3A_524 = arith.index_cast %add3A_458 : i32 to index
        %swap3A_525 = arith.constant 96 : index
        %swap3A_526 = tpu.vector_load %arg10[%swap3A_524, %swap3A_525] {strides = array<i32>} : memref<128x128xf32, #tpu.memory_space<vmem>>, vector<1x16xf32>,
        %swap3A_527 = vector.shape_cast %swap3A_526 : vector<1x16xf32> to vector<16xf32>
        %swap3A_528 = vector.shape_cast %mul3A_523 : vector<16xf32> to vector<1x16xf32>
        tpu.vector_store %arg10[%swap3A_524, %swap3A_525], %swap3A_528 {strides = array<i32>} : memref<128x128xf32, #tpu.memory_space<vmem>>, vector<1x16xf32>,
        %get3A_529 = arith.index_cast %add3A_458 : i32 to index
        %get3A_530 = arith.constant 112 : index
        %get3A_531 = tpu.vector_load %arg10[%get3A_529, %get3A_530] {strides = array<i32>} : memref<128x128xf32, #tpu.memory_space<vmem>>, vector<1x16xf32>,
        %get3A_532 = vector.shape_cast %get3A_531 : vector<1x16xf32> to vector<16xf32>
        %mul3A_533 = arith.mulf %get3A_532, %gather3A_454 : vector<16xf32>
        %swap3A_534 = arith.index_cast %add3A_458 : i32 to index
        %swap3A_535 = arith.constant 112 : index
        %swap3A_536 = tpu.vector_load %arg10[%swap3A_534, %swap3A_535] {strides = array<i32>} : memref<128x128xf32, #tpu.memory_space<vmem>>, vector<1x16xf32>,
        %swap3A_537 = vector.shape_cast %swap3A_536 : vector<1x16xf32> to vector<16xf32>
        %swap3A_538 = vector.shape_cast %mul3A_533 : vector<16xf32> to vector<1x16xf32>
        tpu.vector_store %arg10[%swap3A_534, %swap3A_535], %swap3A_538 {strides = array<i32>} : memref<128x128xf32, #tpu.memory_space<vmem>>, vector<1x16xf32>,
        %broadcast_in_dim3A_539 = arith.constant 4 : i32
        %broadcast_in_dim3A_540 = vector.broadcast %broadcast_in_dim3A_539 : i32 to vector<16x1xi32>
        %gather3A_541 = vector.shape_cast %broadcast_in_dim3A_540 : vector<16x1xi32> to vector<16xi32>
        %gather3A_542 = tpu.dynamic_gather %get3A_188[%gather3A_541] in [0] : vector<16xf32>, vector<16xi32> -> vector<16xf32>
        %mul3A_543 = arith.constant 16 : i32
        %mul3A_544 = arith.muli %scan3A_183, %mul3A_543 : i32
        %add3A_545 = arith.constant 4 : i32
        %add3A_546 = arith.addi %mul3A_544, %add3A_545 : i32
        %get3A_547 = arith.index_cast %add3A_546 : i32 to index
        %get3A_548 = arith.constant 0 : index
        %get3A_549 = tpu.vector_load %arg10[%get3A_547, %get3A_548] {strides = array<i32>} : memref<128x128xf32, #tpu.memory_space<vmem>>, vector<1x16xf32>,
        %get3A_550 = vector.shape_cast %get3A_549 : vector<1x16xf32> to vector<16xf32>
        %mul3A_551 = arith.mulf %get3A_550, %gather3A_542 : vector<16xf32>
        %swap3A_552 = arith.index_cast %add3A_546 : i32 to index
        %swap3A_553 = arith.constant 0 : index
        %swap3A_554 = tpu.vector_load %arg10[%swap3A_552, %swap3A_553] {strides = array<i32>} : memref<128x128xf32, #tpu.memory_space<vmem>>, vector<1x16xf32>,
        %swap3A_555 = vector.shape_cast %swap3A_554 : vector<1x16xf32> to vector<16xf32>
        %swap3A_556 = vector.shape_cast %mul3A_551 : vector<16xf32> to vector<1x16xf32>
        tpu.vector_store %arg10[%swap3A_552, %swap3A_553], %swap3A_556 {strides = array<i32>} : memref<128x128xf32, #tpu.memory_space<vmem>>, vector<1x16xf32>,
        %get3A_557 = arith.index_cast %add3A_546 : i32 to index
        %get3A_558 = arith.constant 16 : index
        %get3A_559 = tpu.vector_load %arg10[%get3A_557, %get3A_558] {strides = array<i32>} : memref<128x128xf32, #tpu.memory_space<vmem>>, vector<1x16xf32>,
        %get3A_560 = vector.shape_cast %get3A_559 : vector<1x16xf32> to vector<16xf32>
        %mul3A_561 = arith.mulf %get3A_560, %gather3A_542 : vector<16xf32>
        %swap3A_562 = arith.index_cast %add3A_546 : i32 to index
        %swap3A_563 = arith.constant 16 : index
        %swap3A_564 = tpu.vector_load %arg10[%swap3A_562, %swap3A_563] {strides = array<i32>} : memref<128x128xf32, #tpu.memory_space<vmem>>, vector<1x16xf32>,
        %swap3A_565 = vector.shape_cast %swap3A_564 : vector<1x16xf32> to vector<16xf32>
        %swap3A_566 = vector.shape_cast %mul3A_561 : vector<16xf32> to vector<1x16xf32>
        tpu.vector_store %arg10[%swap3A_562, %swap3A_563], %swap3A_566 {strides = array<i32>} : memref<128x128xf32, #tpu.memory_space<vmem>>, vector<1x16xf32>,
        %get3A_567 = arith.index_cast %add3A_546 : i32 to index
        %get3A_568 = arith.constant 32 : index
        %get3A_569 = tpu.vector_load %arg10[%get3A_567, %get3A_568] {strides = array<i32>} : memref<128x128xf32, #tpu.memory_space<vmem>>, vector<1x16xf32>,
        %get3A_570 = vector.shape_cast %get3A_569 : vector<1x16xf32> to vector<16xf32>
        %mul3A_571 = arith.mulf %get3A_570, %gather3A_542 : vector<16xf32>
        %swap3A_572 = arith.index_cast %add3A_546 : i32 to index
        %swap3A_573 = arith.constant 32 : index
        %swap3A_574 = tpu.vector_load %arg10[%swap3A_572, %swap3A_573] {strides = array<i32>} : memref<128x128xf32, #tpu.memory_space<vmem>>, vector<1x16xf32>,
        %swap3A_575 = vector.shape_cast %swap3A_574 : vector<1x16xf32> to vector<16xf32>
        %swap3A_576 = vector.shape_cast %mul3A_571 : vector<16xf32> to vector<1x16xf32>
        tpu.vector_store %arg10[%swap3A_572, %swap3A_573], %swap3A_576 {strides = array<i32>} : memref<128x128xf32, #tpu.memory_space<vmem>>, vector<1x16xf32>,
        %get3A_577 = arith.index_cast %add3A_546 : i32 to index
        %get3A_578 = arith.constant 48 : index
        %get3A_579 = tpu.vector_load %arg10[%get3A_577, %get3A_578] {strides = array<i32>} : memref<128x128xf32, #tpu.memory_space<vmem>>, vector<1x16xf32>,
        %get3A_580 = vector.shape_cast %get3A_579 : vector<1x16xf32> to vector<16xf32>
        %mul3A_581 = arith.mulf %get3A_580, %gather3A_542 : vector<16xf32>
        %swap3A_582 = arith.index_cast %add3A_546 : i32 to index
        %swap3A_583 = arith.constant 48 : index
        %swap3A_584 = tpu.vector_load %arg10[%swap3A_582, %swap3A_583] {strides = array<i32>} : memref<128x128xf32, #tpu.memory_space<vmem>>, vector<1x16xf32>,
        %swap3A_585 = vector.shape_cast %swap3A_584 : vector<1x16xf32> to vector<16xf32>
        %swap3A_586 = vector.shape_cast %mul3A_581 : vector<16xf32> to vector<1x16xf32>
        tpu.vector_store %arg10[%swap3A_582, %swap3A_583], %swap3A_586 {strides = array<i32>} : memref<128x128xf32, #tpu.memory_space<vmem>>, vector<1x16xf32>,
        %get3A_587 = arith.index_cast %add3A_546 : i32 to index
        %get3A_588 = arith.constant 64 : index
        %get3A_589 = tpu.vector_load %arg10[%get3A_587, %get3A_588] {strides = array<i32>} : memref<128x128xf32, #tpu.memory_space<vmem>>, vector<1x16xf32>,
        %get3A_590 = vector.shape_cast %get3A_589 : vector<1x16xf32> to vector<16xf32>
        %mul3A_591 = arith.mulf %get3A_590, %gather3A_542 : vector<16xf32>
        %swap3A_592 = arith.index_cast %add3A_546 : i32 to index
        %swap3A_593 = arith.constant 64 : index
        %swap3A_594 = tpu.vector_load %arg10[%swap3A_592, %swap3A_593] {strides = array<i32>} : memref<128x128xf32, #tpu.memory_space<vmem>>, vector<1x16xf32>,
        %swap3A_595 = vector.shape_cast %swap3A_594 : vector<1x16xf32> to vector<16xf32>
        %swap3A_596 = vector.shape_cast %mul3A_591 : vector<16xf32> to vector<1x16xf32>
        tpu.vector_store %arg10[%swap3A_592, %swap3A_593], %swap3A_596 {strides = array<i32>} : memref<128x128xf32, #tpu.memory_space<vmem>>, vector<1x16xf32>,
        %get3A_597 = arith.index_cast %add3A_546 : i32 to index
        %get3A_598 = arith.constant 80 : index
        %get3A_599 = tpu.vector_load %arg10[%get3A_597, %get3A_598] {strides = array<i32>} : memref<128x128xf32, #tpu.memory_space<vmem>>, vector<1x16xf32>,
        %get3A_600 = vector.shape_cast %get3A_599 : vector<1x16xf32> to vector<16xf32>
        %mul3A_601 = arith.mulf %get3A_600, %gather3A_542 : vector<16xf32>
        %swap3A_602 = arith.index_cast %add3A_546 : i32 to index
        %swap3A_603 = arith.constant 80 : index
        %swap3A_604 = tpu.vector_load %arg10[%swap3A_602, %swap3A_603] {strides = array<i32>} : memref<128x128xf32, #tpu.memory_space<vmem>>, vector<1x16xf32>,
        %swap3A_605 = vector.shape_cast %swap3A_604 : vector<1x16xf32> to vector<16xf32>
        %swap3A_606 = vector.shape_cast %mul3A_601 : vector<16xf32> to vector<1x16xf32>
        tpu.vector_store %arg10[%swap3A_602, %swap3A_603], %swap3A_606 {strides = array<i32>} : memref<128x128xf32, #tpu.memory_space<vmem>>, vector<1x16xf32>,
        %get3A_607 = arith.index_cast %add3A_546 : i32 to index
        %get3A_608 = arith.constant 96 : index
        %get3A_609 = tpu.vector_load %arg10[%get3A_607, %get3A_608] {strides = array<i32>} : memref<128x128xf32, #tpu.memory_space<vmem>>, vector<1x16xf32>,
        %get3A_610 = vector.shape_cast %get3A_609 : vector<1x16xf32> to vector<16xf32>
        %mul3A_611 = arith.mulf %get3A_610, %gather3A_542 : vector<16xf32>
        %swap3A_612 = arith.index_cast %add3A_546 : i32 to index
        %swap3A_613 = arith.constant 96 : index
        %swap3A_614 = tpu.vector_load %arg10[%swap3A_612, %swap3A_613] {strides = array<i32>} : memref<128x128xf32, #tpu.memory_space<vmem>>, vector<1x16xf32>,
        %swap3A_615 = vector.shape_cast %swap3A_614 : vector<1x16xf32> to vector<16xf32>
        %swap3A_616 = vector.shape_cast %mul3A_611 : vector<16xf32> to vector<1x16xf32>
        tpu.vector_store %arg10[%swap3A_612, %swap3A_613], %swap3A_616 {strides = array<i32>} : memref<128x128xf32, #tpu.memory_space<vmem>>, vector<1x16xf32>,
        %get3A_617 = arith.index_cast %add3A_546 : i32 to index
        %get3A_618 = arith.constant 112 : index
        %get3A_619 = tpu.vector_load %arg10[%get3A_617, %get3A_618] {strides = array<i32>} : memref<128x128xf32, #tpu.memory_space<vmem>>, vector<1x16xf32>,
        %get3A_620 = vector.shape_cast %get3A_619 : vector<1x16xf32> to vector<16xf32>
        %mul3A_621 = arith.mulf %get3A_620, %gather3A_542 : vector<16xf32>
        %swap3A_622 = arith.index_cast %add3A_546 : i32 to index
        %swap3A_623 = arith.constant 112 : index
        %swap3A_624 = tpu.vector_load %arg10[%swap3A_622, %swap3A_623] {strides = array<i32>} : memref<128x128xf32, #tpu.memory_space<vmem>>, vector<1x16xf32>,
        %swap3A_625 = vector.shape_cast %swap3A_624 : vector<1x16xf32> to vector<16xf32>
        %swap3A_626 = vector.shape_cast %mul3A_621 : vector<16xf32> to vector<1x16xf32>
        tpu.vector_store %arg10[%swap3A_622, %swap3A_623], %swap3A_626 {strides = array<i32>} : memref<128x128xf32, #tpu.memory_space<vmem>>, vector<1x16xf32>,
        %broadcast_in_dim3A_627 = arith.constant 5 : i32
        %broadcast_in_dim3A_628 = vector.broadcast %broadcast_in_dim3A_627 : i32 to vector<16x1xi32>
        %gather3A_629 = vector.shape_cast %broadcast_in_dim3A_628 : vector<16x1xi32> to vector<16xi32>
        %gather3A_630 = tpu.dynamic_gather %get3A_188[%gather3A_629] in [0] : vector<16xf32>, vector<16xi32> -> vector<16xf32>
        %mul3A_631 = arith.constant 16 : i32
        %mul3A_632 = arith.muli %scan3A_183, %mul3A_631 : i32
        %add3A_633 = arith.constant 5 : i32
        %add3A_634 = arith.addi %mul3A_632, %add3A_633 : i32
        %get3A_635 = arith.index_cast %add3A_634 : i32 to index
        %get3A_636 = arith.constant 0 : index
        %get3A_637 = tpu.vector_load %arg10[%get3A_635, %get3A_636] {strides = array<i32>} : memref<128x128xf32, #tpu.memory_space<vmem>>, vector<1x16xf32>,
        %get3A_638 = vector.shape_cast %get3A_637 : vector<1x16xf32> to vector<16xf32>
        %mul3A_639 = arith.mulf %get3A_638, %gather3A_630 : vector<16xf32>
        %swap3A_640 = arith.index_cast %add3A_634 : i32 to index
        %swap3A_641 = arith.constant 0 : index
        %swap3A_642 = tpu.vector_load %arg10[%swap3A_640, %swap3A_641] {strides = array<i32>} : memref<128x128xf32, #tpu.memory_space<vmem>>, vector<1x16xf32>,
        %swap3A_643 = vector.shape_cast %swap3A_642 : vector<1x16xf32> to vector<16xf32>
        %swap3A_644 = vector.shape_cast %mul3A_639 : vector<16xf32> to vector<1x16xf32>
        tpu.vector_store %arg10[%swap3A_640, %swap3A_641], %swap3A_644 {strides = array<i32>} : memref<128x128xf32, #tpu.memory_space<vmem>>, vector<1x16xf32>,
        %get3A_645 = arith.index_cast %add3A_634 : i32 to index
        %get3A_646 = arith.constant 16 : index
        %get3A_647 = tpu.vector_load %arg10[%get3A_645, %get3A_646] {strides = array<i32>} : memref<128x128xf32, #tpu.memory_space<vmem>>, vector<1x16xf32>,
        %get3A_648 = vector.shape_cast %get3A_647 : vector<1x16xf32> to vector<16xf32>
        %mul3A_649 = arith.mulf %get3A_648, %gather3A_630 : vector<16xf32>
        %swap3A_650 = arith.index_cast %add3A_634 : i32 to index
        %swap3A_651 = arith.constant 16 : index
        %swap3A_652 = tpu.vector_load %arg10[%swap3A_650, %swap3A_651] {strides = array<i32>} : memref<128x128xf32, #tpu.memory_space<vmem>>, vector<1x16xf32>,
        %swap3A_653 = vector.shape_cast %swap3A_652 : vector<1x16xf32> to vector<16xf32>
        %swap3A_654 = vector.shape_cast %mul3A_649 : vector<16xf32> to vector<1x16xf32>
        tpu.vector_store %arg10[%swap3A_650, %swap3A_651], %swap3A_654 {strides = array<i32>} : memref<128x128xf32, #tpu.memory_space<vmem>>, vector<1x16xf32>,
        %get3A_655 = arith.index_cast %add3A_634 : i32 to index
        %get3A_656 = arith.constant 32 : index
        %get3A_657 = tpu.vector_load %arg10[%get3A_655, %get3A_656] {strides = array<i32>} : memref<128x128xf32, #tpu.memory_space<vmem>>, vector<1x16xf32>,
        %get3A_658 = vector.shape_cast %get3A_657 : vector<1x16xf32> to vector<16xf32>
        %mul3A_659 = arith.mulf %get3A_658, %gather3A_630 : vector<16xf32>
        %swap3A_660 = arith.index_cast %add3A_634 : i32 to index
        %swap3A_661 = arith.constant 32 : index
        %swap3A_662 = tpu.vector_load %arg10[%swap3A_660, %swap3A_661] {strides = array<i32>} : memref<128x128xf32, #tpu.memory_space<vmem>>, vector<1x16xf32>,
        %swap3A_663 = vector.shape_cast %swap3A_662 : vector<1x16xf32> to vector<16xf32>
        %swap3A_664 = vector.shape_cast %mul3A_659 : vector<16xf32> to vector<1x16xf32>
        tpu.vector_store %arg10[%swap3A_660, %swap3A_661], %swap3A_664 {strides = array<i32>} : memref<128x128xf32, #tpu.memory_space<vmem>>, vector<1x16xf32>,
        %get3A_665 = arith.index_cast %add3A_634 : i32 to index
        %get3A_666 = arith.constant 48 : index
        %get3A_667 = tpu.vector_load %arg10[%get3A_665, %get3A_666] {strides = array<i32>} : memref<128x128xf32, #tpu.memory_space<vmem>>, vector<1x16xf32>,
        %get3A_668 = vector.shape_cast %get3A_667 : vector<1x16xf32> to vector<16xf32>
        %mul3A_669 = arith.mulf %get3A_668, %gather3A_630 : vector<16xf32>
        %swap3A_670 = arith.index_cast %add3A_634 : i32 to index
        %swap3A_671 = arith.constant 48 : index
        %swap3A_672 = tpu.vector_load %arg10[%swap3A_670, %swap3A_671] {strides = array<i32>} : memref<128x128xf32, #tpu.memory_space<vmem>>, vector<1x16xf32>,
        %swap3A_673 = vector.shape_cast %swap3A_672 : vector<1x16xf32> to vector<16xf32>
        %swap3A_674 = vector.shape_cast %mul3A_669 : vector<16xf32> to vector<1x16xf32>
        tpu.vector_store %arg10[%swap3A_670, %swap3A_671], %swap3A_674 {strides = array<i32>} : memref<128x128xf32, #tpu.memory_space<vmem>>, vector<1x16xf32>,
        %get3A_675 = arith.index_cast %add3A_634 : i32 to index
        %get3A_676 = arith.constant 64 : index
        %get3A_677 = tpu.vector_load %arg10[%get3A_675, %get3A_676] {strides = array<i32>} : memref<128x128xf32, #tpu.memory_space<vmem>>, vector<1x16xf32>,
        %get3A_678 = vector.shape_cast %get3A_677 : vector<1x16xf32> to vector<16xf32>
        %mul3A_679 = arith.mulf %get3A_678, %gather3A_630 : vector<16xf32>
        %swap3A_680 = arith.index_cast %add3A_634 : i32 to index
        %swap3A_681 = arith.constant 64 : index
        %swap3A_682 = tpu.vector_load %arg10[%swap3A_680, %swap3A_681] {strides = array<i32>} : memref<128x128xf32, #tpu.memory_space<vmem>>, vector<1x16xf32>,
        %swap3A_683 = vector.shape_cast %swap3A_682 : vector<1x16xf32> to vector<16xf32>
        %swap3A_684 = vector.shape_cast %mul3A_679 : vector<16xf32> to vector<1x16xf32>
        tpu.vector_store %arg10[%swap3A_680, %swap3A_681], %swap3A_684 {strides = array<i32>} : memref<128x128xf32, #tpu.memory_space<vmem>>, vector<1x16xf32>,
        %get3A_685 = arith.index_cast %add3A_634 : i32 to index
        %get3A_686 = arith.constant 80 : index
        %get3A_687 = tpu.vector_load %arg10[%get3A_685, %get3A_686] {strides = array<i32>} : memref<128x128xf32, #tpu.memory_space<vmem>>, vector<1x16xf32>,
        %get3A_688 = vector.shape_cast %get3A_687 : vector<1x16xf32> to vector<16xf32>
        %mul3A_689 = arith.mulf %get3A_688, %gather3A_630 : vector<16xf32>
        %swap3A_690 = arith.index_cast %add3A_634 : i32 to index
        %swap3A_691 = arith.constant 80 : index
        %swap3A_692 = tpu.vector_load %arg10[%swap3A_690, %swap3A_691] {strides = array<i32>} : memref<128x128xf32, #tpu.memory_space<vmem>>, vector<1x16xf32>,
        %swap3A_693 = vector.shape_cast %swap3A_692 : vector<1x16xf32> to vector<16xf32>
        %swap3A_694 = vector.shape_cast %mul3A_689 : vector<16xf32> to vector<1x16xf32>
        tpu.vector_store %arg10[%swap3A_690, %swap3A_691], %swap3A_694 {strides = array<i32>} : memref<128x128xf32, #tpu.memory_space<vmem>>, vector<1x16xf32>,
        %get3A_695 = arith.index_cast %add3A_634 : i32 to index
        %get3A_696 = arith.constant 96 : index
        %get3A_697 = tpu.vector_load %arg10[%get3A_695, %get3A_696] {strides = array<i32>} : memref<128x128xf32, #tpu.memory_space<vmem>>, vector<1x16xf32>,
        %get3A_698 = vector.shape_cast %get3A_697 : vector<1x16xf32> to vector<16xf32>
        %mul3A_699 = arith.mulf %get3A_698, %gather3A_630 : vector<16xf32>
        %swap3A_700 = arith.index_cast %add3A_634 : i32 to index
        %swap3A_701 = arith.constant 96 : index
        %swap3A_702 = tpu.vector_load %arg10[%swap3A_700, %swap3A_701] {strides = array<i32>} : memref<128x128xf32, #tpu.memory_space<vmem>>, vector<1x16xf32>,
        %swap3A_703 = vector.shape_cast %swap3A_702 : vector<1x16xf32> to vector<16xf32>
        %swap3A_704 = vector.shape_cast %mul3A_699 : vector<16xf32> to vector<1x16xf32>
        tpu.vector_store %arg10[%swap3A_700, %swap3A_701], %swap3A_704 {strides = array<i32>} : memref<128x128xf32, #tpu.memory_space<vmem>>, vector<1x16xf32>,
        %get3A_705 = arith.index_cast %add3A_634 : i32 to index
        %get3A_706 = arith.constant 112 : index
        %get3A_707 = tpu.vector_load %arg10[%get3A_705, %get3A_706] {strides = array<i32>} : memref<128x128xf32, #tpu.memory_space<vmem>>, vector<1x16xf32>,
        %get3A_708 = vector.shape_cast %get3A_707 : vector<1x16xf32> to vector<16xf32>
        %mul3A_709 = arith.mulf %get3A_708, %gather3A_630 : vector<16xf32>
        %swap3A_710 = arith.index_cast %add3A_634 : i32 to index
        %swap3A_711 = arith.constant 112 : index
        %swap3A_712 = tpu.vector_load %arg10[%swap3A_710, %swap3A_711] {strides = array<i32>} : memref<128x128xf32, #tpu.memory_space<vmem>>, vector<1x16xf32>,
        %swap3A_713 = vector.shape_cast %swap3A_712 : vector<1x16xf32> to vector<16xf32>
        %swap3A_714 = vector.shape_cast %mul3A_709 : vector<16xf32> to vector<1x16xf32>
        tpu.vector_store %arg10[%swap3A_710, %swap3A_711], %swap3A_714 {strides = array<i32>} : memref<128x128xf32, #tpu.memory_space<vmem>>, vector<1x16xf32>,
        %broadcast_in_dim3A_715 = arith.constant 6 : i32
        %broadcast_in_dim3A_716 = vector.broadcast %broadcast_in_dim3A_715 : i32 to vector<16x1xi32>
        %gather3A_717 = vector.shape_cast %broadcast_in_dim3A_716 : vector<16x1xi32> to vector<16xi32>
        %gather3A_718 = tpu.dynamic_gather %get3A_188[%gather3A_717] in [0] : vector<16xf32>, vector<16xi32> -> vector<16xf32>
        %mul3A_719 = arith.constant 16 : i32
        %mul3A_720 = arith.muli %scan3A_183, %mul3A_719 : i32
        %add3A_721 = arith.constant 6 : i32
        %add3A_722 = arith.addi %mul3A_720, %add3A_721 : i32
        %get3A_723 = arith.index_cast %add3A_722 : i32 to index
        %get3A_724 = arith.constant 0 : index
        %get3A_725 = tpu.vector_load %arg10[%get3A_723, %get3A_724] {strides = array<i32>} : memref<128x128xf32, #tpu.memory_space<vmem>>, vector<1x16xf32>,
        %get3A_726 = vector.shape_cast %get3A_725 : vector<1x16xf32> to vector<16xf32>
        %mul3A_727 = arith.mulf %get3A_726, %gather3A_718 : vector<16xf32>
        %swap3A_728 = arith.index_cast %add3A_722 : i32 to index
        %swap3A_729 = arith.constant 0 : index
        %swap3A_730 = tpu.vector_load %arg10[%swap3A_728, %swap3A_729] {strides = array<i32>} : memref<128x128xf32, #tpu.memory_space<vmem>>, vector<1x16xf32>,
        %swap3A_731 = vector.shape_cast %swap3A_730 : vector<1x16xf32> to vector<16xf32>
        %swap3A_732 = vector.shape_cast %mul3A_727 : vector<16xf32> to vector<1x16xf32>
        tpu.vector_store %arg10[%swap3A_728, %swap3A_729], %swap3A_732 {strides = array<i32>} : memref<128x128xf32, #tpu.memory_space<vmem>>, vector<1x16xf32>,
        %get3A_733 = arith.index_cast %add3A_722 : i32 to index
        %get3A_734 = arith.constant 16 : index
        %get3A_735 = tpu.vector_load %arg10[%get3A_733, %get3A_734] {strides = array<i32>} : memref<128x128xf32, #tpu.memory_space<vmem>>, vector<1x16xf32>,
        %get3A_736 = vector.shape_cast %get3A_735 : vector<1x16xf32> to vector<16xf32>
        %mul3A_737 = arith.mulf %get3A_736, %gather3A_718 : vector<16xf32>
        %swap3A_738 = arith.index_cast %add3A_722 : i32 to index
        %swap3A_739 = arith.constant 16 : index
        %swap3A_740 = tpu.vector_load %arg10[%swap3A_738, %swap3A_739] {strides = array<i32>} : memref<128x128xf32, #tpu.memory_space<vmem>>, vector<1x16xf32>,
        %swap3A_741 = vector.shape_cast %swap3A_740 : vector<1x16xf32> to vector<16xf32>
        %swap3A_742 = vector.shape_cast %mul3A_737 : vector<16xf32> to vector<1x16xf32>
        tpu.vector_store %arg10[%swap3A_738, %swap3A_739], %swap3A_742 {strides = array<i32>} : memref<128x128xf32, #tpu.memory_space<vmem>>, vector<1x16xf32>,
        %get3A_743 = arith.index_cast %add3A_722 : i32 to index
        %get3A_744 = arith.constant 32 : index
        %get3A_745 = tpu.vector_load %arg10[%get3A_743, %get3A_744] {strides = array<i32>} : memref<128x128xf32, #tpu.memory_space<vmem>>, vector<1x16xf32>,
        %get3A_746 = vector.shape_cast %get3A_745 : vector<1x16xf32> to vector<16xf32>
        %mul3A_747 = arith.mulf %get3A_746, %gather3A_718 : vector<16xf32>
        %swap3A_748 = arith.index_cast %add3A_722 : i32 to index
        %swap3A_749 = arith.constant 32 : index
        %swap3A_750 = tpu.vector_load %arg10[%swap3A_748, %swap3A_749] {strides = array<i32>} : memref<128x128xf32, #tpu.memory_space<vmem>>, vector<1x16xf32>,
        %swap3A_751 = vector.shape_cast %swap3A_750 : vector<1x16xf32> to vector<16xf32>
        %swap3A_752 = vector.shape_cast %mul3A_747 : vector<16xf32> to vector<1x16xf32>
        tpu.vector_store %arg10[%swap3A_748, %swap3A_749], %swap3A_752 {strides = array<i32>} : memref<128x128xf32, #tpu.memory_space<vmem>>, vector<1x16xf32>,
        %get3A_753 = arith.index_cast %add3A_722 : i32 to index
        %get3A_754 = arith.constant 48 : index
        %get3A_755 = tpu.vector_load %arg10[%get3A_753, %get3A_754] {strides = array<i32>} : memref<128x128xf32, #tpu.memory_space<vmem>>, vector<1x16xf32>,
        %get3A_756 = vector.shape_cast %get3A_755 : vector<1x16xf32> to vector<16xf32>
        %mul3A_757 = arith.mulf %get3A_756, %gather3A_718 : vector<16xf32>
        %swap3A_758 = arith.index_cast %add3A_722 : i32 to index
        %swap3A_759 = arith.constant 48 : index
        %swap3A_760 = tpu.vector_load %arg10[%swap3A_758, %swap3A_759] {strides = array<i32>} : memref<128x128xf32, #tpu.memory_space<vmem>>, vector<1x16xf32>,
        %swap3A_761 = vector.shape_cast %swap3A_760 : vector<1x16xf32> to vector<16xf32>
        %swap3A_762 = vector.shape_cast %mul3A_757 : vector<16xf32> to vector<1x16xf32>
        tpu.vector_store %arg10[%swap3A_758, %swap3A_759], %swap3A_762 {strides = array<i32>} : memref<128x128xf32, #tpu.memory_space<vmem>>, vector<1x16xf32>,
        %get3A_763 = arith.index_cast %add3A_722 : i32 to index
        %get3A_764 = arith.constant 64 : index
        %get3A_765 = tpu.vector_load %arg10[%get3A_763, %get3A_764] {strides = array<i32>} : memref<128x128xf32, #tpu.memory_space<vmem>>, vector<1x16xf32>,
        %get3A_766 = vector.shape_cast %get3A_765 : vector<1x16xf32> to vector<16xf32>
        %mul3A_767 = arith.mulf %get3A_766, %gather3A_718 : vector<16xf32>
        %swap3A_768 = arith.index_cast %add3A_722 : i32 to index
        %swap3A_769 = arith.constant 64 : index
        %swap3A_770 = tpu.vector_load %arg10[%swap3A_768, %swap3A_769] {strides = array<i32>} : memref<128x128xf32, #tpu.memory_space<vmem>>, vector<1x16xf32>,
        %swap3A_771 = vector.shape_cast %swap3A_770 : vector<1x16xf32> to vector<16xf32>
        %swap3A_772 = vector.shape_cast %mul3A_767 : vector<16xf32> to vector<1x16xf32>
        tpu.vector_store %arg10[%swap3A_768, %swap3A_769], %swap3A_772 {strides = array<i32>} : memref<128x128xf32, #tpu.memory_space<vmem>>, vector<1x16xf32>,
        %get3A_773 = arith.index_cast %add3A_722 : i32 to index
        %get3A_774 = arith.constant 80 : index
        %get3A_775 = tpu.vector_load %arg10[%get3A_773, %get3A_774] {strides = array<i32>} : memref<128x128xf32, #tpu.memory_space<vmem>>, vector<1x16xf32>,
        %get3A_776 = vector.shape_cast %get3A_775 : vector<1x16xf32> to vector<16xf32>
        %mul3A_777 = arith.mulf %get3A_776, %gather3A_718 : vector<16xf32>
        %swap3A_778 = arith.index_cast %add3A_722 : i32 to index
        %swap3A_779 = arith.constant 80 : index
        %swap3A_780 = tpu.vector_load %arg10[%swap3A_778, %swap3A_779] {strides = array<i32>} : memref<128x128xf32, #tpu.memory_space<vmem>>, vector<1x16xf32>,
        %swap3A_781 = vector.shape_cast %swap3A_780 : vector<1x16xf32> to vector<16xf32>
        %swap3A_782 = vector.shape_cast %mul3A_777 : vector<16xf32> to vector<1x16xf32>
        tpu.vector_store %arg10[%swap3A_778, %swap3A_779], %swap3A_782 {strides = array<i32>} : memref<128x128xf32, #tpu.memory_space<vmem>>, vector<1x16xf32>,
        %get3A_783 = arith.index_cast %add3A_722 : i32 to index
        %get3A_784 = arith.constant 96 : index
        %get3A_785 = tpu.vector_load %arg10[%get3A_783, %get3A_784] {strides = array<i32>} : memref<128x128xf32, #tpu.memory_space<vmem>>, vector<1x16xf32>,
        %get3A_786 = vector.shape_cast %get3A_785 : vector<1x16xf32> to vector<16xf32>
        %mul3A_787 = arith.mulf %get3A_786, %gather3A_718 : vector<16xf32>
        %swap3A_788 = arith.index_cast %add3A_722 : i32 to index
        %swap3A_789 = arith.constant 96 : index
        %swap3A_790 = tpu.vector_load %arg10[%swap3A_788, %swap3A_789] {strides = array<i32>} : memref<128x128xf32, #tpu.memory_space<vmem>>, vector<1x16xf32>,
        %swap3A_791 = vector.shape_cast %swap3A_790 : vector<1x16xf32> to vector<16xf32>
        %swap3A_792 = vector.shape_cast %mul3A_787 : vector<16xf32> to vector<1x16xf32>
        tpu.vector_store %arg10[%swap3A_788, %swap3A_789], %swap3A_792 {strides = array<i32>} : memref<128x128xf32, #tpu.memory_space<vmem>>, vector<1x16xf32>,
        %get3A_793 = arith.index_cast %add3A_722 : i32 to index
        %get3A_794 = arith.constant 112 : index
        %get3A_795 = tpu.vector_load %arg10[%get3A_793, %get3A_794] {strides = array<i32>} : memref<128x128xf32, #tpu.memory_space<vmem>>, vector<1x16xf32>,
        %get3A_796 = vector.shape_cast %get3A_795 : vector<1x16xf32> to vector<16xf32>
        %mul3A_797 = arith.mulf %get3A_796, %gather3A_718 : vector<16xf32>
        %swap3A_798 = arith.index_cast %add3A_722 : i32 to index
        %swap3A_799 = arith.constant 112 : index
        %swap3A_800 = tpu.vector_load %arg10[%swap3A_798, %swap3A_799] {strides = array<i32>} : memref<128x128xf32, #tpu.memory_space<vmem>>, vector<1x16xf32>,
        %swap3A_801 = vector.shape_cast %swap3A_800 : vector<1x16xf32> to vector<16xf32>
        %swap3A_802 = vector.shape_cast %mul3A_797 : vector<16xf32> to vector<1x16xf32>
        tpu.vector_store %arg10[%swap3A_798, %swap3A_799], %swap3A_802 {strides = array<i32>} : memref<128x128xf32, #tpu.memory_space<vmem>>, vector<1x16xf32>,
        %broadcast_in_dim3A_803 = arith.constant 7 : i32
        %broadcast_in_dim3A_804 = vector.broadcast %broadcast_in_dim3A_803 : i32 to vector<16x1xi32>
        %gather3A_805 = vector.shape_cast %broadcast_in_dim3A_804 : vector<16x1xi32> to vector<16xi32>
        %gather3A_806 = tpu.dynamic_gather %get3A_188[%gather3A_805] in [0] : vector<16xf32>, vector<16xi32> -> vector<16xf32>
        %mul3A_807 = arith.constant 16 : i32
        %mul3A_808 = arith.muli %scan3A_183, %mul3A_807 : i32
        %add3A_809 = arith.constant 7 : i32
        %add3A_810 = arith.addi %mul3A_808, %add3A_809 : i32
        %get3A_811 = arith.index_cast %add3A_810 : i32 to index
        %get3A_812 = arith.constant 0 : index
        %get3A_813 = tpu.vector_load %arg10[%get3A_811, %get3A_812] {strides = array<i32>} : memref<128x128xf32, #tpu.memory_space<vmem>>, vector<1x16xf32>,
        %get3A_814 = vector.shape_cast %get3A_813 : vector<1x16xf32> to vector<16xf32>
        %mul3A_815 = arith.mulf %get3A_814, %gather3A_806 : vector<16xf32>
        %swap3A_816 = arith.index_cast %add3A_810 : i32 to index
        %swap3A_817 = arith.constant 0 : index
        %swap3A_818 = tpu.vector_load %arg10[%swap3A_816, %swap3A_817] {strides = array<i32>} : memref<128x128xf32, #tpu.memory_space<vmem>>, vector<1x16xf32>,
        %swap3A_819 = vector.shape_cast %swap3A_818 : vector<1x16xf32> to vector<16xf32>
        %swap3A_820 = vector.shape_cast %mul3A_815 : vector<16xf32> to vector<1x16xf32>
        tpu.vector_store %arg10[%swap3A_816, %swap3A_817], %swap3A_820 {strides = array<i32>} : memref<128x128xf32, #tpu.memory_space<vmem>>, vector<1x16xf32>,
        %get3A_821 = arith.index_cast %add3A_810 : i32 to index
        %get3A_822 = arith.constant 16 : index
        %get3A_823 = tpu.vector_load %arg10[%get3A_821, %get3A_822] {strides = array<i32>} : memref<128x128xf32, #tpu.memory_space<vmem>>, vector<1x16xf32>,
        %get3A_824 = vector.shape_cast %get3A_823 : vector<1x16xf32> to vector<16xf32>
        %mul3A_825 = arith.mulf %get3A_824, %gather3A_806 : vector<16xf32>
        %swap3A_826 = arith.index_cast %add3A_810 : i32 to index
        %swap3A_827 = arith.constant 16 : index
        %swap3A_828 = tpu.vector_load %arg10[%swap3A_826, %swap3A_827] {strides = array<i32>} : memref<128x128xf32, #tpu.memory_space<vmem>>, vector<1x16xf32>,
        %swap3A_829 = vector.shape_cast %swap3A_828 : vector<1x16xf32> to vector<16xf32>
        %swap3A_830 = vector.shape_cast %mul3A_825 : vector<16xf32> to vector<1x16xf32>
        tpu.vector_store %arg10[%swap3A_826, %swap3A_827], %swap3A_830 {strides = array<i32>} : memref<128x128xf32, #tpu.memory_space<vmem>>, vector<1x16xf32>,
        %get3A_831 = arith.index_cast %add3A_810 : i32 to index
        %get3A_832 = arith.constant 32 : index
        %get3A_833 = tpu.vector_load %arg10[%get3A_831, %get3A_832] {strides = array<i32>} : memref<128x128xf32, #tpu.memory_space<vmem>>, vector<1x16xf32>,
        %get3A_834 = vector.shape_cast %get3A_833 : vector<1x16xf32> to vector<16xf32>
        %mul3A_835 = arith.mulf %get3A_834, %gather3A_806 : vector<16xf32>
        %swap3A_836 = arith.index_cast %add3A_810 : i32 to index
        %swap3A_837 = arith.constant 32 : index
        %swap3A_838 = tpu.vector_load %arg10[%swap3A_836, %swap3A_837] {strides = array<i32>} : memref<128x128xf32, #tpu.memory_space<vmem>>, vector<1x16xf32>,
        %swap3A_839 = vector.shape_cast %swap3A_838 : vector<1x16xf32> to vector<16xf32>
        %swap3A_840 = vector.shape_cast %mul3A_835 : vector<16xf32> to vector<1x16xf32>
        tpu.vector_store %arg10[%swap3A_836, %swap3A_837], %swap3A_840 {strides = array<i32>} : memref<128x128xf32, #tpu.memory_space<vmem>>, vector<1x16xf32>,
        %get3A_841 = arith.index_cast %add3A_810 : i32 to index
        %get3A_842 = arith.constant 48 : index
        %get3A_843 = tpu.vector_load %arg10[%get3A_841, %get3A_842] {strides = array<i32>} : memref<128x128xf32, #tpu.memory_space<vmem>>, vector<1x16xf32>,
        %get3A_844 = vector.shape_cast %get3A_843 : vector<1x16xf32> to vector<16xf32>
        %mul3A_845 = arith.mulf %get3A_844, %gather3A_806 : vector<16xf32>
        %swap3A_846 = arith.index_cast %add3A_810 : i32 to index
        %swap3A_847 = arith.constant 48 : index
        %swap3A_848 = tpu.vector_load %arg10[%swap3A_846, %swap3A_847] {strides = array<i32>} : memref<128x128xf32, #tpu.memory_space<vmem>>, vector<1x16xf32>,
        %swap3A_849 = vector.shape_cast %swap3A_848 : vector<1x16xf32> to vector<16xf32>
        %swap3A_850 = vector.shape_cast %mul3A_845 : vector<16xf32> to vector<1x16xf32>
        tpu.vector_store %arg10[%swap3A_846, %swap3A_847], %swap3A_850 {strides = array<i32>} : memref<128x128xf32, #tpu.memory_space<vmem>>, vector<1x16xf32>,
        %get3A_851 = arith.index_cast %add3A_810 : i32 to index
        %get3A_852 = arith.constant 64 : index
        %get3A_853 = tpu.vector_load %arg10[%get3A_851, %get3A_852] {strides = array<i32>} : memref<128x128xf32, #tpu.memory_space<vmem>>, vector<1x16xf32>,
        %get3A_854 = vector.shape_cast %get3A_853 : vector<1x16xf32> to vector<16xf32>
        %mul3A_855 = arith.mulf %get3A_854, %gather3A_806 : vector<16xf32>
        %swap3A_856 = arith.index_cast %add3A_810 : i32 to index
        %swap3A_857 = arith.constant 64 : index
        %swap3A_858 = tpu.vector_load %arg10[%swap3A_856, %swap3A_857] {strides = array<i32>} : memref<128x128xf32, #tpu.memory_space<vmem>>, vector<1x16xf32>,
        %swap3A_859 = vector.shape_cast %swap3A_858 : vector<1x16xf32> to vector<16xf32>
        %swap3A_860 = vector.shape_cast %mul3A_855 : vector<16xf32> to vector<1x16xf32>
        tpu.vector_store %arg10[%swap3A_856, %swap3A_857], %swap3A_860 {strides = array<i32>} : memref<128x128xf32, #tpu.memory_space<vmem>>, vector<1x16xf32>,
        %get3A_861 = arith.index_cast %add3A_810 : i32 to index
        %get3A_862 = arith.constant 80 : index
        %get3A_863 = tpu.vector_load %arg10[%get3A_861, %get3A_862] {strides = array<i32>} : memref<128x128xf32, #tpu.memory_space<vmem>>, vector<1x16xf32>,
        %get3A_864 = vector.shape_cast %get3A_863 : vector<1x16xf32> to vector<16xf32>
        %mul3A_865 = arith.mulf %get3A_864, %gather3A_806 : vector<16xf32>
        %swap3A_866 = arith.index_cast %add3A_810 : i32 to index
        %swap3A_867 = arith.constant 80 : index
        %swap3A_868 = tpu.vector_load %arg10[%swap3A_866, %swap3A_867] {strides = array<i32>} : memref<128x128xf32, #tpu.memory_space<vmem>>, vector<1x16xf32>,
        %swap3A_869 = vector.shape_cast %swap3A_868 : vector<1x16xf32> to vector<16xf32>
        %swap3A_870 = vector.shape_cast %mul3A_865 : vector<16xf32> to vector<1x16xf32>
        tpu.vector_store %arg10[%swap3A_866, %swap3A_867], %swap3A_870 {strides = array<i32>} : memref<128x128xf32, #tpu.memory_space<vmem>>, vector<1x16xf32>,
        %get3A_871 = arith.index_cast %add3A_810 : i32 to index
        %get3A_872 = arith.constant 96 : index
        %get3A_873 = tpu.vector_load %arg10[%get3A_871, %get3A_872] {strides = array<i32>} : memref<128x128xf32, #tpu.memory_space<vmem>>, vector<1x16xf32>,
        %get3A_874 = vector.shape_cast %get3A_873 : vector<1x16xf32> to vector<16xf32>
        %mul3A_875 = arith.mulf %get3A_874, %gather3A_806 : vector<16xf32>
        %swap3A_876 = arith.index_cast %add3A_810 : i32 to index
        %swap3A_877 = arith.constant 96 : index
        %swap3A_878 = tpu.vector_load %arg10[%swap3A_876, %swap3A_877] {strides = array<i32>} : memref<128x128xf32, #tpu.memory_space<vmem>>, vector<1x16xf32>,
        %swap3A_879 = vector.shape_cast %swap3A_878 : vector<1x16xf32> to vector<16xf32>
        %swap3A_880 = vector.shape_cast %mul3A_875 : vector<16xf32> to vector<1x16xf32>
        tpu.vector_store %arg10[%swap3A_876, %swap3A_877], %swap3A_880 {strides = array<i32>} : memref<128x128xf32, #tpu.memory_space<vmem>>, vector<1x16xf32>,
        %get3A_881 = arith.index_cast %add3A_810 : i32 to index
        %get3A_882 = arith.constant 112 : index
        %get3A_883 = tpu.vector_load %arg10[%get3A_881, %get3A_882] {strides = array<i32>} : memref<128x128xf32, #tpu.memory_space<vmem>>, vector<1x16xf32>,
        %get3A_884 = vector.shape_cast %get3A_883 : vector<1x16xf32> to vector<16xf32>
        %mul3A_885 = arith.mulf %get3A_884, %gather3A_806 : vector<16xf32>
        %swap3A_886 = arith.index_cast %add3A_810 : i32 to index
        %swap3A_887 = arith.constant 112 : index
        %swap3A_888 = tpu.vector_load %arg10[%swap3A_886, %swap3A_887] {strides = array<i32>} : memref<128x128xf32, #tpu.memory_space<vmem>>, vector<1x16xf32>,
        %swap3A_889 = vector.shape_cast %swap3A_888 : vector<1x16xf32> to vector<16xf32>
        %swap3A_890 = vector.shape_cast %mul3A_885 : vector<16xf32> to vector<1x16xf32>
        tpu.vector_store %arg10[%swap3A_886, %swap3A_887], %swap3A_890 {strides = array<i32>} : memref<128x128xf32, #tpu.memory_space<vmem>>, vector<1x16xf32>,
        %broadcast_in_dim3A_891 = arith.constant 8 : i32
        %broadcast_in_dim3A_892 = vector.broadcast %broadcast_in_dim3A_891 : i32 to vector<16x1xi32>
        %gather3A_893 = vector.shape_cast %broadcast_in_dim3A_892 : vector<16x1xi32> to vector<16xi32>
        %gather3A_894 = tpu.dynamic_gather %get3A_188[%gather3A_893] in [0] : vector<16xf32>, vector<16xi32> -> vector<16xf32>
        %mul3A_895 = arith.constant 16 : i32
        %mul3A_896 = arith.muli %scan3A_183, %mul3A_895 : i32
        %add3A_897 = arith.constant 8 : i32
        %add3A_898 = arith.addi %mul3A_896, %add3A_897 : i32
        %get3A_899 = arith.index_cast %add3A_898 : i32 to index
        %get3A_900 = arith.constant 0 : index
        %get3A_901 = tpu.vector_load %arg10[%get3A_899, %get3A_900] {strides = array<i32>} : memref<128x128xf32, #tpu.memory_space<vmem>>, vector<1x16xf32>,
        %get3A_902 = vector.shape_cast %get3A_901 : vector<1x16xf32> to vector<16xf32>
        %mul3A_903 = arith.mulf %get3A_902, %gather3A_894 : vector<16xf32>
        %swap3A_904 = arith.index_cast %add3A_898 : i32 to index
        %swap3A_905 = arith.constant 0 : index
        %swap3A_906 = tpu.vector_load %arg10[%swap3A_904, %swap3A_905] {strides = array<i32>} : memref<128x128xf32, #tpu.memory_space<vmem>>, vector<1x16xf32>,
        %swap3A_907 = vector.shape_cast %swap3A_906 : vector<1x16xf32> to vector<16xf32>
        %swap3A_908 = vector.shape_cast %mul3A_903 : vector<16xf32> to vector<1x16xf32>
        tpu.vector_store %arg10[%swap3A_904, %swap3A_905], %swap3A_908 {strides = array<i32>} : memref<128x128xf32, #tpu.memory_space<vmem>>, vector<1x16xf32>,
        %get3A_909 = arith.index_cast %add3A_898 : i32 to index
        %get3A_910 = arith.constant 16 : index
        %get3A_911 = tpu.vector_load %arg10[%get3A_909, %get3A_910] {strides = array<i32>} : memref<128x128xf32, #tpu.memory_space<vmem>>, vector<1x16xf32>,
        %get3A_912 = vector.shape_cast %get3A_911 : vector<1x16xf32> to vector<16xf32>
        %mul3A_913 = arith.mulf %get3A_912, %gather3A_894 : vector<16xf32>
        %swap3A_914 = arith.index_cast %add3A_898 : i32 to index
        %swap3A_915 = arith.constant 16 : index
        %swap3A_916 = tpu.vector_load %arg10[%swap3A_914, %swap3A_915] {strides = array<i32>} : memref<128x128xf32, #tpu.memory_space<vmem>>, vector<1x16xf32>,
        %swap3A_917 = vector.shape_cast %swap3A_916 : vector<1x16xf32> to vector<16xf32>
        %swap3A_918 = vector.shape_cast %mul3A_913 : vector<16xf32> to vector<1x16xf32>
        tpu.vector_store %arg10[%swap3A_914, %swap3A_915], %swap3A_918 {strides = array<i32>} : memref<128x128xf32, #tpu.memory_space<vmem>>, vector<1x16xf32>,
        %get3A_919 = arith.index_cast %add3A_898 : i32 to index
        %get3A_920 = arith.constant 32 : index
        %get3A_921 = tpu.vector_load %arg10[%get3A_919, %get3A_920] {strides = array<i32>} : memref<128x128xf32, #tpu.memory_space<vmem>>, vector<1x16xf32>,
        %get3A_922 = vector.shape_cast %get3A_921 : vector<1x16xf32> to vector<16xf32>
        %mul3A_923 = arith.mulf %get3A_922, %gather3A_894 : vector<16xf32>
        %swap3A_924 = arith.index_cast %add3A_898 : i32 to index
        %swap3A_925 = arith.constant 32 : index
        %swap3A_926 = tpu.vector_load %arg10[%swap3A_924, %swap3A_925] {strides = array<i32>} : memref<128x128xf32, #tpu.memory_space<vmem>>, vector<1x16xf32>,
        %swap3A_927 = vector.shape_cast %swap3A_926 : vector<1x16xf32> to vector<16xf32>
        %swap3A_928 = vector.shape_cast %mul3A_923 : vector<16xf32> to vector<1x16xf32>
        tpu.vector_store %arg10[%swap3A_924, %swap3A_925], %swap3A_928 {strides = array<i32>} : memref<128x128xf32, #tpu.memory_space<vmem>>, vector<1x16xf32>,
        %get3A_929 = arith.index_cast %add3A_898 : i32 to index
        %get3A_930 = arith.constant 48 : index
        %get3A_931 = tpu.vector_load %arg10[%get3A_929, %get3A_930] {strides = array<i32>} : memref<128x128xf32, #tpu.memory_space<vmem>>, vector<1x16xf32>,
        %get3A_932 = vector.shape_cast %get3A_931 : vector<1x16xf32> to vector<16xf32>
        %mul3A_933 = arith.mulf %get3A_932, %gather3A_894 : vector<16xf32>
        %swap3A_934 = arith.index_cast %add3A_898 : i32 to index
        %swap3A_935 = arith.constant 48 : index
        %swap3A_936 = tpu.vector_load %arg10[%swap3A_934, %swap3A_935] {strides = array<i32>} : memref<128x128xf32, #tpu.memory_space<vmem>>, vector<1x16xf32>,
        %swap3A_937 = vector.shape_cast %swap3A_936 : vector<1x16xf32> to vector<16xf32>
        %swap3A_938 = vector.shape_cast %mul3A_933 : vector<16xf32> to vector<1x16xf32>
        tpu.vector_store %arg10[%swap3A_934, %swap3A_935], %swap3A_938 {strides = array<i32>} : memref<128x128xf32, #tpu.memory_space<vmem>>, vector<1x16xf32>,
        %get3A_939 = arith.index_cast %add3A_898 : i32 to index
        %get3A_940 = arith.constant 64 : index
        %get3A_941 = tpu.vector_load %arg10[%get3A_939, %get3A_940] {strides = array<i32>} : memref<128x128xf32, #tpu.memory_space<vmem>>, vector<1x16xf32>,
        %get3A_942 = vector.shape_cast %get3A_941 : vector<1x16xf32> to vector<16xf32>
        %mul3A_943 = arith.mulf %get3A_942, %gather3A_894 : vector<16xf32>
        %swap3A_944 = arith.index_cast %add3A_898 : i32 to index
        %swap3A_945 = arith.constant 64 : index
        %swap3A_946 = tpu.vector_load %arg10[%swap3A_944, %swap3A_945] {strides = array<i32>} : memref<128x128xf32, #tpu.memory_space<vmem>>, vector<1x16xf32>,
        %swap3A_947 = vector.shape_cast %swap3A_946 : vector<1x16xf32> to vector<16xf32>
        %swap3A_948 = vector.shape_cast %mul3A_943 : vector<16xf32> to vector<1x16xf32>
        tpu.vector_store %arg10[%swap3A_944, %swap3A_945], %swap3A_948 {strides = array<i32>} : memref<128x128xf32, #tpu.memory_space<vmem>>, vector<1x16xf32>,
        %get3A_949 = arith.index_cast %add3A_898 : i32 to index
        %get3A_950 = arith.constant 80 : index
        %get3A_951 = tpu.vector_load %arg10[%get3A_949, %get3A_950] {strides = array<i32>} : memref<128x128xf32, #tpu.memory_space<vmem>>, vector<1x16xf32>,
        %get3A_952 = vector.shape_cast %get3A_951 : vector<1x16xf32> to vector<16xf32>
        %mul3A_953 = arith.mulf %get3A_952, %gather3A_894 : vector<16xf32>
        %swap3A_954 = arith.index_cast %add3A_898 : i32 to index
        %swap3A_955 = arith.constant 80 : index
        %swap3A_956 = tpu.vector_load %arg10[%swap3A_954, %swap3A_955] {strides = array<i32>} : memref<128x128xf32, #tpu.memory_space<vmem>>, vector<1x16xf32>,
        %swap3A_957 = vector.shape_cast %swap3A_956 : vector<1x16xf32> to vector<16xf32>
        %swap3A_958 = vector.shape_cast %mul3A_953 : vector<16xf32> to vector<1x16xf32>
        tpu.vector_store %arg10[%swap3A_954, %swap3A_955], %swap3A_958 {strides = array<i32>} : memref<128x128xf32, #tpu.memory_space<vmem>>, vector<1x16xf32>,
        %get3A_959 = arith.index_cast %add3A_898 : i32 to index
        %get3A_960 = arith.constant 96 : index
        %get3A_961 = tpu.vector_load %arg10[%get3A_959, %get3A_960] {strides = array<i32>} : memref<128x128xf32, #tpu.memory_space<vmem>>, vector<1x16xf32>,
        %get3A_962 = vector.shape_cast %get3A_961 : vector<1x16xf32> to vector<16xf32>
        %mul3A_963 = arith.mulf %get3A_962, %gather3A_894 : vector<16xf32>
        %swap3A_964 = arith.index_cast %add3A_898 : i32 to index
        %swap3A_965 = arith.constant 96 : index
        %swap3A_966 = tpu.vector_load %arg10[%swap3A_964, %swap3A_965] {strides = array<i32>} : memref<128x128xf32, #tpu.memory_space<vmem>>, vector<1x16xf32>,
        %swap3A_967 = vector.shape_cast %swap3A_966 : vector<1x16xf32> to vector<16xf32>
        %swap3A_968 = vector.shape_cast %mul3A_963 : vector<16xf32> to vector<1x16xf32>
        tpu.vector_store %arg10[%swap3A_964, %swap3A_965], %swap3A_968 {strides = array<i32>} : memref<128x128xf32, #tpu.memory_space<vmem>>, vector<1x16xf32>,
        %get3A_969 = arith.index_cast %add3A_898 : i32 to index
        %get3A_970 = arith.constant 112 : index
        %get3A_971 = tpu.vector_load %arg10[%get3A_969, %get3A_970] {strides = array<i32>} : memref<128x128xf32, #tpu.memory_space<vmem>>, vector<1x16xf32>,
        %get3A_972 = vector.shape_cast %get3A_971 : vector<1x16xf32> to vector<16xf32>
        %mul3A_973 = arith.mulf %get3A_972, %gather3A_894 : vector<16xf32>
        %swap3A_974 = arith.index_cast %add3A_898 : i32 to index
        %swap3A_975 = arith.constant 112 : index
        %swap3A_976 = tpu.vector_load %arg10[%swap3A_974, %swap3A_975] {strides = array<i32>} : memref<128x128xf32, #tpu.memory_space<vmem>>, vector<1x16xf32>,
        %swap3A_977 = vector.shape_cast %swap3A_976 : vector<1x16xf32> to vector<16xf32>
        %swap3A_978 = vector.shape_cast %mul3A_973 : vector<16xf32> to vector<1x16xf32>
        tpu.vector_store %arg10[%swap3A_974, %swap3A_975], %swap3A_978 {strides = array<i32>} : memref<128x128xf32, #tpu.memory_space<vmem>>, vector<1x16xf32>,
        %broadcast_in_dim3A_979 = arith.constant 9 : i32
        %broadcast_in_dim3A_980 = vector.broadcast %broadcast_in_dim3A_979 : i32 to vector<16x1xi32>
        %gather3A_981 = vector.shape_cast %broadcast_in_dim3A_980 : vector<16x1xi32> to vector<16xi32>
        %gather3A_982 = tpu.dynamic_gather %get3A_188[%gather3A_981] in [0] : vector<16xf32>, vector<16xi32> -> vector<16xf32>
        %mul3A_983 = arith.constant 16 : i32
        %mul3A_984 = arith.muli %scan3A_183, %mul3A_983 : i32
        %add3A_985 = arith.constant 9 : i32
        %add3A_986 = arith.addi %mul3A_984, %add3A_985 : i32
        %get3A_987 = arith.index_cast %add3A_986 : i32 to index
        %get3A_988 = arith.constant 0 : index
        %get3A_989 = tpu.vector_load %arg10[%get3A_987, %get3A_988] {strides = array<i32>} : memref<128x128xf32, #tpu.memory_space<vmem>>, vector<1x16xf32>,
        %get3A_990 = vector.shape_cast %get3A_989 : vector<1x16xf32> to vector<16xf32>
        %mul3A_991 = arith.mulf %get3A_990, %gather3A_982 : vector<16xf32>
        %swap3A_992 = arith.index_cast %add3A_986 : i32 to index
        %swap3A_993 = arith.constant 0 : index
        %swap3A_994 = tpu.vector_load %arg10[%swap3A_992, %swap3A_993] {strides = array<i32>} : memref<128x128xf32, #tpu.memory_space<vmem>>, vector<1x16xf32>,
        %swap3A_995 = vector.shape_cast %swap3A_994 : vector<1x16xf32> to vector<16xf32>
        %swap3A_996 = vector.shape_cast %mul3A_991 : vector<16xf32> to vector<1x16xf32>
        tpu.vector_store %arg10[%swap3A_992, %swap3A_993], %swap3A_996 {strides = array<i32>} : memref<128x128xf32, #tpu.memory_space<vmem>>, vector<1x16xf32>,
        %get3A_997 = arith.index_cast %add3A_986 : i32 to index
        %get3A_998 = arith.constant 16 : index
        %get3A_999 = tpu.vector_load %arg10[%get3A_997, %get3A_998] {strides = array<i32>} : memref<128x128xf32, #tpu.memory_space<vmem>>, vector<1x16xf32>,
        %get3A_1000 = vector.shape_cast %get3A_999 : vector<1x16xf32> to vector<16xf32>
        %mul3A_1001 = arith.mulf %get3A_1000, %gather3A_982 : vector<16xf32>
        %swap3A_1002 = arith.index_cast %add3A_986 : i32 to index
        %swap3A_1003 = arith.constant 16 : index
        %swap3A_1004 = tpu.vector_load %arg10[%swap3A_1002, %swap3A_1003] {strides = array<i32>} : memref<128x128xf32, #tpu.memory_space<vmem>>, vector<1x16xf32>,
        %swap3A_1005 = vector.shape_cast %swap3A_1004 : vector<1x16xf32> to vector<16xf32>
        %swap3A_1006 = vector.shape_cast %mul3A_1001 : vector<16xf32> to vector<1x16xf32>
        tpu.vector_store %arg10[%swap3A_1002, %swap3A_1003], %swap3A_1006 {strides = array<i32>} : memref<128x128xf32, #tpu.memory_space<vmem>>, vector<1x16xf32>,
        %get3A_1007 = arith.index_cast %add3A_986 : i32 to index
        %get3A_1008 = arith.constant 32 : index
        %get3A_1009 = tpu.vector_load %arg10[%get3A_1007, %get3A_1008] {strides = array<i32>} : memref<128x128xf32, #tpu.memory_space<vmem>>, vector<1x16xf32>,
        %get3A_1010 = vector.shape_cast %get3A_1009 : vector<1x16xf32> to vector<16xf32>
        %mul3A_1011 = arith.mulf %get3A_1010, %gather3A_982 : vector<16xf32>
        %swap3A_1012 = arith.index_cast %add3A_986 : i32 to index
        %swap3A_1013 = arith.constant 32 : index
        %swap3A_1014 = tpu.vector_load %arg10[%swap3A_1012, %swap3A_1013] {strides = array<i32>} : memref<128x128xf32, #tpu.memory_space<vmem>>, vector<1x16xf32>,
        %swap3A_1015 = vector.shape_cast %swap3A_1014 : vector<1x16xf32> to vector<16xf32>
        %swap3A_1016 = vector.shape_cast %mul3A_1011 : vector<16xf32> to vector<1x16xf32>
        tpu.vector_store %arg10[%swap3A_1012, %swap3A_1013], %swap3A_1016 {strides = array<i32>} : memref<128x128xf32, #tpu.memory_space<vmem>>, vector<1x16xf32>,
        %get3A_1017 = arith.index_cast %add3A_986 : i32 to index
        %get3A_1018 = arith.constant 48 : index
        %get3A_1019 = tpu.vector_load %arg10[%get3A_1017, %get3A_1018] {strides = array<i32>} : memref<128x128xf32, #tpu.memory_space<vmem>>, vector<1x16xf32>,
        %get3A_1020 = vector.shape_cast %get3A_1019 : vector<1x16xf32> to vector<16xf32>
        %mul3A_1021 = arith.mulf %get3A_1020, %gather3A_982 : vector<16xf32>
        %swap3A_1022 = arith.index_cast %add3A_986 : i32 to index
        %swap3A_1023 = arith.constant 48 : index
        %swap3A_1024 = tpu.vector_load %arg10[%swap3A_1022, %swap3A_1023] {strides = array<i32>} : memref<128x128xf32, #tpu.memory_space<vmem>>, vector<1x16xf32>,
        %swap3A_1025 = vector.shape_cast %swap3A_1024 : vector<1x16xf32> to vector<16xf32>
        %swap3A_1026 = vector.shape_cast %mul3A_1021 : vector<16xf32> to vector<1x16xf32>
        tpu.vector_store %arg10[%swap3A_1022, %swap3A_1023], %swap3A_1026 {strides = array<i32>} : memref<128x128xf32, #tpu.memory_space<vmem>>, vector<1x16xf32>,
        %get3A_1027 = arith.index_cast %add3A_986 : i32 to index
        %get3A_1028 = arith.constant 64 : index
        %get3A_1029 = tpu.vector_load %arg10[%get3A_1027, %get3A_1028] {strides = array<i32>} : memref<128x128xf32, #tpu.memory_space<vmem>>, vector<1x16xf32>,
        %get3A_1030 = vector.shape_cast %get3A_1029 : vector<1x16xf32> to vector<16xf32>
        %mul3A_1031 = arith.mulf %get3A_1030, %gather3A_982 : vector<16xf32>
        %swap3A_1032 = arith.index_cast %add3A_986 : i32 to index
        %swap3A_1033 = arith.constant 64 : index
        %swap3A_1034 = tpu.vector_load %arg10[%swap3A_1032, %swap3A_1033] {strides = array<i32>} : memref<128x128xf32, #tpu.memory_space<vmem>>, vector<1x16xf32>,
        %swap3A_1035 = vector.shape_cast %swap3A_1034 : vector<1x16xf32> to vector<16xf32>
        %swap3A_1036 = vector.shape_cast %mul3A_1031 : vector<16xf32> to vector<1x16xf32>
        tpu.vector_store %arg10[%swap3A_1032, %swap3A_1033], %swap3A_1036 {strides = array<i32>} : memref<128x128xf32, #tpu.memory_space<vmem>>, vector<1x16xf32>,
        %get3A_1037 = arith.index_cast %add3A_986 : i32 to index
        %get3A_1038 = arith.constant 80 : index
        %get3A_1039 = tpu.vector_load %arg10[%get3A_1037, %get3A_1038] {strides = array<i32>} : memref<128x128xf32, #tpu.memory_space<vmem>>, vector<1x16xf32>,
        %get3A_1040 = vector.shape_cast %get3A_1039 : vector<1x16xf32> to vector<16xf32>
        %mul3A_1041 = arith.mulf %get3A_1040, %gather3A_982 : vector<16xf32>
        %swap3A_1042 = arith.index_cast %add3A_986 : i32 to index
        %swap3A_1043 = arith.constant 80 : index
        %swap3A_1044 = tpu.vector_load %arg10[%swap3A_1042, %swap3A_1043] {strides = array<i32>} : memref<128x128xf32, #tpu.memory_space<vmem>>, vector<1x16xf32>,
        %swap3A_1045 = vector.shape_cast %swap3A_1044 : vector<1x16xf32> to vector<16xf32>
        %swap3A_1046 = vector.shape_cast %mul3A_1041 : vector<16xf32> to vector<1x16xf32>
        tpu.vector_store %arg10[%swap3A_1042, %swap3A_1043], %swap3A_1046 {strides = array<i32>} : memref<128x128xf32, #tpu.memory_space<vmem>>, vector<1x16xf32>,
        %get3A_1047 = arith.index_cast %add3A_986 : i32 to index
        %get3A_1048 = arith.constant 96 : index
        %get3A_1049 = tpu.vector_load %arg10[%get3A_1047, %get3A_1048] {strides = array<i32>} : memref<128x128xf32, #tpu.memory_space<vmem>>, vector<1x16xf32>,
        %get3A_1050 = vector.shape_cast %get3A_1049 : vector<1x16xf32> to vector<16xf32>
        %mul3A_1051 = arith.mulf %get3A_1050, %gather3A_982 : vector<16xf32>
        %swap3A_1052 = arith.index_cast %add3A_986 : i32 to index
        %swap3A_1053 = arith.constant 96 : index
        %swap3A_1054 = tpu.vector_load %arg10[%swap3A_1052, %swap3A_1053] {strides = array<i32>} : memref<128x128xf32, #tpu.memory_space<vmem>>, vector<1x16xf32>,
        %swap3A_1055 = vector.shape_cast %swap3A_1054 : vector<1x16xf32> to vector<16xf32>
        %swap3A_1056 = vector.shape_cast %mul3A_1051 : vector<16xf32> to vector<1x16xf32>
        tpu.vector_store %arg10[%swap3A_1052, %swap3A_1053], %swap3A_1056 {strides = array<i32>} : memref<128x128xf32, #tpu.memory_space<vmem>>, vector<1x16xf32>,
        %get3A_1057 = arith.index_cast %add3A_986 : i32 to index
        %get3A_1058 = arith.constant 112 : index
        %get3A_1059 = tpu.vector_load %arg10[%get3A_1057, %get3A_1058] {strides = array<i32>} : memref<128x128xf32, #tpu.memory_space<vmem>>, vector<1x16xf32>,
        %get3A_1060 = vector.shape_cast %get3A_1059 : vector<1x16xf32> to vector<16xf32>
        %mul3A_1061 = arith.mulf %get3A_1060, %gather3A_982 : vector<16xf32>
        %swap3A_1062 = arith.index_cast %add3A_986 : i32 to index
        %swap3A_1063 = arith.constant 112 : index
        %swap3A_1064 = tpu.vector_load %arg10[%swap3A_1062, %swap3A_1063] {strides = array<i32>} : memref<128x128xf32, #tpu.memory_space<vmem>>, vector<1x16xf32>,
        %swap3A_1065 = vector.shape_cast %swap3A_1064 : vector<1x16xf32> to vector<16xf32>
        %swap3A_1066 = vector.shape_cast %mul3A_1061 : vector<16xf32> to vector<1x16xf32>
        tpu.vector_store %arg10[%swap3A_1062, %swap3A_1063], %swap3A_1066 {strides = array<i32>} : memref<128x128xf32, #tpu.memory_space<vmem>>, vector<1x16xf32>,
        %broadcast_in_dim3A_1067 = arith.constant 10 : i32
        %broadcast_in_dim3A_1068 = vector.broadcast %broadcast_in_dim3A_1067 : i32 to vector<16x1xi32>
        %gather3A_1069 = vector.shape_cast %broadcast_in_dim3A_1068 : vector<16x1xi32> to vector<16xi32>
        %gather3A_1070 = tpu.dynamic_gather %get3A_188[%gather3A_1069] in [0] : vector<16xf32>, vector<16xi32> -> vector<16xf32>
        %mul3A_1071 = arith.constant 16 : i32
        %mul3A_1072 = arith.muli %scan3A_183, %mul3A_1071 : i32
        %add3A_1073 = arith.constant 10 : i32
        %add3A_1074 = arith.addi %mul3A_1072, %add3A_1073 : i32
        %get3A_1075 = arith.index_cast %add3A_1074 : i32 to index
        %get3A_1076 = arith.constant 0 : index
        %get3A_1077 = tpu.vector_load %arg10[%get3A_1075, %get3A_1076] {strides = array<i32>} : memref<128x128xf32, #tpu.memory_space<vmem>>, vector<1x16xf32>,
        %get3A_1078 = vector.shape_cast %get3A_1077 : vector<1x16xf32> to vector<16xf32>
        %mul3A_1079 = arith.mulf %get3A_1078, %gather3A_1070 : vector<16xf32>
        %swap3A_1080 = arith.index_cast %add3A_1074 : i32 to index
        %swap3A_1081 = arith.constant 0 : index
        %swap3A_1082 = tpu.vector_load %arg10[%swap3A_1080, %swap3A_1081] {strides = array<i32>} : memref<128x128xf32, #tpu.memory_space<vmem>>, vector<1x16xf32>,
        %swap3A_1083 = vector.shape_cast %swap3A_1082 : vector<1x16xf32> to vector<16xf32>
        %swap3A_1084 = vector.shape_cast %mul3A_1079 : vector<16xf32> to vector<1x16xf32>
        tpu.vector_store %arg10[%swap3A_1080, %swap3A_1081], %swap3A_1084 {strides = array<i32>} : memref<128x128xf32, #tpu.memory_space<vmem>>, vector<1x16xf32>,
        %get3A_1085 = arith.index_cast %add3A_1074 : i32 to index
        %get3A_1086 = arith.constant 16 : index
        %get3A_1087 = tpu.vector_load %arg10[%get3A_1085, %get3A_1086] {strides = array<i32>} : memref<128x128xf32, #tpu.memory_space<vmem>>, vector<1x16xf32>,
        %get3A_1088 = vector.shape_cast %get3A_1087 : vector<1x16xf32> to vector<16xf32>
        %mul3A_1089 = arith.mulf %get3A_1088, %gather3A_1070 : vector<16xf32>
        %swap3A_1090 = arith.index_cast %add3A_1074 : i32 to index
        %swap3A_1091 = arith.constant 16 : index
        %swap3A_1092 = tpu.vector_load %arg10[%swap3A_1090, %swap3A_1091] {strides = array<i32>} : memref<128x128xf32, #tpu.memory_space<vmem>>, vector<1x16xf32>,
        %swap3A_1093 = vector.shape_cast %swap3A_1092 : vector<1x16xf32> to vector<16xf32>
        %swap3A_1094 = vector.shape_cast %mul3A_1089 : vector<16xf32> to vector<1x16xf32>
        tpu.vector_store %arg10[%swap3A_1090, %swap3A_1091], %swap3A_1094 {strides = array<i32>} : memref<128x128xf32, #tpu.memory_space<vmem>>, vector<1x16xf32>,
        %get3A_1095 = arith.index_cast %add3A_1074 : i32 to index
        %get3A_1096 = arith.constant 32 : index
        %get3A_1097 = tpu.vector_load %arg10[%get3A_1095, %get3A_1096] {strides = array<i32>} : memref<128x128xf32, #tpu.memory_space<vmem>>, vector<1x16xf32>,
        %get3A_1098 = vector.shape_cast %get3A_1097 : vector<1x16xf32> to vector<16xf32>
        %mul3A_1099 = arith.mulf %get3A_1098, %gather3A_1070 : vector<16xf32>
        %swap3A_1100 = arith.index_cast %add3A_1074 : i32 to index
        %swap3A_1101 = arith.constant 32 : index
        %swap3A_1102 = tpu.vector_load %arg10[%swap3A_1100, %swap3A_1101] {strides = array<i32>} : memref<128x128xf32, #tpu.memory_space<vmem>>, vector<1x16xf32>,
        %swap3A_1103 = vector.shape_cast %swap3A_1102 : vector<1x16xf32> to vector<16xf32>
        %swap3A_1104 = vector.shape_cast %mul3A_1099 : vector<16xf32> to vector<1x16xf32>
        tpu.vector_store %arg10[%swap3A_1100, %swap3A_1101], %swap3A_1104 {strides = array<i32>} : memref<128x128xf32, #tpu.memory_space<vmem>>, vector<1x16xf32>,
        %get3A_1105 = arith.index_cast %add3A_1074 : i32 to index
        %get3A_1106 = arith.constant 48 : index
        %get3A_1107 = tpu.vector_load %arg10[%get3A_1105, %get3A_1106] {strides = array<i32>} : memref<128x128xf32, #tpu.memory_space<vmem>>, vector<1x16xf32>,
        %get3A_1108 = vector.shape_cast %get3A_1107 : vector<1x16xf32> to vector<16xf32>
        %mul3A_1109 = arith.mulf %get3A_1108, %gather3A_1070 : vector<16xf32>
        %swap3A_1110 = arith.index_cast %add3A_1074 : i32 to index
        %swap3A_1111 = arith.constant 48 : index
        %swap3A_1112 = tpu.vector_load %arg10[%swap3A_1110, %swap3A_1111] {strides = array<i32>} : memref<128x128xf32, #tpu.memory_space<vmem>>, vector<1x16xf32>,
        %swap3A_1113 = vector.shape_cast %swap3A_1112 : vector<1x16xf32> to vector<16xf32>
        %swap3A_1114 = vector.shape_cast %mul3A_1109 : vector<16xf32> to vector<1x16xf32>
        tpu.vector_store %arg10[%swap3A_1110, %swap3A_1111], %swap3A_1114 {strides = array<i32>} : memref<128x128xf32, #tpu.memory_space<vmem>>, vector<1x16xf32>,
        %get3A_1115 = arith.index_cast %add3A_1074 : i32 to index
        %get3A_1116 = arith.constant 64 : index
        %get3A_1117 = tpu.vector_load %arg10[%get3A_1115, %get3A_1116] {strides = array<i32>} : memref<128x128xf32, #tpu.memory_space<vmem>>, vector<1x16xf32>,
        %get3A_1118 = vector.shape_cast %get3A_1117 : vector<1x16xf32> to vector<16xf32>
        %mul3A_1119 = arith.mulf %get3A_1118, %gather3A_1070 : vector<16xf32>
        %swap3A_1120 = arith.index_cast %add3A_1074 : i32 to index
        %swap3A_1121 = arith.constant 64 : index
        %swap3A_1122 = tpu.vector_load %arg10[%swap3A_1120, %swap3A_1121] {strides = array<i32>} : memref<128x128xf32, #tpu.memory_space<vmem>>, vector<1x16xf32>,
        %swap3A_1123 = vector.shape_cast %swap3A_1122 : vector<1x16xf32> to vector<16xf32>
        %swap3A_1124 = vector.shape_cast %mul3A_1119 : vector<16xf32> to vector<1x16xf32>
        tpu.vector_store %arg10[%swap3A_1120, %swap3A_1121], %swap3A_1124 {strides = array<i32>} : memref<128x128xf32, #tpu.memory_space<vmem>>, vector<1x16xf32>,
        %get3A_1125 = arith.index_cast %add3A_1074 : i32 to index
        %get3A_1126 = arith.constant 80 : index
        %get3A_1127 = tpu.vector_load %arg10[%get3A_1125, %get3A_1126] {strides = array<i32>} : memref<128x128xf32, #tpu.memory_space<vmem>>, vector<1x16xf32>,
        %get3A_1128 = vector.shape_cast %get3A_1127 : vector<1x16xf32> to vector<16xf32>
        %mul3A_1129 = arith.mulf %get3A_1128, %gather3A_1070 : vector<16xf32>
        %swap3A_1130 = arith.index_cast %add3A_1074 : i32 to index
        %swap3A_1131 = arith.constant 80 : index
        %swap3A_1132 = tpu.vector_load %arg10[%swap3A_1130, %swap3A_1131] {strides = array<i32>} : memref<128x128xf32, #tpu.memory_space<vmem>>, vector<1x16xf32>,
        %swap3A_1133 = vector.shape_cast %swap3A_1132 : vector<1x16xf32> to vector<16xf32>
        %swap3A_1134 = vector.shape_cast %mul3A_1129 : vector<16xf32> to vector<1x16xf32>
        tpu.vector_store %arg10[%swap3A_1130, %swap3A_1131], %swap3A_1134 {strides = array<i32>} : memref<128x128xf32, #tpu.memory_space<vmem>>, vector<1x16xf32>,
        %get3A_1135 = arith.index_cast %add3A_1074 : i32 to index
        %get3A_1136 = arith.constant 96 : index
        %get3A_1137 = tpu.vector_load %arg10[%get3A_1135, %get3A_1136] {strides = array<i32>} : memref<128x128xf32, #tpu.memory_space<vmem>>, vector<1x16xf32>,
        %get3A_1138 = vector.shape_cast %get3A_1137 : vector<1x16xf32> to vector<16xf32>
        %mul3A_1139 = arith.mulf %get3A_1138, %gather3A_1070 : vector<16xf32>
        %swap3A_1140 = arith.index_cast %add3A_1074 : i32 to index
        %swap3A_1141 = arith.constant 96 : index
        %swap3A_1142 = tpu.vector_load %arg10[%swap3A_1140, %swap3A_1141] {strides = array<i32>} : memref<128x128xf32, #tpu.memory_space<vmem>>, vector<1x16xf32>,
        %swap3A_1143 = vector.shape_cast %swap3A_1142 : vector<1x16xf32> to vector<16xf32>
        %swap3A_1144 = vector.shape_cast %mul3A_1139 : vector<16xf32> to vector<1x16xf32>
        tpu.vector_store %arg10[%swap3A_1140, %swap3A_1141], %swap3A_1144 {strides = array<i32>} : memref<128x128xf32, #tpu.memory_space<vmem>>, vector<1x16xf32>,
        %get3A_1145 = arith.index_cast %add3A_1074 : i32 to index
        %get3A_1146 = arith.constant 112 : index
        %get3A_1147 = tpu.vector_load %arg10[%get3A_1145, %get3A_1146] {strides = array<i32>} : memref<128x128xf32, #tpu.memory_space<vmem>>, vector<1x16xf32>,
        %get3A_1148 = vector.shape_cast %get3A_1147 : vector<1x16xf32> to vector<16xf32>
        %mul3A_1149 = arith.mulf %get3A_1148, %gather3A_1070 : vector<16xf32>
        %swap3A_1150 = arith.index_cast %add3A_1074 : i32 to index
        %swap3A_1151 = arith.constant 112 : index
        %swap3A_1152 = tpu.vector_load %arg10[%swap3A_1150, %swap3A_1151] {strides = array<i32>} : memref<128x128xf32, #tpu.memory_space<vmem>>, vector<1x16xf32>,
        %swap3A_1153 = vector.shape_cast %swap3A_1152 : vector<1x16xf32> to vector<16xf32>
        %swap3A_1154 = vector.shape_cast %mul3A_1149 : vector<16xf32> to vector<1x16xf32>
        tpu.vector_store %arg10[%swap3A_1150, %swap3A_1151], %swap3A_1154 {strides = array<i32>} : memref<128x128xf32, #tpu.memory_space<vmem>>, vector<1x16xf32>,
        %broadcast_in_dim3A_1155 = arith.constant 11 : i32
        %broadcast_in_dim3A_1156 = vector.broadcast %broadcast_in_dim3A_1155 : i32 to vector<16x1xi32>
        %gather3A_1157 = vector.shape_cast %broadcast_in_dim3A_1156 : vector<16x1xi32> to vector<16xi32>
        %gather3A_1158 = tpu.dynamic_gather %get3A_188[%gather3A_1157] in [0] : vector<16xf32>, vector<16xi32> -> vector<16xf32>
        %mul3A_1159 = arith.constant 16 : i32
        %mul3A_1160 = arith.muli %scan3A_183, %mul3A_1159 : i32
        %add3A_1161 = arith.constant 11 : i32
        %add3A_1162 = arith.addi %mul3A_1160, %add3A_1161 : i32
        %get3A_1163 = arith.index_cast %add3A_1162 : i32 to index
        %get3A_1164 = arith.constant 0 : index
        %get3A_1165 = tpu.vector_load %arg10[%get3A_1163, %get3A_1164] {strides = array<i32>} : memref<128x128xf32, #tpu.memory_space<vmem>>, vector<1x16xf32>,
        %get3A_1166 = vector.shape_cast %get3A_1165 : vector<1x16xf32> to vector<16xf32>
        %mul3A_1167 = arith.mulf %get3A_1166, %gather3A_1158 : vector<16xf32>
        %swap3A_1168 = arith.index_cast %add3A_1162 : i32 to index
        %swap3A_1169 = arith.constant 0 : index
        %swap3A_1170 = tpu.vector_load %arg10[%swap3A_1168, %swap3A_1169] {strides = array<i32>} : memref<128x128xf32, #tpu.memory_space<vmem>>, vector<1x16xf32>,
        %swap3A_1171 = vector.shape_cast %swap3A_1170 : vector<1x16xf32> to vector<16xf32>
        %swap3A_1172 = vector.shape_cast %mul3A_1167 : vector<16xf32> to vector<1x16xf32>
        tpu.vector_store %arg10[%swap3A_1168, %swap3A_1169], %swap3A_1172 {strides = array<i32>} : memref<128x128xf32, #tpu.memory_space<vmem>>, vector<1x16xf32>,
        %get3A_1173 = arith.index_cast %add3A_1162 : i32 to index
        %get3A_1174 = arith.constant 16 : index
        %get3A_1175 = tpu.vector_load %arg10[%get3A_1173, %get3A_1174] {strides = array<i32>} : memref<128x128xf32, #tpu.memory_space<vmem>>, vector<1x16xf32>,
        %get3A_1176 = vector.shape_cast %get3A_1175 : vector<1x16xf32> to vector<16xf32>
        %mul3A_1177 = arith.mulf %get3A_1176, %gather3A_1158 : vector<16xf32>
        %swap3A_1178 = arith.index_cast %add3A_1162 : i32 to index
        %swap3A_1179 = arith.constant 16 : index
        %swap3A_1180 = tpu.vector_load %arg10[%swap3A_1178, %swap3A_1179] {strides = array<i32>} : memref<128x128xf32, #tpu.memory_space<vmem>>, vector<1x16xf32>,
        %swap3A_1181 = vector.shape_cast %swap3A_1180 : vector<1x16xf32> to vector<16xf32>
        %swap3A_1182 = vector.shape_cast %mul3A_1177 : vector<16xf32> to vector<1x16xf32>
        tpu.vector_store %arg10[%swap3A_1178, %swap3A_1179], %swap3A_1182 {strides = array<i32>} : memref<128x128xf32, #tpu.memory_space<vmem>>, vector<1x16xf32>,
        %get3A_1183 = arith.index_cast %add3A_1162 : i32 to index
        %get3A_1184 = arith.constant 32 : index
        %get3A_1185 = tpu.vector_load %arg10[%get3A_1183, %get3A_1184] {strides = array<i32>} : memref<128x128xf32, #tpu.memory_space<vmem>>, vector<1x16xf32>,
        %get3A_1186 = vector.shape_cast %get3A_1185 : vector<1x16xf32> to vector<16xf32>
        %mul3A_1187 = arith.mulf %get3A_1186, %gather3A_1158 : vector<16xf32>
        %swap3A_1188 = arith.index_cast %add3A_1162 : i32 to index
        %swap3A_1189 = arith.constant 32 : index
        %swap3A_1190 = tpu.vector_load %arg10[%swap3A_1188, %swap3A_1189] {strides = array<i32>} : memref<128x128xf32, #tpu.memory_space<vmem>>, vector<1x16xf32>,
        %swap3A_1191 = vector.shape_cast %swap3A_1190 : vector<1x16xf32> to vector<16xf32>
        %swap3A_1192 = vector.shape_cast %mul3A_1187 : vector<16xf32> to vector<1x16xf32>
        tpu.vector_store %arg10[%swap3A_1188, %swap3A_1189], %swap3A_1192 {strides = array<i32>} : memref<128x128xf32, #tpu.memory_space<vmem>>, vector<1x16xf32>,
        %get3A_1193 = arith.index_cast %add3A_1162 : i32 to index
        %get3A_1194 = arith.constant 48 : index
        %get3A_1195 = tpu.vector_load %arg10[%get3A_1193, %get3A_1194] {strides = array<i32>} : memref<128x128xf32, #tpu.memory_space<vmem>>, vector<1x16xf32>,
        %get3A_1196 = vector.shape_cast %get3A_1195 : vector<1x16xf32> to vector<16xf32>
        %mul3A_1197 = arith.mulf %get3A_1196, %gather3A_1158 : vector<16xf32>
        %swap3A_1198 = arith.index_cast %add3A_1162 : i32 to index
        %swap3A_1199 = arith.constant 48 : index
        %swap3A_1200 = tpu.vector_load %arg10[%swap3A_1198, %swap3A_1199] {strides = array<i32>} : memref<128x128xf32, #tpu.memory_space<vmem>>, vector<1x16xf32>,
        %swap3A_1201 = vector.shape_cast %swap3A_1200 : vector<1x16xf32> to vector<16xf32>
        %swap3A_1202 = vector.shape_cast %mul3A_1197 : vector<16xf32> to vector<1x16xf32>
        tpu.vector_store %arg10[%swap3A_1198, %swap3A_1199], %swap3A_1202 {strides = array<i32>} : memref<128x128xf32, #tpu.memory_space<vmem>>, vector<1x16xf32>,
        %get3A_1203 = arith.index_cast %add3A_1162 : i32 to index
        %get3A_1204 = arith.constant 64 : index
        %get3A_1205 = tpu.vector_load %arg10[%get3A_1203, %get3A_1204] {strides = array<i32>} : memref<128x128xf32, #tpu.memory_space<vmem>>, vector<1x16xf32>,
        %get3A_1206 = vector.shape_cast %get3A_1205 : vector<1x16xf32> to vector<16xf32>
        %mul3A_1207 = arith.mulf %get3A_1206, %gather3A_1158 : vector<16xf32>
        %swap3A_1208 = arith.index_cast %add3A_1162 : i32 to index
        %swap3A_1209 = arith.constant 64 : index
        %swap3A_1210 = tpu.vector_load %arg10[%swap3A_1208, %swap3A_1209] {strides = array<i32>} : memref<128x128xf32, #tpu.memory_space<vmem>>, vector<1x16xf32>,
        %swap3A_1211 = vector.shape_cast %swap3A_1210 : vector<1x16xf32> to vector<16xf32>
        %swap3A_1212 = vector.shape_cast %mul3A_1207 : vector<16xf32> to vector<1x16xf32>
        tpu.vector_store %arg10[%swap3A_1208, %swap3A_1209], %swap3A_1212 {strides = array<i32>} : memref<128x128xf32, #tpu.memory_space<vmem>>, vector<1x16xf32>,
        %get3A_1213 = arith.index_cast %add3A_1162 : i32 to index
        %get3A_1214 = arith.constant 80 : index
        %get3A_1215 = tpu.vector_load %arg10[%get3A_1213, %get3A_1214] {strides = array<i32>} : memref<128x128xf32, #tpu.memory_space<vmem>>, vector<1x16xf32>,
        %get3A_1216 = vector.shape_cast %get3A_1215 : vector<1x16xf32> to vector<16xf32>
        %mul3A_1217 = arith.mulf %get3A_1216, %gather3A_1158 : vector<16xf32>
        %swap3A_1218 = arith.index_cast %add3A_1162 : i32 to index
        %swap3A_1219 = arith.constant 80 : index
        %swap3A_1220 = tpu.vector_load %arg10[%swap3A_1218, %swap3A_1219] {strides = array<i32>} : memref<128x128xf32, #tpu.memory_space<vmem>>, vector<1x16xf32>,
        %swap3A_1221 = vector.shape_cast %swap3A_1220 : vector<1x16xf32> to vector<16xf32>
        %swap3A_1222 = vector.shape_cast %mul3A_1217 : vector<16xf32> to vector<1x16xf32>
        tpu.vector_store %arg10[%swap3A_1218, %swap3A_1219], %swap3A_1222 {strides = array<i32>} : memref<128x128xf32, #tpu.memory_space<vmem>>, vector<1x16xf32>,
        %get3A_1223 = arith.index_cast %add3A_1162 : i32 to index
        %get3A_1224 = arith.constant 96 : index
        %get3A_1225 = tpu.vector_load %arg10[%get3A_1223, %get3A_1224] {strides = array<i32>} : memref<128x128xf32, #tpu.memory_space<vmem>>, vector<1x16xf32>,
        %get3A_1226 = vector.shape_cast %get3A_1225 : vector<1x16xf32> to vector<16xf32>
        %mul3A_1227 = arith.mulf %get3A_1226, %gather3A_1158 : vector<16xf32>
        %swap3A_1228 = arith.index_cast %add3A_1162 : i32 to index
        %swap3A_1229 = arith.constant 96 : index
        %swap3A_1230 = tpu.vector_load %arg10[%swap3A_1228, %swap3A_1229] {strides = array<i32>} : memref<128x128xf32, #tpu.memory_space<vmem>>, vector<1x16xf32>,
        %swap3A_1231 = vector.shape_cast %swap3A_1230 : vector<1x16xf32> to vector<16xf32>
        %swap3A_1232 = vector.shape_cast %mul3A_1227 : vector<16xf32> to vector<1x16xf32>
        tpu.vector_store %arg10[%swap3A_1228, %swap3A_1229], %swap3A_1232 {strides = array<i32>} : memref<128x128xf32, #tpu.memory_space<vmem>>, vector<1x16xf32>,
        %get3A_1233 = arith.index_cast %add3A_1162 : i32 to index
        %get3A_1234 = arith.constant 112 : index
        %get3A_1235 = tpu.vector_load %arg10[%get3A_1233, %get3A_1234] {strides = array<i32>} : memref<128x128xf32, #tpu.memory_space<vmem>>, vector<1x16xf32>,
        %get3A_1236 = vector.shape_cast %get3A_1235 : vector<1x16xf32> to vector<16xf32>
        %mul3A_1237 = arith.mulf %get3A_1236, %gather3A_1158 : vector<16xf32>
        %swap3A_1238 = arith.index_cast %add3A_1162 : i32 to index
        %swap3A_1239 = arith.constant 112 : index
        %swap3A_1240 = tpu.vector_load %arg10[%swap3A_1238, %swap3A_1239] {strides = array<i32>} : memref<128x128xf32, #tpu.memory_space<vmem>>, vector<1x16xf32>,
        %swap3A_1241 = vector.shape_cast %swap3A_1240 : vector<1x16xf32> to vector<16xf32>
        %swap3A_1242 = vector.shape_cast %mul3A_1237 : vector<16xf32> to vector<1x16xf32>
        tpu.vector_store %arg10[%swap3A_1238, %swap3A_1239], %swap3A_1242 {strides = array<i32>} : memref<128x128xf32, #tpu.memory_space<vmem>>, vector<1x16xf32>,
        %broadcast_in_dim3A_1243 = arith.constant 12 : i32
        %broadcast_in_dim3A_1244 = vector.broadcast %broadcast_in_dim3A_1243 : i32 to vector<16x1xi32>
        %gather3A_1245 = vector.shape_cast %broadcast_in_dim3A_1244 : vector<16x1xi32> to vector<16xi32>
        %gather3A_1246 = tpu.dynamic_gather %get3A_188[%gather3A_1245] in [0] : vector<16xf32>, vector<16xi32> -> vector<16xf32>
        %mul3A_1247 = arith.constant 16 : i32
        %mul3A_1248 = arith.muli %scan3A_183, %mul3A_1247 : i32
        %add3A_1249 = arith.constant 12 : i32
        %add3A_1250 = arith.addi %mul3A_1248, %add3A_1249 : i32
        %get3A_1251 = arith.index_cast %add3A_1250 : i32 to index
        %get3A_1252 = arith.constant 0 : index
        %get3A_1253 = tpu.vector_load %arg10[%get3A_1251, %get3A_1252] {strides = array<i32>} : memref<128x128xf32, #tpu.memory_space<vmem>>, vector<1x16xf32>,
        %get3A_1254 = vector.shape_cast %get3A_1253 : vector<1x16xf32> to vector<16xf32>
        %mul3A_1255 = arith.mulf %get3A_1254, %gather3A_1246 : vector<16xf32>
        %swap3A_1256 = arith.index_cast %add3A_1250 : i32 to index
        %swap3A_1257 = arith.constant 0 : index
        %swap3A_1258 = tpu.vector_load %arg10[%swap3A_1256, %swap3A_1257] {strides = array<i32>} : memref<128x128xf32, #tpu.memory_space<vmem>>, vector<1x16xf32>,
        %swap3A_1259 = vector.shape_cast %swap3A_1258 : vector<1x16xf32> to vector<16xf32>
        %swap3A_1260 = vector.shape_cast %mul3A_1255 : vector<16xf32> to vector<1x16xf32>
        tpu.vector_store %arg10[%swap3A_1256, %swap3A_1257], %swap3A_1260 {strides = array<i32>} : memref<128x128xf32, #tpu.memory_space<vmem>>, vector<1x16xf32>,
        %get3A_1261 = arith.index_cast %add3A_1250 : i32 to index
        %get3A_1262 = arith.constant 16 : index
        %get3A_1263 = tpu.vector_load %arg10[%get3A_1261, %get3A_1262] {strides = array<i32>} : memref<128x128xf32, #tpu.memory_space<vmem>>, vector<1x16xf32>,
        %get3A_1264 = vector.shape_cast %get3A_1263 : vector<1x16xf32> to vector<16xf32>
        %mul3A_1265 = arith.mulf %get3A_1264, %gather3A_1246 : vector<16xf32>
        %swap3A_1266 = arith.index_cast %add3A_1250 : i32 to index
        %swap3A_1267 = arith.constant 16 : index
        %swap3A_1268 = tpu.vector_load %arg10[%swap3A_1266, %swap3A_1267] {strides = array<i32>} : memref<128x128xf32, #tpu.memory_space<vmem>>, vector<1x16xf32>,
        %swap3A_1269 = vector.shape_cast %swap3A_1268 : vector<1x16xf32> to vector<16xf32>
        %swap3A_1270 = vector.shape_cast %mul3A_1265 : vector<16xf32> to vector<1x16xf32>
        tpu.vector_store %arg10[%swap3A_1266, %swap3A_1267], %swap3A_1270 {strides = array<i32>} : memref<128x128xf32, #tpu.memory_space<vmem>>, vector<1x16xf32>,
        %get3A_1271 = arith.index_cast %add3A_1250 : i32 to index
        %get3A_1272 = arith.constant 32 : index
        %get3A_1273 = tpu.vector_load %arg10[%get3A_1271, %get3A_1272] {strides = array<i32>} : memref<128x128xf32, #tpu.memory_space<vmem>>, vector<1x16xf32>,
        %get3A_1274 = vector.shape_cast %get3A_1273 : vector<1x16xf32> to vector<16xf32>
        %mul3A_1275 = arith.mulf %get3A_1274, %gather3A_1246 : vector<16xf32>
        %swap3A_1276 = arith.index_cast %add3A_1250 : i32 to index
        %swap3A_1277 = arith.constant 32 : index
        %swap3A_1278 = tpu.vector_load %arg10[%swap3A_1276, %swap3A_1277] {strides = array<i32>} : memref<128x128xf32, #tpu.memory_space<vmem>>, vector<1x16xf32>,
        %swap3A_1279 = vector.shape_cast %swap3A_1278 : vector<1x16xf32> to vector<16xf32>
        %swap3A_1280 = vector.shape_cast %mul3A_1275 : vector<16xf32> to vector<1x16xf32>
        tpu.vector_store %arg10[%swap3A_1276, %swap3A_1277], %swap3A_1280 {strides = array<i32>} : memref<128x128xf32, #tpu.memory_space<vmem>>, vector<1x16xf32>,
        %get3A_1281 = arith.index_cast %add3A_1250 : i32 to index
        %get3A_1282 = arith.constant 48 : index
        %get3A_1283 = tpu.vector_load %arg10[%get3A_1281, %get3A_1282] {strides = array<i32>} : memref<128x128xf32, #tpu.memory_space<vmem>>, vector<1x16xf32>,
        %get3A_1284 = vector.shape_cast %get3A_1283 : vector<1x16xf32> to vector<16xf32>
        %mul3A_1285 = arith.mulf %get3A_1284, %gather3A_1246 : vector<16xf32>
        %swap3A_1286 = arith.index_cast %add3A_1250 : i32 to index
        %swap3A_1287 = arith.constant 48 : index
        %swap3A_1288 = tpu.vector_load %arg10[%swap3A_1286, %swap3A_1287] {strides = array<i32>} : memref<128x128xf32, #tpu.memory_space<vmem>>, vector<1x16xf32>,
        %swap3A_1289 = vector.shape_cast %swap3A_1288 : vector<1x16xf32> to vector<16xf32>
        %swap3A_1290 = vector.shape_cast %mul3A_1285 : vector<16xf32> to vector<1x16xf32>
        tpu.vector_store %arg10[%swap3A_1286, %swap3A_1287], %swap3A_1290 {strides = array<i32>} : memref<128x128xf32, #tpu.memory_space<vmem>>, vector<1x16xf32>,
        %get3A_1291 = arith.index_cast %add3A_1250 : i32 to index
        %get3A_1292 = arith.constant 64 : index
        %get3A_1293 = tpu.vector_load %arg10[%get3A_1291, %get3A_1292] {strides = array<i32>} : memref<128x128xf32, #tpu.memory_space<vmem>>, vector<1x16xf32>,
        %get3A_1294 = vector.shape_cast %get3A_1293 : vector<1x16xf32> to vector<16xf32>
        %mul3A_1295 = arith.mulf %get3A_1294, %gather3A_1246 : vector<16xf32>
        %swap3A_1296 = arith.index_cast %add3A_1250 : i32 to index
        %swap3A_1297 = arith.constant 64 : index
        %swap3A_1298 = tpu.vector_load %arg10[%swap3A_1296, %swap3A_1297] {strides = array<i32>} : memref<128x128xf32, #tpu.memory_space<vmem>>, vector<1x16xf32>,
        %swap3A_1299 = vector.shape_cast %swap3A_1298 : vector<1x16xf32> to vector<16xf32>
        %swap3A_1300 = vector.shape_cast %mul3A_1295 : vector<16xf32> to vector<1x16xf32>
        tpu.vector_store %arg10[%swap3A_1296, %swap3A_1297], %swap3A_1300 {strides = array<i32>} : memref<128x128xf32, #tpu.memory_space<vmem>>, vector<1x16xf32>,
        %get3A_1301 = arith.index_cast %add3A_1250 : i32 to index
        %get3A_1302 = arith.constant 80 : index
        %get3A_1303 = tpu.vector_load %arg10[%get3A_1301, %get3A_1302] {strides = array<i32>} : memref<128x128xf32, #tpu.memory_space<vmem>>, vector<1x16xf32>,
        %get3A_1304 = vector.shape_cast %get3A_1303 : vector<1x16xf32> to vector<16xf32>
        %mul3A_1305 = arith.mulf %get3A_1304, %gather3A_1246 : vector<16xf32>
        %swap3A_1306 = arith.index_cast %add3A_1250 : i32 to index
        %swap3A_1307 = arith.constant 80 : index
        %swap3A_1308 = tpu.vector_load %arg10[%swap3A_1306, %swap3A_1307] {strides = array<i32>} : memref<128x128xf32, #tpu.memory_space<vmem>>, vector<1x16xf32>,
        %swap3A_1309 = vector.shape_cast %swap3A_1308 : vector<1x16xf32> to vector<16xf32>
        %swap3A_1310 = vector.shape_cast %mul3A_1305 : vector<16xf32> to vector<1x16xf32>
        tpu.vector_store %arg10[%swap3A_1306, %swap3A_1307], %swap3A_1310 {strides = array<i32>} : memref<128x128xf32, #tpu.memory_space<vmem>>, vector<1x16xf32>,
        %get3A_1311 = arith.index_cast %add3A_1250 : i32 to index
        %get3A_1312 = arith.constant 96 : index
        %get3A_1313 = tpu.vector_load %arg10[%get3A_1311, %get3A_1312] {strides = array<i32>} : memref<128x128xf32, #tpu.memory_space<vmem>>, vector<1x16xf32>,
        %get3A_1314 = vector.shape_cast %get3A_1313 : vector<1x16xf32> to vector<16xf32>
        %mul3A_1315 = arith.mulf %get3A_1314, %gather3A_1246 : vector<16xf32>
        %swap3A_1316 = arith.index_cast %add3A_1250 : i32 to index
        %swap3A_1317 = arith.constant 96 : index
        %swap3A_1318 = tpu.vector_load %arg10[%swap3A_1316, %swap3A_1317] {strides = array<i32>} : memref<128x128xf32, #tpu.memory_space<vmem>>, vector<1x16xf32>,
        %swap3A_1319 = vector.shape_cast %swap3A_1318 : vector<1x16xf32> to vector<16xf32>
        %swap3A_1320 = vector.shape_cast %mul3A_1315 : vector<16xf32> to vector<1x16xf32>
        tpu.vector_store %arg10[%swap3A_1316, %swap3A_1317], %swap3A_1320 {strides = array<i32>} : memref<128x128xf32, #tpu.memory_space<vmem>>, vector<1x16xf32>,
        %get3A_1321 = arith.index_cast %add3A_1250 : i32 to index
        %get3A_1322 = arith.constant 112 : index
        %get3A_1323 = tpu.vector_load %arg10[%get3A_1321, %get3A_1322] {strides = array<i32>} : memref<128x128xf32, #tpu.memory_space<vmem>>, vector<1x16xf32>,
        %get3A_1324 = vector.shape_cast %get3A_1323 : vector<1x16xf32> to vector<16xf32>
        %mul3A_1325 = arith.mulf %get3A_1324, %gather3A_1246 : vector<16xf32>
        %swap3A_1326 = arith.index_cast %add3A_1250 : i32 to index
        %swap3A_1327 = arith.constant 112 : index
        %swap3A_1328 = tpu.vector_load %arg10[%swap3A_1326, %swap3A_1327] {strides = array<i32>} : memref<128x128xf32, #tpu.memory_space<vmem>>, vector<1x16xf32>,
        %swap3A_1329 = vector.shape_cast %swap3A_1328 : vector<1x16xf32> to vector<16xf32>
        %swap3A_1330 = vector.shape_cast %mul3A_1325 : vector<16xf32> to vector<1x16xf32>
        tpu.vector_store %arg10[%swap3A_1326, %swap3A_1327], %swap3A_1330 {strides = array<i32>} : memref<128x128xf32, #tpu.memory_space<vmem>>, vector<1x16xf32>,
        %broadcast_in_dim3A_1331 = arith.constant 13 : i32
        %broadcast_in_dim3A_1332 = vector.broadcast %broadcast_in_dim3A_1331 : i32 to vector<16x1xi32>
        %gather3A_1333 = vector.shape_cast %broadcast_in_dim3A_1332 : vector<16x1xi32> to vector<16xi32>
        %gather3A_1334 = tpu.dynamic_gather %get3A_188[%gather3A_1333] in [0] : vector<16xf32>, vector<16xi32> -> vector<16xf32>
        %mul3A_1335 = arith.constant 16 : i32
        %mul3A_1336 = arith.muli %scan3A_183, %mul3A_1335 : i32
        %add3A_1337 = arith.constant 13 : i32
        %add3A_1338 = arith.addi %mul3A_1336, %add3A_1337 : i32
        %get3A_1339 = arith.index_cast %add3A_1338 : i32 to index
        %get3A_1340 = arith.constant 0 : index
        %get3A_1341 = tpu.vector_load %arg10[%get3A_1339, %get3A_1340] {strides = array<i32>} : memref<128x128xf32, #tpu.memory_space<vmem>>, vector<1x16xf32>,
        %get3A_1342 = vector.shape_cast %get3A_1341 : vector<1x16xf32> to vector<16xf32>
        %mul3A_1343 = arith.mulf %get3A_1342, %gather3A_1334 : vector<16xf32>
        %swap3A_1344 = arith.index_cast %add3A_1338 : i32 to index
        %swap3A_1345 = arith.constant 0 : index
        %swap3A_1346 = tpu.vector_load %arg10[%swap3A_1344, %swap3A_1345] {strides = array<i32>} : memref<128x128xf32, #tpu.memory_space<vmem>>, vector<1x16xf32>,
        %swap3A_1347 = vector.shape_cast %swap3A_1346 : vector<1x16xf32> to vector<16xf32>
        %swap3A_1348 = vector.shape_cast %mul3A_1343 : vector<16xf32> to vector<1x16xf32>
        tpu.vector_store %arg10[%swap3A_1344, %swap3A_1345], %swap3A_1348 {strides = array<i32>} : memref<128x128xf32, #tpu.memory_space<vmem>>, vector<1x16xf32>,
        %get3A_1349 = arith.index_cast %add3A_1338 : i32 to index
        %get3A_1350 = arith.constant 16 : index
        %get3A_1351 = tpu.vector_load %arg10[%get3A_1349, %get3A_1350] {strides = array<i32>} : memref<128x128xf32, #tpu.memory_space<vmem>>, vector<1x16xf32>,
        %get3A_1352 = vector.shape_cast %get3A_1351 : vector<1x16xf32> to vector<16xf32>
        %mul3A_1353 = arith.mulf %get3A_1352, %gather3A_1334 : vector<16xf32>
        %swap3A_1354 = arith.index_cast %add3A_1338 : i32 to index
        %swap3A_1355 = arith.constant 16 : index
        %swap3A_1356 = tpu.vector_load %arg10[%swap3A_1354, %swap3A_1355] {strides = array<i32>} : memref<128x128xf32, #tpu.memory_space<vmem>>, vector<1x16xf32>,
        %swap3A_1357 = vector.shape_cast %swap3A_1356 : vector<1x16xf32> to vector<16xf32>
        %swap3A_1358 = vector.shape_cast %mul3A_1353 : vector<16xf32> to vector<1x16xf32>
        tpu.vector_store %arg10[%swap3A_1354, %swap3A_1355], %swap3A_1358 {strides = array<i32>} : memref<128x128xf32, #tpu.memory_space<vmem>>, vector<1x16xf32>,
        %get3A_1359 = arith.index_cast %add3A_1338 : i32 to index
        %get3A_1360 = arith.constant 32 : index
        %get3A_1361 = tpu.vector_load %arg10[%get3A_1359, %get3A_1360] {strides = array<i32>} : memref<128x128xf32, #tpu.memory_space<vmem>>, vector<1x16xf32>,
        %get3A_1362 = vector.shape_cast %get3A_1361 : vector<1x16xf32> to vector<16xf32>
        %mul3A_1363 = arith.mulf %get3A_1362, %gather3A_1334 : vector<16xf32>
        %swap3A_1364 = arith.index_cast %add3A_1338 : i32 to index
        %swap3A_1365 = arith.constant 32 : index
        %swap3A_1366 = tpu.vector_load %arg10[%swap3A_1364, %swap3A_1365] {strides = array<i32>} : memref<128x128xf32, #tpu.memory_space<vmem>>, vector<1x16xf32>,
        %swap3A_1367 = vector.shape_cast %swap3A_1366 : vector<1x16xf32> to vector<16xf32>
        %swap3A_1368 = vector.shape_cast %mul3A_1363 : vector<16xf32> to vector<1x16xf32>
        tpu.vector_store %arg10[%swap3A_1364, %swap3A_1365], %swap3A_1368 {strides = array<i32>} : memref<128x128xf32, #tpu.memory_space<vmem>>, vector<1x16xf32>,
        %get3A_1369 = arith.index_cast %add3A_1338 : i32 to index
        %get3A_1370 = arith.constant 48 : index
        %get3A_1371 = tpu.vector_load %arg10[%get3A_1369, %get3A_1370] {strides = array<i32>} : memref<128x128xf32, #tpu.memory_space<vmem>>, vector<1x16xf32>,
        %get3A_1372 = vector.shape_cast %get3A_1371 : vector<1x16xf32> to vector<16xf32>
        %mul3A_1373 = arith.mulf %get3A_1372, %gather3A_1334 : vector<16xf32>
        %swap3A_1374 = arith.index_cast %add3A_1338 : i32 to index
        %swap3A_1375 = arith.constant 48 : index
        %swap3A_1376 = tpu.vector_load %arg10[%swap3A_1374, %swap3A_1375] {strides = array<i32>} : memref<128x128xf32, #tpu.memory_space<vmem>>, vector<1x16xf32>,
        %swap3A_1377 = vector.shape_cast %swap3A_1376 : vector<1x16xf32> to vector<16xf32>
        %swap3A_1378 = vector.shape_cast %mul3A_1373 : vector<16xf32> to vector<1x16xf32>
        tpu.vector_store %arg10[%swap3A_1374, %swap3A_1375], %swap3A_1378 {strides = array<i32>} : memref<128x128xf32, #tpu.memory_space<vmem>>, vector<1x16xf32>,
        %get3A_1379 = arith.index_cast %add3A_1338 : i32 to index
        %get3A_1380 = arith.constant 64 : index
        %get3A_1381 = tpu.vector_load %arg10[%get3A_1379, %get3A_1380] {strides = array<i32>} : memref<128x128xf32, #tpu.memory_space<vmem>>, vector<1x16xf32>,
        %get3A_1382 = vector.shape_cast %get3A_1381 : vector<1x16xf32> to vector<16xf32>
        %mul3A_1383 = arith.mulf %get3A_1382, %gather3A_1334 : vector<16xf32>
        %swap3A_1384 = arith.index_cast %add3A_1338 : i32 to index
        %swap3A_1385 = arith.constant 64 : index
        %swap3A_1386 = tpu.vector_load %arg10[%swap3A_1384, %swap3A_1385] {strides = array<i32>} : memref<128x128xf32, #tpu.memory_space<vmem>>, vector<1x16xf32>,
        %swap3A_1387 = vector.shape_cast %swap3A_1386 : vector<1x16xf32> to vector<16xf32>
        %swap3A_1388 = vector.shape_cast %mul3A_1383 : vector<16xf32> to vector<1x16xf32>
        tpu.vector_store %arg10[%swap3A_1384, %swap3A_1385], %swap3A_1388 {strides = array<i32>} : memref<128x128xf32, #tpu.memory_space<vmem>>, vector<1x16xf32>,
        %get3A_1389 = arith.index_cast %add3A_1338 : i32 to index
        %get3A_1390 = arith.constant 80 : index
        %get3A_1391 = tpu.vector_load %arg10[%get3A_1389, %get3A_1390] {strides = array<i32>} : memref<128x128xf32, #tpu.memory_space<vmem>>, vector<1x16xf32>,
        %get3A_1392 = vector.shape_cast %get3A_1391 : vector<1x16xf32> to vector<16xf32>
        %mul3A_1393 = arith.mulf %get3A_1392, %gather3A_1334 : vector<16xf32>
        %swap3A_1394 = arith.index_cast %add3A_1338 : i32 to index
        %swap3A_1395 = arith.constant 80 : index
        %swap3A_1396 = tpu.vector_load %arg10[%swap3A_1394, %swap3A_1395] {strides = array<i32>} : memref<128x128xf32, #tpu.memory_space<vmem>>, vector<1x16xf32>,
        %swap3A_1397 = vector.shape_cast %swap3A_1396 : vector<1x16xf32> to vector<16xf32>
        %swap3A_1398 = vector.shape_cast %mul3A_1393 : vector<16xf32> to vector<1x16xf32>
        tpu.vector_store %arg10[%swap3A_1394, %swap3A_1395], %swap3A_1398 {strides = array<i32>} : memref<128x128xf32, #tpu.memory_space<vmem>>, vector<1x16xf32>,
        %get3A_1399 = arith.index_cast %add3A_1338 : i32 to index
        %get3A_1400 = arith.constant 96 : index
        %get3A_1401 = tpu.vector_load %arg10[%get3A_1399, %get3A_1400] {strides = array<i32>} : memref<128x128xf32, #tpu.memory_space<vmem>>, vector<1x16xf32>,
        %get3A_1402 = vector.shape_cast %get3A_1401 : vector<1x16xf32> to vector<16xf32>
        %mul3A_1403 = arith.mulf %get3A_1402, %gather3A_1334 : vector<16xf32>
        %swap3A_1404 = arith.index_cast %add3A_1338 : i32 to index
        %swap3A_1405 = arith.constant 96 : index
        %swap3A_1406 = tpu.vector_load %arg10[%swap3A_1404, %swap3A_1405] {strides = array<i32>} : memref<128x128xf32, #tpu.memory_space<vmem>>, vector<1x16xf32>,
        %swap3A_1407 = vector.shape_cast %swap3A_1406 : vector<1x16xf32> to vector<16xf32>
        %swap3A_1408 = vector.shape_cast %mul3A_1403 : vector<16xf32> to vector<1x16xf32>
        tpu.vector_store %arg10[%swap3A_1404, %swap3A_1405], %swap3A_1408 {strides = array<i32>} : memref<128x128xf32, #tpu.memory_space<vmem>>, vector<1x16xf32>,
        %get3A_1409 = arith.index_cast %add3A_1338 : i32 to index
        %get3A_1410 = arith.constant 112 : index
        %get3A_1411 = tpu.vector_load %arg10[%get3A_1409, %get3A_1410] {strides = array<i32>} : memref<128x128xf32, #tpu.memory_space<vmem>>, vector<1x16xf32>,
        %get3A_1412 = vector.shape_cast %get3A_1411 : vector<1x16xf32> to vector<16xf32>
        %mul3A_1413 = arith.mulf %get3A_1412, %gather3A_1334 : vector<16xf32>
        %swap3A_1414 = arith.index_cast %add3A_1338 : i32 to index
        %swap3A_1415 = arith.constant 112 : index
        %swap3A_1416 = tpu.vector_load %arg10[%swap3A_1414, %swap3A_1415] {strides = array<i32>} : memref<128x128xf32, #tpu.memory_space<vmem>>, vector<1x16xf32>,
        %swap3A_1417 = vector.shape_cast %swap3A_1416 : vector<1x16xf32> to vector<16xf32>
        %swap3A_1418 = vector.shape_cast %mul3A_1413 : vector<16xf32> to vector<1x16xf32>
        tpu.vector_store %arg10[%swap3A_1414, %swap3A_1415], %swap3A_1418 {strides = array<i32>} : memref<128x128xf32, #tpu.memory_space<vmem>>, vector<1x16xf32>,
        %broadcast_in_dim3A_1419 = arith.constant 14 : i32
        %broadcast_in_dim3A_1420 = vector.broadcast %broadcast_in_dim3A_1419 : i32 to vector<16x1xi32>
        %gather3A_1421 = vector.shape_cast %broadcast_in_dim3A_1420 : vector<16x1xi32> to vector<16xi32>
        %gather3A_1422 = tpu.dynamic_gather %get3A_188[%gather3A_1421] in [0] : vector<16xf32>, vector<16xi32> -> vector<16xf32>
        %mul3A_1423 = arith.constant 16 : i32
        %mul3A_1424 = arith.muli %scan3A_183, %mul3A_1423 : i32
        %add3A_1425 = arith.constant 14 : i32
        %add3A_1426 = arith.addi %mul3A_1424, %add3A_1425 : i32
        %get3A_1427 = arith.index_cast %add3A_1426 : i32 to index
        %get3A_1428 = arith.constant 0 : index
        %get3A_1429 = tpu.vector_load %arg10[%get3A_1427, %get3A_1428] {strides = array<i32>} : memref<128x128xf32, #tpu.memory_space<vmem>>, vector<1x16xf32>,
        %get3A_1430 = vector.shape_cast %get3A_1429 : vector<1x16xf32> to vector<16xf32>
        %mul3A_1431 = arith.mulf %get3A_1430, %gather3A_1422 : vector<16xf32>
        %swap3A_1432 = arith.index_cast %add3A_1426 : i32 to index
        %swap3A_1433 = arith.constant 0 : index
        %swap3A_1434 = tpu.vector_load %arg10[%swap3A_1432, %swap3A_1433] {strides = array<i32>} : memref<128x128xf32, #tpu.memory_space<vmem>>, vector<1x16xf32>,
        %swap3A_1435 = vector.shape_cast %swap3A_1434 : vector<1x16xf32> to vector<16xf32>
        %swap3A_1436 = vector.shape_cast %mul3A_1431 : vector<16xf32> to vector<1x16xf32>
        tpu.vector_store %arg10[%swap3A_1432, %swap3A_1433], %swap3A_1436 {strides = array<i32>} : memref<128x128xf32, #tpu.memory_space<vmem>>, vector<1x16xf32>,
        %get3A_1437 = arith.index_cast %add3A_1426 : i32 to index
        %get3A_1438 = arith.constant 16 : index
        %get3A_1439 = tpu.vector_load %arg10[%get3A_1437, %get3A_1438] {strides = array<i32>} : memref<128x128xf32, #tpu.memory_space<vmem>>, vector<1x16xf32>,
        %get3A_1440 = vector.shape_cast %get3A_1439 : vector<1x16xf32> to vector<16xf32>
        %mul3A_1441 = arith.mulf %get3A_1440, %gather3A_1422 : vector<16xf32>
        %swap3A_1442 = arith.index_cast %add3A_1426 : i32 to index
        %swap3A_1443 = arith.constant 16 : index
        %swap3A_1444 = tpu.vector_load %arg10[%swap3A_1442, %swap3A_1443] {strides = array<i32>} : memref<128x128xf32, #tpu.memory_space<vmem>>, vector<1x16xf32>,
        %swap3A_1445 = vector.shape_cast %swap3A_1444 : vector<1x16xf32> to vector<16xf32>
        %swap3A_1446 = vector.shape_cast %mul3A_1441 : vector<16xf32> to vector<1x16xf32>
        tpu.vector_store %arg10[%swap3A_1442, %swap3A_1443], %swap3A_1446 {strides = array<i32>} : memref<128x128xf32, #tpu.memory_space<vmem>>, vector<1x16xf32>,
        %get3A_1447 = arith.index_cast %add3A_1426 : i32 to index
        %get3A_1448 = arith.constant 32 : index
        %get3A_1449 = tpu.vector_load %arg10[%get3A_1447, %get3A_1448] {strides = array<i32>} : memref<128x128xf32, #tpu.memory_space<vmem>>, vector<1x16xf32>,
        %get3A_1450 = vector.shape_cast %get3A_1449 : vector<1x16xf32> to vector<16xf32>
        %mul3A_1451 = arith.mulf %get3A_1450, %gather3A_1422 : vector<16xf32>
        %swap3A_1452 = arith.index_cast %add3A_1426 : i32 to index
        %swap3A_1453 = arith.constant 32 : index
        %swap3A_1454 = tpu.vector_load %arg10[%swap3A_1452, %swap3A_1453] {strides = array<i32>} : memref<128x128xf32, #tpu.memory_space<vmem>>, vector<1x16xf32>,
        %swap3A_1455 = vector.shape_cast %swap3A_1454 : vector<1x16xf32> to vector<16xf32>
        %swap3A_1456 = vector.shape_cast %mul3A_1451 : vector<16xf32> to vector<1x16xf32>
        tpu.vector_store %arg10[%swap3A_1452, %swap3A_1453], %swap3A_1456 {strides = array<i32>} : memref<128x128xf32, #tpu.memory_space<vmem>>, vector<1x16xf32>,
        %get3A_1457 = arith.index_cast %add3A_1426 : i32 to index
        %get3A_1458 = arith.constant 48 : index
        %get3A_1459 = tpu.vector_load %arg10[%get3A_1457, %get3A_1458] {strides = array<i32>} : memref<128x128xf32, #tpu.memory_space<vmem>>, vector<1x16xf32>,
        %get3A_1460 = vector.shape_cast %get3A_1459 : vector<1x16xf32> to vector<16xf32>
        %mul3A_1461 = arith.mulf %get3A_1460, %gather3A_1422 : vector<16xf32>
        %swap3A_1462 = arith.index_cast %add3A_1426 : i32 to index
        %swap3A_1463 = arith.constant 48 : index
        %swap3A_1464 = tpu.vector_load %arg10[%swap3A_1462, %swap3A_1463] {strides = array<i32>} : memref<128x128xf32, #tpu.memory_space<vmem>>, vector<1x16xf32>,
        %swap3A_1465 = vector.shape_cast %swap3A_1464 : vector<1x16xf32> to vector<16xf32>
        %swap3A_1466 = vector.shape_cast %mul3A_1461 : vector<16xf32> to vector<1x16xf32>
        tpu.vector_store %arg10[%swap3A_1462, %swap3A_1463], %swap3A_1466 {strides = array<i32>} : memref<128x128xf32, #tpu.memory_space<vmem>>, vector<1x16xf32>,
        %get3A_1467 = arith.index_cast %add3A_1426 : i32 to index
        %get3A_1468 = arith.constant 64 : index
        %get3A_1469 = tpu.vector_load %arg10[%get3A_1467, %get3A_1468] {strides = array<i32>} : memref<128x128xf32, #tpu.memory_space<vmem>>, vector<1x16xf32>,
        %get3A_1470 = vector.shape_cast %get3A_1469 : vector<1x16xf32> to vector<16xf32>
        %mul3A_1471 = arith.mulf %get3A_1470, %gather3A_1422 : vector<16xf32>
        %swap3A_1472 = arith.index_cast %add3A_1426 : i32 to index
        %swap3A_1473 = arith.constant 64 : index
        %swap3A_1474 = tpu.vector_load %arg10[%swap3A_1472, %swap3A_1473] {strides = array<i32>} : memref<128x128xf32, #tpu.memory_space<vmem>>, vector<1x16xf32>,
        %swap3A_1475 = vector.shape_cast %swap3A_1474 : vector<1x16xf32> to vector<16xf32>
        %swap3A_1476 = vector.shape_cast %mul3A_1471 : vector<16xf32> to vector<1x16xf32>
        tpu.vector_store %arg10[%swap3A_1472, %swap3A_1473], %swap3A_1476 {strides = array<i32>} : memref<128x128xf32, #tpu.memory_space<vmem>>, vector<1x16xf32>,
        %get3A_1477 = arith.index_cast %add3A_1426 : i32 to index
        %get3A_1478 = arith.constant 80 : index
        %get3A_1479 = tpu.vector_load %arg10[%get3A_1477, %get3A_1478] {strides = array<i32>} : memref<128x128xf32, #tpu.memory_space<vmem>>, vector<1x16xf32>,
        %get3A_1480 = vector.shape_cast %get3A_1479 : vector<1x16xf32> to vector<16xf32>
        %mul3A_1481 = arith.mulf %get3A_1480, %gather3A_1422 : vector<16xf32>
        %swap3A_1482 = arith.index_cast %add3A_1426 : i32 to index
        %swap3A_1483 = arith.constant 80 : index
        %swap3A_1484 = tpu.vector_load %arg10[%swap3A_1482, %swap3A_1483] {strides = array<i32>} : memref<128x128xf32, #tpu.memory_space<vmem>>, vector<1x16xf32>,
        %swap3A_1485 = vector.shape_cast %swap3A_1484 : vector<1x16xf32> to vector<16xf32>
        %swap3A_1486 = vector.shape_cast %mul3A_1481 : vector<16xf32> to vector<1x16xf32>
        tpu.vector_store %arg10[%swap3A_1482, %swap3A_1483], %swap3A_1486 {strides = array<i32>} : memref<128x128xf32, #tpu.memory_space<vmem>>, vector<1x16xf32>,
        %get3A_1487 = arith.index_cast %add3A_1426 : i32 to index
        %get3A_1488 = arith.constant 96 : index
        %get3A_1489 = tpu.vector_load %arg10[%get3A_1487, %get3A_1488] {strides = array<i32>} : memref<128x128xf32, #tpu.memory_space<vmem>>, vector<1x16xf32>,
        %get3A_1490 = vector.shape_cast %get3A_1489 : vector<1x16xf32> to vector<16xf32>
        %mul3A_1491 = arith.mulf %get3A_1490, %gather3A_1422 : vector<16xf32>
        %swap3A_1492 = arith.index_cast %add3A_1426 : i32 to index
        %swap3A_1493 = arith.constant 96 : index
        %swap3A_1494 = tpu.vector_load %arg10[%swap3A_1492, %swap3A_1493] {strides = array<i32>} : memref<128x128xf32, #tpu.memory_space<vmem>>, vector<1x16xf32>,
        %swap3A_1495 = vector.shape_cast %swap3A_1494 : vector<1x16xf32> to vector<16xf32>
        %swap3A_1496 = vector.shape_cast %mul3A_1491 : vector<16xf32> to vector<1x16xf32>
        tpu.vector_store %arg10[%swap3A_1492, %swap3A_1493], %swap3A_1496 {strides = array<i32>} : memref<128x128xf32, #tpu.memory_space<vmem>>, vector<1x16xf32>,
        %get3A_1497 = arith.index_cast %add3A_1426 : i32 to index
        %get3A_1498 = arith.constant 112 : index
        %get3A_1499 = tpu.vector_load %arg10[%get3A_1497, %get3A_1498] {strides = array<i32>} : memref<128x128xf32, #tpu.memory_space<vmem>>, vector<1x16xf32>,
        %get3A_1500 = vector.shape_cast %get3A_1499 : vector<1x16xf32> to vector<16xf32>
        %mul3A_1501 = arith.mulf %get3A_1500, %gather3A_1422 : vector<16xf32>
        %swap3A_1502 = arith.index_cast %add3A_1426 : i32 to index
        %swap3A_1503 = arith.constant 112 : index
        %swap3A_1504 = tpu.vector_load %arg10[%swap3A_1502, %swap3A_1503] {strides = array<i32>} : memref<128x128xf32, #tpu.memory_space<vmem>>, vector<1x16xf32>,
        %swap3A_1505 = vector.shape_cast %swap3A_1504 : vector<1x16xf32> to vector<16xf32>
        %swap3A_1506 = vector.shape_cast %mul3A_1501 : vector<16xf32> to vector<1x16xf32>
        tpu.vector_store %arg10[%swap3A_1502, %swap3A_1503], %swap3A_1506 {strides = array<i32>} : memref<128x128xf32, #tpu.memory_space<vmem>>, vector<1x16xf32>,
        %broadcast_in_dim3A_1507 = arith.constant 15 : i32
        %broadcast_in_dim3A_1508 = vector.broadcast %broadcast_in_dim3A_1507 : i32 to vector<16x1xi32>
        %gather3A_1509 = vector.shape_cast %broadcast_in_dim3A_1508 : vector<16x1xi32> to vector<16xi32>
        %gather3A_1510 = tpu.dynamic_gather %get3A_188[%gather3A_1509] in [0] : vector<16xf32>, vector<16xi32> -> vector<16xf32>
        %mul3A_1511 = arith.constant 16 : i32
        %mul3A_1512 = arith.muli %scan3A_183, %mul3A_1511 : i32
        %add3A_1513 = arith.constant 15 : i32
        %add3A_1514 = arith.addi %mul3A_1512, %add3A_1513 : i32
        %get3A_1515 = arith.index_cast %add3A_1514 : i32 to index
        %get3A_1516 = arith.constant 0 : index
        %get3A_1517 = tpu.vector_load %arg10[%get3A_1515, %get3A_1516] {strides = array<i32>} : memref<128x128xf32, #tpu.memory_space<vmem>>, vector<1x16xf32>,
        %get3A_1518 = vector.shape_cast %get3A_1517 : vector<1x16xf32> to vector<16xf32>
        %mul3A_1519 = arith.mulf %get3A_1518, %gather3A_1510 : vector<16xf32>
        %swap3A_1520 = arith.index_cast %add3A_1514 : i32 to index
        %swap3A_1521 = arith.constant 0 : index
        %swap3A_1522 = tpu.vector_load %arg10[%swap3A_1520, %swap3A_1521] {strides = array<i32>} : memref<128x128xf32, #tpu.memory_space<vmem>>, vector<1x16xf32>,
        %swap3A_1523 = vector.shape_cast %swap3A_1522 : vector<1x16xf32> to vector<16xf32>
        %swap3A_1524 = vector.shape_cast %mul3A_1519 : vector<16xf32> to vector<1x16xf32>
        tpu.vector_store %arg10[%swap3A_1520, %swap3A_1521], %swap3A_1524 {strides = array<i32>} : memref<128x128xf32, #tpu.memory_space<vmem>>, vector<1x16xf32>,
        %get3A_1525 = arith.index_cast %add3A_1514 : i32 to index
        %get3A_1526 = arith.constant 16 : index
        %get3A_1527 = tpu.vector_load %arg10[%get3A_1525, %get3A_1526] {strides = array<i32>} : memref<128x128xf32, #tpu.memory_space<vmem>>, vector<1x16xf32>,
        %get3A_1528 = vector.shape_cast %get3A_1527 : vector<1x16xf32> to vector<16xf32>
        %mul3A_1529 = arith.mulf %get3A_1528, %gather3A_1510 : vector<16xf32>
        %swap3A_1530 = arith.index_cast %add3A_1514 : i32 to index
        %swap3A_1531 = arith.constant 16 : index
        %swap3A_1532 = tpu.vector_load %arg10[%swap3A_1530, %swap3A_1531] {strides = array<i32>} : memref<128x128xf32, #tpu.memory_space<vmem>>, vector<1x16xf32>,
        %swap3A_1533 = vector.shape_cast %swap3A_1532 : vector<1x16xf32> to vector<16xf32>
        %swap3A_1534 = vector.shape_cast %mul3A_1529 : vector<16xf32> to vector<1x16xf32>
        tpu.vector_store %arg10[%swap3A_1530, %swap3A_1531], %swap3A_1534 {strides = array<i32>} : memref<128x128xf32, #tpu.memory_space<vmem>>, vector<1x16xf32>,
        %get3A_1535 = arith.index_cast %add3A_1514 : i32 to index
        %get3A_1536 = arith.constant 32 : index
        %get3A_1537 = tpu.vector_load %arg10[%get3A_1535, %get3A_1536] {strides = array<i32>} : memref<128x128xf32, #tpu.memory_space<vmem>>, vector<1x16xf32>,
        %get3A_1538 = vector.shape_cast %get3A_1537 : vector<1x16xf32> to vector<16xf32>
        %mul3A_1539 = arith.mulf %get3A_1538, %gather3A_1510 : vector<16xf32>
        %swap3A_1540 = arith.index_cast %add3A_1514 : i32 to index
        %swap3A_1541 = arith.constant 32 : index
        %swap3A_1542 = tpu.vector_load %arg10[%swap3A_1540, %swap3A_1541] {strides = array<i32>} : memref<128x128xf32, #tpu.memory_space<vmem>>, vector<1x16xf32>,
        %swap3A_1543 = vector.shape_cast %swap3A_1542 : vector<1x16xf32> to vector<16xf32>
        %swap3A_1544 = vector.shape_cast %mul3A_1539 : vector<16xf32> to vector<1x16xf32>
        tpu.vector_store %arg10[%swap3A_1540, %swap3A_1541], %swap3A_1544 {strides = array<i32>} : memref<128x128xf32, #tpu.memory_space<vmem>>, vector<1x16xf32>,
        %get3A_1545 = arith.index_cast %add3A_1514 : i32 to index
        %get3A_1546 = arith.constant 48 : index
        %get3A_1547 = tpu.vector_load %arg10[%get3A_1545, %get3A_1546] {strides = array<i32>} : memref<128x128xf32, #tpu.memory_space<vmem>>, vector<1x16xf32>,
        %get3A_1548 = vector.shape_cast %get3A_1547 : vector<1x16xf32> to vector<16xf32>
        %mul3A_1549 = arith.mulf %get3A_1548, %gather3A_1510 : vector<16xf32>
        %swap3A_1550 = arith.index_cast %add3A_1514 : i32 to index
        %swap3A_1551 = arith.constant 48 : index
        %swap3A_1552 = tpu.vector_load %arg10[%swap3A_1550, %swap3A_1551] {strides = array<i32>} : memref<128x128xf32, #tpu.memory_space<vmem>>, vector<1x16xf32>,
        %swap3A_1553 = vector.shape_cast %swap3A_1552 : vector<1x16xf32> to vector<16xf32>
        %swap3A_1554 = vector.shape_cast %mul3A_1549 : vector<16xf32> to vector<1x16xf32>
        tpu.vector_store %arg10[%swap3A_1550, %swap3A_1551], %swap3A_1554 {strides = array<i32>} : memref<128x128xf32, #tpu.memory_space<vmem>>, vector<1x16xf32>,
        %get3A_1555 = arith.index_cast %add3A_1514 : i32 to index
        %get3A_1556 = arith.constant 64 : index
        %get3A_1557 = tpu.vector_load %arg10[%get3A_1555, %get3A_1556] {strides = array<i32>} : memref<128x128xf32, #tpu.memory_space<vmem>>, vector<1x16xf32>,
        %get3A_1558 = vector.shape_cast %get3A_1557 : vector<1x16xf32> to vector<16xf32>
        %mul3A_1559 = arith.mulf %get3A_1558, %gather3A_1510 : vector<16xf32>
        %swap3A_1560 = arith.index_cast %add3A_1514 : i32 to index
        %swap3A_1561 = arith.constant 64 : index
        %swap3A_1562 = tpu.vector_load %arg10[%swap3A_1560, %swap3A_1561] {strides = array<i32>} : memref<128x128xf32, #tpu.memory_space<vmem>>, vector<1x16xf32>,
        %swap3A_1563 = vector.shape_cast %swap3A_1562 : vector<1x16xf32> to vector<16xf32>
        %swap3A_1564 = vector.shape_cast %mul3A_1559 : vector<16xf32> to vector<1x16xf32>
        tpu.vector_store %arg10[%swap3A_1560, %swap3A_1561], %swap3A_1564 {strides = array<i32>} : memref<128x128xf32, #tpu.memory_space<vmem>>, vector<1x16xf32>,
        %get3A_1565 = arith.index_cast %add3A_1514 : i32 to index
        %get3A_1566 = arith.constant 80 : index
        %get3A_1567 = tpu.vector_load %arg10[%get3A_1565, %get3A_1566] {strides = array<i32>} : memref<128x128xf32, #tpu.memory_space<vmem>>, vector<1x16xf32>,
        %get3A_1568 = vector.shape_cast %get3A_1567 : vector<1x16xf32> to vector<16xf32>
        %mul3A_1569 = arith.mulf %get3A_1568, %gather3A_1510 : vector<16xf32>
        %swap3A_1570 = arith.index_cast %add3A_1514 : i32 to index
        %swap3A_1571 = arith.constant 80 : index
        %swap3A_1572 = tpu.vector_load %arg10[%swap3A_1570, %swap3A_1571] {strides = array<i32>} : memref<128x128xf32, #tpu.memory_space<vmem>>, vector<1x16xf32>,
        %swap3A_1573 = vector.shape_cast %swap3A_1572 : vector<1x16xf32> to vector<16xf32>
        %swap3A_1574 = vector.shape_cast %mul3A_1569 : vector<16xf32> to vector<1x16xf32>
        tpu.vector_store %arg10[%swap3A_1570, %swap3A_1571], %swap3A_1574 {strides = array<i32>} : memref<128x128xf32, #tpu.memory_space<vmem>>, vector<1x16xf32>,
        %get3A_1575 = arith.index_cast %add3A_1514 : i32 to index
        %get3A_1576 = arith.constant 96 : index
        %get3A_1577 = tpu.vector_load %arg10[%get3A_1575, %get3A_1576] {strides = array<i32>} : memref<128x128xf32, #tpu.memory_space<vmem>>, vector<1x16xf32>,
        %get3A_1578 = vector.shape_cast %get3A_1577 : vector<1x16xf32> to vector<16xf32>
        %mul3A_1579 = arith.mulf %get3A_1578, %gather3A_1510 : vector<16xf32>
        %swap3A_1580 = arith.index_cast %add3A_1514 : i32 to index
        %swap3A_1581 = arith.constant 96 : index
        %swap3A_1582 = tpu.vector_load %arg10[%swap3A_1580, %swap3A_1581] {strides = array<i32>} : memref<128x128xf32, #tpu.memory_space<vmem>>, vector<1x16xf32>,
        %swap3A_1583 = vector.shape_cast %swap3A_1582 : vector<1x16xf32> to vector<16xf32>
        %swap3A_1584 = vector.shape_cast %mul3A_1579 : vector<16xf32> to vector<1x16xf32>
        tpu.vector_store %arg10[%swap3A_1580, %swap3A_1581], %swap3A_1584 {strides = array<i32>} : memref<128x128xf32, #tpu.memory_space<vmem>>, vector<1x16xf32>,
        %get3A_1585 = arith.index_cast %add3A_1514 : i32 to index
        %get3A_1586 = arith.constant 112 : index
        %get3A_1587 = tpu.vector_load %arg10[%get3A_1585, %get3A_1586] {strides = array<i32>} : memref<128x128xf32, #tpu.memory_space<vmem>>, vector<1x16xf32>,
        %get3A_1588 = vector.shape_cast %get3A_1587 : vector<1x16xf32> to vector<16xf32>
        %mul3A_1589 = arith.mulf %get3A_1588, %gather3A_1510 : vector<16xf32>
        %swap3A_1590 = arith.index_cast %add3A_1514 : i32 to index
        %swap3A_1591 = arith.constant 112 : index
        %swap3A_1592 = tpu.vector_load %arg10[%swap3A_1590, %swap3A_1591] {strides = array<i32>} : memref<128x128xf32, #tpu.memory_space<vmem>>, vector<1x16xf32>,
        %swap3A_1593 = vector.shape_cast %swap3A_1592 : vector<1x16xf32> to vector<16xf32>
        %swap3A_1594 = vector.shape_cast %mul3A_1589 : vector<16xf32> to vector<1x16xf32>
        tpu.vector_store %arg10[%swap3A_1590, %swap3A_1591], %swap3A_1594 {strides = array<i32>} : memref<128x128xf32, #tpu.memory_space<vmem>>, vector<1x16xf32>,
      }
      %scan3A_132 = arith.constant 8 : i32
      %mul3A_133 = arith.constant 128 : i32
      %mul3A_134 = arith.muli %add3A_100, %mul3A_133 : i32
      %add3A_135 = arith.addi %mul3A_5, %mul3A_134 : i32
      %dma_start3A_136 = arith.constant 0 : i32
      %dma_start3A_137 = tpu.memref_slice %arg7[%add3A_135, %dma_start3A_136] : memref<327680x128xf32, #tpu.memory_space<hbm>> -> memref<128x128xf32, #tpu.memory_space<hbm>>
      %dma_start3A_138 = arith.constant 0 : i32
      %dma_start3A_139 = tpu.memref_slice %arg7[%add3A_135, %dma_start3A_138] : memref<327680x128xf32, #tpu.memory_space<hbm>> -> memref<128x128xf32, #tpu.memory_space<hbm>>
      tpu.enqueue_dma source(%arg10 : memref<128x128xf32, #tpu.memory_space<vmem>>) target(%dma_start3A_139 : memref<128x128xf32, #tpu.memory_space<hbm>>) target_semaphore(%arg15 : memref<!tpu.dma_semaphore, #tpu.memory_space<semaphore_mem>>)
      %mul3A_140 = arith.constant 2 : i32
      %mul3A_141 = arith.muli %mul3A_140, %scan3A_96 : i32
      %add3A_142 = arith.constant 1 : i32
      %add3A_143 = arith.addi %mul3A_141, %add3A_142 : i32
      %rem3A_144 = arith.constant 40 : i32
      %rem3A_145 = arith.remsi %add3A_143, %rem3A_144 : i32
      %add3A_146 = arith.constant 1 : i32
      %add3A_147 = arith.addi %add3A_143, %add3A_146 : i32
      %rem3A_148 = arith.constant 40 : i32
      %rem3A_149 = arith.remsi %add3A_147, %rem3A_148 : i32
      %dma_wait3A_150 = arith.constant 0 : i32
      %dma_wait3A_151 = tpu.memref_slice %arg8[%rem3A_145, %dma_wait3A_150] : memref<40x128xi32, #tpu.memory_space<vmem>> -> memref<1x128xi32, #tpu.memory_space<vmem>>
      %dma_wait3A_152 = tpu.memref_squeeze %dma_wait3A_151 : memref<1x128xi32, #tpu.memory_space<vmem>> -> memref<128xi32, #tpu.memory_space<vmem>>
      %dma_wait3A_153 = arith.constant 0 : i32
      %dma_wait3A_154 = arith.constant 0 : i32
      %dma_wait3A_155 = tpu.memref_slice %arg12[%dma_wait3A_153, %dma_wait3A_154] : memref<10112x128xf32, #tpu.memory_space<vmem_shared>> -> memref<10112x128xf32, #tpu.memory_space<vmem_shared>>
      tpu.wait_indirect_dma semaphore(%arg14 : memref<!tpu.dma_semaphore, #tpu.memory_space<semaphore_mem>>) src(%dma_wait3A_155 : memref<10112x128xf32, #tpu.memory_space<vmem_shared>>) dst(%arg11 : memref<128x128xf32, #tpu.memory_space<vmem>>)
      %dma_wait3A_156 = arith.constant 0 : i32
      %dma_wait3A_157 = tpu.memref_slice %arg7[%mul3A_5, %dma_wait3A_156] : memref<327680x128xf32, #tpu.memory_space<hbm>> -> memref<128x128xf32, #tpu.memory_space<hbm>>
      %dma_wait3A_158 = arith.constant 0 : i32
      %dma_wait3A_159 = tpu.memref_slice %arg7[%mul3A_5, %dma_wait3A_158] : memref<327680x128xf32, #tpu.memory_space<hbm>> -> memref<128x128xf32, #tpu.memory_space<hbm>>
      tpu.wait_dma2 semaphore(%arg15 : memref<!tpu.dma_semaphore, #tpu.memory_space<semaphore_mem>>) src(%arg10 : memref<128x128xf32, #tpu.memory_space<vmem>>) dst(%dma_wait3A_159 : memref<128x128xf32, #tpu.memory_space<hbm>>)
      %eq3A_160 = arith.constant 19 : i32
      %eq3A_161 = arith.cmpi eq, %scan3A_96, %eq3A_160 : i32
      %convert_element_type3A_162 = arith.extui %eq3A_161 : i1 to i32
      %cond3A_163 = arith.constant 0 : i32
      %cond3A_164 = arith.cmpi ne, %convert_element_type3A_162, %cond3A_163 : i32
      scf.if %cond3A_164 {
        %run_scoped3A_183 = arith.constant 1 : i32
        "tpu.region"() ({
          %run_scoped3A_184 = tpu.sem_alloc : memref<!tpu.dma_semaphore, #tpu.memory_space<semaphore_mem>>
          %dma_start3A_185 = arith.constant 0 : i32
          %dma_start3A_186 = arith.constant 0 : i32
          %dma_start3A_187 = tpu.memref_slice %arg3[%add3A, %run_scoped3A_183, %dma_start3A_185, %dma_start3A_186] : memref<32x2x40x128xi32, #tpu.memory_space<hbm>> -> memref<1x1x40x128xi32, #tpu.memory_space<hbm>>
          %dma_start3A_188 = tpu.memref_squeeze %dma_start3A_187 : memref<1x1x40x128xi32, #tpu.memory_space<hbm>> -> memref<40x128xi32, #tpu.memory_space<hbm>>
          %dma_start3A_189 = arith.constant 0 : i32
          %dma_start3A_190 = arith.constant 0 : i32
          %dma_start3A_191 = tpu.memref_slice %arg3[%add3A, %run_scoped3A_183, %dma_start3A_189, %dma_start3A_190] : memref<32x2x40x128xi32, #tpu.memory_space<hbm>> -> memref<1x1x40x128xi32, #tpu.memory_space<hbm>>
          %dma_start3A_192 = tpu.memref_squeeze %dma_start3A_191 : memref<1x1x40x128xi32, #tpu.memory_space<hbm>> -> memref<40x128xi32, #tpu.memory_space<hbm>>
          tpu.enqueue_dma source(%dma_start3A_192 : memref<40x128xi32, #tpu.memory_space<hbm>>) target(%arg8 : memref<40x128xi32, #tpu.memory_space<vmem>>) target_semaphore(%run_scoped3A_184 : memref<!tpu.dma_semaphore, #tpu.memory_space<semaphore_mem>>)
          %dma_wait3A_193 = arith.constant 0 : i32
          %dma_wait3A_194 = arith.constant 0 : i32
          %dma_wait3A_195 = tpu.memref_slice %arg3[%add3A, %run_scoped3A_183, %dma_wait3A_193, %dma_wait3A_194] : memref<32x2x40x128xi32, #tpu.memory_space<hbm>> -> memref<1x1x40x128xi32, #tpu.memory_space<hbm>>
          %dma_wait3A_196 = tpu.memref_squeeze %dma_wait3A_195 : memref<1x1x40x128xi32, #tpu.memory_space<hbm>> -> memref<40x128xi32, #tpu.memory_space<hbm>>
          %dma_wait3A_197 = arith.constant 0 : i32
          %dma_wait3A_198 = arith.constant 0 : i32
          %dma_wait3A_199 = tpu.memref_slice %arg3[%add3A, %run_scoped3A_183, %dma_wait3A_197, %dma_wait3A_198] : memref<32x2x40x128xi32, #tpu.memory_space<hbm>> -> memref<1x1x40x128xi32, #tpu.memory_space<hbm>>
          %dma_wait3A_200 = tpu.memref_squeeze %dma_wait3A_199 : memref<1x1x40x128xi32, #tpu.memory_space<hbm>> -> memref<40x128xi32, #tpu.memory_space<hbm>>
          tpu.wait_dma2 semaphore(%run_scoped3A_184 : memref<!tpu.dma_semaphore, #tpu.memory_space<semaphore_mem>>) src(%dma_wait3A_200 : memref<40x128xi32, #tpu.memory_space<hbm>>) dst(%arg8 : memref<40x128xi32, #tpu.memory_space<vmem>>)
          tpu.yield
        }) : () -> ()
      } else {
      }
      %lt3A_165 = arith.constant 39 : i32
      %lt3A_166 = arith.cmpi slt, %scan3A_96, %lt3A_165 : i32
      %convert_element_type3A_167 = arith.extui %lt3A_166 : i1 to i32
      %cond3A_168 = arith.constant 0 : i32
      %cond3A_169 = arith.cmpi ne, %convert_element_type3A_167, %cond3A_168 : i32
      scf.if %cond3A_169 {
        %dma_start3A_183 = arith.constant 0 : i32
        %dma_start3A_184 = tpu.memref_slice %arg8[%rem3A_149, %dma_start3A_183] : memref<40x128xi32, #tpu.memory_space<vmem>> -> memref<1x128xi32, #tpu.memory_space<vmem>>
        %dma_start3A_185 = tpu.memref_squeeze %dma_start3A_184 : memref<1x128xi32, #tpu.memory_space<vmem>> -> memref<128xi32, #tpu.memory_space<vmem>>
        %dma_start3A_186 = arith.constant 0 : i32
        %dma_start3A_187 = arith.constant 0 : i32
        %dma_start3A_188 = tpu.memref_slice %arg12[%dma_start3A_186, %dma_start3A_187] : memref<10112x128xf32, #tpu.memory_space<vmem_shared>> -> memref<10112x128xf32, #tpu.memory_space<vmem_shared>>
        tpu.enqueue_indirect_dma source(%dma_start3A_188 : memref<10112x128xf32, #tpu.memory_space<vmem_shared>>) target(%arg10 : memref<128x128xf32, #tpu.memory_space<vmem>>) offsets(%dma_start3A_185 : memref<128xi32, #tpu.memory_space<vmem>>) semaphore(%arg13 : memref<!tpu.dma_semaphore, #tpu.memory_space<semaphore_mem>>)
      } else {
      }
      %scan3A_170 = arith.constant 0 : i32
      %scan3A_171 = arith.constant 0 : i32
      %scan3A_172 = arith.constant 8 : i32
      %scan3A_173 = arith.addi %scan3A_171, %scan3A_172 : i32
      %scan3A_174 = arith.constant 1 : i32
      scf.for %scan3A_183 = %scan3A_171 to %scan3A_173 step %scan3A_174  : i32 {
        %mul3A_184 = arith.constant 16 : i32
        %mul3A_185 = arith.muli %scan3A_183, %mul3A_184 : i32
        %get3A = arith.index_cast %rem3A_145 : i32 to index
        %get3A_186 = arith.index_cast %mul3A_185 : i32 to index
        %get3A_187 = tpu.vector_load %arg9[%get3A, %get3A_186] {strides = array<i32>} : memref<40x128xf32, #tpu.memory_space<vmem>>, vector<1x16xf32>,
        %get3A_188 = vector.shape_cast %get3A_187 : vector<1x16xf32> to vector<16xf32>
        %broadcast_in_dim3A_189 = arith.constant 0 : i32
        %broadcast_in_dim3A_190 = vector.broadcast %broadcast_in_dim3A_189 : i32 to vector<16x1xi32>
        %gather3A = vector.shape_cast %broadcast_in_dim3A_190 : vector<16x1xi32> to vector<16xi32>
        %gather3A_191 = tpu.dynamic_gather %get3A_188[%gather3A] in [0] : vector<16xf32>, vector<16xi32> -> vector<16xf32>
        %mul3A_192 = arith.constant 16 : i32
        %mul3A_193 = arith.muli %scan3A_183, %mul3A_192 : i32
        %add3A_194 = arith.constant 0 : i32
        %add3A_195 = arith.addi %mul3A_193, %add3A_194 : i32
        %get3A_196 = arith.index_cast %add3A_195 : i32 to index
        %get3A_197 = arith.constant 0 : index
        %get3A_198 = tpu.vector_load %arg11[%get3A_196, %get3A_197] {strides = array<i32>} : memref<128x128xf32, #tpu.memory_space<vmem>>, vector<1x16xf32>,
        %get3A_199 = vector.shape_cast %get3A_198 : vector<1x16xf32> to vector<16xf32>
        %mul3A_200 = arith.mulf %get3A_199, %gather3A_191 : vector<16xf32>
        %swap3A = arith.index_cast %add3A_195 : i32 to index
        %swap3A_201 = arith.constant 0 : index
        %swap3A_202 = tpu.vector_load %arg11[%swap3A, %swap3A_201] {strides = array<i32>} : memref<128x128xf32, #tpu.memory_space<vmem>>, vector<1x16xf32>,
        %swap3A_203 = vector.shape_cast %swap3A_202 : vector<1x16xf32> to vector<16xf32>
        %swap3A_204 = vector.shape_cast %mul3A_200 : vector<16xf32> to vector<1x16xf32>
        tpu.vector_store %arg11[%swap3A, %swap3A_201], %swap3A_204 {strides = array<i32>} : memref<128x128xf32, #tpu.memory_space<vmem>>, vector<1x16xf32>,
        %get3A_205 = arith.index_cast %add3A_195 : i32 to index
        %get3A_206 = arith.constant 16 : index
        %get3A_207 = tpu.vector_load %arg11[%get3A_205, %get3A_206] {strides = array<i32>} : memref<128x128xf32, #tpu.memory_space<vmem>>, vector<1x16xf32>,
        %get3A_208 = vector.shape_cast %get3A_207 : vector<1x16xf32> to vector<16xf32>
        %mul3A_209 = arith.mulf %get3A_208, %gather3A_191 : vector<16xf32>
        %swap3A_210 = arith.index_cast %add3A_195 : i32 to index
        %swap3A_211 = arith.constant 16 : index
        %swap3A_212 = tpu.vector_load %arg11[%swap3A_210, %swap3A_211] {strides = array<i32>} : memref<128x128xf32, #tpu.memory_space<vmem>>, vector<1x16xf32>,
        %swap3A_213 = vector.shape_cast %swap3A_212 : vector<1x16xf32> to vector<16xf32>
        %swap3A_214 = vector.shape_cast %mul3A_209 : vector<16xf32> to vector<1x16xf32>
        tpu.vector_store %arg11[%swap3A_210, %swap3A_211], %swap3A_214 {strides = array<i32>} : memref<128x128xf32, #tpu.memory_space<vmem>>, vector<1x16xf32>,
        %get3A_215 = arith.index_cast %add3A_195 : i32 to index
        %get3A_216 = arith.constant 32 : index
        %get3A_217 = tpu.vector_load %arg11[%get3A_215, %get3A_216] {strides = array<i32>} : memref<128x128xf32, #tpu.memory_space<vmem>>, vector<1x16xf32>,
        %get3A_218 = vector.shape_cast %get3A_217 : vector<1x16xf32> to vector<16xf32>
        %mul3A_219 = arith.mulf %get3A_218, %gather3A_191 : vector<16xf32>
        %swap3A_220 = arith.index_cast %add3A_195 : i32 to index
        %swap3A_221 = arith.constant 32 : index
        %swap3A_222 = tpu.vector_load %arg11[%swap3A_220, %swap3A_221] {strides = array<i32>} : memref<128x128xf32, #tpu.memory_space<vmem>>, vector<1x16xf32>,
        %swap3A_223 = vector.shape_cast %swap3A_222 : vector<1x16xf32> to vector<16xf32>
        %swap3A_224 = vector.shape_cast %mul3A_219 : vector<16xf32> to vector<1x16xf32>
        tpu.vector_store %arg11[%swap3A_220, %swap3A_221], %swap3A_224 {strides = array<i32>} : memref<128x128xf32, #tpu.memory_space<vmem>>, vector<1x16xf32>,
        %get3A_225 = arith.index_cast %add3A_195 : i32 to index
        %get3A_226 = arith.constant 48 : index
        %get3A_227 = tpu.vector_load %arg11[%get3A_225, %get3A_226] {strides = array<i32>} : memref<128x128xf32, #tpu.memory_space<vmem>>, vector<1x16xf32>,
        %get3A_228 = vector.shape_cast %get3A_227 : vector<1x16xf32> to vector<16xf32>
        %mul3A_229 = arith.mulf %get3A_228, %gather3A_191 : vector<16xf32>
        %swap3A_230 = arith.index_cast %add3A_195 : i32 to index
        %swap3A_231 = arith.constant 48 : index
        %swap3A_232 = tpu.vector_load %arg11[%swap3A_230, %swap3A_231] {strides = array<i32>} : memref<128x128xf32, #tpu.memory_space<vmem>>, vector<1x16xf32>,
        %swap3A_233 = vector.shape_cast %swap3A_232 : vector<1x16xf32> to vector<16xf32>
        %swap3A_234 = vector.shape_cast %mul3A_229 : vector<16xf32> to vector<1x16xf32>
        tpu.vector_store %arg11[%swap3A_230, %swap3A_231], %swap3A_234 {strides = array<i32>} : memref<128x128xf32, #tpu.memory_space<vmem>>, vector<1x16xf32>,
        %get3A_235 = arith.index_cast %add3A_195 : i32 to index
        %get3A_236 = arith.constant 64 : index
        %get3A_237 = tpu.vector_load %arg11[%get3A_235, %get3A_236] {strides = array<i32>} : memref<128x128xf32, #tpu.memory_space<vmem>>, vector<1x16xf32>,
        %get3A_238 = vector.shape_cast %get3A_237 : vector<1x16xf32> to vector<16xf32>
        %mul3A_239 = arith.mulf %get3A_238, %gather3A_191 : vector<16xf32>
        %swap3A_240 = arith.index_cast %add3A_195 : i32 to index
        %swap3A_241 = arith.constant 64 : index
        %swap3A_242 = tpu.vector_load %arg11[%swap3A_240, %swap3A_241] {strides = array<i32>} : memref<128x128xf32, #tpu.memory_space<vmem>>, vector<1x16xf32>,
        %swap3A_243 = vector.shape_cast %swap3A_242 : vector<1x16xf32> to vector<16xf32>
        %swap3A_244 = vector.shape_cast %mul3A_239 : vector<16xf32> to vector<1x16xf32>
        tpu.vector_store %arg11[%swap3A_240, %swap3A_241], %swap3A_244 {strides = array<i32>} : memref<128x128xf32, #tpu.memory_space<vmem>>, vector<1x16xf32>,
        %get3A_245 = arith.index_cast %add3A_195 : i32 to index
        %get3A_246 = arith.constant 80 : index
        %get3A_247 = tpu.vector_load %arg11[%get3A_245, %get3A_246] {strides = array<i32>} : memref<128x128xf32, #tpu.memory_space<vmem>>, vector<1x16xf32>,
        %get3A_248 = vector.shape_cast %get3A_247 : vector<1x16xf32> to vector<16xf32>
        %mul3A_249 = arith.mulf %get3A_248, %gather3A_191 : vector<16xf32>
        %swap3A_250 = arith.index_cast %add3A_195 : i32 to index
        %swap3A_251 = arith.constant 80 : index
        %swap3A_252 = tpu.vector_load %arg11[%swap3A_250, %swap3A_251] {strides = array<i32>} : memref<128x128xf32, #tpu.memory_space<vmem>>, vector<1x16xf32>,
        %swap3A_253 = vector.shape_cast %swap3A_252 : vector<1x16xf32> to vector<16xf32>
        %swap3A_254 = vector.shape_cast %mul3A_249 : vector<16xf32> to vector<1x16xf32>
        tpu.vector_store %arg11[%swap3A_250, %swap3A_251], %swap3A_254 {strides = array<i32>} : memref<128x128xf32, #tpu.memory_space<vmem>>, vector<1x16xf32>,
        %get3A_255 = arith.index_cast %add3A_195 : i32 to index
        %get3A_256 = arith.constant 96 : index
        %get3A_257 = tpu.vector_load %arg11[%get3A_255, %get3A_256] {strides = array<i32>} : memref<128x128xf32, #tpu.memory_space<vmem>>, vector<1x16xf32>,
        %get3A_258 = vector.shape_cast %get3A_257 : vector<1x16xf32> to vector<16xf32>
        %mul3A_259 = arith.mulf %get3A_258, %gather3A_191 : vector<16xf32>
        %swap3A_260 = arith.index_cast %add3A_195 : i32 to index
        %swap3A_261 = arith.constant 96 : index
        %swap3A_262 = tpu.vector_load %arg11[%swap3A_260, %swap3A_261] {strides = array<i32>} : memref<128x128xf32, #tpu.memory_space<vmem>>, vector<1x16xf32>,
        %swap3A_263 = vector.shape_cast %swap3A_262 : vector<1x16xf32> to vector<16xf32>
        %swap3A_264 = vector.shape_cast %mul3A_259 : vector<16xf32> to vector<1x16xf32>
        tpu.vector_store %arg11[%swap3A_260, %swap3A_261], %swap3A_264 {strides = array<i32>} : memref<128x128xf32, #tpu.memory_space<vmem>>, vector<1x16xf32>,
        %get3A_265 = arith.index_cast %add3A_195 : i32 to index
        %get3A_266 = arith.constant 112 : index
        %get3A_267 = tpu.vector_load %arg11[%get3A_265, %get3A_266] {strides = array<i32>} : memref<128x128xf32, #tpu.memory_space<vmem>>, vector<1x16xf32>,
        %get3A_268 = vector.shape_cast %get3A_267 : vector<1x16xf32> to vector<16xf32>
        %mul3A_269 = arith.mulf %get3A_268, %gather3A_191 : vector<16xf32>
        %swap3A_270 = arith.index_cast %add3A_195 : i32 to index
        %swap3A_271 = arith.constant 112 : index
        %swap3A_272 = tpu.vector_load %arg11[%swap3A_270, %swap3A_271] {strides = array<i32>} : memref<128x128xf32, #tpu.memory_space<vmem>>, vector<1x16xf32>,
        %swap3A_273 = vector.shape_cast %swap3A_272 : vector<1x16xf32> to vector<16xf32>
        %swap3A_274 = vector.shape_cast %mul3A_269 : vector<16xf32> to vector<1x16xf32>
        tpu.vector_store %arg11[%swap3A_270, %swap3A_271], %swap3A_274 {strides = array<i32>} : memref<128x128xf32, #tpu.memory_space<vmem>>, vector<1x16xf32>,
        %broadcast_in_dim3A_275 = arith.constant 1 : i32
        %broadcast_in_dim3A_276 = vector.broadcast %broadcast_in_dim3A_275 : i32 to vector<16x1xi32>
        %gather3A_277 = vector.shape_cast %broadcast_in_dim3A_276 : vector<16x1xi32> to vector<16xi32>
        %gather3A_278 = tpu.dynamic_gather %get3A_188[%gather3A_277] in [0] : vector<16xf32>, vector<16xi32> -> vector<16xf32>
        %mul3A_279 = arith.constant 16 : i32
        %mul3A_280 = arith.muli %scan3A_183, %mul3A_279 : i32
        %add3A_281 = arith.constant 1 : i32
        %add3A_282 = arith.addi %mul3A_280, %add3A_281 : i32
        %get3A_283 = arith.index_cast %add3A_282 : i32 to index
        %get3A_284 = arith.constant 0 : index
        %get3A_285 = tpu.vector_load %arg11[%get3A_283, %get3A_284] {strides = array<i32>} : memref<128x128xf32, #tpu.memory_space<vmem>>, vector<1x16xf32>,
        %get3A_286 = vector.shape_cast %get3A_285 : vector<1x16xf32> to vector<16xf32>
        %mul3A_287 = arith.mulf %get3A_286, %gather3A_278 : vector<16xf32>
        %swap3A_288 = arith.index_cast %add3A_282 : i32 to index
        %swap3A_289 = arith.constant 0 : index
        %swap3A_290 = tpu.vector_load %arg11[%swap3A_288, %swap3A_289] {strides = array<i32>} : memref<128x128xf32, #tpu.memory_space<vmem>>, vector<1x16xf32>,
        %swap3A_291 = vector.shape_cast %swap3A_290 : vector<1x16xf32> to vector<16xf32>
        %swap3A_292 = vector.shape_cast %mul3A_287 : vector<16xf32> to vector<1x16xf32>
        tpu.vector_store %arg11[%swap3A_288, %swap3A_289], %swap3A_292 {strides = array<i32>} : memref<128x128xf32, #tpu.memory_space<vmem>>, vector<1x16xf32>,
        %get3A_293 = arith.index_cast %add3A_282 : i32 to index
        %get3A_294 = arith.constant 16 : index
        %get3A_295 = tpu.vector_load %arg11[%get3A_293, %get3A_294] {strides = array<i32>} : memref<128x128xf32, #tpu.memory_space<vmem>>, vector<1x16xf32>,
        %get3A_296 = vector.shape_cast %get3A_295 : vector<1x16xf32> to vector<16xf32>
        %mul3A_297 = arith.mulf %get3A_296, %gather3A_278 : vector<16xf32>
        %swap3A_298 = arith.index_cast %add3A_282 : i32 to index
        %swap3A_299 = arith.constant 16 : index
        %swap3A_300 = tpu.vector_load %arg11[%swap3A_298, %swap3A_299] {strides = array<i32>} : memref<128x128xf32, #tpu.memory_space<vmem>>, vector<1x16xf32>,
        %swap3A_301 = vector.shape_cast %swap3A_300 : vector<1x16xf32> to vector<16xf32>
        %swap3A_302 = vector.shape_cast %mul3A_297 : vector<16xf32> to vector<1x16xf32>
        tpu.vector_store %arg11[%swap3A_298, %swap3A_299], %swap3A_302 {strides = array<i32>} : memref<128x128xf32, #tpu.memory_space<vmem>>, vector<1x16xf32>,
        %get3A_303 = arith.index_cast %add3A_282 : i32 to index
        %get3A_304 = arith.constant 32 : index
        %get3A_305 = tpu.vector_load %arg11[%get3A_303, %get3A_304] {strides = array<i32>} : memref<128x128xf32, #tpu.memory_space<vmem>>, vector<1x16xf32>,
        %get3A_306 = vector.shape_cast %get3A_305 : vector<1x16xf32> to vector<16xf32>
        %mul3A_307 = arith.mulf %get3A_306, %gather3A_278 : vector<16xf32>
        %swap3A_308 = arith.index_cast %add3A_282 : i32 to index
        %swap3A_309 = arith.constant 32 : index
        %swap3A_310 = tpu.vector_load %arg11[%swap3A_308, %swap3A_309] {strides = array<i32>} : memref<128x128xf32, #tpu.memory_space<vmem>>, vector<1x16xf32>,
        %swap3A_311 = vector.shape_cast %swap3A_310 : vector<1x16xf32> to vector<16xf32>
        %swap3A_312 = vector.shape_cast %mul3A_307 : vector<16xf32> to vector<1x16xf32>
        tpu.vector_store %arg11[%swap3A_308, %swap3A_309], %swap3A_312 {strides = array<i32>} : memref<128x128xf32, #tpu.memory_space<vmem>>, vector<1x16xf32>,
        %get3A_313 = arith.index_cast %add3A_282 : i32 to index
        %get3A_314 = arith.constant 48 : index
        %get3A_315 = tpu.vector_load %arg11[%get3A_313, %get3A_314] {strides = array<i32>} : memref<128x128xf32, #tpu.memory_space<vmem>>, vector<1x16xf32>,
        %get3A_316 = vector.shape_cast %get3A_315 : vector<1x16xf32> to vector<16xf32>
        %mul3A_317 = arith.mulf %get3A_316, %gather3A_278 : vector<16xf32>
        %swap3A_318 = arith.index_cast %add3A_282 : i32 to index
        %swap3A_319 = arith.constant 48 : index
        %swap3A_320 = tpu.vector_load %arg11[%swap3A_318, %swap3A_319] {strides = array<i32>} : memref<128x128xf32, #tpu.memory_space<vmem>>, vector<1x16xf32>,
        %swap3A_321 = vector.shape_cast %swap3A_320 : vector<1x16xf32> to vector<16xf32>
        %swap3A_322 = vector.shape_cast %mul3A_317 : vector<16xf32> to vector<1x16xf32>
        tpu.vector_store %arg11[%swap3A_318, %swap3A_319], %swap3A_322 {strides = array<i32>} : memref<128x128xf32, #tpu.memory_space<vmem>>, vector<1x16xf32>,
        %get3A_323 = arith.index_cast %add3A_282 : i32 to index
        %get3A_324 = arith.constant 64 : index
        %get3A_325 = tpu.vector_load %arg11[%get3A_323, %get3A_324] {strides = array<i32>} : memref<128x128xf32, #tpu.memory_space<vmem>>, vector<1x16xf32>,
        %get3A_326 = vector.shape_cast %get3A_325 : vector<1x16xf32> to vector<16xf32>
        %mul3A_327 = arith.mulf %get3A_326, %gather3A_278 : vector<16xf32>
        %swap3A_328 = arith.index_cast %add3A_282 : i32 to index
        %swap3A_329 = arith.constant 64 : index
        %swap3A_330 = tpu.vector_load %arg11[%swap3A_328, %swap3A_329] {strides = array<i32>} : memref<128x128xf32, #tpu.memory_space<vmem>>, vector<1x16xf32>,
        %swap3A_331 = vector.shape_cast %swap3A_330 : vector<1x16xf32> to vector<16xf32>
        %swap3A_332 = vector.shape_cast %mul3A_327 : vector<16xf32> to vector<1x16xf32>
        tpu.vector_store %arg11[%swap3A_328, %swap3A_329], %swap3A_332 {strides = array<i32>} : memref<128x128xf32, #tpu.memory_space<vmem>>, vector<1x16xf32>,
        %get3A_333 = arith.index_cast %add3A_282 : i32 to index
        %get3A_334 = arith.constant 80 : index
        %get3A_335 = tpu.vector_load %arg11[%get3A_333, %get3A_334] {strides = array<i32>} : memref<128x128xf32, #tpu.memory_space<vmem>>, vector<1x16xf32>,
        %get3A_336 = vector.shape_cast %get3A_335 : vector<1x16xf32> to vector<16xf32>
        %mul3A_337 = arith.mulf %get3A_336, %gather3A_278 : vector<16xf32>
        %swap3A_338 = arith.index_cast %add3A_282 : i32 to index
        %swap3A_339 = arith.constant 80 : index
        %swap3A_340 = tpu.vector_load %arg11[%swap3A_338, %swap3A_339] {strides = array<i32>} : memref<128x128xf32, #tpu.memory_space<vmem>>, vector<1x16xf32>,
        %swap3A_341 = vector.shape_cast %swap3A_340 : vector<1x16xf32> to vector<16xf32>
        %swap3A_342 = vector.shape_cast %mul3A_337 : vector<16xf32> to vector<1x16xf32>
        tpu.vector_store %arg11[%swap3A_338, %swap3A_339], %swap3A_342 {strides = array<i32>} : memref<128x128xf32, #tpu.memory_space<vmem>>, vector<1x16xf32>,
        %get3A_343 = arith.index_cast %add3A_282 : i32 to index
        %get3A_344 = arith.constant 96 : index
        %get3A_345 = tpu.vector_load %arg11[%get3A_343, %get3A_344] {strides = array<i32>} : memref<128x128xf32, #tpu.memory_space<vmem>>, vector<1x16xf32>,
        %get3A_346 = vector.shape_cast %get3A_345 : vector<1x16xf32> to vector<16xf32>
        %mul3A_347 = arith.mulf %get3A_346, %gather3A_278 : vector<16xf32>
        %swap3A_348 = arith.index_cast %add3A_282 : i32 to index
        %swap3A_349 = arith.constant 96 : index
        %swap3A_350 = tpu.vector_load %arg11[%swap3A_348, %swap3A_349] {strides = array<i32>} : memref<128x128xf32, #tpu.memory_space<vmem>>, vector<1x16xf32>,
        %swap3A_351 = vector.shape_cast %swap3A_350 : vector<1x16xf32> to vector<16xf32>
        %swap3A_352 = vector.shape_cast %mul3A_347 : vector<16xf32> to vector<1x16xf32>
        tpu.vector_store %arg11[%swap3A_348, %swap3A_349], %swap3A_352 {strides = array<i32>} : memref<128x128xf32, #tpu.memory_space<vmem>>, vector<1x16xf32>,
        %get3A_353 = arith.index_cast %add3A_282 : i32 to index
        %get3A_354 = arith.constant 112 : index
        %get3A_355 = tpu.vector_load %arg11[%get3A_353, %get3A_354] {strides = array<i32>} : memref<128x128xf32, #tpu.memory_space<vmem>>, vector<1x16xf32>,
        %get3A_356 = vector.shape_cast %get3A_355 : vector<1x16xf32> to vector<16xf32>
        %mul3A_357 = arith.mulf %get3A_356, %gather3A_278 : vector<16xf32>
        %swap3A_358 = arith.index_cast %add3A_282 : i32 to index
        %swap3A_359 = arith.constant 112 : index
        %swap3A_360 = tpu.vector_load %arg11[%swap3A_358, %swap3A_359] {strides = array<i32>} : memref<128x128xf32, #tpu.memory_space<vmem>>, vector<1x16xf32>,
        %swap3A_361 = vector.shape_cast %swap3A_360 : vector<1x16xf32> to vector<16xf32>
        %swap3A_362 = vector.shape_cast %mul3A_357 : vector<16xf32> to vector<1x16xf32>
        tpu.vector_store %arg11[%swap3A_358, %swap3A_359], %swap3A_362 {strides = array<i32>} : memref<128x128xf32, #tpu.memory_space<vmem>>, vector<1x16xf32>,
        %broadcast_in_dim3A_363 = arith.constant 2 : i32
        %broadcast_in_dim3A_364 = vector.broadcast %broadcast_in_dim3A_363 : i32 to vector<16x1xi32>
        %gather3A_365 = vector.shape_cast %broadcast_in_dim3A_364 : vector<16x1xi32> to vector<16xi32>
        %gather3A_366 = tpu.dynamic_gather %get3A_188[%gather3A_365] in [0] : vector<16xf32>, vector<16xi32> -> vector<16xf32>
        %mul3A_367 = arith.constant 16 : i32
        %mul3A_368 = arith.muli %scan3A_183, %mul3A_367 : i32
        %add3A_369 = arith.constant 2 : i32
        %add3A_370 = arith.addi %mul3A_368, %add3A_369 : i32
        %get3A_371 = arith.index_cast %add3A_370 : i32 to index
        %get3A_372 = arith.constant 0 : index
        %get3A_373 = tpu.vector_load %arg11[%get3A_371, %get3A_372] {strides = array<i32>} : memref<128x128xf32, #tpu.memory_space<vmem>>, vector<1x16xf32>,
        %get3A_374 = vector.shape_cast %get3A_373 : vector<1x16xf32> to vector<16xf32>
        %mul3A_375 = arith.mulf %get3A_374, %gather3A_366 : vector<16xf32>
        %swap3A_376 = arith.index_cast %add3A_370 : i32 to index
        %swap3A_377 = arith.constant 0 : index
        %swap3A_378 = tpu.vector_load %arg11[%swap3A_376, %swap3A_377] {strides = array<i32>} : memref<128x128xf32, #tpu.memory_space<vmem>>, vector<1x16xf32>,
        %swap3A_379 = vector.shape_cast %swap3A_378 : vector<1x16xf32> to vector<16xf32>
        %swap3A_380 = vector.shape_cast %mul3A_375 : vector<16xf32> to vector<1x16xf32>
        tpu.vector_store %arg11[%swap3A_376, %swap3A_377], %swap3A_380 {strides = array<i32>} : memref<128x128xf32, #tpu.memory_space<vmem>>, vector<1x16xf32>,
        %get3A_381 = arith.index_cast %add3A_370 : i32 to index
        %get3A_382 = arith.constant 16 : index
        %get3A_383 = tpu.vector_load %arg11[%get3A_381, %get3A_382] {strides = array<i32>} : memref<128x128xf32, #tpu.memory_space<vmem>>, vector<1x16xf32>,
        %get3A_384 = vector.shape_cast %get3A_383 : vector<1x16xf32> to vector<16xf32>
        %mul3A_385 = arith.mulf %get3A_384, %gather3A_366 : vector<16xf32>
        %swap3A_386 = arith.index_cast %add3A_370 : i32 to index
        %swap3A_387 = arith.constant 16 : index
        %swap3A_388 = tpu.vector_load %arg11[%swap3A_386, %swap3A_387] {strides = array<i32>} : memref<128x128xf32, #tpu.memory_space<vmem>>, vector<1x16xf32>,
        %swap3A_389 = vector.shape_cast %swap3A_388 : vector<1x16xf32> to vector<16xf32>
        %swap3A_390 = vector.shape_cast %mul3A_385 : vector<16xf32> to vector<1x16xf32>
        tpu.vector_store %arg11[%swap3A_386, %swap3A_387], %swap3A_390 {strides = array<i32>} : memref<128x128xf32, #tpu.memory_space<vmem>>, vector<1x16xf32>,
        %get3A_391 = arith.index_cast %add3A_370 : i32 to index
        %get3A_392 = arith.constant 32 : index
        %get3A_393 = tpu.vector_load %arg11[%get3A_391, %get3A_392] {strides = array<i32>} : memref<128x128xf32, #tpu.memory_space<vmem>>, vector<1x16xf32>,
        %get3A_394 = vector.shape_cast %get3A_393 : vector<1x16xf32> to vector<16xf32>
        %mul3A_395 = arith.mulf %get3A_394, %gather3A_366 : vector<16xf32>
        %swap3A_396 = arith.index_cast %add3A_370 : i32 to index
        %swap3A_397 = arith.constant 32 : index
        %swap3A_398 = tpu.vector_load %arg11[%swap3A_396, %swap3A_397] {strides = array<i32>} : memref<128x128xf32, #tpu.memory_space<vmem>>, vector<1x16xf32>,
        %swap3A_399 = vector.shape_cast %swap3A_398 : vector<1x16xf32> to vector<16xf32>
        %swap3A_400 = vector.shape_cast %mul3A_395 : vector<16xf32> to vector<1x16xf32>
        tpu.vector_store %arg11[%swap3A_396, %swap3A_397], %swap3A_400 {strides = array<i32>} : memref<128x128xf32, #tpu.memory_space<vmem>>, vector<1x16xf32>,
        %get3A_401 = arith.index_cast %add3A_370 : i32 to index
        %get3A_402 = arith.constant 48 : index
        %get3A_403 = tpu.vector_load %arg11[%get3A_401, %get3A_402] {strides = array<i32>} : memref<128x128xf32, #tpu.memory_space<vmem>>, vector<1x16xf32>,
        %get3A_404 = vector.shape_cast %get3A_403 : vector<1x16xf32> to vector<16xf32>
        %mul3A_405 = arith.mulf %get3A_404, %gather3A_366 : vector<16xf32>
        %swap3A_406 = arith.index_cast %add3A_370 : i32 to index
        %swap3A_407 = arith.constant 48 : index
        %swap3A_408 = tpu.vector_load %arg11[%swap3A_406, %swap3A_407] {strides = array<i32>} : memref<128x128xf32, #tpu.memory_space<vmem>>, vector<1x16xf32>,
        %swap3A_409 = vector.shape_cast %swap3A_408 : vector<1x16xf32> to vector<16xf32>
        %swap3A_410 = vector.shape_cast %mul3A_405 : vector<16xf32> to vector<1x16xf32>
        tpu.vector_store %arg11[%swap3A_406, %swap3A_407], %swap3A_410 {strides = array<i32>} : memref<128x128xf32, #tpu.memory_space<vmem>>, vector<1x16xf32>,
        %get3A_411 = arith.index_cast %add3A_370 : i32 to index
        %get3A_412 = arith.constant 64 : index
        %get3A_413 = tpu.vector_load %arg11[%get3A_411, %get3A_412] {strides = array<i32>} : memref<128x128xf32, #tpu.memory_space<vmem>>, vector<1x16xf32>,
        %get3A_414 = vector.shape_cast %get3A_413 : vector<1x16xf32> to vector<16xf32>
        %mul3A_415 = arith.mulf %get3A_414, %gather3A_366 : vector<16xf32>
        %swap3A_416 = arith.index_cast %add3A_370 : i32 to index
        %swap3A_417 = arith.constant 64 : index
        %swap3A_418 = tpu.vector_load %arg11[%swap3A_416, %swap3A_417] {strides = array<i32>} : memref<128x128xf32, #tpu.memory_space<vmem>>, vector<1x16xf32>,
        %swap3A_419 = vector.shape_cast %swap3A_418 : vector<1x16xf32> to vector<16xf32>
        %swap3A_420 = vector.shape_cast %mul3A_415 : vector<16xf32> to vector<1x16xf32>
        tpu.vector_store %arg11[%swap3A_416, %swap3A_417], %swap3A_420 {strides = array<i32>} : memref<128x128xf32, #tpu.memory_space<vmem>>, vector<1x16xf32>,
        %get3A_421 = arith.index_cast %add3A_370 : i32 to index
        %get3A_422 = arith.constant 80 : index
        %get3A_423 = tpu.vector_load %arg11[%get3A_421, %get3A_422] {strides = array<i32>} : memref<128x128xf32, #tpu.memory_space<vmem>>, vector<1x16xf32>,
        %get3A_424 = vector.shape_cast %get3A_423 : vector<1x16xf32> to vector<16xf32>
        %mul3A_425 = arith.mulf %get3A_424, %gather3A_366 : vector<16xf32>
        %swap3A_426 = arith.index_cast %add3A_370 : i32 to index
        %swap3A_427 = arith.constant 80 : index
        %swap3A_428 = tpu.vector_load %arg11[%swap3A_426, %swap3A_427] {strides = array<i32>} : memref<128x128xf32, #tpu.memory_space<vmem>>, vector<1x16xf32>,
        %swap3A_429 = vector.shape_cast %swap3A_428 : vector<1x16xf32> to vector<16xf32>
        %swap3A_430 = vector.shape_cast %mul3A_425 : vector<16xf32> to vector<1x16xf32>
        tpu.vector_store %arg11[%swap3A_426, %swap3A_427], %swap3A_430 {strides = array<i32>} : memref<128x128xf32, #tpu.memory_space<vmem>>, vector<1x16xf32>,
        %get3A_431 = arith.index_cast %add3A_370 : i32 to index
        %get3A_432 = arith.constant 96 : index
        %get3A_433 = tpu.vector_load %arg11[%get3A_431, %get3A_432] {strides = array<i32>} : memref<128x128xf32, #tpu.memory_space<vmem>>, vector<1x16xf32>,
        %get3A_434 = vector.shape_cast %get3A_433 : vector<1x16xf32> to vector<16xf32>
        %mul3A_435 = arith.mulf %get3A_434, %gather3A_366 : vector<16xf32>
        %swap3A_436 = arith.index_cast %add3A_370 : i32 to index
        %swap3A_437 = arith.constant 96 : index
        %swap3A_438 = tpu.vector_load %arg11[%swap3A_436, %swap3A_437] {strides = array<i32>} : memref<128x128xf32, #tpu.memory_space<vmem>>, vector<1x16xf32>,
        %swap3A_439 = vector.shape_cast %swap3A_438 : vector<1x16xf32> to vector<16xf32>
        %swap3A_440 = vector.shape_cast %mul3A_435 : vector<16xf32> to vector<1x16xf32>
        tpu.vector_store %arg11[%swap3A_436, %swap3A_437], %swap3A_440 {strides = array<i32>} : memref<128x128xf32, #tpu.memory_space<vmem>>, vector<1x16xf32>,
        %get3A_441 = arith.index_cast %add3A_370 : i32 to index
        %get3A_442 = arith.constant 112 : index
        %get3A_443 = tpu.vector_load %arg11[%get3A_441, %get3A_442] {strides = array<i32>} : memref<128x128xf32, #tpu.memory_space<vmem>>, vector<1x16xf32>,
        %get3A_444 = vector.shape_cast %get3A_443 : vector<1x16xf32> to vector<16xf32>
        %mul3A_445 = arith.mulf %get3A_444, %gather3A_366 : vector<16xf32>
        %swap3A_446 = arith.index_cast %add3A_370 : i32 to index
        %swap3A_447 = arith.constant 112 : index
        %swap3A_448 = tpu.vector_load %arg11[%swap3A_446, %swap3A_447] {strides = array<i32>} : memref<128x128xf32, #tpu.memory_space<vmem>>, vector<1x16xf32>,
        %swap3A_449 = vector.shape_cast %swap3A_448 : vector<1x16xf32> to vector<16xf32>
        %swap3A_450 = vector.shape_cast %mul3A_445 : vector<16xf32> to vector<1x16xf32>
        tpu.vector_store %arg11[%swap3A_446, %swap3A_447], %swap3A_450 {strides = array<i32>} : memref<128x128xf32, #tpu.memory_space<vmem>>, vector<1x16xf32>,
        %broadcast_in_dim3A_451 = arith.constant 3 : i32
        %broadcast_in_dim3A_452 = vector.broadcast %broadcast_in_dim3A_451 : i32 to vector<16x1xi32>
        %gather3A_453 = vector.shape_cast %broadcast_in_dim3A_452 : vector<16x1xi32> to vector<16xi32>
        %gather3A_454 = tpu.dynamic_gather %get3A_188[%gather3A_453] in [0] : vector<16xf32>, vector<16xi32> -> vector<16xf32>
        %mul3A_455 = arith.constant 16 : i32
        %mul3A_456 = arith.muli %scan3A_183, %mul3A_455 : i32
        %add3A_457 = arith.constant 3 : i32
        %add3A_458 = arith.addi %mul3A_456, %add3A_457 : i32
        %get3A_459 = arith.index_cast %add3A_458 : i32 to index
        %get3A_460 = arith.constant 0 : index
        %get3A_461 = tpu.vector_load %arg11[%get3A_459, %get3A_460] {strides = array<i32>} : memref<128x128xf32, #tpu.memory_space<vmem>>, vector<1x16xf32>,
        %get3A_462 = vector.shape_cast %get3A_461 : vector<1x16xf32> to vector<16xf32>
        %mul3A_463 = arith.mulf %get3A_462, %gather3A_454 : vector<16xf32>
        %swap3A_464 = arith.index_cast %add3A_458 : i32 to index
        %swap3A_465 = arith.constant 0 : index
        %swap3A_466 = tpu.vector_load %arg11[%swap3A_464, %swap3A_465] {strides = array<i32>} : memref<128x128xf32, #tpu.memory_space<vmem>>, vector<1x16xf32>,
        %swap3A_467 = vector.shape_cast %swap3A_466 : vector<1x16xf32> to vector<16xf32>
        %swap3A_468 = vector.shape_cast %mul3A_463 : vector<16xf32> to vector<1x16xf32>
        tpu.vector_store %arg11[%swap3A_464, %swap3A_465], %swap3A_468 {strides = array<i32>} : memref<128x128xf32, #tpu.memory_space<vmem>>, vector<1x16xf32>,
        %get3A_469 = arith.index_cast %add3A_458 : i32 to index
        %get3A_470 = arith.constant 16 : index
        %get3A_471 = tpu.vector_load %arg11[%get3A_469, %get3A_470] {strides = array<i32>} : memref<128x128xf32, #tpu.memory_space<vmem>>, vector<1x16xf32>,
        %get3A_472 = vector.shape_cast %get3A_471 : vector<1x16xf32> to vector<16xf32>
        %mul3A_473 = arith.mulf %get3A_472, %gather3A_454 : vector<16xf32>
        %swap3A_474 = arith.index_cast %add3A_458 : i32 to index
        %swap3A_475 = arith.constant 16 : index
        %swap3A_476 = tpu.vector_load %arg11[%swap3A_474, %swap3A_475] {strides = array<i32>} : memref<128x128xf32, #tpu.memory_space<vmem>>, vector<1x16xf32>,
        %swap3A_477 = vector.shape_cast %swap3A_476 : vector<1x16xf32> to vector<16xf32>
        %swap3A_478 = vector.shape_cast %mul3A_473 : vector<16xf32> to vector<1x16xf32>
        tpu.vector_store %arg11[%swap3A_474, %swap3A_475], %swap3A_478 {strides = array<i32>} : memref<128x128xf32, #tpu.memory_space<vmem>>, vector<1x16xf32>,
        %get3A_479 = arith.index_cast %add3A_458 : i32 to index
        %get3A_480 = arith.constant 32 : index
        %get3A_481 = tpu.vector_load %arg11[%get3A_479, %get3A_480] {strides = array<i32>} : memref<128x128xf32, #tpu.memory_space<vmem>>, vector<1x16xf32>,
        %get3A_482 = vector.shape_cast %get3A_481 : vector<1x16xf32> to vector<16xf32>
        %mul3A_483 = arith.mulf %get3A_482, %gather3A_454 : vector<16xf32>
        %swap3A_484 = arith.index_cast %add3A_458 : i32 to index
        %swap3A_485 = arith.constant 32 : index
        %swap3A_486 = tpu.vector_load %arg11[%swap3A_484, %swap3A_485] {strides = array<i32>} : memref<128x128xf32, #tpu.memory_space<vmem>>, vector<1x16xf32>,
        %swap3A_487 = vector.shape_cast %swap3A_486 : vector<1x16xf32> to vector<16xf32>
        %swap3A_488 = vector.shape_cast %mul3A_483 : vector<16xf32> to vector<1x16xf32>
        tpu.vector_store %arg11[%swap3A_484, %swap3A_485], %swap3A_488 {strides = array<i32>} : memref<128x128xf32, #tpu.memory_space<vmem>>, vector<1x16xf32>,
        %get3A_489 = arith.index_cast %add3A_458 : i32 to index
        %get3A_490 = arith.constant 48 : index
        %get3A_491 = tpu.vector_load %arg11[%get3A_489, %get3A_490] {strides = array<i32>} : memref<128x128xf32, #tpu.memory_space<vmem>>, vector<1x16xf32>,
        %get3A_492 = vector.shape_cast %get3A_491 : vector<1x16xf32> to vector<16xf32>
        %mul3A_493 = arith.mulf %get3A_492, %gather3A_454 : vector<16xf32>
        %swap3A_494 = arith.index_cast %add3A_458 : i32 to index
        %swap3A_495 = arith.constant 48 : index
        %swap3A_496 = tpu.vector_load %arg11[%swap3A_494, %swap3A_495] {strides = array<i32>} : memref<128x128xf32, #tpu.memory_space<vmem>>, vector<1x16xf32>,
        %swap3A_497 = vector.shape_cast %swap3A_496 : vector<1x16xf32> to vector<16xf32>
        %swap3A_498 = vector.shape_cast %mul3A_493 : vector<16xf32> to vector<1x16xf32>
        tpu.vector_store %arg11[%swap3A_494, %swap3A_495], %swap3A_498 {strides = array<i32>} : memref<128x128xf32, #tpu.memory_space<vmem>>, vector<1x16xf32>,
        %get3A_499 = arith.index_cast %add3A_458 : i32 to index
        %get3A_500 = arith.constant 64 : index
        %get3A_501 = tpu.vector_load %arg11[%get3A_499, %get3A_500] {strides = array<i32>} : memref<128x128xf32, #tpu.memory_space<vmem>>, vector<1x16xf32>,
        %get3A_502 = vector.shape_cast %get3A_501 : vector<1x16xf32> to vector<16xf32>
        %mul3A_503 = arith.mulf %get3A_502, %gather3A_454 : vector<16xf32>
        %swap3A_504 = arith.index_cast %add3A_458 : i32 to index
        %swap3A_505 = arith.constant 64 : index
        %swap3A_506 = tpu.vector_load %arg11[%swap3A_504, %swap3A_505] {strides = array<i32>} : memref<128x128xf32, #tpu.memory_space<vmem>>, vector<1x16xf32>,
        %swap3A_507 = vector.shape_cast %swap3A_506 : vector<1x16xf32> to vector<16xf32>
        %swap3A_508 = vector.shape_cast %mul3A_503 : vector<16xf32> to vector<1x16xf32>
        tpu.vector_store %arg11[%swap3A_504, %swap3A_505], %swap3A_508 {strides = array<i32>} : memref<128x128xf32, #tpu.memory_space<vmem>>, vector<1x16xf32>,
        %get3A_509 = arith.index_cast %add3A_458 : i32 to index
        %get3A_510 = arith.constant 80 : index
        %get3A_511 = tpu.vector_load %arg11[%get3A_509, %get3A_510] {strides = array<i32>} : memref<128x128xf32, #tpu.memory_space<vmem>>, vector<1x16xf32>,
        %get3A_512 = vector.shape_cast %get3A_511 : vector<1x16xf32> to vector<16xf32>
        %mul3A_513 = arith.mulf %get3A_512, %gather3A_454 : vector<16xf32>
        %swap3A_514 = arith.index_cast %add3A_458 : i32 to index
        %swap3A_515 = arith.constant 80 : index
        %swap3A_516 = tpu.vector_load %arg11[%swap3A_514, %swap3A_515] {strides = array<i32>} : memref<128x128xf32, #tpu.memory_space<vmem>>, vector<1x16xf32>,
        %swap3A_517 = vector.shape_cast %swap3A_516 : vector<1x16xf32> to vector<16xf32>
        %swap3A_518 = vector.shape_cast %mul3A_513 : vector<16xf32> to vector<1x16xf32>
        tpu.vector_store %arg11[%swap3A_514, %swap3A_515], %swap3A_518 {strides = array<i32>} : memref<128x128xf32, #tpu.memory_space<vmem>>, vector<1x16xf32>,
        %get3A_519 = arith.index_cast %add3A_458 : i32 to index
        %get3A_520 = arith.constant 96 : index
        %get3A_521 = tpu.vector_load %arg11[%get3A_519, %get3A_520] {strides = array<i32>} : memref<128x128xf32, #tpu.memory_space<vmem>>, vector<1x16xf32>,
        %get3A_522 = vector.shape_cast %get3A_521 : vector<1x16xf32> to vector<16xf32>
        %mul3A_523 = arith.mulf %get3A_522, %gather3A_454 : vector<16xf32>
        %swap3A_524 = arith.index_cast %add3A_458 : i32 to index
        %swap3A_525 = arith.constant 96 : index
        %swap3A_526 = tpu.vector_load %arg11[%swap3A_524, %swap3A_525] {strides = array<i32>} : memref<128x128xf32, #tpu.memory_space<vmem>>, vector<1x16xf32>,
        %swap3A_527 = vector.shape_cast %swap3A_526 : vector<1x16xf32> to vector<16xf32>
        %swap3A_528 = vector.shape_cast %mul3A_523 : vector<16xf32> to vector<1x16xf32>
        tpu.vector_store %arg11[%swap3A_524, %swap3A_525], %swap3A_528 {strides = array<i32>} : memref<128x128xf32, #tpu.memory_space<vmem>>, vector<1x16xf32>,
        %get3A_529 = arith.index_cast %add3A_458 : i32 to index
        %get3A_530 = arith.constant 112 : index
        %get3A_531 = tpu.vector_load %arg11[%get3A_529, %get3A_530] {strides = array<i32>} : memref<128x128xf32, #tpu.memory_space<vmem>>, vector<1x16xf32>,
        %get3A_532 = vector.shape_cast %get3A_531 : vector<1x16xf32> to vector<16xf32>
        %mul3A_533 = arith.mulf %get3A_532, %gather3A_454 : vector<16xf32>
        %swap3A_534 = arith.index_cast %add3A_458 : i32 to index
        %swap3A_535 = arith.constant 112 : index
        %swap3A_536 = tpu.vector_load %arg11[%swap3A_534, %swap3A_535] {strides = array<i32>} : memref<128x128xf32, #tpu.memory_space<vmem>>, vector<1x16xf32>,
        %swap3A_537 = vector.shape_cast %swap3A_536 : vector<1x16xf32> to vector<16xf32>
        %swap3A_538 = vector.shape_cast %mul3A_533 : vector<16xf32> to vector<1x16xf32>
        tpu.vector_store %arg11[%swap3A_534, %swap3A_535], %swap3A_538 {strides = array<i32>} : memref<128x128xf32, #tpu.memory_space<vmem>>, vector<1x16xf32>,
        %broadcast_in_dim3A_539 = arith.constant 4 : i32
        %broadcast_in_dim3A_540 = vector.broadcast %broadcast_in_dim3A_539 : i32 to vector<16x1xi32>
        %gather3A_541 = vector.shape_cast %broadcast_in_dim3A_540 : vector<16x1xi32> to vector<16xi32>
        %gather3A_542 = tpu.dynamic_gather %get3A_188[%gather3A_541] in [0] : vector<16xf32>, vector<16xi32> -> vector<16xf32>
        %mul3A_543 = arith.constant 16 : i32
        %mul3A_544 = arith.muli %scan3A_183, %mul3A_543 : i32
        %add3A_545 = arith.constant 4 : i32
        %add3A_546 = arith.addi %mul3A_544, %add3A_545 : i32
        %get3A_547 = arith.index_cast %add3A_546 : i32 to index
        %get3A_548 = arith.constant 0 : index
        %get3A_549 = tpu.vector_load %arg11[%get3A_547, %get3A_548] {strides = array<i32>} : memref<128x128xf32, #tpu.memory_space<vmem>>, vector<1x16xf32>,
        %get3A_550 = vector.shape_cast %get3A_549 : vector<1x16xf32> to vector<16xf32>
        %mul3A_551 = arith.mulf %get3A_550, %gather3A_542 : vector<16xf32>
        %swap3A_552 = arith.index_cast %add3A_546 : i32 to index
        %swap3A_553 = arith.constant 0 : index
        %swap3A_554 = tpu.vector_load %arg11[%swap3A_552, %swap3A_553] {strides = array<i32>} : memref<128x128xf32, #tpu.memory_space<vmem>>, vector<1x16xf32>,
        %swap3A_555 = vector.shape_cast %swap3A_554 : vector<1x16xf32> to vector<16xf32>
        %swap3A_556 = vector.shape_cast %mul3A_551 : vector<16xf32> to vector<1x16xf32>
        tpu.vector_store %arg11[%swap3A_552, %swap3A_553], %swap3A_556 {strides = array<i32>} : memref<128x128xf32, #tpu.memory_space<vmem>>, vector<1x16xf32>,
        %get3A_557 = arith.index_cast %add3A_546 : i32 to index
        %get3A_558 = arith.constant 16 : index
        %get3A_559 = tpu.vector_load %arg11[%get3A_557, %get3A_558] {strides = array<i32>} : memref<128x128xf32, #tpu.memory_space<vmem>>, vector<1x16xf32>,
        %get3A_560 = vector.shape_cast %get3A_559 : vector<1x16xf32> to vector<16xf32>
        %mul3A_561 = arith.mulf %get3A_560, %gather3A_542 : vector<16xf32>
        %swap3A_562 = arith.index_cast %add3A_546 : i32 to index
        %swap3A_563 = arith.constant 16 : index
        %swap3A_564 = tpu.vector_load %arg11[%swap3A_562, %swap3A_563] {strides = array<i32>} : memref<128x128xf32, #tpu.memory_space<vmem>>, vector<1x16xf32>,
        %swap3A_565 = vector.shape_cast %swap3A_564 : vector<1x16xf32> to vector<16xf32>
        %swap3A_566 = vector.shape_cast %mul3A_561 : vector<16xf32> to vector<1x16xf32>
        tpu.vector_store %arg11[%swap3A_562, %swap3A_563], %swap3A_566 {strides = array<i32>} : memref<128x128xf32, #tpu.memory_space<vmem>>, vector<1x16xf32>,
        %get3A_567 = arith.index_cast %add3A_546 : i32 to index
        %get3A_568 = arith.constant 32 : index
        %get3A_569 = tpu.vector_load %arg11[%get3A_567, %get3A_568] {strides = array<i32>} : memref<128x128xf32, #tpu.memory_space<vmem>>, vector<1x16xf32>,
        %get3A_570 = vector.shape_cast %get3A_569 : vector<1x16xf32> to vector<16xf32>
        %mul3A_571 = arith.mulf %get3A_570, %gather3A_542 : vector<16xf32>
        %swap3A_572 = arith.index_cast %add3A_546 : i32 to index
        %swap3A_573 = arith.constant 32 : index
        %swap3A_574 = tpu.vector_load %arg11[%swap3A_572, %swap3A_573] {strides = array<i32>} : memref<128x128xf32, #tpu.memory_space<vmem>>, vector<1x16xf32>,
        %swap3A_575 = vector.shape_cast %swap3A_574 : vector<1x16xf32> to vector<16xf32>
        %swap3A_576 = vector.shape_cast %mul3A_571 : vector<16xf32> to vector<1x16xf32>
        tpu.vector_store %arg11[%swap3A_572, %swap3A_573], %swap3A_576 {strides = array<i32>} : memref<128x128xf32, #tpu.memory_space<vmem>>, vector<1x16xf32>,
        %get3A_577 = arith.index_cast %add3A_546 : i32 to index
        %get3A_578 = arith.constant 48 : index
        %get3A_579 = tpu.vector_load %arg11[%get3A_577, %get3A_578] {strides = array<i32>} : memref<128x128xf32, #tpu.memory_space<vmem>>, vector<1x16xf32>,
        %get3A_580 = vector.shape_cast %get3A_579 : vector<1x16xf32> to vector<16xf32>
        %mul3A_581 = arith.mulf %get3A_580, %gather3A_542 : vector<16xf32>
        %swap3A_582 = arith.index_cast %add3A_546 : i32 to index
        %swap3A_583 = arith.constant 48 : index
        %swap3A_584 = tpu.vector_load %arg11[%swap3A_582, %swap3A_583] {strides = array<i32>} : memref<128x128xf32, #tpu.memory_space<vmem>>, vector<1x16xf32>,
        %swap3A_585 = vector.shape_cast %swap3A_584 : vector<1x16xf32> to vector<16xf32>
        %swap3A_586 = vector.shape_cast %mul3A_581 : vector<16xf32> to vector<1x16xf32>
        tpu.vector_store %arg11[%swap3A_582, %swap3A_583], %swap3A_586 {strides = array<i32>} : memref<128x128xf32, #tpu.memory_space<vmem>>, vector<1x16xf32>,
        %get3A_587 = arith.index_cast %add3A_546 : i32 to index
        %get3A_588 = arith.constant 64 : index
        %get3A_589 = tpu.vector_load %arg11[%get3A_587, %get3A_588] {strides = array<i32>} : memref<128x128xf32, #tpu.memory_space<vmem>>, vector<1x16xf32>,
        %get3A_590 = vector.shape_cast %get3A_589 : vector<1x16xf32> to vector<16xf32>
        %mul3A_591 = arith.mulf %get3A_590, %gather3A_542 : vector<16xf32>
        %swap3A_592 = arith.index_cast %add3A_546 : i32 to index
        %swap3A_593 = arith.constant 64 : index
        %swap3A_594 = tpu.vector_load %arg11[%swap3A_592, %swap3A_593] {strides = array<i32>} : memref<128x128xf32, #tpu.memory_space<vmem>>, vector<1x16xf32>,
        %swap3A_595 = vector.shape_cast %swap3A_594 : vector<1x16xf32> to vector<16xf32>
        %swap3A_596 = vector.shape_cast %mul3A_591 : vector<16xf32> to vector<1x16xf32>
        tpu.vector_store %arg11[%swap3A_592, %swap3A_593], %swap3A_596 {strides = array<i32>} : memref<128x128xf32, #tpu.memory_space<vmem>>, vector<1x16xf32>,
        %get3A_597 = arith.index_cast %add3A_546 : i32 to index
        %get3A_598 = arith.constant 80 : index
        %get3A_599 = tpu.vector_load %arg11[%get3A_597, %get3A_598] {strides = array<i32>} : memref<128x128xf32, #tpu.memory_space<vmem>>, vector<1x16xf32>,
        %get3A_600 = vector.shape_cast %get3A_599 : vector<1x16xf32> to vector<16xf32>
        %mul3A_601 = arith.mulf %get3A_600, %gather3A_542 : vector<16xf32>
        %swap3A_602 = arith.index_cast %add3A_546 : i32 to index
        %swap3A_603 = arith.constant 80 : index
        %swap3A_604 = tpu.vector_load %arg11[%swap3A_602, %swap3A_603] {strides = array<i32>} : memref<128x128xf32, #tpu.memory_space<vmem>>, vector<1x16xf32>,
        %swap3A_605 = vector.shape_cast %swap3A_604 : vector<1x16xf32> to vector<16xf32>
        %swap3A_606 = vector.shape_cast %mul3A_601 : vector<16xf32> to vector<1x16xf32>
        tpu.vector_store %arg11[%swap3A_602, %swap3A_603], %swap3A_606 {strides = array<i32>} : memref<128x128xf32, #tpu.memory_space<vmem>>, vector<1x16xf32>,
        %get3A_607 = arith.index_cast %add3A_546 : i32 to index
        %get3A_608 = arith.constant 96 : index
        %get3A_609 = tpu.vector_load %arg11[%get3A_607, %get3A_608] {strides = array<i32>} : memref<128x128xf32, #tpu.memory_space<vmem>>, vector<1x16xf32>,
        %get3A_610 = vector.shape_cast %get3A_609 : vector<1x16xf32> to vector<16xf32>
        %mul3A_611 = arith.mulf %get3A_610, %gather3A_542 : vector<16xf32>
        %swap3A_612 = arith.index_cast %add3A_546 : i32 to index
        %swap3A_613 = arith.constant 96 : index
        %swap3A_614 = tpu.vector_load %arg11[%swap3A_612, %swap3A_613] {strides = array<i32>} : memref<128x128xf32, #tpu.memory_space<vmem>>, vector<1x16xf32>,
        %swap3A_615 = vector.shape_cast %swap3A_614 : vector<1x16xf32> to vector<16xf32>
        %swap3A_616 = vector.shape_cast %mul3A_611 : vector<16xf32> to vector<1x16xf32>
        tpu.vector_store %arg11[%swap3A_612, %swap3A_613], %swap3A_616 {strides = array<i32>} : memref<128x128xf32, #tpu.memory_space<vmem>>, vector<1x16xf32>,
        %get3A_617 = arith.index_cast %add3A_546 : i32 to index
        %get3A_618 = arith.constant 112 : index
        %get3A_619 = tpu.vector_load %arg11[%get3A_617, %get3A_618] {strides = array<i32>} : memref<128x128xf32, #tpu.memory_space<vmem>>, vector<1x16xf32>,
        %get3A_620 = vector.shape_cast %get3A_619 : vector<1x16xf32> to vector<16xf32>
        %mul3A_621 = arith.mulf %get3A_620, %gather3A_542 : vector<16xf32>
        %swap3A_622 = arith.index_cast %add3A_546 : i32 to index
        %swap3A_623 = arith.constant 112 : index
        %swap3A_624 = tpu.vector_load %arg11[%swap3A_622, %swap3A_623] {strides = array<i32>} : memref<128x128xf32, #tpu.memory_space<vmem>>, vector<1x16xf32>,
        %swap3A_625 = vector.shape_cast %swap3A_624 : vector<1x16xf32> to vector<16xf32>
        %swap3A_626 = vector.shape_cast %mul3A_621 : vector<16xf32> to vector<1x16xf32>
        tpu.vector_store %arg11[%swap3A_622, %swap3A_623], %swap3A_626 {strides = array<i32>} : memref<128x128xf32, #tpu.memory_space<vmem>>, vector<1x16xf32>,
        %broadcast_in_dim3A_627 = arith.constant 5 : i32
        %broadcast_in_dim3A_628 = vector.broadcast %broadcast_in_dim3A_627 : i32 to vector<16x1xi32>
        %gather3A_629 = vector.shape_cast %broadcast_in_dim3A_628 : vector<16x1xi32> to vector<16xi32>
        %gather3A_630 = tpu.dynamic_gather %get3A_188[%gather3A_629] in [0] : vector<16xf32>, vector<16xi32> -> vector<16xf32>
        %mul3A_631 = arith.constant 16 : i32
        %mul3A_632 = arith.muli %scan3A_183, %mul3A_631 : i32
        %add3A_633 = arith.constant 5 : i32
        %add3A_634 = arith.addi %mul3A_632, %add3A_633 : i32
        %get3A_635 = arith.index_cast %add3A_634 : i32 to index
        %get3A_636 = arith.constant 0 : index
        %get3A_637 = tpu.vector_load %arg11[%get3A_635, %get3A_636] {strides = array<i32>} : memref<128x128xf32, #tpu.memory_space<vmem>>, vector<1x16xf32>,
        %get3A_638 = vector.shape_cast %get3A_637 : vector<1x16xf32> to vector<16xf32>
        %mul3A_639 = arith.mulf %get3A_638, %gather3A_630 : vector<16xf32>
        %swap3A_640 = arith.index_cast %add3A_634 : i32 to index
        %swap3A_641 = arith.constant 0 : index
        %swap3A_642 = tpu.vector_load %arg11[%swap3A_640, %swap3A_641] {strides = array<i32>} : memref<128x128xf32, #tpu.memory_space<vmem>>, vector<1x16xf32>,
        %swap3A_643 = vector.shape_cast %swap3A_642 : vector<1x16xf32> to vector<16xf32>
        %swap3A_644 = vector.shape_cast %mul3A_639 : vector<16xf32> to vector<1x16xf32>
        tpu.vector_store %arg11[%swap3A_640, %swap3A_641], %swap3A_644 {strides = array<i32>} : memref<128x128xf32, #tpu.memory_space<vmem>>, vector<1x16xf32>,
        %get3A_645 = arith.index_cast %add3A_634 : i32 to index
        %get3A_646 = arith.constant 16 : index
        %get3A_647 = tpu.vector_load %arg11[%get3A_645, %get3A_646] {strides = array<i32>} : memref<128x128xf32, #tpu.memory_space<vmem>>, vector<1x16xf32>,
        %get3A_648 = vector.shape_cast %get3A_647 : vector<1x16xf32> to vector<16xf32>
        %mul3A_649 = arith.mulf %get3A_648, %gather3A_630 : vector<16xf32>
        %swap3A_650 = arith.index_cast %add3A_634 : i32 to index
        %swap3A_651 = arith.constant 16 : index
        %swap3A_652 = tpu.vector_load %arg11[%swap3A_650, %swap3A_651] {strides = array<i32>} : memref<128x128xf32, #tpu.memory_space<vmem>>, vector<1x16xf32>,
        %swap3A_653 = vector.shape_cast %swap3A_652 : vector<1x16xf32> to vector<16xf32>
        %swap3A_654 = vector.shape_cast %mul3A_649 : vector<16xf32> to vector<1x16xf32>
        tpu.vector_store %arg11[%swap3A_650, %swap3A_651], %swap3A_654 {strides = array<i32>} : memref<128x128xf32, #tpu.memory_space<vmem>>, vector<1x16xf32>,
        %get3A_655 = arith.index_cast %add3A_634 : i32 to index
        %get3A_656 = arith.constant 32 : index
        %get3A_657 = tpu.vector_load %arg11[%get3A_655, %get3A_656] {strides = array<i32>} : memref<128x128xf32, #tpu.memory_space<vmem>>, vector<1x16xf32>,
        %get3A_658 = vector.shape_cast %get3A_657 : vector<1x16xf32> to vector<16xf32>
        %mul3A_659 = arith.mulf %get3A_658, %gather3A_630 : vector<16xf32>
        %swap3A_660 = arith.index_cast %add3A_634 : i32 to index
        %swap3A_661 = arith.constant 32 : index
        %swap3A_662 = tpu.vector_load %arg11[%swap3A_660, %swap3A_661] {strides = array<i32>} : memref<128x128xf32, #tpu.memory_space<vmem>>, vector<1x16xf32>,
        %swap3A_663 = vector.shape_cast %swap3A_662 : vector<1x16xf32> to vector<16xf32>
        %swap3A_664 = vector.shape_cast %mul3A_659 : vector<16xf32> to vector<1x16xf32>
        tpu.vector_store %arg11[%swap3A_660, %swap3A_661], %swap3A_664 {strides = array<i32>} : memref<128x128xf32, #tpu.memory_space<vmem>>, vector<1x16xf32>,
        %get3A_665 = arith.index_cast %add3A_634 : i32 to index
        %get3A_666 = arith.constant 48 : index
        %get3A_667 = tpu.vector_load %arg11[%get3A_665, %get3A_666] {strides = array<i32>} : memref<128x128xf32, #tpu.memory_space<vmem>>, vector<1x16xf32>,
        %get3A_668 = vector.shape_cast %get3A_667 : vector<1x16xf32> to vector<16xf32>
        %mul3A_669 = arith.mulf %get3A_668, %gather3A_630 : vector<16xf32>
        %swap3A_670 = arith.index_cast %add3A_634 : i32 to index
        %swap3A_671 = arith.constant 48 : index
        %swap3A_672 = tpu.vector_load %arg11[%swap3A_670, %swap3A_671] {strides = array<i32>} : memref<128x128xf32, #tpu.memory_space<vmem>>, vector<1x16xf32>,
        %swap3A_673 = vector.shape_cast %swap3A_672 : vector<1x16xf32> to vector<16xf32>
        %swap3A_674 = vector.shape_cast %mul3A_669 : vector<16xf32> to vector<1x16xf32>
        tpu.vector_store %arg11[%swap3A_670, %swap3A_671], %swap3A_674 {strides = array<i32>} : memref<128x128xf32, #tpu.memory_space<vmem>>, vector<1x16xf32>,
        %get3A_675 = arith.index_cast %add3A_634 : i32 to index
        %get3A_676 = arith.constant 64 : index
        %get3A_677 = tpu.vector_load %arg11[%get3A_675, %get3A_676] {strides = array<i32>} : memref<128x128xf32, #tpu.memory_space<vmem>>, vector<1x16xf32>,
        %get3A_678 = vector.shape_cast %get3A_677 : vector<1x16xf32> to vector<16xf32>
        %mul3A_679 = arith.mulf %get3A_678, %gather3A_630 : vector<16xf32>
        %swap3A_680 = arith.index_cast %add3A_634 : i32 to index
        %swap3A_681 = arith.constant 64 : index
        %swap3A_682 = tpu.vector_load %arg11[%swap3A_680, %swap3A_681] {strides = array<i32>} : memref<128x128xf32, #tpu.memory_space<vmem>>, vector<1x16xf32>,
        %swap3A_683 = vector.shape_cast %swap3A_682 : vector<1x16xf32> to vector<16xf32>
        %swap3A_684 = vector.shape_cast %mul3A_679 : vector<16xf32> to vector<1x16xf32>
        tpu.vector_store %arg11[%swap3A_680, %swap3A_681], %swap3A_684 {strides = array<i32>} : memref<128x128xf32, #tpu.memory_space<vmem>>, vector<1x16xf32>,
        %get3A_685 = arith.index_cast %add3A_634 : i32 to index
        %get3A_686 = arith.constant 80 : index
        %get3A_687 = tpu.vector_load %arg11[%get3A_685, %get3A_686] {strides = array<i32>} : memref<128x128xf32, #tpu.memory_space<vmem>>, vector<1x16xf32>,
        %get3A_688 = vector.shape_cast %get3A_687 : vector<1x16xf32> to vector<16xf32>
        %mul3A_689 = arith.mulf %get3A_688, %gather3A_630 : vector<16xf32>
        %swap3A_690 = arith.index_cast %add3A_634 : i32 to index
        %swap3A_691 = arith.constant 80 : index
        %swap3A_692 = tpu.vector_load %arg11[%swap3A_690, %swap3A_691] {strides = array<i32>} : memref<128x128xf32, #tpu.memory_space<vmem>>, vector<1x16xf32>,
        %swap3A_693 = vector.shape_cast %swap3A_692 : vector<1x16xf32> to vector<16xf32>
        %swap3A_694 = vector.shape_cast %mul3A_689 : vector<16xf32> to vector<1x16xf32>
        tpu.vector_store %arg11[%swap3A_690, %swap3A_691], %swap3A_694 {strides = array<i32>} : memref<128x128xf32, #tpu.memory_space<vmem>>, vector<1x16xf32>,
        %get3A_695 = arith.index_cast %add3A_634 : i32 to index
        %get3A_696 = arith.constant 96 : index
        %get3A_697 = tpu.vector_load %arg11[%get3A_695, %get3A_696] {strides = array<i32>} : memref<128x128xf32, #tpu.memory_space<vmem>>, vector<1x16xf32>,
        %get3A_698 = vector.shape_cast %get3A_697 : vector<1x16xf32> to vector<16xf32>
        %mul3A_699 = arith.mulf %get3A_698, %gather3A_630 : vector<16xf32>
        %swap3A_700 = arith.index_cast %add3A_634 : i32 to index
        %swap3A_701 = arith.constant 96 : index
        %swap3A_702 = tpu.vector_load %arg11[%swap3A_700, %swap3A_701] {strides = array<i32>} : memref<128x128xf32, #tpu.memory_space<vmem>>, vector<1x16xf32>,
        %swap3A_703 = vector.shape_cast %swap3A_702 : vector<1x16xf32> to vector<16xf32>
        %swap3A_704 = vector.shape_cast %mul3A_699 : vector<16xf32> to vector<1x16xf32>
        tpu.vector_store %arg11[%swap3A_700, %swap3A_701], %swap3A_704 {strides = array<i32>} : memref<128x128xf32, #tpu.memory_space<vmem>>, vector<1x16xf32>,
        %get3A_705 = arith.index_cast %add3A_634 : i32 to index
        %get3A_706 = arith.constant 112 : index
        %get3A_707 = tpu.vector_load %arg11[%get3A_705, %get3A_706] {strides = array<i32>} : memref<128x128xf32, #tpu.memory_space<vmem>>, vector<1x16xf32>,
        %get3A_708 = vector.shape_cast %get3A_707 : vector<1x16xf32> to vector<16xf32>
        %mul3A_709 = arith.mulf %get3A_708, %gather3A_630 : vector<16xf32>
        %swap3A_710 = arith.index_cast %add3A_634 : i32 to index
        %swap3A_711 = arith.constant 112 : index
        %swap3A_712 = tpu.vector_load %arg11[%swap3A_710, %swap3A_711] {strides = array<i32>} : memref<128x128xf32, #tpu.memory_space<vmem>>, vector<1x16xf32>,
        %swap3A_713 = vector.shape_cast %swap3A_712 : vector<1x16xf32> to vector<16xf32>
        %swap3A_714 = vector.shape_cast %mul3A_709 : vector<16xf32> to vector<1x16xf32>
        tpu.vector_store %arg11[%swap3A_710, %swap3A_711], %swap3A_714 {strides = array<i32>} : memref<128x128xf32, #tpu.memory_space<vmem>>, vector<1x16xf32>,
        %broadcast_in_dim3A_715 = arith.constant 6 : i32
        %broadcast_in_dim3A_716 = vector.broadcast %broadcast_in_dim3A_715 : i32 to vector<16x1xi32>
        %gather3A_717 = vector.shape_cast %broadcast_in_dim3A_716 : vector<16x1xi32> to vector<16xi32>
        %gather3A_718 = tpu.dynamic_gather %get3A_188[%gather3A_717] in [0] : vector<16xf32>, vector<16xi32> -> vector<16xf32>
        %mul3A_719 = arith.constant 16 : i32
        %mul3A_720 = arith.muli %scan3A_183, %mul3A_719 : i32
        %add3A_721 = arith.constant 6 : i32
        %add3A_722 = arith.addi %mul3A_720, %add3A_721 : i32
        %get3A_723 = arith.index_cast %add3A_722 : i32 to index
        %get3A_724 = arith.constant 0 : index
        %get3A_725 = tpu.vector_load %arg11[%get3A_723, %get3A_724] {strides = array<i32>} : memref<128x128xf32, #tpu.memory_space<vmem>>, vector<1x16xf32>,
        %get3A_726 = vector.shape_cast %get3A_725 : vector<1x16xf32> to vector<16xf32>
        %mul3A_727 = arith.mulf %get3A_726, %gather3A_718 : vector<16xf32>
        %swap3A_728 = arith.index_cast %add3A_722 : i32 to index
        %swap3A_729 = arith.constant 0 : index
        %swap3A_730 = tpu.vector_load %arg11[%swap3A_728, %swap3A_729] {strides = array<i32>} : memref<128x128xf32, #tpu.memory_space<vmem>>, vector<1x16xf32>,
        %swap3A_731 = vector.shape_cast %swap3A_730 : vector<1x16xf32> to vector<16xf32>
        %swap3A_732 = vector.shape_cast %mul3A_727 : vector<16xf32> to vector<1x16xf32>
        tpu.vector_store %arg11[%swap3A_728, %swap3A_729], %swap3A_732 {strides = array<i32>} : memref<128x128xf32, #tpu.memory_space<vmem>>, vector<1x16xf32>,
        %get3A_733 = arith.index_cast %add3A_722 : i32 to index
        %get3A_734 = arith.constant 16 : index
        %get3A_735 = tpu.vector_load %arg11[%get3A_733, %get3A_734] {strides = array<i32>} : memref<128x128xf32, #tpu.memory_space<vmem>>, vector<1x16xf32>,
        %get3A_736 = vector.shape_cast %get3A_735 : vector<1x16xf32> to vector<16xf32>
        %mul3A_737 = arith.mulf %get3A_736, %gather3A_718 : vector<16xf32>
        %swap3A_738 = arith.index_cast %add3A_722 : i32 to index
        %swap3A_739 = arith.constant 16 : index
        %swap3A_740 = tpu.vector_load %arg11[%swap3A_738, %swap3A_739] {strides = array<i32>} : memref<128x128xf32, #tpu.memory_space<vmem>>, vector<1x16xf32>,
        %swap3A_741 = vector.shape_cast %swap3A_740 : vector<1x16xf32> to vector<16xf32>
        %swap3A_742 = vector.shape_cast %mul3A_737 : vector<16xf32> to vector<1x16xf32>
        tpu.vector_store %arg11[%swap3A_738, %swap3A_739], %swap3A_742 {strides = array<i32>} : memref<128x128xf32, #tpu.memory_space<vmem>>, vector<1x16xf32>,
        %get3A_743 = arith.index_cast %add3A_722 : i32 to index
        %get3A_744 = arith.constant 32 : index
        %get3A_745 = tpu.vector_load %arg11[%get3A_743, %get3A_744] {strides = array<i32>} : memref<128x128xf32, #tpu.memory_space<vmem>>, vector<1x16xf32>,
        %get3A_746 = vector.shape_cast %get3A_745 : vector<1x16xf32> to vector<16xf32>
        %mul3A_747 = arith.mulf %get3A_746, %gather3A_718 : vector<16xf32>
        %swap3A_748 = arith.index_cast %add3A_722 : i32 to index
        %swap3A_749 = arith.constant 32 : index
        %swap3A_750 = tpu.vector_load %arg11[%swap3A_748, %swap3A_749] {strides = array<i32>} : memref<128x128xf32, #tpu.memory_space<vmem>>, vector<1x16xf32>,
        %swap3A_751 = vector.shape_cast %swap3A_750 : vector<1x16xf32> to vector<16xf32>
        %swap3A_752 = vector.shape_cast %mul3A_747 : vector<16xf32> to vector<1x16xf32>
        tpu.vector_store %arg11[%swap3A_748, %swap3A_749], %swap3A_752 {strides = array<i32>} : memref<128x128xf32, #tpu.memory_space<vmem>>, vector<1x16xf32>,
        %get3A_753 = arith.index_cast %add3A_722 : i32 to index
        %get3A_754 = arith.constant 48 : index
        %get3A_755 = tpu.vector_load %arg11[%get3A_753, %get3A_754] {strides = array<i32>} : memref<128x128xf32, #tpu.memory_space<vmem>>, vector<1x16xf32>,
        %get3A_756 = vector.shape_cast %get3A_755 : vector<1x16xf32> to vector<16xf32>
        %mul3A_757 = arith.mulf %get3A_756, %gather3A_718 : vector<16xf32>
        %swap3A_758 = arith.index_cast %add3A_722 : i32 to index
        %swap3A_759 = arith.constant 48 : index
        %swap3A_760 = tpu.vector_load %arg11[%swap3A_758, %swap3A_759] {strides = array<i32>} : memref<128x128xf32, #tpu.memory_space<vmem>>, vector<1x16xf32>,
        %swap3A_761 = vector.shape_cast %swap3A_760 : vector<1x16xf32> to vector<16xf32>
        %swap3A_762 = vector.shape_cast %mul3A_757 : vector<16xf32> to vector<1x16xf32>
        tpu.vector_store %arg11[%swap3A_758, %swap3A_759], %swap3A_762 {strides = array<i32>} : memref<128x128xf32, #tpu.memory_space<vmem>>, vector<1x16xf32>,
        %get3A_763 = arith.index_cast %add3A_722 : i32 to index
        %get3A_764 = arith.constant 64 : index
        %get3A_765 = tpu.vector_load %arg11[%get3A_763, %get3A_764] {strides = array<i32>} : memref<128x128xf32, #tpu.memory_space<vmem>>, vector<1x16xf32>,
        %get3A_766 = vector.shape_cast %get3A_765 : vector<1x16xf32> to vector<16xf32>
        %mul3A_767 = arith.mulf %get3A_766, %gather3A_718 : vector<16xf32>
        %swap3A_768 = arith.index_cast %add3A_722 : i32 to index
        %swap3A_769 = arith.constant 64 : index
        %swap3A_770 = tpu.vector_load %arg11[%swap3A_768, %swap3A_769] {strides = array<i32>} : memref<128x128xf32, #tpu.memory_space<vmem>>, vector<1x16xf32>,
        %swap3A_771 = vector.shape_cast %swap3A_770 : vector<1x16xf32> to vector<16xf32>
        %swap3A_772 = vector.shape_cast %mul3A_767 : vector<16xf32> to vector<1x16xf32>
        tpu.vector_store %arg11[%swap3A_768, %swap3A_769], %swap3A_772 {strides = array<i32>} : memref<128x128xf32, #tpu.memory_space<vmem>>, vector<1x16xf32>,
        %get3A_773 = arith.index_cast %add3A_722 : i32 to index
        %get3A_774 = arith.constant 80 : index
        %get3A_775 = tpu.vector_load %arg11[%get3A_773, %get3A_774] {strides = array<i32>} : memref<128x128xf32, #tpu.memory_space<vmem>>, vector<1x16xf32>,
        %get3A_776 = vector.shape_cast %get3A_775 : vector<1x16xf32> to vector<16xf32>
        %mul3A_777 = arith.mulf %get3A_776, %gather3A_718 : vector<16xf32>
        %swap3A_778 = arith.index_cast %add3A_722 : i32 to index
        %swap3A_779 = arith.constant 80 : index
        %swap3A_780 = tpu.vector_load %arg11[%swap3A_778, %swap3A_779] {strides = array<i32>} : memref<128x128xf32, #tpu.memory_space<vmem>>, vector<1x16xf32>,
        %swap3A_781 = vector.shape_cast %swap3A_780 : vector<1x16xf32> to vector<16xf32>
        %swap3A_782 = vector.shape_cast %mul3A_777 : vector<16xf32> to vector<1x16xf32>
        tpu.vector_store %arg11[%swap3A_778, %swap3A_779], %swap3A_782 {strides = array<i32>} : memref<128x128xf32, #tpu.memory_space<vmem>>, vector<1x16xf32>,
        %get3A_783 = arith.index_cast %add3A_722 : i32 to index
        %get3A_784 = arith.constant 96 : index
        %get3A_785 = tpu.vector_load %arg11[%get3A_783, %get3A_784] {strides = array<i32>} : memref<128x128xf32, #tpu.memory_space<vmem>>, vector<1x16xf32>,
        %get3A_786 = vector.shape_cast %get3A_785 : vector<1x16xf32> to vector<16xf32>
        %mul3A_787 = arith.mulf %get3A_786, %gather3A_718 : vector<16xf32>
        %swap3A_788 = arith.index_cast %add3A_722 : i32 to index
        %swap3A_789 = arith.constant 96 : index
        %swap3A_790 = tpu.vector_load %arg11[%swap3A_788, %swap3A_789] {strides = array<i32>} : memref<128x128xf32, #tpu.memory_space<vmem>>, vector<1x16xf32>,
        %swap3A_791 = vector.shape_cast %swap3A_790 : vector<1x16xf32> to vector<16xf32>
        %swap3A_792 = vector.shape_cast %mul3A_787 : vector<16xf32> to vector<1x16xf32>
        tpu.vector_store %arg11[%swap3A_788, %swap3A_789], %swap3A_792 {strides = array<i32>} : memref<128x128xf32, #tpu.memory_space<vmem>>, vector<1x16xf32>,
        %get3A_793 = arith.index_cast %add3A_722 : i32 to index
        %get3A_794 = arith.constant 112 : index
        %get3A_795 = tpu.vector_load %arg11[%get3A_793, %get3A_794] {strides = array<i32>} : memref<128x128xf32, #tpu.memory_space<vmem>>, vector<1x16xf32>,
        %get3A_796 = vector.shape_cast %get3A_795 : vector<1x16xf32> to vector<16xf32>
        %mul3A_797 = arith.mulf %get3A_796, %gather3A_718 : vector<16xf32>
        %swap3A_798 = arith.index_cast %add3A_722 : i32 to index
        %swap3A_799 = arith.constant 112 : index
        %swap3A_800 = tpu.vector_load %arg11[%swap3A_798, %swap3A_799] {strides = array<i32>} : memref<128x128xf32, #tpu.memory_space<vmem>>, vector<1x16xf32>,
        %swap3A_801 = vector.shape_cast %swap3A_800 : vector<1x16xf32> to vector<16xf32>
        %swap3A_802 = vector.shape_cast %mul3A_797 : vector<16xf32> to vector<1x16xf32>
        tpu.vector_store %arg11[%swap3A_798, %swap3A_799], %swap3A_802 {strides = array<i32>} : memref<128x128xf32, #tpu.memory_space<vmem>>, vector<1x16xf32>,
        %broadcast_in_dim3A_803 = arith.constant 7 : i32
        %broadcast_in_dim3A_804 = vector.broadcast %broadcast_in_dim3A_803 : i32 to vector<16x1xi32>
        %gather3A_805 = vector.shape_cast %broadcast_in_dim3A_804 : vector<16x1xi32> to vector<16xi32>
        %gather3A_806 = tpu.dynamic_gather %get3A_188[%gather3A_805] in [0] : vector<16xf32>, vector<16xi32> -> vector<16xf32>
        %mul3A_807 = arith.constant 16 : i32
        %mul3A_808 = arith.muli %scan3A_183, %mul3A_807 : i32
        %add3A_809 = arith.constant 7 : i32
        %add3A_810 = arith.addi %mul3A_808, %add3A_809 : i32
        %get3A_811 = arith.index_cast %add3A_810 : i32 to index
        %get3A_812 = arith.constant 0 : index
        %get3A_813 = tpu.vector_load %arg11[%get3A_811, %get3A_812] {strides = array<i32>} : memref<128x128xf32, #tpu.memory_space<vmem>>, vector<1x16xf32>,
        %get3A_814 = vector.shape_cast %get3A_813 : vector<1x16xf32> to vector<16xf32>
        %mul3A_815 = arith.mulf %get3A_814, %gather3A_806 : vector<16xf32>
        %swap3A_816 = arith.index_cast %add3A_810 : i32 to index
        %swap3A_817 = arith.constant 0 : index
        %swap3A_818 = tpu.vector_load %arg11[%swap3A_816, %swap3A_817] {strides = array<i32>} : memref<128x128xf32, #tpu.memory_space<vmem>>, vector<1x16xf32>,
        %swap3A_819 = vector.shape_cast %swap3A_818 : vector<1x16xf32> to vector<16xf32>
        %swap3A_820 = vector.shape_cast %mul3A_815 : vector<16xf32> to vector<1x16xf32>
        tpu.vector_store %arg11[%swap3A_816, %swap3A_817], %swap3A_820 {strides = array<i32>} : memref<128x128xf32, #tpu.memory_space<vmem>>, vector<1x16xf32>,
        %get3A_821 = arith.index_cast %add3A_810 : i32 to index
        %get3A_822 = arith.constant 16 : index
        %get3A_823 = tpu.vector_load %arg11[%get3A_821, %get3A_822] {strides = array<i32>} : memref<128x128xf32, #tpu.memory_space<vmem>>, vector<1x16xf32>,
        %get3A_824 = vector.shape_cast %get3A_823 : vector<1x16xf32> to vector<16xf32>
        %mul3A_825 = arith.mulf %get3A_824, %gather3A_806 : vector<16xf32>
        %swap3A_826 = arith.index_cast %add3A_810 : i32 to index
        %swap3A_827 = arith.constant 16 : index
        %swap3A_828 = tpu.vector_load %arg11[%swap3A_826, %swap3A_827] {strides = array<i32>} : memref<128x128xf32, #tpu.memory_space<vmem>>, vector<1x16xf32>,
        %swap3A_829 = vector.shape_cast %swap3A_828 : vector<1x16xf32> to vector<16xf32>
        %swap3A_830 = vector.shape_cast %mul3A_825 : vector<16xf32> to vector<1x16xf32>
        tpu.vector_store %arg11[%swap3A_826, %swap3A_827], %swap3A_830 {strides = array<i32>} : memref<128x128xf32, #tpu.memory_space<vmem>>, vector<1x16xf32>,
        %get3A_831 = arith.index_cast %add3A_810 : i32 to index
        %get3A_832 = arith.constant 32 : index
        %get3A_833 = tpu.vector_load %arg11[%get3A_831, %get3A_832] {strides = array<i32>} : memref<128x128xf32, #tpu.memory_space<vmem>>, vector<1x16xf32>,
        %get3A_834 = vector.shape_cast %get3A_833 : vector<1x16xf32> to vector<16xf32>
        %mul3A_835 = arith.mulf %get3A_834, %gather3A_806 : vector<16xf32>
        %swap3A_836 = arith.index_cast %add3A_810 : i32 to index
        %swap3A_837 = arith.constant 32 : index
        %swap3A_838 = tpu.vector_load %arg11[%swap3A_836, %swap3A_837] {strides = array<i32>} : memref<128x128xf32, #tpu.memory_space<vmem>>, vector<1x16xf32>,
        %swap3A_839 = vector.shape_cast %swap3A_838 : vector<1x16xf32> to vector<16xf32>
        %swap3A_840 = vector.shape_cast %mul3A_835 : vector<16xf32> to vector<1x16xf32>
        tpu.vector_store %arg11[%swap3A_836, %swap3A_837], %swap3A_840 {strides = array<i32>} : memref<128x128xf32, #tpu.memory_space<vmem>>, vector<1x16xf32>,
        %get3A_841 = arith.index_cast %add3A_810 : i32 to index
        %get3A_842 = arith.constant 48 : index
        %get3A_843 = tpu.vector_load %arg11[%get3A_841, %get3A_842] {strides = array<i32>} : memref<128x128xf32, #tpu.memory_space<vmem>>, vector<1x16xf32>,
        %get3A_844 = vector.shape_cast %get3A_843 : vector<1x16xf32> to vector<16xf32>
        %mul3A_845 = arith.mulf %get3A_844, %gather3A_806 : vector<16xf32>
        %swap3A_846 = arith.index_cast %add3A_810 : i32 to index
        %swap3A_847 = arith.constant 48 : index
        %swap3A_848 = tpu.vector_load %arg11[%swap3A_846, %swap3A_847] {strides = array<i32>} : memref<128x128xf32, #tpu.memory_space<vmem>>, vector<1x16xf32>,
        %swap3A_849 = vector.shape_cast %swap3A_848 : vector<1x16xf32> to vector<16xf32>
        %swap3A_850 = vector.shape_cast %mul3A_845 : vector<16xf32> to vector<1x16xf32>
        tpu.vector_store %arg11[%swap3A_846, %swap3A_847], %swap3A_850 {strides = array<i32>} : memref<128x128xf32, #tpu.memory_space<vmem>>, vector<1x16xf32>,
        %get3A_851 = arith.index_cast %add3A_810 : i32 to index
        %get3A_852 = arith.constant 64 : index
        %get3A_853 = tpu.vector_load %arg11[%get3A_851, %get3A_852] {strides = array<i32>} : memref<128x128xf32, #tpu.memory_space<vmem>>, vector<1x16xf32>,
        %get3A_854 = vector.shape_cast %get3A_853 : vector<1x16xf32> to vector<16xf32>
        %mul3A_855 = arith.mulf %get3A_854, %gather3A_806 : vector<16xf32>
        %swap3A_856 = arith.index_cast %add3A_810 : i32 to index
        %swap3A_857 = arith.constant 64 : index
        %swap3A_858 = tpu.vector_load %arg11[%swap3A_856, %swap3A_857] {strides = array<i32>} : memref<128x128xf32, #tpu.memory_space<vmem>>, vector<1x16xf32>,
        %swap3A_859 = vector.shape_cast %swap3A_858 : vector<1x16xf32> to vector<16xf32>
        %swap3A_860 = vector.shape_cast %mul3A_855 : vector<16xf32> to vector<1x16xf32>
        tpu.vector_store %arg11[%swap3A_856, %swap3A_857], %swap3A_860 {strides = array<i32>} : memref<128x128xf32, #tpu.memory_space<vmem>>, vector<1x16xf32>,
        %get3A_861 = arith.index_cast %add3A_810 : i32 to index
        %get3A_862 = arith.constant 80 : index
        %get3A_863 = tpu.vector_load %arg11[%get3A_861, %get3A_862] {strides = array<i32>} : memref<128x128xf32, #tpu.memory_space<vmem>>, vector<1x16xf32>,
        %get3A_864 = vector.shape_cast %get3A_863 : vector<1x16xf32> to vector<16xf32>
        %mul3A_865 = arith.mulf %get3A_864, %gather3A_806 : vector<16xf32>
        %swap3A_866 = arith.index_cast %add3A_810 : i32 to index
        %swap3A_867 = arith.constant 80 : index
        %swap3A_868 = tpu.vector_load %arg11[%swap3A_866, %swap3A_867] {strides = array<i32>} : memref<128x128xf32, #tpu.memory_space<vmem>>, vector<1x16xf32>,
        %swap3A_869 = vector.shape_cast %swap3A_868 : vector<1x16xf32> to vector<16xf32>
        %swap3A_870 = vector.shape_cast %mul3A_865 : vector<16xf32> to vector<1x16xf32>
        tpu.vector_store %arg11[%swap3A_866, %swap3A_867], %swap3A_870 {strides = array<i32>} : memref<128x128xf32, #tpu.memory_space<vmem>>, vector<1x16xf32>,
        %get3A_871 = arith.index_cast %add3A_810 : i32 to index
        %get3A_872 = arith.constant 96 : index
        %get3A_873 = tpu.vector_load %arg11[%get3A_871, %get3A_872] {strides = array<i32>} : memref<128x128xf32, #tpu.memory_space<vmem>>, vector<1x16xf32>,
        %get3A_874 = vector.shape_cast %get3A_873 : vector<1x16xf32> to vector<16xf32>
        %mul3A_875 = arith.mulf %get3A_874, %gather3A_806 : vector<16xf32>
        %swap3A_876 = arith.index_cast %add3A_810 : i32 to index
        %swap3A_877 = arith.constant 96 : index
        %swap3A_878 = tpu.vector_load %arg11[%swap3A_876, %swap3A_877] {strides = array<i32>} : memref<128x128xf32, #tpu.memory_space<vmem>>, vector<1x16xf32>,
        %swap3A_879 = vector.shape_cast %swap3A_878 : vector<1x16xf32> to vector<16xf32>
        %swap3A_880 = vector.shape_cast %mul3A_875 : vector<16xf32> to vector<1x16xf32>
        tpu.vector_store %arg11[%swap3A_876, %swap3A_877], %swap3A_880 {strides = array<i32>} : memref<128x128xf32, #tpu.memory_space<vmem>>, vector<1x16xf32>,
        %get3A_881 = arith.index_cast %add3A_810 : i32 to index
        %get3A_882 = arith.constant 112 : index
        %get3A_883 = tpu.vector_load %arg11[%get3A_881, %get3A_882] {strides = array<i32>} : memref<128x128xf32, #tpu.memory_space<vmem>>, vector<1x16xf32>,
        %get3A_884 = vector.shape_cast %get3A_883 : vector<1x16xf32> to vector<16xf32>
        %mul3A_885 = arith.mulf %get3A_884, %gather3A_806 : vector<16xf32>
        %swap3A_886 = arith.index_cast %add3A_810 : i32 to index
        %swap3A_887 = arith.constant 112 : index
        %swap3A_888 = tpu.vector_load %arg11[%swap3A_886, %swap3A_887] {strides = array<i32>} : memref<128x128xf32, #tpu.memory_space<vmem>>, vector<1x16xf32>,
        %swap3A_889 = vector.shape_cast %swap3A_888 : vector<1x16xf32> to vector<16xf32>
        %swap3A_890 = vector.shape_cast %mul3A_885 : vector<16xf32> to vector<1x16xf32>
        tpu.vector_store %arg11[%swap3A_886, %swap3A_887], %swap3A_890 {strides = array<i32>} : memref<128x128xf32, #tpu.memory_space<vmem>>, vector<1x16xf32>,
        %broadcast_in_dim3A_891 = arith.constant 8 : i32
        %broadcast_in_dim3A_892 = vector.broadcast %broadcast_in_dim3A_891 : i32 to vector<16x1xi32>
        %gather3A_893 = vector.shape_cast %broadcast_in_dim3A_892 : vector<16x1xi32> to vector<16xi32>
        %gather3A_894 = tpu.dynamic_gather %get3A_188[%gather3A_893] in [0] : vector<16xf32>, vector<16xi32> -> vector<16xf32>
        %mul3A_895 = arith.constant 16 : i32
        %mul3A_896 = arith.muli %scan3A_183, %mul3A_895 : i32
        %add3A_897 = arith.constant 8 : i32
        %add3A_898 = arith.addi %mul3A_896, %add3A_897 : i32
        %get3A_899 = arith.index_cast %add3A_898 : i32 to index
        %get3A_900 = arith.constant 0 : index
        %get3A_901 = tpu.vector_load %arg11[%get3A_899, %get3A_900] {strides = array<i32>} : memref<128x128xf32, #tpu.memory_space<vmem>>, vector<1x16xf32>,
        %get3A_902 = vector.shape_cast %get3A_901 : vector<1x16xf32> to vector<16xf32>
        %mul3A_903 = arith.mulf %get3A_902, %gather3A_894 : vector<16xf32>
        %swap3A_904 = arith.index_cast %add3A_898 : i32 to index
        %swap3A_905 = arith.constant 0 : index
        %swap3A_906 = tpu.vector_load %arg11[%swap3A_904, %swap3A_905] {strides = array<i32>} : memref<128x128xf32, #tpu.memory_space<vmem>>, vector<1x16xf32>,
        %swap3A_907 = vector.shape_cast %swap3A_906 : vector<1x16xf32> to vector<16xf32>
        %swap3A_908 = vector.shape_cast %mul3A_903 : vector<16xf32> to vector<1x16xf32>
        tpu.vector_store %arg11[%swap3A_904, %swap3A_905], %swap3A_908 {strides = array<i32>} : memref<128x128xf32, #tpu.memory_space<vmem>>, vector<1x16xf32>,
        %get3A_909 = arith.index_cast %add3A_898 : i32 to index
        %get3A_910 = arith.constant 16 : index
        %get3A_911 = tpu.vector_load %arg11[%get3A_909, %get3A_910] {strides = array<i32>} : memref<128x128xf32, #tpu.memory_space<vmem>>, vector<1x16xf32>,
        %get3A_912 = vector.shape_cast %get3A_911 : vector<1x16xf32> to vector<16xf32>
        %mul3A_913 = arith.mulf %get3A_912, %gather3A_894 : vector<16xf32>
        %swap3A_914 = arith.index_cast %add3A_898 : i32 to index
        %swap3A_915 = arith.constant 16 : index
        %swap3A_916 = tpu.vector_load %arg11[%swap3A_914, %swap3A_915] {strides = array<i32>} : memref<128x128xf32, #tpu.memory_space<vmem>>, vector<1x16xf32>,
        %swap3A_917 = vector.shape_cast %swap3A_916 : vector<1x16xf32> to vector<16xf32>
        %swap3A_918 = vector.shape_cast %mul3A_913 : vector<16xf32> to vector<1x16xf32>
        tpu.vector_store %arg11[%swap3A_914, %swap3A_915], %swap3A_918 {strides = array<i32>} : memref<128x128xf32, #tpu.memory_space<vmem>>, vector<1x16xf32>,
        %get3A_919 = arith.index_cast %add3A_898 : i32 to index
        %get3A_920 = arith.constant 32 : index
        %get3A_921 = tpu.vector_load %arg11[%get3A_919, %get3A_920] {strides = array<i32>} : memref<128x128xf32, #tpu.memory_space<vmem>>, vector<1x16xf32>,
        %get3A_922 = vector.shape_cast %get3A_921 : vector<1x16xf32> to vector<16xf32>
        %mul3A_923 = arith.mulf %get3A_922, %gather3A_894 : vector<16xf32>
        %swap3A_924 = arith.index_cast %add3A_898 : i32 to index
        %swap3A_925 = arith.constant 32 : index
        %swap3A_926 = tpu.vector_load %arg11[%swap3A_924, %swap3A_925] {strides = array<i32>} : memref<128x128xf32, #tpu.memory_space<vmem>>, vector<1x16xf32>,
        %swap3A_927 = vector.shape_cast %swap3A_926 : vector<1x16xf32> to vector<16xf32>
        %swap3A_928 = vector.shape_cast %mul3A_923 : vector<16xf32> to vector<1x16xf32>
        tpu.vector_store %arg11[%swap3A_924, %swap3A_925], %swap3A_928 {strides = array<i32>} : memref<128x128xf32, #tpu.memory_space<vmem>>, vector<1x16xf32>,
        %get3A_929 = arith.index_cast %add3A_898 : i32 to index
        %get3A_930 = arith.constant 48 : index
        %get3A_931 = tpu.vector_load %arg11[%get3A_929, %get3A_930] {strides = array<i32>} : memref<128x128xf32, #tpu.memory_space<vmem>>, vector<1x16xf32>,
        %get3A_932 = vector.shape_cast %get3A_931 : vector<1x16xf32> to vector<16xf32>
        %mul3A_933 = arith.mulf %get3A_932, %gather3A_894 : vector<16xf32>
        %swap3A_934 = arith.index_cast %add3A_898 : i32 to index
        %swap3A_935 = arith.constant 48 : index
        %swap3A_936 = tpu.vector_load %arg11[%swap3A_934, %swap3A_935] {strides = array<i32>} : memref<128x128xf32, #tpu.memory_space<vmem>>, vector<1x16xf32>,
        %swap3A_937 = vector.shape_cast %swap3A_936 : vector<1x16xf32> to vector<16xf32>
        %swap3A_938 = vector.shape_cast %mul3A_933 : vector<16xf32> to vector<1x16xf32>
        tpu.vector_store %arg11[%swap3A_934, %swap3A_935], %swap3A_938 {strides = array<i32>} : memref<128x128xf32, #tpu.memory_space<vmem>>, vector<1x16xf32>,
        %get3A_939 = arith.index_cast %add3A_898 : i32 to index
        %get3A_940 = arith.constant 64 : index
        %get3A_941 = tpu.vector_load %arg11[%get3A_939, %get3A_940] {strides = array<i32>} : memref<128x128xf32, #tpu.memory_space<vmem>>, vector<1x16xf32>,
        %get3A_942 = vector.shape_cast %get3A_941 : vector<1x16xf32> to vector<16xf32>
        %mul3A_943 = arith.mulf %get3A_942, %gather3A_894 : vector<16xf32>
        %swap3A_944 = arith.index_cast %add3A_898 : i32 to index
        %swap3A_945 = arith.constant 64 : index
        %swap3A_946 = tpu.vector_load %arg11[%swap3A_944, %swap3A_945] {strides = array<i32>} : memref<128x128xf32, #tpu.memory_space<vmem>>, vector<1x16xf32>,
        %swap3A_947 = vector.shape_cast %swap3A_946 : vector<1x16xf32> to vector<16xf32>
        %swap3A_948 = vector.shape_cast %mul3A_943 : vector<16xf32> to vector<1x16xf32>
        tpu.vector_store %arg11[%swap3A_944, %swap3A_945], %swap3A_948 {strides = array<i32>} : memref<128x128xf32, #tpu.memory_space<vmem>>, vector<1x16xf32>,
        %get3A_949 = arith.index_cast %add3A_898 : i32 to index
        %get3A_950 = arith.constant 80 : index
        %get3A_951 = tpu.vector_load %arg11[%get3A_949, %get3A_950] {strides = array<i32>} : memref<128x128xf32, #tpu.memory_space<vmem>>, vector<1x16xf32>,
        %get3A_952 = vector.shape_cast %get3A_951 : vector<1x16xf32> to vector<16xf32>
        %mul3A_953 = arith.mulf %get3A_952, %gather3A_894 : vector<16xf32>
        %swap3A_954 = arith.index_cast %add3A_898 : i32 to index
        %swap3A_955 = arith.constant 80 : index
        %swap3A_956 = tpu.vector_load %arg11[%swap3A_954, %swap3A_955] {strides = array<i32>} : memref<128x128xf32, #tpu.memory_space<vmem>>, vector<1x16xf32>,
        %swap3A_957 = vector.shape_cast %swap3A_956 : vector<1x16xf32> to vector<16xf32>
        %swap3A_958 = vector.shape_cast %mul3A_953 : vector<16xf32> to vector<1x16xf32>
        tpu.vector_store %arg11[%swap3A_954, %swap3A_955], %swap3A_958 {strides = array<i32>} : memref<128x128xf32, #tpu.memory_space<vmem>>, vector<1x16xf32>,
        %get3A_959 = arith.index_cast %add3A_898 : i32 to index
        %get3A_960 = arith.constant 96 : index
        %get3A_961 = tpu.vector_load %arg11[%get3A_959, %get3A_960] {strides = array<i32>} : memref<128x128xf32, #tpu.memory_space<vmem>>, vector<1x16xf32>,
        %get3A_962 = vector.shape_cast %get3A_961 : vector<1x16xf32> to vector<16xf32>
        %mul3A_963 = arith.mulf %get3A_962, %gather3A_894 : vector<16xf32>
        %swap3A_964 = arith.index_cast %add3A_898 : i32 to index
        %swap3A_965 = arith.constant 96 : index
        %swap3A_966 = tpu.vector_load %arg11[%swap3A_964, %swap3A_965] {strides = array<i32>} : memref<128x128xf32, #tpu.memory_space<vmem>>, vector<1x16xf32>,
        %swap3A_967 = vector.shape_cast %swap3A_966 : vector<1x16xf32> to vector<16xf32>
        %swap3A_968 = vector.shape_cast %mul3A_963 : vector<16xf32> to vector<1x16xf32>
        tpu.vector_store %arg11[%swap3A_964, %swap3A_965], %swap3A_968 {strides = array<i32>} : memref<128x128xf32, #tpu.memory_space<vmem>>, vector<1x16xf32>,
        %get3A_969 = arith.index_cast %add3A_898 : i32 to index
        %get3A_970 = arith.constant 112 : index
        %get3A_971 = tpu.vector_load %arg11[%get3A_969, %get3A_970] {strides = array<i32>} : memref<128x128xf32, #tpu.memory_space<vmem>>, vector<1x16xf32>,
        %get3A_972 = vector.shape_cast %get3A_971 : vector<1x16xf32> to vector<16xf32>
        %mul3A_973 = arith.mulf %get3A_972, %gather3A_894 : vector<16xf32>
        %swap3A_974 = arith.index_cast %add3A_898 : i32 to index
        %swap3A_975 = arith.constant 112 : index
        %swap3A_976 = tpu.vector_load %arg11[%swap3A_974, %swap3A_975] {strides = array<i32>} : memref<128x128xf32, #tpu.memory_space<vmem>>, vector<1x16xf32>,
        %swap3A_977 = vector.shape_cast %swap3A_976 : vector<1x16xf32> to vector<16xf32>
        %swap3A_978 = vector.shape_cast %mul3A_973 : vector<16xf32> to vector<1x16xf32>
        tpu.vector_store %arg11[%swap3A_974, %swap3A_975], %swap3A_978 {strides = array<i32>} : memref<128x128xf32, #tpu.memory_space<vmem>>, vector<1x16xf32>,
        %broadcast_in_dim3A_979 = arith.constant 9 : i32
        %broadcast_in_dim3A_980 = vector.broadcast %broadcast_in_dim3A_979 : i32 to vector<16x1xi32>
        %gather3A_981 = vector.shape_cast %broadcast_in_dim3A_980 : vector<16x1xi32> to vector<16xi32>
        %gather3A_982 = tpu.dynamic_gather %get3A_188[%gather3A_981] in [0] : vector<16xf32>, vector<16xi32> -> vector<16xf32>
        %mul3A_983 = arith.constant 16 : i32
        %mul3A_984 = arith.muli %scan3A_183, %mul3A_983 : i32
        %add3A_985 = arith.constant 9 : i32
        %add3A_986 = arith.addi %mul3A_984, %add3A_985 : i32
        %get3A_987 = arith.index_cast %add3A_986 : i32 to index
        %get3A_988 = arith.constant 0 : index
        %get3A_989 = tpu.vector_load %arg11[%get3A_987, %get3A_988] {strides = array<i32>} : memref<128x128xf32, #tpu.memory_space<vmem>>, vector<1x16xf32>,
        %get3A_990 = vector.shape_cast %get3A_989 : vector<1x16xf32> to vector<16xf32>
        %mul3A_991 = arith.mulf %get3A_990, %gather3A_982 : vector<16xf32>
        %swap3A_992 = arith.index_cast %add3A_986 : i32 to index
        %swap3A_993 = arith.constant 0 : index
        %swap3A_994 = tpu.vector_load %arg11[%swap3A_992, %swap3A_993] {strides = array<i32>} : memref<128x128xf32, #tpu.memory_space<vmem>>, vector<1x16xf32>,
        %swap3A_995 = vector.shape_cast %swap3A_994 : vector<1x16xf32> to vector<16xf32>
        %swap3A_996 = vector.shape_cast %mul3A_991 : vector<16xf32> to vector<1x16xf32>
        tpu.vector_store %arg11[%swap3A_992, %swap3A_993], %swap3A_996 {strides = array<i32>} : memref<128x128xf32, #tpu.memory_space<vmem>>, vector<1x16xf32>,
        %get3A_997 = arith.index_cast %add3A_986 : i32 to index
        %get3A_998 = arith.constant 16 : index
        %get3A_999 = tpu.vector_load %arg11[%get3A_997, %get3A_998] {strides = array<i32>} : memref<128x128xf32, #tpu.memory_space<vmem>>, vector<1x16xf32>,
        %get3A_1000 = vector.shape_cast %get3A_999 : vector<1x16xf32> to vector<16xf32>
        %mul3A_1001 = arith.mulf %get3A_1000, %gather3A_982 : vector<16xf32>
        %swap3A_1002 = arith.index_cast %add3A_986 : i32 to index
        %swap3A_1003 = arith.constant 16 : index
        %swap3A_1004 = tpu.vector_load %arg11[%swap3A_1002, %swap3A_1003] {strides = array<i32>} : memref<128x128xf32, #tpu.memory_space<vmem>>, vector<1x16xf32>,
        %swap3A_1005 = vector.shape_cast %swap3A_1004 : vector<1x16xf32> to vector<16xf32>
        %swap3A_1006 = vector.shape_cast %mul3A_1001 : vector<16xf32> to vector<1x16xf32>
        tpu.vector_store %arg11[%swap3A_1002, %swap3A_1003], %swap3A_1006 {strides = array<i32>} : memref<128x128xf32, #tpu.memory_space<vmem>>, vector<1x16xf32>,
        %get3A_1007 = arith.index_cast %add3A_986 : i32 to index
        %get3A_1008 = arith.constant 32 : index
        %get3A_1009 = tpu.vector_load %arg11[%get3A_1007, %get3A_1008] {strides = array<i32>} : memref<128x128xf32, #tpu.memory_space<vmem>>, vector<1x16xf32>,
        %get3A_1010 = vector.shape_cast %get3A_1009 : vector<1x16xf32> to vector<16xf32>
        %mul3A_1011 = arith.mulf %get3A_1010, %gather3A_982 : vector<16xf32>
        %swap3A_1012 = arith.index_cast %add3A_986 : i32 to index
        %swap3A_1013 = arith.constant 32 : index
        %swap3A_1014 = tpu.vector_load %arg11[%swap3A_1012, %swap3A_1013] {strides = array<i32>} : memref<128x128xf32, #tpu.memory_space<vmem>>, vector<1x16xf32>,
        %swap3A_1015 = vector.shape_cast %swap3A_1014 : vector<1x16xf32> to vector<16xf32>
        %swap3A_1016 = vector.shape_cast %mul3A_1011 : vector<16xf32> to vector<1x16xf32>
        tpu.vector_store %arg11[%swap3A_1012, %swap3A_1013], %swap3A_1016 {strides = array<i32>} : memref<128x128xf32, #tpu.memory_space<vmem>>, vector<1x16xf32>,
        %get3A_1017 = arith.index_cast %add3A_986 : i32 to index
        %get3A_1018 = arith.constant 48 : index
        %get3A_1019 = tpu.vector_load %arg11[%get3A_1017, %get3A_1018] {strides = array<i32>} : memref<128x128xf32, #tpu.memory_space<vmem>>, vector<1x16xf32>,
        %get3A_1020 = vector.shape_cast %get3A_1019 : vector<1x16xf32> to vector<16xf32>
        %mul3A_1021 = arith.mulf %get3A_1020, %gather3A_982 : vector<16xf32>
        %swap3A_1022 = arith.index_cast %add3A_986 : i32 to index
        %swap3A_1023 = arith.constant 48 : index
        %swap3A_1024 = tpu.vector_load %arg11[%swap3A_1022, %swap3A_1023] {strides = array<i32>} : memref<128x128xf32, #tpu.memory_space<vmem>>, vector<1x16xf32>,
        %swap3A_1025 = vector.shape_cast %swap3A_1024 : vector<1x16xf32> to vector<16xf32>
        %swap3A_1026 = vector.shape_cast %mul3A_1021 : vector<16xf32> to vector<1x16xf32>
        tpu.vector_store %arg11[%swap3A_1022, %swap3A_1023], %swap3A_1026 {strides = array<i32>} : memref<128x128xf32, #tpu.memory_space<vmem>>, vector<1x16xf32>,
        %get3A_1027 = arith.index_cast %add3A_986 : i32 to index
        %get3A_1028 = arith.constant 64 : index
        %get3A_1029 = tpu.vector_load %arg11[%get3A_1027, %get3A_1028] {strides = array<i32>} : memref<128x128xf32, #tpu.memory_space<vmem>>, vector<1x16xf32>,
        %get3A_1030 = vector.shape_cast %get3A_1029 : vector<1x16xf32> to vector<16xf32>
        %mul3A_1031 = arith.mulf %get3A_1030, %gather3A_982 : vector<16xf32>
        %swap3A_1032 = arith.index_cast %add3A_986 : i32 to index
        %swap3A_1033 = arith.constant 64 : index
        %swap3A_1034 = tpu.vector_load %arg11[%swap3A_1032, %swap3A_1033] {strides = array<i32>} : memref<128x128xf32, #tpu.memory_space<vmem>>, vector<1x16xf32>,
        %swap3A_1035 = vector.shape_cast %swap3A_1034 : vector<1x16xf32> to vector<16xf32>
        %swap3A_1036 = vector.shape_cast %mul3A_1031 : vector<16xf32> to vector<1x16xf32>
        tpu.vector_store %arg11[%swap3A_1032, %swap3A_1033], %swap3A_1036 {strides = array<i32>} : memref<128x128xf32, #tpu.memory_space<vmem>>, vector<1x16xf32>,
        %get3A_1037 = arith.index_cast %add3A_986 : i32 to index
        %get3A_1038 = arith.constant 80 : index
        %get3A_1039 = tpu.vector_load %arg11[%get3A_1037, %get3A_1038] {strides = array<i32>} : memref<128x128xf32, #tpu.memory_space<vmem>>, vector<1x16xf32>,
        %get3A_1040 = vector.shape_cast %get3A_1039 : vector<1x16xf32> to vector<16xf32>
        %mul3A_1041 = arith.mulf %get3A_1040, %gather3A_982 : vector<16xf32>
        %swap3A_1042 = arith.index_cast %add3A_986 : i32 to index
        %swap3A_1043 = arith.constant 80 : index
        %swap3A_1044 = tpu.vector_load %arg11[%swap3A_1042, %swap3A_1043] {strides = array<i32>} : memref<128x128xf32, #tpu.memory_space<vmem>>, vector<1x16xf32>,
        %swap3A_1045 = vector.shape_cast %swap3A_1044 : vector<1x16xf32> to vector<16xf32>
        %swap3A_1046 = vector.shape_cast %mul3A_1041 : vector<16xf32> to vector<1x16xf32>
        tpu.vector_store %arg11[%swap3A_1042, %swap3A_1043], %swap3A_1046 {strides = array<i32>} : memref<128x128xf32, #tpu.memory_space<vmem>>, vector<1x16xf32>,
        %get3A_1047 = arith.index_cast %add3A_986 : i32 to index
        %get3A_1048 = arith.constant 96 : index
        %get3A_1049 = tpu.vector_load %arg11[%get3A_1047, %get3A_1048] {strides = array<i32>} : memref<128x128xf32, #tpu.memory_space<vmem>>, vector<1x16xf32>,
        %get3A_1050 = vector.shape_cast %get3A_1049 : vector<1x16xf32> to vector<16xf32>
        %mul3A_1051 = arith.mulf %get3A_1050, %gather3A_982 : vector<16xf32>
        %swap3A_1052 = arith.index_cast %add3A_986 : i32 to index
        %swap3A_1053 = arith.constant 96 : index
        %swap3A_1054 = tpu.vector_load %arg11[%swap3A_1052, %swap3A_1053] {strides = array<i32>} : memref<128x128xf32, #tpu.memory_space<vmem>>, vector<1x16xf32>,
        %swap3A_1055 = vector.shape_cast %swap3A_1054 : vector<1x16xf32> to vector<16xf32>
        %swap3A_1056 = vector.shape_cast %mul3A_1051 : vector<16xf32> to vector<1x16xf32>
        tpu.vector_store %arg11[%swap3A_1052, %swap3A_1053], %swap3A_1056 {strides = array<i32>} : memref<128x128xf32, #tpu.memory_space<vmem>>, vector<1x16xf32>,
        %get3A_1057 = arith.index_cast %add3A_986 : i32 to index
        %get3A_1058 = arith.constant 112 : index
        %get3A_1059 = tpu.vector_load %arg11[%get3A_1057, %get3A_1058] {strides = array<i32>} : memref<128x128xf32, #tpu.memory_space<vmem>>, vector<1x16xf32>,
        %get3A_1060 = vector.shape_cast %get3A_1059 : vector<1x16xf32> to vector<16xf32>
        %mul3A_1061 = arith.mulf %get3A_1060, %gather3A_982 : vector<16xf32>
        %swap3A_1062 = arith.index_cast %add3A_986 : i32 to index
        %swap3A_1063 = arith.constant 112 : index
        %swap3A_1064 = tpu.vector_load %arg11[%swap3A_1062, %swap3A_1063] {strides = array<i32>} : memref<128x128xf32, #tpu.memory_space<vmem>>, vector<1x16xf32>,
        %swap3A_1065 = vector.shape_cast %swap3A_1064 : vector<1x16xf32> to vector<16xf32>
        %swap3A_1066 = vector.shape_cast %mul3A_1061 : vector<16xf32> to vector<1x16xf32>
        tpu.vector_store %arg11[%swap3A_1062, %swap3A_1063], %swap3A_1066 {strides = array<i32>} : memref<128x128xf32, #tpu.memory_space<vmem>>, vector<1x16xf32>,
        %broadcast_in_dim3A_1067 = arith.constant 10 : i32
        %broadcast_in_dim3A_1068 = vector.broadcast %broadcast_in_dim3A_1067 : i32 to vector<16x1xi32>
        %gather3A_1069 = vector.shape_cast %broadcast_in_dim3A_1068 : vector<16x1xi32> to vector<16xi32>
        %gather3A_1070 = tpu.dynamic_gather %get3A_188[%gather3A_1069] in [0] : vector<16xf32>, vector<16xi32> -> vector<16xf32>
        %mul3A_1071 = arith.constant 16 : i32
        %mul3A_1072 = arith.muli %scan3A_183, %mul3A_1071 : i32
        %add3A_1073 = arith.constant 10 : i32
        %add3A_1074 = arith.addi %mul3A_1072, %add3A_1073 : i32
        %get3A_1075 = arith.index_cast %add3A_1074 : i32 to index
        %get3A_1076 = arith.constant 0 : index
        %get3A_1077 = tpu.vector_load %arg11[%get3A_1075, %get3A_1076] {strides = array<i32>} : memref<128x128xf32, #tpu.memory_space<vmem>>, vector<1x16xf32>,
        %get3A_1078 = vector.shape_cast %get3A_1077 : vector<1x16xf32> to vector<16xf32>
        %mul3A_1079 = arith.mulf %get3A_1078, %gather3A_1070 : vector<16xf32>
        %swap3A_1080 = arith.index_cast %add3A_1074 : i32 to index
        %swap3A_1081 = arith.constant 0 : index
        %swap3A_1082 = tpu.vector_load %arg11[%swap3A_1080, %swap3A_1081] {strides = array<i32>} : memref<128x128xf32, #tpu.memory_space<vmem>>, vector<1x16xf32>,
        %swap3A_1083 = vector.shape_cast %swap3A_1082 : vector<1x16xf32> to vector<16xf32>
        %swap3A_1084 = vector.shape_cast %mul3A_1079 : vector<16xf32> to vector<1x16xf32>
        tpu.vector_store %arg11[%swap3A_1080, %swap3A_1081], %swap3A_1084 {strides = array<i32>} : memref<128x128xf32, #tpu.memory_space<vmem>>, vector<1x16xf32>,
        %get3A_1085 = arith.index_cast %add3A_1074 : i32 to index
        %get3A_1086 = arith.constant 16 : index
        %get3A_1087 = tpu.vector_load %arg11[%get3A_1085, %get3A_1086] {strides = array<i32>} : memref<128x128xf32, #tpu.memory_space<vmem>>, vector<1x16xf32>,
        %get3A_1088 = vector.shape_cast %get3A_1087 : vector<1x16xf32> to vector<16xf32>
        %mul3A_1089 = arith.mulf %get3A_1088, %gather3A_1070 : vector<16xf32>
        %swap3A_1090 = arith.index_cast %add3A_1074 : i32 to index
        %swap3A_1091 = arith.constant 16 : index
        %swap3A_1092 = tpu.vector_load %arg11[%swap3A_1090, %swap3A_1091] {strides = array<i32>} : memref<128x128xf32, #tpu.memory_space<vmem>>, vector<1x16xf32>,
        %swap3A_1093 = vector.shape_cast %swap3A_1092 : vector<1x16xf32> to vector<16xf32>
        %swap3A_1094 = vector.shape_cast %mul3A_1089 : vector<16xf32> to vector<1x16xf32>
        tpu.vector_store %arg11[%swap3A_1090, %swap3A_1091], %swap3A_1094 {strides = array<i32>} : memref<128x128xf32, #tpu.memory_space<vmem>>, vector<1x16xf32>,
        %get3A_1095 = arith.index_cast %add3A_1074 : i32 to index
        %get3A_1096 = arith.constant 32 : index
        %get3A_1097 = tpu.vector_load %arg11[%get3A_1095, %get3A_1096] {strides = array<i32>} : memref<128x128xf32, #tpu.memory_space<vmem>>, vector<1x16xf32>,
        %get3A_1098 = vector.shape_cast %get3A_1097 : vector<1x16xf32> to vector<16xf32>
        %mul3A_1099 = arith.mulf %get3A_1098, %gather3A_1070 : vector<16xf32>
        %swap3A_1100 = arith.index_cast %add3A_1074 : i32 to index
        %swap3A_1101 = arith.constant 32 : index
        %swap3A_1102 = tpu.vector_load %arg11[%swap3A_1100, %swap3A_1101] {strides = array<i32>} : memref<128x128xf32, #tpu.memory_space<vmem>>, vector<1x16xf32>,
        %swap3A_1103 = vector.shape_cast %swap3A_1102 : vector<1x16xf32> to vector<16xf32>
        %swap3A_1104 = vector.shape_cast %mul3A_1099 : vector<16xf32> to vector<1x16xf32>
        tpu.vector_store %arg11[%swap3A_1100, %swap3A_1101], %swap3A_1104 {strides = array<i32>} : memref<128x128xf32, #tpu.memory_space<vmem>>, vector<1x16xf32>,
        %get3A_1105 = arith.index_cast %add3A_1074 : i32 to index
        %get3A_1106 = arith.constant 48 : index
        %get3A_1107 = tpu.vector_load %arg11[%get3A_1105, %get3A_1106] {strides = array<i32>} : memref<128x128xf32, #tpu.memory_space<vmem>>, vector<1x16xf32>,
        %get3A_1108 = vector.shape_cast %get3A_1107 : vector<1x16xf32> to vector<16xf32>
        %mul3A_1109 = arith.mulf %get3A_1108, %gather3A_1070 : vector<16xf32>
        %swap3A_1110 = arith.index_cast %add3A_1074 : i32 to index
        %swap3A_1111 = arith.constant 48 : index
        %swap3A_1112 = tpu.vector_load %arg11[%swap3A_1110, %swap3A_1111] {strides = array<i32>} : memref<128x128xf32, #tpu.memory_space<vmem>>, vector<1x16xf32>,
        %swap3A_1113 = vector.shape_cast %swap3A_1112 : vector<1x16xf32> to vector<16xf32>
        %swap3A_1114 = vector.shape_cast %mul3A_1109 : vector<16xf32> to vector<1x16xf32>
        tpu.vector_store %arg11[%swap3A_1110, %swap3A_1111], %swap3A_1114 {strides = array<i32>} : memref<128x128xf32, #tpu.memory_space<vmem>>, vector<1x16xf32>,
        %get3A_1115 = arith.index_cast %add3A_1074 : i32 to index
        %get3A_1116 = arith.constant 64 : index
        %get3A_1117 = tpu.vector_load %arg11[%get3A_1115, %get3A_1116] {strides = array<i32>} : memref<128x128xf32, #tpu.memory_space<vmem>>, vector<1x16xf32>,
        %get3A_1118 = vector.shape_cast %get3A_1117 : vector<1x16xf32> to vector<16xf32>
        %mul3A_1119 = arith.mulf %get3A_1118, %gather3A_1070 : vector<16xf32>
        %swap3A_1120 = arith.index_cast %add3A_1074 : i32 to index
        %swap3A_1121 = arith.constant 64 : index
        %swap3A_1122 = tpu.vector_load %arg11[%swap3A_1120, %swap3A_1121] {strides = array<i32>} : memref<128x128xf32, #tpu.memory_space<vmem>>, vector<1x16xf32>,
        %swap3A_1123 = vector.shape_cast %swap3A_1122 : vector<1x16xf32> to vector<16xf32>
        %swap3A_1124 = vector.shape_cast %mul3A_1119 : vector<16xf32> to vector<1x16xf32>
        tpu.vector_store %arg11[%swap3A_1120, %swap3A_1121], %swap3A_1124 {strides = array<i32>} : memref<128x128xf32, #tpu.memory_space<vmem>>, vector<1x16xf32>,
        %get3A_1125 = arith.index_cast %add3A_1074 : i32 to index
        %get3A_1126 = arith.constant 80 : index
        %get3A_1127 = tpu.vector_load %arg11[%get3A_1125, %get3A_1126] {strides = array<i32>} : memref<128x128xf32, #tpu.memory_space<vmem>>, vector<1x16xf32>,
        %get3A_1128 = vector.shape_cast %get3A_1127 : vector<1x16xf32> to vector<16xf32>
        %mul3A_1129 = arith.mulf %get3A_1128, %gather3A_1070 : vector<16xf32>
        %swap3A_1130 = arith.index_cast %add3A_1074 : i32 to index
        %swap3A_1131 = arith.constant 80 : index
        %swap3A_1132 = tpu.vector_load %arg11[%swap3A_1130, %swap3A_1131] {strides = array<i32>} : memref<128x128xf32, #tpu.memory_space<vmem>>, vector<1x16xf32>,
        %swap3A_1133 = vector.shape_cast %swap3A_1132 : vector<1x16xf32> to vector<16xf32>
        %swap3A_1134 = vector.shape_cast %mul3A_1129 : vector<16xf32> to vector<1x16xf32>
        tpu.vector_store %arg11[%swap3A_1130, %swap3A_1131], %swap3A_1134 {strides = array<i32>} : memref<128x128xf32, #tpu.memory_space<vmem>>, vector<1x16xf32>,
        %get3A_1135 = arith.index_cast %add3A_1074 : i32 to index
        %get3A_1136 = arith.constant 96 : index
        %get3A_1137 = tpu.vector_load %arg11[%get3A_1135, %get3A_1136] {strides = array<i32>} : memref<128x128xf32, #tpu.memory_space<vmem>>, vector<1x16xf32>,
        %get3A_1138 = vector.shape_cast %get3A_1137 : vector<1x16xf32> to vector<16xf32>
        %mul3A_1139 = arith.mulf %get3A_1138, %gather3A_1070 : vector<16xf32>
        %swap3A_1140 = arith.index_cast %add3A_1074 : i32 to index
        %swap3A_1141 = arith.constant 96 : index
        %swap3A_1142 = tpu.vector_load %arg11[%swap3A_1140, %swap3A_1141] {strides = array<i32>} : memref<128x128xf32, #tpu.memory_space<vmem>>, vector<1x16xf32>,
        %swap3A_1143 = vector.shape_cast %swap3A_1142 : vector<1x16xf32> to vector<16xf32>
        %swap3A_1144 = vector.shape_cast %mul3A_1139 : vector<16xf32> to vector<1x16xf32>
        tpu.vector_store %arg11[%swap3A_1140, %swap3A_1141], %swap3A_1144 {strides = array<i32>} : memref<128x128xf32, #tpu.memory_space<vmem>>, vector<1x16xf32>,
        %get3A_1145 = arith.index_cast %add3A_1074 : i32 to index
        %get3A_1146 = arith.constant 112 : index
        %get3A_1147 = tpu.vector_load %arg11[%get3A_1145, %get3A_1146] {strides = array<i32>} : memref<128x128xf32, #tpu.memory_space<vmem>>, vector<1x16xf32>,
        %get3A_1148 = vector.shape_cast %get3A_1147 : vector<1x16xf32> to vector<16xf32>
        %mul3A_1149 = arith.mulf %get3A_1148, %gather3A_1070 : vector<16xf32>
        %swap3A_1150 = arith.index_cast %add3A_1074 : i32 to index
        %swap3A_1151 = arith.constant 112 : index
        %swap3A_1152 = tpu.vector_load %arg11[%swap3A_1150, %swap3A_1151] {strides = array<i32>} : memref<128x128xf32, #tpu.memory_space<vmem>>, vector<1x16xf32>,
        %swap3A_1153 = vector.shape_cast %swap3A_1152 : vector<1x16xf32> to vector<16xf32>
        %swap3A_1154 = vector.shape_cast %mul3A_1149 : vector<16xf32> to vector<1x16xf32>
        tpu.vector_store %arg11[%swap3A_1150, %swap3A_1151], %swap3A_1154 {strides = array<i32>} : memref<128x128xf32, #tpu.memory_space<vmem>>, vector<1x16xf32>,
        %broadcast_in_dim3A_1155 = arith.constant 11 : i32
        %broadcast_in_dim3A_1156 = vector.broadcast %broadcast_in_dim3A_1155 : i32 to vector<16x1xi32>
        %gather3A_1157 = vector.shape_cast %broadcast_in_dim3A_1156 : vector<16x1xi32> to vector<16xi32>
        %gather3A_1158 = tpu.dynamic_gather %get3A_188[%gather3A_1157] in [0] : vector<16xf32>, vector<16xi32> -> vector<16xf32>
        %mul3A_1159 = arith.constant 16 : i32
        %mul3A_1160 = arith.muli %scan3A_183, %mul3A_1159 : i32
        %add3A_1161 = arith.constant 11 : i32
        %add3A_1162 = arith.addi %mul3A_1160, %add3A_1161 : i32
        %get3A_1163 = arith.index_cast %add3A_1162 : i32 to index
        %get3A_1164 = arith.constant 0 : index
        %get3A_1165 = tpu.vector_load %arg11[%get3A_1163, %get3A_1164] {strides = array<i32>} : memref<128x128xf32, #tpu.memory_space<vmem>>, vector<1x16xf32>,
        %get3A_1166 = vector.shape_cast %get3A_1165 : vector<1x16xf32> to vector<16xf32>
        %mul3A_1167 = arith.mulf %get3A_1166, %gather3A_1158 : vector<16xf32>
        %swap3A_1168 = arith.index_cast %add3A_1162 : i32 to index
        %swap3A_1169 = arith.constant 0 : index
        %swap3A_1170 = tpu.vector_load %arg11[%swap3A_1168, %swap3A_1169] {strides = array<i32>} : memref<128x128xf32, #tpu.memory_space<vmem>>, vector<1x16xf32>,
        %swap3A_1171 = vector.shape_cast %swap3A_1170 : vector<1x16xf32> to vector<16xf32>
        %swap3A_1172 = vector.shape_cast %mul3A_1167 : vector<16xf32> to vector<1x16xf32>
        tpu.vector_store %arg11[%swap3A_1168, %swap3A_1169], %swap3A_1172 {strides = array<i32>} : memref<128x128xf32, #tpu.memory_space<vmem>>, vector<1x16xf32>,
        %get3A_1173 = arith.index_cast %add3A_1162 : i32 to index
        %get3A_1174 = arith.constant 16 : index
        %get3A_1175 = tpu.vector_load %arg11[%get3A_1173, %get3A_1174] {strides = array<i32>} : memref<128x128xf32, #tpu.memory_space<vmem>>, vector<1x16xf32>,
        %get3A_1176 = vector.shape_cast %get3A_1175 : vector<1x16xf32> to vector<16xf32>
        %mul3A_1177 = arith.mulf %get3A_1176, %gather3A_1158 : vector<16xf32>
        %swap3A_1178 = arith.index_cast %add3A_1162 : i32 to index
        %swap3A_1179 = arith.constant 16 : index
        %swap3A_1180 = tpu.vector_load %arg11[%swap3A_1178, %swap3A_1179] {strides = array<i32>} : memref<128x128xf32, #tpu.memory_space<vmem>>, vector<1x16xf32>,
        %swap3A_1181 = vector.shape_cast %swap3A_1180 : vector<1x16xf32> to vector<16xf32>
        %swap3A_1182 = vector.shape_cast %mul3A_1177 : vector<16xf32> to vector<1x16xf32>
        tpu.vector_store %arg11[%swap3A_1178, %swap3A_1179], %swap3A_1182 {strides = array<i32>} : memref<128x128xf32, #tpu.memory_space<vmem>>, vector<1x16xf32>,
        %get3A_1183 = arith.index_cast %add3A_1162 : i32 to index
        %get3A_1184 = arith.constant 32 : index
        %get3A_1185 = tpu.vector_load %arg11[%get3A_1183, %get3A_1184] {strides = array<i32>} : memref<128x128xf32, #tpu.memory_space<vmem>>, vector<1x16xf32>,
        %get3A_1186 = vector.shape_cast %get3A_1185 : vector<1x16xf32> to vector<16xf32>
        %mul3A_1187 = arith.mulf %get3A_1186, %gather3A_1158 : vector<16xf32>
        %swap3A_1188 = arith.index_cast %add3A_1162 : i32 to index
        %swap3A_1189 = arith.constant 32 : index
        %swap3A_1190 = tpu.vector_load %arg11[%swap3A_1188, %swap3A_1189] {strides = array<i32>} : memref<128x128xf32, #tpu.memory_space<vmem>>, vector<1x16xf32>,
        %swap3A_1191 = vector.shape_cast %swap3A_1190 : vector<1x16xf32> to vector<16xf32>
        %swap3A_1192 = vector.shape_cast %mul3A_1187 : vector<16xf32> to vector<1x16xf32>
        tpu.vector_store %arg11[%swap3A_1188, %swap3A_1189], %swap3A_1192 {strides = array<i32>} : memref<128x128xf32, #tpu.memory_space<vmem>>, vector<1x16xf32>,
        %get3A_1193 = arith.index_cast %add3A_1162 : i32 to index
        %get3A_1194 = arith.constant 48 : index
        %get3A_1195 = tpu.vector_load %arg11[%get3A_1193, %get3A_1194] {strides = array<i32>} : memref<128x128xf32, #tpu.memory_space<vmem>>, vector<1x16xf32>,
        %get3A_1196 = vector.shape_cast %get3A_1195 : vector<1x16xf32> to vector<16xf32>
        %mul3A_1197 = arith.mulf %get3A_1196, %gather3A_1158 : vector<16xf32>
        %swap3A_1198 = arith.index_cast %add3A_1162 : i32 to index
        %swap3A_1199 = arith.constant 48 : index
        %swap3A_1200 = tpu.vector_load %arg11[%swap3A_1198, %swap3A_1199] {strides = array<i32>} : memref<128x128xf32, #tpu.memory_space<vmem>>, vector<1x16xf32>,
        %swap3A_1201 = vector.shape_cast %swap3A_1200 : vector<1x16xf32> to vector<16xf32>
        %swap3A_1202 = vector.shape_cast %mul3A_1197 : vector<16xf32> to vector<1x16xf32>
        tpu.vector_store %arg11[%swap3A_1198, %swap3A_1199], %swap3A_1202 {strides = array<i32>} : memref<128x128xf32, #tpu.memory_space<vmem>>, vector<1x16xf32>,
        %get3A_1203 = arith.index_cast %add3A_1162 : i32 to index
        %get3A_1204 = arith.constant 64 : index
        %get3A_1205 = tpu.vector_load %arg11[%get3A_1203, %get3A_1204] {strides = array<i32>} : memref<128x128xf32, #tpu.memory_space<vmem>>, vector<1x16xf32>,
        %get3A_1206 = vector.shape_cast %get3A_1205 : vector<1x16xf32> to vector<16xf32>
        %mul3A_1207 = arith.mulf %get3A_1206, %gather3A_1158 : vector<16xf32>
        %swap3A_1208 = arith.index_cast %add3A_1162 : i32 to index
        %swap3A_1209 = arith.constant 64 : index
        %swap3A_1210 = tpu.vector_load %arg11[%swap3A_1208, %swap3A_1209] {strides = array<i32>} : memref<128x128xf32, #tpu.memory_space<vmem>>, vector<1x16xf32>,
        %swap3A_1211 = vector.shape_cast %swap3A_1210 : vector<1x16xf32> to vector<16xf32>
        %swap3A_1212 = vector.shape_cast %mul3A_1207 : vector<16xf32> to vector<1x16xf32>
        tpu.vector_store %arg11[%swap3A_1208, %swap3A_1209], %swap3A_1212 {strides = array<i32>} : memref<128x128xf32, #tpu.memory_space<vmem>>, vector<1x16xf32>,
        %get3A_1213 = arith.index_cast %add3A_1162 : i32 to index
        %get3A_1214 = arith.constant 80 : index
        %get3A_1215 = tpu.vector_load %arg11[%get3A_1213, %get3A_1214] {strides = array<i32>} : memref<128x128xf32, #tpu.memory_space<vmem>>, vector<1x16xf32>,
        %get3A_1216 = vector.shape_cast %get3A_1215 : vector<1x16xf32> to vector<16xf32>
        %mul3A_1217 = arith.mulf %get3A_1216, %gather3A_1158 : vector<16xf32>
        %swap3A_1218 = arith.index_cast %add3A_1162 : i32 to index
        %swap3A_1219 = arith.constant 80 : index
        %swap3A_1220 = tpu.vector_load %arg11[%swap3A_1218, %swap3A_1219] {strides = array<i32>} : memref<128x128xf32, #tpu.memory_space<vmem>>, vector<1x16xf32>,
        %swap3A_1221 = vector.shape_cast %swap3A_1220 : vector<1x16xf32> to vector<16xf32>
        %swap3A_1222 = vector.shape_cast %mul3A_1217 : vector<16xf32> to vector<1x16xf32>
        tpu.vector_store %arg11[%swap3A_1218, %swap3A_1219], %swap3A_1222 {strides = array<i32>} : memref<128x128xf32, #tpu.memory_space<vmem>>, vector<1x16xf32>,
        %get3A_1223 = arith.index_cast %add3A_1162 : i32 to index
        %get3A_1224 = arith.constant 96 : index
        %get3A_1225 = tpu.vector_load %arg11[%get3A_1223, %get3A_1224] {strides = array<i32>} : memref<128x128xf32, #tpu.memory_space<vmem>>, vector<1x16xf32>,
        %get3A_1226 = vector.shape_cast %get3A_1225 : vector<1x16xf32> to vector<16xf32>
        %mul3A_1227 = arith.mulf %get3A_1226, %gather3A_1158 : vector<16xf32>
        %swap3A_1228 = arith.index_cast %add3A_1162 : i32 to index
        %swap3A_1229 = arith.constant 96 : index
        %swap3A_1230 = tpu.vector_load %arg11[%swap3A_1228, %swap3A_1229] {strides = array<i32>} : memref<128x128xf32, #tpu.memory_space<vmem>>, vector<1x16xf32>,
        %swap3A_1231 = vector.shape_cast %swap3A_1230 : vector<1x16xf32> to vector<16xf32>
        %swap3A_1232 = vector.shape_cast %mul3A_1227 : vector<16xf32> to vector<1x16xf32>
        tpu.vector_store %arg11[%swap3A_1228, %swap3A_1229], %swap3A_1232 {strides = array<i32>} : memref<128x128xf32, #tpu.memory_space<vmem>>, vector<1x16xf32>,
        %get3A_1233 = arith.index_cast %add3A_1162 : i32 to index
        %get3A_1234 = arith.constant 112 : index
        %get3A_1235 = tpu.vector_load %arg11[%get3A_1233, %get3A_1234] {strides = array<i32>} : memref<128x128xf32, #tpu.memory_space<vmem>>, vector<1x16xf32>,
        %get3A_1236 = vector.shape_cast %get3A_1235 : vector<1x16xf32> to vector<16xf32>
        %mul3A_1237 = arith.mulf %get3A_1236, %gather3A_1158 : vector<16xf32>
        %swap3A_1238 = arith.index_cast %add3A_1162 : i32 to index
        %swap3A_1239 = arith.constant 112 : index
        %swap3A_1240 = tpu.vector_load %arg11[%swap3A_1238, %swap3A_1239] {strides = array<i32>} : memref<128x128xf32, #tpu.memory_space<vmem>>, vector<1x16xf32>,
        %swap3A_1241 = vector.shape_cast %swap3A_1240 : vector<1x16xf32> to vector<16xf32>
        %swap3A_1242 = vector.shape_cast %mul3A_1237 : vector<16xf32> to vector<1x16xf32>
        tpu.vector_store %arg11[%swap3A_1238, %swap3A_1239], %swap3A_1242 {strides = array<i32>} : memref<128x128xf32, #tpu.memory_space<vmem>>, vector<1x16xf32>,
        %broadcast_in_dim3A_1243 = arith.constant 12 : i32
        %broadcast_in_dim3A_1244 = vector.broadcast %broadcast_in_dim3A_1243 : i32 to vector<16x1xi32>
        %gather3A_1245 = vector.shape_cast %broadcast_in_dim3A_1244 : vector<16x1xi32> to vector<16xi32>
        %gather3A_1246 = tpu.dynamic_gather %get3A_188[%gather3A_1245] in [0] : vector<16xf32>, vector<16xi32> -> vector<16xf32>
        %mul3A_1247 = arith.constant 16 : i32
        %mul3A_1248 = arith.muli %scan3A_183, %mul3A_1247 : i32
        %add3A_1249 = arith.constant 12 : i32
        %add3A_1250 = arith.addi %mul3A_1248, %add3A_1249 : i32
        %get3A_1251 = arith.index_cast %add3A_1250 : i32 to index
        %get3A_1252 = arith.constant 0 : index
        %get3A_1253 = tpu.vector_load %arg11[%get3A_1251, %get3A_1252] {strides = array<i32>} : memref<128x128xf32, #tpu.memory_space<vmem>>, vector<1x16xf32>,
        %get3A_1254 = vector.shape_cast %get3A_1253 : vector<1x16xf32> to vector<16xf32>
        %mul3A_1255 = arith.mulf %get3A_1254, %gather3A_1246 : vector<16xf32>
        %swap3A_1256 = arith.index_cast %add3A_1250 : i32 to index
        %swap3A_1257 = arith.constant 0 : index
        %swap3A_1258 = tpu.vector_load %arg11[%swap3A_1256, %swap3A_1257] {strides = array<i32>} : memref<128x128xf32, #tpu.memory_space<vmem>>, vector<1x16xf32>,
        %swap3A_1259 = vector.shape_cast %swap3A_1258 : vector<1x16xf32> to vector<16xf32>
        %swap3A_1260 = vector.shape_cast %mul3A_1255 : vector<16xf32> to vector<1x16xf32>
        tpu.vector_store %arg11[%swap3A_1256, %swap3A_1257], %swap3A_1260 {strides = array<i32>} : memref<128x128xf32, #tpu.memory_space<vmem>>, vector<1x16xf32>,
        %get3A_1261 = arith.index_cast %add3A_1250 : i32 to index
        %get3A_1262 = arith.constant 16 : index
        %get3A_1263 = tpu.vector_load %arg11[%get3A_1261, %get3A_1262] {strides = array<i32>} : memref<128x128xf32, #tpu.memory_space<vmem>>, vector<1x16xf32>,
        %get3A_1264 = vector.shape_cast %get3A_1263 : vector<1x16xf32> to vector<16xf32>
        %mul3A_1265 = arith.mulf %get3A_1264, %gather3A_1246 : vector<16xf32>
        %swap3A_1266 = arith.index_cast %add3A_1250 : i32 to index
        %swap3A_1267 = arith.constant 16 : index
        %swap3A_1268 = tpu.vector_load %arg11[%swap3A_1266, %swap3A_1267] {strides = array<i32>} : memref<128x128xf32, #tpu.memory_space<vmem>>, vector<1x16xf32>,
        %swap3A_1269 = vector.shape_cast %swap3A_1268 : vector<1x16xf32> to vector<16xf32>
        %swap3A_1270 = vector.shape_cast %mul3A_1265 : vector<16xf32> to vector<1x16xf32>
        tpu.vector_store %arg11[%swap3A_1266, %swap3A_1267], %swap3A_1270 {strides = array<i32>} : memref<128x128xf32, #tpu.memory_space<vmem>>, vector<1x16xf32>,
        %get3A_1271 = arith.index_cast %add3A_1250 : i32 to index
        %get3A_1272 = arith.constant 32 : index
        %get3A_1273 = tpu.vector_load %arg11[%get3A_1271, %get3A_1272] {strides = array<i32>} : memref<128x128xf32, #tpu.memory_space<vmem>>, vector<1x16xf32>,
        %get3A_1274 = vector.shape_cast %get3A_1273 : vector<1x16xf32> to vector<16xf32>
        %mul3A_1275 = arith.mulf %get3A_1274, %gather3A_1246 : vector<16xf32>
        %swap3A_1276 = arith.index_cast %add3A_1250 : i32 to index
        %swap3A_1277 = arith.constant 32 : index
        %swap3A_1278 = tpu.vector_load %arg11[%swap3A_1276, %swap3A_1277] {strides = array<i32>} : memref<128x128xf32, #tpu.memory_space<vmem>>, vector<1x16xf32>,
        %swap3A_1279 = vector.shape_cast %swap3A_1278 : vector<1x16xf32> to vector<16xf32>
        %swap3A_1280 = vector.shape_cast %mul3A_1275 : vector<16xf32> to vector<1x16xf32>
        tpu.vector_store %arg11[%swap3A_1276, %swap3A_1277], %swap3A_1280 {strides = array<i32>} : memref<128x128xf32, #tpu.memory_space<vmem>>, vector<1x16xf32>,
        %get3A_1281 = arith.index_cast %add3A_1250 : i32 to index
        %get3A_1282 = arith.constant 48 : index
        %get3A_1283 = tpu.vector_load %arg11[%get3A_1281, %get3A_1282] {strides = array<i32>} : memref<128x128xf32, #tpu.memory_space<vmem>>, vector<1x16xf32>,
        %get3A_1284 = vector.shape_cast %get3A_1283 : vector<1x16xf32> to vector<16xf32>
        %mul3A_1285 = arith.mulf %get3A_1284, %gather3A_1246 : vector<16xf32>
        %swap3A_1286 = arith.index_cast %add3A_1250 : i32 to index
        %swap3A_1287 = arith.constant 48 : index
        %swap3A_1288 = tpu.vector_load %arg11[%swap3A_1286, %swap3A_1287] {strides = array<i32>} : memref<128x128xf32, #tpu.memory_space<vmem>>, vector<1x16xf32>,
        %swap3A_1289 = vector.shape_cast %swap3A_1288 : vector<1x16xf32> to vector<16xf32>
        %swap3A_1290 = vector.shape_cast %mul3A_1285 : vector<16xf32> to vector<1x16xf32>
        tpu.vector_store %arg11[%swap3A_1286, %swap3A_1287], %swap3A_1290 {strides = array<i32>} : memref<128x128xf32, #tpu.memory_space<vmem>>, vector<1x16xf32>,
        %get3A_1291 = arith.index_cast %add3A_1250 : i32 to index
        %get3A_1292 = arith.constant 64 : index
        %get3A_1293 = tpu.vector_load %arg11[%get3A_1291, %get3A_1292] {strides = array<i32>} : memref<128x128xf32, #tpu.memory_space<vmem>>, vector<1x16xf32>,
        %get3A_1294 = vector.shape_cast %get3A_1293 : vector<1x16xf32> to vector<16xf32>
        %mul3A_1295 = arith.mulf %get3A_1294, %gather3A_1246 : vector<16xf32>
        %swap3A_1296 = arith.index_cast %add3A_1250 : i32 to index
        %swap3A_1297 = arith.constant 64 : index
        %swap3A_1298 = tpu.vector_load %arg11[%swap3A_1296, %swap3A_1297] {strides = array<i32>} : memref<128x128xf32, #tpu.memory_space<vmem>>, vector<1x16xf32>,
        %swap3A_1299 = vector.shape_cast %swap3A_1298 : vector<1x16xf32> to vector<16xf32>
        %swap3A_1300 = vector.shape_cast %mul3A_1295 : vector<16xf32> to vector<1x16xf32>
        tpu.vector_store %arg11[%swap3A_1296, %swap3A_1297], %swap3A_1300 {strides = array<i32>} : memref<128x128xf32, #tpu.memory_space<vmem>>, vector<1x16xf32>,
        %get3A_1301 = arith.index_cast %add3A_1250 : i32 to index
        %get3A_1302 = arith.constant 80 : index
        %get3A_1303 = tpu.vector_load %arg11[%get3A_1301, %get3A_1302] {strides = array<i32>} : memref<128x128xf32, #tpu.memory_space<vmem>>, vector<1x16xf32>,
        %get3A_1304 = vector.shape_cast %get3A_1303 : vector<1x16xf32> to vector<16xf32>
        %mul3A_1305 = arith.mulf %get3A_1304, %gather3A_1246 : vector<16xf32>
        %swap3A_1306 = arith.index_cast %add3A_1250 : i32 to index
        %swap3A_1307 = arith.constant 80 : index
        %swap3A_1308 = tpu.vector_load %arg11[%swap3A_1306, %swap3A_1307] {strides = array<i32>} : memref<128x128xf32, #tpu.memory_space<vmem>>, vector<1x16xf32>,
        %swap3A_1309 = vector.shape_cast %swap3A_1308 : vector<1x16xf32> to vector<16xf32>
        %swap3A_1310 = vector.shape_cast %mul3A_1305 : vector<16xf32> to vector<1x16xf32>
        tpu.vector_store %arg11[%swap3A_1306, %swap3A_1307], %swap3A_1310 {strides = array<i32>} : memref<128x128xf32, #tpu.memory_space<vmem>>, vector<1x16xf32>,
        %get3A_1311 = arith.index_cast %add3A_1250 : i32 to index
        %get3A_1312 = arith.constant 96 : index
        %get3A_1313 = tpu.vector_load %arg11[%get3A_1311, %get3A_1312] {strides = array<i32>} : memref<128x128xf32, #tpu.memory_space<vmem>>, vector<1x16xf32>,
        %get3A_1314 = vector.shape_cast %get3A_1313 : vector<1x16xf32> to vector<16xf32>
        %mul3A_1315 = arith.mulf %get3A_1314, %gather3A_1246 : vector<16xf32>
        %swap3A_1316 = arith.index_cast %add3A_1250 : i32 to index
        %swap3A_1317 = arith.constant 96 : index
        %swap3A_1318 = tpu.vector_load %arg11[%swap3A_1316, %swap3A_1317] {strides = array<i32>} : memref<128x128xf32, #tpu.memory_space<vmem>>, vector<1x16xf32>,
        %swap3A_1319 = vector.shape_cast %swap3A_1318 : vector<1x16xf32> to vector<16xf32>
        %swap3A_1320 = vector.shape_cast %mul3A_1315 : vector<16xf32> to vector<1x16xf32>
        tpu.vector_store %arg11[%swap3A_1316, %swap3A_1317], %swap3A_1320 {strides = array<i32>} : memref<128x128xf32, #tpu.memory_space<vmem>>, vector<1x16xf32>,
        %get3A_1321 = arith.index_cast %add3A_1250 : i32 to index
        %get3A_1322 = arith.constant 112 : index
        %get3A_1323 = tpu.vector_load %arg11[%get3A_1321, %get3A_1322] {strides = array<i32>} : memref<128x128xf32, #tpu.memory_space<vmem>>, vector<1x16xf32>,
        %get3A_1324 = vector.shape_cast %get3A_1323 : vector<1x16xf32> to vector<16xf32>
        %mul3A_1325 = arith.mulf %get3A_1324, %gather3A_1246 : vector<16xf32>
        %swap3A_1326 = arith.index_cast %add3A_1250 : i32 to index
        %swap3A_1327 = arith.constant 112 : index
        %swap3A_1328 = tpu.vector_load %arg11[%swap3A_1326, %swap3A_1327] {strides = array<i32>} : memref<128x128xf32, #tpu.memory_space<vmem>>, vector<1x16xf32>,
        %swap3A_1329 = vector.shape_cast %swap3A_1328 : vector<1x16xf32> to vector<16xf32>
        %swap3A_1330 = vector.shape_cast %mul3A_1325 : vector<16xf32> to vector<1x16xf32>
        tpu.vector_store %arg11[%swap3A_1326, %swap3A_1327], %swap3A_1330 {strides = array<i32>} : memref<128x128xf32, #tpu.memory_space<vmem>>, vector<1x16xf32>,
        %broadcast_in_dim3A_1331 = arith.constant 13 : i32
        %broadcast_in_dim3A_1332 = vector.broadcast %broadcast_in_dim3A_1331 : i32 to vector<16x1xi32>
        %gather3A_1333 = vector.shape_cast %broadcast_in_dim3A_1332 : vector<16x1xi32> to vector<16xi32>
        %gather3A_1334 = tpu.dynamic_gather %get3A_188[%gather3A_1333] in [0] : vector<16xf32>, vector<16xi32> -> vector<16xf32>
        %mul3A_1335 = arith.constant 16 : i32
        %mul3A_1336 = arith.muli %scan3A_183, %mul3A_1335 : i32
        %add3A_1337 = arith.constant 13 : i32
        %add3A_1338 = arith.addi %mul3A_1336, %add3A_1337 : i32
        %get3A_1339 = arith.index_cast %add3A_1338 : i32 to index
        %get3A_1340 = arith.constant 0 : index
        %get3A_1341 = tpu.vector_load %arg11[%get3A_1339, %get3A_1340] {strides = array<i32>} : memref<128x128xf32, #tpu.memory_space<vmem>>, vector<1x16xf32>,
        %get3A_1342 = vector.shape_cast %get3A_1341 : vector<1x16xf32> to vector<16xf32>
        %mul3A_1343 = arith.mulf %get3A_1342, %gather3A_1334 : vector<16xf32>
        %swap3A_1344 = arith.index_cast %add3A_1338 : i32 to index
        %swap3A_1345 = arith.constant 0 : index
        %swap3A_1346 = tpu.vector_load %arg11[%swap3A_1344, %swap3A_1345] {strides = array<i32>} : memref<128x128xf32, #tpu.memory_space<vmem>>, vector<1x16xf32>,
        %swap3A_1347 = vector.shape_cast %swap3A_1346 : vector<1x16xf32> to vector<16xf32>
        %swap3A_1348 = vector.shape_cast %mul3A_1343 : vector<16xf32> to vector<1x16xf32>
        tpu.vector_store %arg11[%swap3A_1344, %swap3A_1345], %swap3A_1348 {strides = array<i32>} : memref<128x128xf32, #tpu.memory_space<vmem>>, vector<1x16xf32>,
        %get3A_1349 = arith.index_cast %add3A_1338 : i32 to index
        %get3A_1350 = arith.constant 16 : index
        %get3A_1351 = tpu.vector_load %arg11[%get3A_1349, %get3A_1350] {strides = array<i32>} : memref<128x128xf32, #tpu.memory_space<vmem>>, vector<1x16xf32>,
        %get3A_1352 = vector.shape_cast %get3A_1351 : vector<1x16xf32> to vector<16xf32>
        %mul3A_1353 = arith.mulf %get3A_1352, %gather3A_1334 : vector<16xf32>
        %swap3A_1354 = arith.index_cast %add3A_1338 : i32 to index
        %swap3A_1355 = arith.constant 16 : index
        %swap3A_1356 = tpu.vector_load %arg11[%swap3A_1354, %swap3A_1355] {strides = array<i32>} : memref<128x128xf32, #tpu.memory_space<vmem>>, vector<1x16xf32>,
        %swap3A_1357 = vector.shape_cast %swap3A_1356 : vector<1x16xf32> to vector<16xf32>
        %swap3A_1358 = vector.shape_cast %mul3A_1353 : vector<16xf32> to vector<1x16xf32>
        tpu.vector_store %arg11[%swap3A_1354, %swap3A_1355], %swap3A_1358 {strides = array<i32>} : memref<128x128xf32, #tpu.memory_space<vmem>>, vector<1x16xf32>,
        %get3A_1359 = arith.index_cast %add3A_1338 : i32 to index
        %get3A_1360 = arith.constant 32 : index
        %get3A_1361 = tpu.vector_load %arg11[%get3A_1359, %get3A_1360] {strides = array<i32>} : memref<128x128xf32, #tpu.memory_space<vmem>>, vector<1x16xf32>,
        %get3A_1362 = vector.shape_cast %get3A_1361 : vector<1x16xf32> to vector<16xf32>
        %mul3A_1363 = arith.mulf %get3A_1362, %gather3A_1334 : vector<16xf32>
        %swap3A_1364 = arith.index_cast %add3A_1338 : i32 to index
        %swap3A_1365 = arith.constant 32 : index
        %swap3A_1366 = tpu.vector_load %arg11[%swap3A_1364, %swap3A_1365] {strides = array<i32>} : memref<128x128xf32, #tpu.memory_space<vmem>>, vector<1x16xf32>,
        %swap3A_1367 = vector.shape_cast %swap3A_1366 : vector<1x16xf32> to vector<16xf32>
        %swap3A_1368 = vector.shape_cast %mul3A_1363 : vector<16xf32> to vector<1x16xf32>
        tpu.vector_store %arg11[%swap3A_1364, %swap3A_1365], %swap3A_1368 {strides = array<i32>} : memref<128x128xf32, #tpu.memory_space<vmem>>, vector<1x16xf32>,
        %get3A_1369 = arith.index_cast %add3A_1338 : i32 to index
        %get3A_1370 = arith.constant 48 : index
        %get3A_1371 = tpu.vector_load %arg11[%get3A_1369, %get3A_1370] {strides = array<i32>} : memref<128x128xf32, #tpu.memory_space<vmem>>, vector<1x16xf32>,
        %get3A_1372 = vector.shape_cast %get3A_1371 : vector<1x16xf32> to vector<16xf32>
        %mul3A_1373 = arith.mulf %get3A_1372, %gather3A_1334 : vector<16xf32>
        %swap3A_1374 = arith.index_cast %add3A_1338 : i32 to index
        %swap3A_1375 = arith.constant 48 : index
        %swap3A_1376 = tpu.vector_load %arg11[%swap3A_1374, %swap3A_1375] {strides = array<i32>} : memref<128x128xf32, #tpu.memory_space<vmem>>, vector<1x16xf32>,
        %swap3A_1377 = vector.shape_cast %swap3A_1376 : vector<1x16xf32> to vector<16xf32>
        %swap3A_1378 = vector.shape_cast %mul3A_1373 : vector<16xf32> to vector<1x16xf32>
        tpu.vector_store %arg11[%swap3A_1374, %swap3A_1375], %swap3A_1378 {strides = array<i32>} : memref<128x128xf32, #tpu.memory_space<vmem>>, vector<1x16xf32>,
        %get3A_1379 = arith.index_cast %add3A_1338 : i32 to index
        %get3A_1380 = arith.constant 64 : index
        %get3A_1381 = tpu.vector_load %arg11[%get3A_1379, %get3A_1380] {strides = array<i32>} : memref<128x128xf32, #tpu.memory_space<vmem>>, vector<1x16xf32>,
        %get3A_1382 = vector.shape_cast %get3A_1381 : vector<1x16xf32> to vector<16xf32>
        %mul3A_1383 = arith.mulf %get3A_1382, %gather3A_1334 : vector<16xf32>
        %swap3A_1384 = arith.index_cast %add3A_1338 : i32 to index
        %swap3A_1385 = arith.constant 64 : index
        %swap3A_1386 = tpu.vector_load %arg11[%swap3A_1384, %swap3A_1385] {strides = array<i32>} : memref<128x128xf32, #tpu.memory_space<vmem>>, vector<1x16xf32>,
        %swap3A_1387 = vector.shape_cast %swap3A_1386 : vector<1x16xf32> to vector<16xf32>
        %swap3A_1388 = vector.shape_cast %mul3A_1383 : vector<16xf32> to vector<1x16xf32>
        tpu.vector_store %arg11[%swap3A_1384, %swap3A_1385], %swap3A_1388 {strides = array<i32>} : memref<128x128xf32, #tpu.memory_space<vmem>>, vector<1x16xf32>,
        %get3A_1389 = arith.index_cast %add3A_1338 : i32 to index
        %get3A_1390 = arith.constant 80 : index
        %get3A_1391 = tpu.vector_load %arg11[%get3A_1389, %get3A_1390] {strides = array<i32>} : memref<128x128xf32, #tpu.memory_space<vmem>>, vector<1x16xf32>,
        %get3A_1392 = vector.shape_cast %get3A_1391 : vector<1x16xf32> to vector<16xf32>
        %mul3A_1393 = arith.mulf %get3A_1392, %gather3A_1334 : vector<16xf32>
        %swap3A_1394 = arith.index_cast %add3A_1338 : i32 to index
        %swap3A_1395 = arith.constant 80 : index
        %swap3A_1396 = tpu.vector_load %arg11[%swap3A_1394, %swap3A_1395] {strides = array<i32>} : memref<128x128xf32, #tpu.memory_space<vmem>>, vector<1x16xf32>,
        %swap3A_1397 = vector.shape_cast %swap3A_1396 : vector<1x16xf32> to vector<16xf32>
        %swap3A_1398 = vector.shape_cast %mul3A_1393 : vector<16xf32> to vector<1x16xf32>
        tpu.vector_store %arg11[%swap3A_1394, %swap3A_1395], %swap3A_1398 {strides = array<i32>} : memref<128x128xf32, #tpu.memory_space<vmem>>, vector<1x16xf32>,
        %get3A_1399 = arith.index_cast %add3A_1338 : i32 to index
        %get3A_1400 = arith.constant 96 : index
        %get3A_1401 = tpu.vector_load %arg11[%get3A_1399, %get3A_1400] {strides = array<i32>} : memref<128x128xf32, #tpu.memory_space<vmem>>, vector<1x16xf32>,
        %get3A_1402 = vector.shape_cast %get3A_1401 : vector<1x16xf32> to vector<16xf32>
        %mul3A_1403 = arith.mulf %get3A_1402, %gather3A_1334 : vector<16xf32>
        %swap3A_1404 = arith.index_cast %add3A_1338 : i32 to index
        %swap3A_1405 = arith.constant 96 : index
        %swap3A_1406 = tpu.vector_load %arg11[%swap3A_1404, %swap3A_1405] {strides = array<i32>} : memref<128x128xf32, #tpu.memory_space<vmem>>, vector<1x16xf32>,
        %swap3A_1407 = vector.shape_cast %swap3A_1406 : vector<1x16xf32> to vector<16xf32>
        %swap3A_1408 = vector.shape_cast %mul3A_1403 : vector<16xf32> to vector<1x16xf32>
        tpu.vector_store %arg11[%swap3A_1404, %swap3A_1405], %swap3A_1408 {strides = array<i32>} : memref<128x128xf32, #tpu.memory_space<vmem>>, vector<1x16xf32>,
        %get3A_1409 = arith.index_cast %add3A_1338 : i32 to index
        %get3A_1410 = arith.constant 112 : index
        %get3A_1411 = tpu.vector_load %arg11[%get3A_1409, %get3A_1410] {strides = array<i32>} : memref<128x128xf32, #tpu.memory_space<vmem>>, vector<1x16xf32>,
        %get3A_1412 = vector.shape_cast %get3A_1411 : vector<1x16xf32> to vector<16xf32>
        %mul3A_1413 = arith.mulf %get3A_1412, %gather3A_1334 : vector<16xf32>
        %swap3A_1414 = arith.index_cast %add3A_1338 : i32 to index
        %swap3A_1415 = arith.constant 112 : index
        %swap3A_1416 = tpu.vector_load %arg11[%swap3A_1414, %swap3A_1415] {strides = array<i32>} : memref<128x128xf32, #tpu.memory_space<vmem>>, vector<1x16xf32>,
        %swap3A_1417 = vector.shape_cast %swap3A_1416 : vector<1x16xf32> to vector<16xf32>
        %swap3A_1418 = vector.shape_cast %mul3A_1413 : vector<16xf32> to vector<1x16xf32>
        tpu.vector_store %arg11[%swap3A_1414, %swap3A_1415], %swap3A_1418 {strides = array<i32>} : memref<128x128xf32, #tpu.memory_space<vmem>>, vector<1x16xf32>,
        %broadcast_in_dim3A_1419 = arith.constant 14 : i32
        %broadcast_in_dim3A_1420 = vector.broadcast %broadcast_in_dim3A_1419 : i32 to vector<16x1xi32>
        %gather3A_1421 = vector.shape_cast %broadcast_in_dim3A_1420 : vector<16x1xi32> to vector<16xi32>
        %gather3A_1422 = tpu.dynamic_gather %get3A_188[%gather3A_1421] in [0] : vector<16xf32>, vector<16xi32> -> vector<16xf32>
        %mul3A_1423 = arith.constant 16 : i32
        %mul3A_1424 = arith.muli %scan3A_183, %mul3A_1423 : i32
        %add3A_1425 = arith.constant 14 : i32
        %add3A_1426 = arith.addi %mul3A_1424, %add3A_1425 : i32
        %get3A_1427 = arith.index_cast %add3A_1426 : i32 to index
        %get3A_1428 = arith.constant 0 : index
        %get3A_1429 = tpu.vector_load %arg11[%get3A_1427, %get3A_1428] {strides = array<i32>} : memref<128x128xf32, #tpu.memory_space<vmem>>, vector<1x16xf32>,
        %get3A_1430 = vector.shape_cast %get3A_1429 : vector<1x16xf32> to vector<16xf32>
        %mul3A_1431 = arith.mulf %get3A_1430, %gather3A_1422 : vector<16xf32>
        %swap3A_1432 = arith.index_cast %add3A_1426 : i32 to index
        %swap3A_1433 = arith.constant 0 : index
        %swap3A_1434 = tpu.vector_load %arg11[%swap3A_1432, %swap3A_1433] {strides = array<i32>} : memref<128x128xf32, #tpu.memory_space<vmem>>, vector<1x16xf32>,
        %swap3A_1435 = vector.shape_cast %swap3A_1434 : vector<1x16xf32> to vector<16xf32>
        %swap3A_1436 = vector.shape_cast %mul3A_1431 : vector<16xf32> to vector<1x16xf32>
        tpu.vector_store %arg11[%swap3A_1432, %swap3A_1433], %swap3A_1436 {strides = array<i32>} : memref<128x128xf32, #tpu.memory_space<vmem>>, vector<1x16xf32>,
        %get3A_1437 = arith.index_cast %add3A_1426 : i32 to index
        %get3A_1438 = arith.constant 16 : index
        %get3A_1439 = tpu.vector_load %arg11[%get3A_1437, %get3A_1438] {strides = array<i32>} : memref<128x128xf32, #tpu.memory_space<vmem>>, vector<1x16xf32>,
        %get3A_1440 = vector.shape_cast %get3A_1439 : vector<1x16xf32> to vector<16xf32>
        %mul3A_1441 = arith.mulf %get3A_1440, %gather3A_1422 : vector<16xf32>
        %swap3A_1442 = arith.index_cast %add3A_1426 : i32 to index
        %swap3A_1443 = arith.constant 16 : index
        %swap3A_1444 = tpu.vector_load %arg11[%swap3A_1442, %swap3A_1443] {strides = array<i32>} : memref<128x128xf32, #tpu.memory_space<vmem>>, vector<1x16xf32>,
        %swap3A_1445 = vector.shape_cast %swap3A_1444 : vector<1x16xf32> to vector<16xf32>
        %swap3A_1446 = vector.shape_cast %mul3A_1441 : vector<16xf32> to vector<1x16xf32>
        tpu.vector_store %arg11[%swap3A_1442, %swap3A_1443], %swap3A_1446 {strides = array<i32>} : memref<128x128xf32, #tpu.memory_space<vmem>>, vector<1x16xf32>,
        %get3A_1447 = arith.index_cast %add3A_1426 : i32 to index
        %get3A_1448 = arith.constant 32 : index
        %get3A_1449 = tpu.vector_load %arg11[%get3A_1447, %get3A_1448] {strides = array<i32>} : memref<128x128xf32, #tpu.memory_space<vmem>>, vector<1x16xf32>,
        %get3A_1450 = vector.shape_cast %get3A_1449 : vector<1x16xf32> to vector<16xf32>
        %mul3A_1451 = arith.mulf %get3A_1450, %gather3A_1422 : vector<16xf32>
        %swap3A_1452 = arith.index_cast %add3A_1426 : i32 to index
        %swap3A_1453 = arith.constant 32 : index
        %swap3A_1454 = tpu.vector_load %arg11[%swap3A_1452, %swap3A_1453] {strides = array<i32>} : memref<128x128xf32, #tpu.memory_space<vmem>>, vector<1x16xf32>,
        %swap3A_1455 = vector.shape_cast %swap3A_1454 : vector<1x16xf32> to vector<16xf32>
        %swap3A_1456 = vector.shape_cast %mul3A_1451 : vector<16xf32> to vector<1x16xf32>
        tpu.vector_store %arg11[%swap3A_1452, %swap3A_1453], %swap3A_1456 {strides = array<i32>} : memref<128x128xf32, #tpu.memory_space<vmem>>, vector<1x16xf32>,
        %get3A_1457 = arith.index_cast %add3A_1426 : i32 to index
        %get3A_1458 = arith.constant 48 : index
        %get3A_1459 = tpu.vector_load %arg11[%get3A_1457, %get3A_1458] {strides = array<i32>} : memref<128x128xf32, #tpu.memory_space<vmem>>, vector<1x16xf32>,
        %get3A_1460 = vector.shape_cast %get3A_1459 : vector<1x16xf32> to vector<16xf32>
        %mul3A_1461 = arith.mulf %get3A_1460, %gather3A_1422 : vector<16xf32>
        %swap3A_1462 = arith.index_cast %add3A_1426 : i32 to index
        %swap3A_1463 = arith.constant 48 : index
        %swap3A_1464 = tpu.vector_load %arg11[%swap3A_1462, %swap3A_1463] {strides = array<i32>} : memref<128x128xf32, #tpu.memory_space<vmem>>, vector<1x16xf32>,
        %swap3A_1465 = vector.shape_cast %swap3A_1464 : vector<1x16xf32> to vector<16xf32>
        %swap3A_1466 = vector.shape_cast %mul3A_1461 : vector<16xf32> to vector<1x16xf32>
        tpu.vector_store %arg11[%swap3A_1462, %swap3A_1463], %swap3A_1466 {strides = array<i32>} : memref<128x128xf32, #tpu.memory_space<vmem>>, vector<1x16xf32>,
        %get3A_1467 = arith.index_cast %add3A_1426 : i32 to index
        %get3A_1468 = arith.constant 64 : index
        %get3A_1469 = tpu.vector_load %arg11[%get3A_1467, %get3A_1468] {strides = array<i32>} : memref<128x128xf32, #tpu.memory_space<vmem>>, vector<1x16xf32>,
        %get3A_1470 = vector.shape_cast %get3A_1469 : vector<1x16xf32> to vector<16xf32>
        %mul3A_1471 = arith.mulf %get3A_1470, %gather3A_1422 : vector<16xf32>
        %swap3A_1472 = arith.index_cast %add3A_1426 : i32 to index
        %swap3A_1473 = arith.constant 64 : index
        %swap3A_1474 = tpu.vector_load %arg11[%swap3A_1472, %swap3A_1473] {strides = array<i32>} : memref<128x128xf32, #tpu.memory_space<vmem>>, vector<1x16xf32>,
        %swap3A_1475 = vector.shape_cast %swap3A_1474 : vector<1x16xf32> to vector<16xf32>
        %swap3A_1476 = vector.shape_cast %mul3A_1471 : vector<16xf32> to vector<1x16xf32>
        tpu.vector_store %arg11[%swap3A_1472, %swap3A_1473], %swap3A_1476 {strides = array<i32>} : memref<128x128xf32, #tpu.memory_space<vmem>>, vector<1x16xf32>,
        %get3A_1477 = arith.index_cast %add3A_1426 : i32 to index
        %get3A_1478 = arith.constant 80 : index
        %get3A_1479 = tpu.vector_load %arg11[%get3A_1477, %get3A_1478] {strides = array<i32>} : memref<128x128xf32, #tpu.memory_space<vmem>>, vector<1x16xf32>,
        %get3A_1480 = vector.shape_cast %get3A_1479 : vector<1x16xf32> to vector<16xf32>
        %mul3A_1481 = arith.mulf %get3A_1480, %gather3A_1422 : vector<16xf32>
        %swap3A_1482 = arith.index_cast %add3A_1426 : i32 to index
        %swap3A_1483 = arith.constant 80 : index
        %swap3A_1484 = tpu.vector_load %arg11[%swap3A_1482, %swap3A_1483] {strides = array<i32>} : memref<128x128xf32, #tpu.memory_space<vmem>>, vector<1x16xf32>,
        %swap3A_1485 = vector.shape_cast %swap3A_1484 : vector<1x16xf32> to vector<16xf32>
        %swap3A_1486 = vector.shape_cast %mul3A_1481 : vector<16xf32> to vector<1x16xf32>
        tpu.vector_store %arg11[%swap3A_1482, %swap3A_1483], %swap3A_1486 {strides = array<i32>} : memref<128x128xf32, #tpu.memory_space<vmem>>, vector<1x16xf32>,
        %get3A_1487 = arith.index_cast %add3A_1426 : i32 to index
        %get3A_1488 = arith.constant 96 : index
        %get3A_1489 = tpu.vector_load %arg11[%get3A_1487, %get3A_1488] {strides = array<i32>} : memref<128x128xf32, #tpu.memory_space<vmem>>, vector<1x16xf32>,
        %get3A_1490 = vector.shape_cast %get3A_1489 : vector<1x16xf32> to vector<16xf32>
        %mul3A_1491 = arith.mulf %get3A_1490, %gather3A_1422 : vector<16xf32>
        %swap3A_1492 = arith.index_cast %add3A_1426 : i32 to index
        %swap3A_1493 = arith.constant 96 : index
        %swap3A_1494 = tpu.vector_load %arg11[%swap3A_1492, %swap3A_1493] {strides = array<i32>} : memref<128x128xf32, #tpu.memory_space<vmem>>, vector<1x16xf32>,
        %swap3A_1495 = vector.shape_cast %swap3A_1494 : vector<1x16xf32> to vector<16xf32>
        %swap3A_1496 = vector.shape_cast %mul3A_1491 : vector<16xf32> to vector<1x16xf32>
        tpu.vector_store %arg11[%swap3A_1492, %swap3A_1493], %swap3A_1496 {strides = array<i32>} : memref<128x128xf32, #tpu.memory_space<vmem>>, vector<1x16xf32>,
        %get3A_1497 = arith.index_cast %add3A_1426 : i32 to index
        %get3A_1498 = arith.constant 112 : index
        %get3A_1499 = tpu.vector_load %arg11[%get3A_1497, %get3A_1498] {strides = array<i32>} : memref<128x128xf32, #tpu.memory_space<vmem>>, vector<1x16xf32>,
        %get3A_1500 = vector.shape_cast %get3A_1499 : vector<1x16xf32> to vector<16xf32>
        %mul3A_1501 = arith.mulf %get3A_1500, %gather3A_1422 : vector<16xf32>
        %swap3A_1502 = arith.index_cast %add3A_1426 : i32 to index
        %swap3A_1503 = arith.constant 112 : index
        %swap3A_1504 = tpu.vector_load %arg11[%swap3A_1502, %swap3A_1503] {strides = array<i32>} : memref<128x128xf32, #tpu.memory_space<vmem>>, vector<1x16xf32>,
        %swap3A_1505 = vector.shape_cast %swap3A_1504 : vector<1x16xf32> to vector<16xf32>
        %swap3A_1506 = vector.shape_cast %mul3A_1501 : vector<16xf32> to vector<1x16xf32>
        tpu.vector_store %arg11[%swap3A_1502, %swap3A_1503], %swap3A_1506 {strides = array<i32>} : memref<128x128xf32, #tpu.memory_space<vmem>>, vector<1x16xf32>,
        %broadcast_in_dim3A_1507 = arith.constant 15 : i32
        %broadcast_in_dim3A_1508 = vector.broadcast %broadcast_in_dim3A_1507 : i32 to vector<16x1xi32>
        %gather3A_1509 = vector.shape_cast %broadcast_in_dim3A_1508 : vector<16x1xi32> to vector<16xi32>
        %gather3A_1510 = tpu.dynamic_gather %get3A_188[%gather3A_1509] in [0] : vector<16xf32>, vector<16xi32> -> vector<16xf32>
        %mul3A_1511 = arith.constant 16 : i32
        %mul3A_1512 = arith.muli %scan3A_183, %mul3A_1511 : i32
        %add3A_1513 = arith.constant 15 : i32
        %add3A_1514 = arith.addi %mul3A_1512, %add3A_1513 : i32
        %get3A_1515 = arith.index_cast %add3A_1514 : i32 to index
        %get3A_1516 = arith.constant 0 : index
        %get3A_1517 = tpu.vector_load %arg11[%get3A_1515, %get3A_1516] {strides = array<i32>} : memref<128x128xf32, #tpu.memory_space<vmem>>, vector<1x16xf32>,
        %get3A_1518 = vector.shape_cast %get3A_1517 : vector<1x16xf32> to vector<16xf32>
        %mul3A_1519 = arith.mulf %get3A_1518, %gather3A_1510 : vector<16xf32>
        %swap3A_1520 = arith.index_cast %add3A_1514 : i32 to index
        %swap3A_1521 = arith.constant 0 : index
        %swap3A_1522 = tpu.vector_load %arg11[%swap3A_1520, %swap3A_1521] {strides = array<i32>} : memref<128x128xf32, #tpu.memory_space<vmem>>, vector<1x16xf32>,
        %swap3A_1523 = vector.shape_cast %swap3A_1522 : vector<1x16xf32> to vector<16xf32>
        %swap3A_1524 = vector.shape_cast %mul3A_1519 : vector<16xf32> to vector<1x16xf32>
        tpu.vector_store %arg11[%swap3A_1520, %swap3A_1521], %swap3A_1524 {strides = array<i32>} : memref<128x128xf32, #tpu.memory_space<vmem>>, vector<1x16xf32>,
        %get3A_1525 = arith.index_cast %add3A_1514 : i32 to index
        %get3A_1526 = arith.constant 16 : index
        %get3A_1527 = tpu.vector_load %arg11[%get3A_1525, %get3A_1526] {strides = array<i32>} : memref<128x128xf32, #tpu.memory_space<vmem>>, vector<1x16xf32>,
        %get3A_1528 = vector.shape_cast %get3A_1527 : vector<1x16xf32> to vector<16xf32>
        %mul3A_1529 = arith.mulf %get3A_1528, %gather3A_1510 : vector<16xf32>
        %swap3A_1530 = arith.index_cast %add3A_1514 : i32 to index
        %swap3A_1531 = arith.constant 16 : index
        %swap3A_1532 = tpu.vector_load %arg11[%swap3A_1530, %swap3A_1531] {strides = array<i32>} : memref<128x128xf32, #tpu.memory_space<vmem>>, vector<1x16xf32>,
        %swap3A_1533 = vector.shape_cast %swap3A_1532 : vector<1x16xf32> to vector<16xf32>
        %swap3A_1534 = vector.shape_cast %mul3A_1529 : vector<16xf32> to vector<1x16xf32>
        tpu.vector_store %arg11[%swap3A_1530, %swap3A_1531], %swap3A_1534 {strides = array<i32>} : memref<128x128xf32, #tpu.memory_space<vmem>>, vector<1x16xf32>,
        %get3A_1535 = arith.index_cast %add3A_1514 : i32 to index
        %get3A_1536 = arith.constant 32 : index
        %get3A_1537 = tpu.vector_load %arg11[%get3A_1535, %get3A_1536] {strides = array<i32>} : memref<128x128xf32, #tpu.memory_space<vmem>>, vector<1x16xf32>,
        %get3A_1538 = vector.shape_cast %get3A_1537 : vector<1x16xf32> to vector<16xf32>
        %mul3A_1539 = arith.mulf %get3A_1538, %gather3A_1510 : vector<16xf32>
        %swap3A_1540 = arith.index_cast %add3A_1514 : i32 to index
        %swap3A_1541 = arith.constant 32 : index
        %swap3A_1542 = tpu.vector_load %arg11[%swap3A_1540, %swap3A_1541] {strides = array<i32>} : memref<128x128xf32, #tpu.memory_space<vmem>>, vector<1x16xf32>,
        %swap3A_1543 = vector.shape_cast %swap3A_1542 : vector<1x16xf32> to vector<16xf32>
        %swap3A_1544 = vector.shape_cast %mul3A_1539 : vector<16xf32> to vector<1x16xf32>
        tpu.vector_store %arg11[%swap3A_1540, %swap3A_1541], %swap3A_1544 {strides = array<i32>} : memref<128x128xf32, #tpu.memory_space<vmem>>, vector<1x16xf32>,
        %get3A_1545 = arith.index_cast %add3A_1514 : i32 to index
        %get3A_1546 = arith.constant 48 : index
        %get3A_1547 = tpu.vector_load %arg11[%get3A_1545, %get3A_1546] {strides = array<i32>} : memref<128x128xf32, #tpu.memory_space<vmem>>, vector<1x16xf32>,
        %get3A_1548 = vector.shape_cast %get3A_1547 : vector<1x16xf32> to vector<16xf32>
        %mul3A_1549 = arith.mulf %get3A_1548, %gather3A_1510 : vector<16xf32>
        %swap3A_1550 = arith.index_cast %add3A_1514 : i32 to index
        %swap3A_1551 = arith.constant 48 : index
        %swap3A_1552 = tpu.vector_load %arg11[%swap3A_1550, %swap3A_1551] {strides = array<i32>} : memref<128x128xf32, #tpu.memory_space<vmem>>, vector<1x16xf32>,
        %swap3A_1553 = vector.shape_cast %swap3A_1552 : vector<1x16xf32> to vector<16xf32>
        %swap3A_1554 = vector.shape_cast %mul3A_1549 : vector<16xf32> to vector<1x16xf32>
        tpu.vector_store %arg11[%swap3A_1550, %swap3A_1551], %swap3A_1554 {strides = array<i32>} : memref<128x128xf32, #tpu.memory_space<vmem>>, vector<1x16xf32>,
        %get3A_1555 = arith.index_cast %add3A_1514 : i32 to index
        %get3A_1556 = arith.constant 64 : index
        %get3A_1557 = tpu.vector_load %arg11[%get3A_1555, %get3A_1556] {strides = array<i32>} : memref<128x128xf32, #tpu.memory_space<vmem>>, vector<1x16xf32>,
        %get3A_1558 = vector.shape_cast %get3A_1557 : vector<1x16xf32> to vector<16xf32>
        %mul3A_1559 = arith.mulf %get3A_1558, %gather3A_1510 : vector<16xf32>
        %swap3A_1560 = arith.index_cast %add3A_1514 : i32 to index
        %swap3A_1561 = arith.constant 64 : index
        %swap3A_1562 = tpu.vector_load %arg11[%swap3A_1560, %swap3A_1561] {strides = array<i32>} : memref<128x128xf32, #tpu.memory_space<vmem>>, vector<1x16xf32>,
        %swap3A_1563 = vector.shape_cast %swap3A_1562 : vector<1x16xf32> to vector<16xf32>
        %swap3A_1564 = vector.shape_cast %mul3A_1559 : vector<16xf32> to vector<1x16xf32>
        tpu.vector_store %arg11[%swap3A_1560, %swap3A_1561], %swap3A_1564 {strides = array<i32>} : memref<128x128xf32, #tpu.memory_space<vmem>>, vector<1x16xf32>,
        %get3A_1565 = arith.index_cast %add3A_1514 : i32 to index
        %get3A_1566 = arith.constant 80 : index
        %get3A_1567 = tpu.vector_load %arg11[%get3A_1565, %get3A_1566] {strides = array<i32>} : memref<128x128xf32, #tpu.memory_space<vmem>>, vector<1x16xf32>,
        %get3A_1568 = vector.shape_cast %get3A_1567 : vector<1x16xf32> to vector<16xf32>
        %mul3A_1569 = arith.mulf %get3A_1568, %gather3A_1510 : vector<16xf32>
        %swap3A_1570 = arith.index_cast %add3A_1514 : i32 to index
        %swap3A_1571 = arith.constant 80 : index
        %swap3A_1572 = tpu.vector_load %arg11[%swap3A_1570, %swap3A_1571] {strides = array<i32>} : memref<128x128xf32, #tpu.memory_space<vmem>>, vector<1x16xf32>,
        %swap3A_1573 = vector.shape_cast %swap3A_1572 : vector<1x16xf32> to vector<16xf32>
        %swap3A_1574 = vector.shape_cast %mul3A_1569 : vector<16xf32> to vector<1x16xf32>
        tpu.vector_store %arg11[%swap3A_1570, %swap3A_1571], %swap3A_1574 {strides = array<i32>} : memref<128x128xf32, #tpu.memory_space<vmem>>, vector<1x16xf32>,
        %get3A_1575 = arith.index_cast %add3A_1514 : i32 to index
        %get3A_1576 = arith.constant 96 : index
        %get3A_1577 = tpu.vector_load %arg11[%get3A_1575, %get3A_1576] {strides = array<i32>} : memref<128x128xf32, #tpu.memory_space<vmem>>, vector<1x16xf32>,
        %get3A_1578 = vector.shape_cast %get3A_1577 : vector<1x16xf32> to vector<16xf32>
        %mul3A_1579 = arith.mulf %get3A_1578, %gather3A_1510 : vector<16xf32>
        %swap3A_1580 = arith.index_cast %add3A_1514 : i32 to index
        %swap3A_1581 = arith.constant 96 : index
        %swap3A_1582 = tpu.vector_load %arg11[%swap3A_1580, %swap3A_1581] {strides = array<i32>} : memref<128x128xf32, #tpu.memory_space<vmem>>, vector<1x16xf32>,
        %swap3A_1583 = vector.shape_cast %swap3A_1582 : vector<1x16xf32> to vector<16xf32>
        %swap3A_1584 = vector.shape_cast %mul3A_1579 : vector<16xf32> to vector<1x16xf32>
        tpu.vector_store %arg11[%swap3A_1580, %swap3A_1581], %swap3A_1584 {strides = array<i32>} : memref<128x128xf32, #tpu.memory_space<vmem>>, vector<1x16xf32>,
        %get3A_1585 = arith.index_cast %add3A_1514 : i32 to index
        %get3A_1586 = arith.constant 112 : index
        %get3A_1587 = tpu.vector_load %arg11[%get3A_1585, %get3A_1586] {strides = array<i32>} : memref<128x128xf32, #tpu.memory_space<vmem>>, vector<1x16xf32>,
        %get3A_1588 = vector.shape_cast %get3A_1587 : vector<1x16xf32> to vector<16xf32>
        %mul3A_1589 = arith.mulf %get3A_1588, %gather3A_1510 : vector<16xf32>
        %swap3A_1590 = arith.index_cast %add3A_1514 : i32 to index
        %swap3A_1591 = arith.constant 112 : index
        %swap3A_1592 = tpu.vector_load %arg11[%swap3A_1590, %swap3A_1591] {strides = array<i32>} : memref<128x128xf32, #tpu.memory_space<vmem>>, vector<1x16xf32>,
        %swap3A_1593 = vector.shape_cast %swap3A_1592 : vector<1x16xf32> to vector<16xf32>
        %swap3A_1594 = vector.shape_cast %mul3A_1589 : vector<16xf32> to vector<1x16xf32>
        tpu.vector_store %arg11[%swap3A_1590, %swap3A_1591], %swap3A_1594 {strides = array<i32>} : memref<128x128xf32, #tpu.memory_space<vmem>>, vector<1x16xf32>,
      }
      %scan3A_175 = arith.constant 8 : i32
      %mul3A_176 = arith.constant 128 : i32
      %mul3A_177 = arith.muli %add3A_143, %mul3A_176 : i32
      %add3A_178 = arith.addi %mul3A_5, %mul3A_177 : i32
      %dma_start3A_179 = arith.constant 0 : i32
      %dma_start3A_180 = tpu.memref_slice %arg7[%add3A_178, %dma_start3A_179] : memref<327680x128xf32, #tpu.memory_space<hbm>> -> memref<128x128xf32, #tpu.memory_space<hbm>>
      %dma_start3A_181 = arith.constant 0 : i32
      %dma_start3A_182 = tpu.memref_slice %arg7[%add3A_178, %dma_start3A_181] : memref<327680x128xf32, #tpu.memory_space<hbm>> -> memref<128x128xf32, #tpu.memory_space<hbm>>
      tpu.enqueue_dma source(%arg11 : memref<128x128xf32, #tpu.memory_space<vmem>>) target(%dma_start3A_182 : memref<128x128xf32, #tpu.memory_space<hbm>>) target_semaphore(%arg16 : memref<!tpu.dma_semaphore, #tpu.memory_space<semaphore_mem>>)
    }
    %scan3A_25 = arith.constant 40 : i32
    %dma_wait3A = arith.constant 0 : i32
    %dma_wait3A_26 = tpu.memref_slice %arg7[%mul3A_5, %dma_wait3A] : memref<327680x128xf32, #tpu.memory_space<hbm>> -> memref<128x128xf32, #tpu.memory_space<hbm>>
    %dma_wait3A_27 = arith.constant 0 : i32
    %dma_wait3A_28 = tpu.memref_slice %arg7[%mul3A_5, %dma_wait3A_27] : memref<327680x128xf32, #tpu.memory_space<hbm>> -> memref<128x128xf32, #tpu.memory_space<hbm>>
    tpu.wait_dma2 semaphore(%arg16 : memref<!tpu.dma_semaphore, #tpu.memory_space<semaphore_mem>>) src(%arg11 : memref<128x128xf32, #tpu.memory_space<vmem>>) dst(%dma_wait3A_28 : memref<128x128xf32, #tpu.memory_space<hbm>>)
    %barrier3A_29 = arith.constant 0 : index
    tpu.barrier barrier_id(%barrier3A_29)
    %scan3A_30 = arith.constant 0 : i32
    %scan3A_31 = arith.constant 0 : i32
    %scan3A_32 = arith.constant 128 : i32
    %scan3A_33 = arith.addi %scan3A_31, %scan3A_32 : i32
    %scan3A_34 = arith.constant 1 : i32
    scf.for %scan3A_96 = %scan3A_31 to %scan3A_33 step %scan3A_34  : i32 {
      %swap3A = arith.index_cast %scan3A_96 : i32 to index
      %swap3A_97 = arith.constant 0 : index
      %swap3A_98 = tpu.vector_load %arg10[%swap3A, %swap3A_97] {strides = array<i32>} : memref<128x128xf32, #tpu.memory_space<vmem>>, vector<1x16xf32>,
      %swap3A_99 = vector.shape_cast %swap3A_98 : vector<1x16xf32> to vector<16xf32>
      %swap3A_100 = vector.shape_cast %broadcast_in_dim3A_1 : vector<16xf32> to vector<1x16xf32>
      tpu.vector_store %arg10[%swap3A, %swap3A_97], %swap3A_100 {strides = array<i32>} : memref<128x128xf32, #tpu.memory_space<vmem>>, vector<1x16xf32>,
      %swap3A_101 = arith.index_cast %scan3A_96 : i32 to index
      %swap3A_102 = arith.constant 16 : index
      %swap3A_103 = tpu.vector_load %arg10[%swap3A_101, %swap3A_102] {strides = array<i32>} : memref<128x128xf32, #tpu.memory_space<vmem>>, vector<1x16xf32>,
      %swap3A_104 = vector.shape_cast %swap3A_103 : vector<1x16xf32> to vector<16xf32>
      %swap3A_105 = vector.shape_cast %broadcast_in_dim3A_1 : vector<16xf32> to vector<1x16xf32>
      tpu.vector_store %arg10[%swap3A_101, %swap3A_102], %swap3A_105 {strides = array<i32>} : memref<128x128xf32, #tpu.memory_space<vmem>>, vector<1x16xf32>,
      %swap3A_106 = arith.index_cast %scan3A_96 : i32 to index
      %swap3A_107 = arith.constant 32 : index
      %swap3A_108 = tpu.vector_load %arg10[%swap3A_106, %swap3A_107] {strides = array<i32>} : memref<128x128xf32, #tpu.memory_space<vmem>>, vector<1x16xf32>,
      %swap3A_109 = vector.shape_cast %swap3A_108 : vector<1x16xf32> to vector<16xf32>
      %swap3A_110 = vector.shape_cast %broadcast_in_dim3A_1 : vector<16xf32> to vector<1x16xf32>
      tpu.vector_store %arg10[%swap3A_106, %swap3A_107], %swap3A_110 {strides = array<i32>} : memref<128x128xf32, #tpu.memory_space<vmem>>, vector<1x16xf32>,
      %swap3A_111 = arith.index_cast %scan3A_96 : i32 to index
      %swap3A_112 = arith.constant 48 : index
      %swap3A_113 = tpu.vector_load %arg10[%swap3A_111, %swap3A_112] {strides = array<i32>} : memref<128x128xf32, #tpu.memory_space<vmem>>, vector<1x16xf32>,
      %swap3A_114 = vector.shape_cast %swap3A_113 : vector<1x16xf32> to vector<16xf32>
      %swap3A_115 = vector.shape_cast %broadcast_in_dim3A_1 : vector<16xf32> to vector<1x16xf32>
      tpu.vector_store %arg10[%swap3A_111, %swap3A_112], %swap3A_115 {strides = array<i32>} : memref<128x128xf32, #tpu.memory_space<vmem>>, vector<1x16xf32>,
      %swap3A_116 = arith.index_cast %scan3A_96 : i32 to index
      %swap3A_117 = arith.constant 64 : index
      %swap3A_118 = tpu.vector_load %arg10[%swap3A_116, %swap3A_117] {strides = array<i32>} : memref<128x128xf32, #tpu.memory_space<vmem>>, vector<1x16xf32>,
      %swap3A_119 = vector.shape_cast %swap3A_118 : vector<1x16xf32> to vector<16xf32>
      %swap3A_120 = vector.shape_cast %broadcast_in_dim3A_1 : vector<16xf32> to vector<1x16xf32>
      tpu.vector_store %arg10[%swap3A_116, %swap3A_117], %swap3A_120 {strides = array<i32>} : memref<128x128xf32, #tpu.memory_space<vmem>>, vector<1x16xf32>,
      %swap3A_121 = arith.index_cast %scan3A_96 : i32 to index
      %swap3A_122 = arith.constant 80 : index
      %swap3A_123 = tpu.vector_load %arg10[%swap3A_121, %swap3A_122] {strides = array<i32>} : memref<128x128xf32, #tpu.memory_space<vmem>>, vector<1x16xf32>,
      %swap3A_124 = vector.shape_cast %swap3A_123 : vector<1x16xf32> to vector<16xf32>
      %swap3A_125 = vector.shape_cast %broadcast_in_dim3A_1 : vector<16xf32> to vector<1x16xf32>
      tpu.vector_store %arg10[%swap3A_121, %swap3A_122], %swap3A_125 {strides = array<i32>} : memref<128x128xf32, #tpu.memory_space<vmem>>, vector<1x16xf32>,
      %swap3A_126 = arith.index_cast %scan3A_96 : i32 to index
      %swap3A_127 = arith.constant 96 : index
      %swap3A_128 = tpu.vector_load %arg10[%swap3A_126, %swap3A_127] {strides = array<i32>} : memref<128x128xf32, #tpu.memory_space<vmem>>, vector<1x16xf32>,
      %swap3A_129 = vector.shape_cast %swap3A_128 : vector<1x16xf32> to vector<16xf32>
      %swap3A_130 = vector.shape_cast %broadcast_in_dim3A_1 : vector<16xf32> to vector<1x16xf32>
      tpu.vector_store %arg10[%swap3A_126, %swap3A_127], %swap3A_130 {strides = array<i32>} : memref<128x128xf32, #tpu.memory_space<vmem>>, vector<1x16xf32>,
      %swap3A_131 = arith.index_cast %scan3A_96 : i32 to index
      %swap3A_132 = arith.constant 112 : index
      %swap3A_133 = tpu.vector_load %arg10[%swap3A_131, %swap3A_132] {strides = array<i32>} : memref<128x128xf32, #tpu.memory_space<vmem>>, vector<1x16xf32>,
      %swap3A_134 = vector.shape_cast %swap3A_133 : vector<1x16xf32> to vector<16xf32>
      %swap3A_135 = vector.shape_cast %broadcast_in_dim3A_1 : vector<16xf32> to vector<1x16xf32>
      tpu.vector_store %arg10[%swap3A_131, %swap3A_132], %swap3A_135 {strides = array<i32>} : memref<128x128xf32, #tpu.memory_space<vmem>>, vector<1x16xf32>,
    }
    %scan3A_35 = arith.constant 128 : i32
    %add3A_36 = arith.constant 0 : i32
    %add3A_37 = arith.addi %mul3A_8, %add3A_36 : i32
    "tpu.region"() ({
      %run_scoped3A_96 = tpu.sem_alloc : memref<!tpu.dma_semaphore, #tpu.memory_space<semaphore_mem>>
      %dma_start3A_97 = arith.constant 0 : i32
      %dma_start3A_98 = tpu.memref_slice %arg12[%add3A_37, %dma_start3A_97] : memref<10112x128xf32, #tpu.memory_space<vmem_shared>> -> memref<128x128xf32, #tpu.memory_space<vmem_shared>>
      %dma_start3A_99 = arith.constant 0 : i32
      %dma_start3A_100 = tpu.memref_slice %arg12[%add3A_37, %dma_start3A_99] : memref<10112x128xf32, #tpu.memory_space<vmem_shared>> -> memref<128x128xf32, #tpu.memory_space<vmem_shared>>
      tpu.enqueue_dma source(%arg10 : memref<128x128xf32, #tpu.memory_space<vmem>>) target(%dma_start3A_100 : memref<128x128xf32, #tpu.memory_space<vmem_shared>>) target_semaphore(%run_scoped3A_96 : memref<!tpu.dma_semaphore, #tpu.memory_space<semaphore_mem>>)
      %dma_wait3A_101 = arith.constant 0 : i32
      %dma_wait3A_102 = tpu.memref_slice %arg12[%add3A_37, %dma_wait3A_101] : memref<10112x128xf32, #tpu.memory_space<vmem_shared>> -> memref<128x128xf32, #tpu.memory_space<vmem_shared>>
      %dma_wait3A_103 = arith.constant 0 : i32
      %dma_wait3A_104 = tpu.memref_slice %arg12[%add3A_37, %dma_wait3A_103] : memref<10112x128xf32, #tpu.memory_space<vmem_shared>> -> memref<128x128xf32, #tpu.memory_space<vmem_shared>>
      tpu.wait_dma2 semaphore(%run_scoped3A_96 : memref<!tpu.dma_semaphore, #tpu.memory_space<semaphore_mem>>) src(%arg10 : memref<128x128xf32, #tpu.memory_space<vmem>>) dst(%dma_wait3A_104 : memref<128x128xf32, #tpu.memory_space<vmem_shared>>)
      tpu.yield
    }) : () -> ()
    %add3A_38 = arith.constant 128 : i32
    %add3A_39 = arith.addi %mul3A_8, %add3A_38 : i32
    "tpu.region"() ({
      %run_scoped3A_96 = tpu.sem_alloc : memref<!tpu.dma_semaphore, #tpu.memory_space<semaphore_mem>>
      %dma_start3A_97 = arith.constant 0 : i32
      %dma_start3A_98 = tpu.memref_slice %arg12[%add3A_39, %dma_start3A_97] : memref<10112x128xf32, #tpu.memory_space<vmem_shared>> -> memref<128x128xf32, #tpu.memory_space<vmem_shared>>
      %dma_start3A_99 = arith.constant 0 : i32
      %dma_start3A_100 = tpu.memref_slice %arg12[%add3A_39, %dma_start3A_99] : memref<10112x128xf32, #tpu.memory_space<vmem_shared>> -> memref<128x128xf32, #tpu.memory_space<vmem_shared>>
      tpu.enqueue_dma source(%arg10 : memref<128x128xf32, #tpu.memory_space<vmem>>) target(%dma_start3A_100 : memref<128x128xf32, #tpu.memory_space<vmem_shared>>) target_semaphore(%run_scoped3A_96 : memref<!tpu.dma_semaphore, #tpu.memory_space<semaphore_mem>>)
      %dma_wait3A_101 = arith.constant 0 : i32
      %dma_wait3A_102 = tpu.memref_slice %arg12[%add3A_39, %dma_wait3A_101] : memref<10112x128xf32, #tpu.memory_space<vmem_shared>> -> memref<128x128xf32, #tpu.memory_space<vmem_shared>>
      %dma_wait3A_103 = arith.constant 0 : i32
      %dma_wait3A_104 = tpu.memref_slice %arg12[%add3A_39, %dma_wait3A_103] : memref<10112x128xf32, #tpu.memory_space<vmem_shared>> -> memref<128x128xf32, #tpu.memory_space<vmem_shared>>
      tpu.wait_dma2 semaphore(%run_scoped3A_96 : memref<!tpu.dma_semaphore, #tpu.memory_space<semaphore_mem>>) src(%arg10 : memref<128x128xf32, #tpu.memory_space<vmem>>) dst(%dma_wait3A_104 : memref<128x128xf32, #tpu.memory_space<vmem_shared>>)
      tpu.yield
    }) : () -> ()
    %add3A_40 = arith.constant 256 : i32
    %add3A_41 = arith.addi %mul3A_8, %add3A_40 : i32
    "tpu.region"() ({
      %run_scoped3A_96 = tpu.sem_alloc : memref<!tpu.dma_semaphore, #tpu.memory_space<semaphore_mem>>
      %dma_start3A_97 = arith.constant 0 : i32
      %dma_start3A_98 = tpu.memref_slice %arg12[%add3A_41, %dma_start3A_97] : memref<10112x128xf32, #tpu.memory_space<vmem_shared>> -> memref<128x128xf32, #tpu.memory_space<vmem_shared>>
      %dma_start3A_99 = arith.constant 0 : i32
      %dma_start3A_100 = tpu.memref_slice %arg12[%add3A_41, %dma_start3A_99] : memref<10112x128xf32, #tpu.memory_space<vmem_shared>> -> memref<128x128xf32, #tpu.memory_space<vmem_shared>>
      tpu.enqueue_dma source(%arg10 : memref<128x128xf32, #tpu.memory_space<vmem>>) target(%dma_start3A_100 : memref<128x128xf32, #tpu.memory_space<vmem_shared>>) target_semaphore(%run_scoped3A_96 : memref<!tpu.dma_semaphore, #tpu.memory_space<semaphore_mem>>)
      %dma_wait3A_101 = arith.constant 0 : i32
      %dma_wait3A_102 = tpu.memref_slice %arg12[%add3A_41, %dma_wait3A_101] : memref<10112x128xf32, #tpu.memory_space<vmem_shared>> -> memref<128x128xf32, #tpu.memory_space<vmem_shared>>
      %dma_wait3A_103 = arith.constant 0 : i32
      %dma_wait3A_104 = tpu.memref_slice %arg12[%add3A_41, %dma_wait3A_103] : memref<10112x128xf32, #tpu.memory_space<vmem_shared>> -> memref<128x128xf32, #tpu.memory_space<vmem_shared>>
      tpu.wait_dma2 semaphore(%run_scoped3A_96 : memref<!tpu.dma_semaphore, #tpu.memory_space<semaphore_mem>>) src(%arg10 : memref<128x128xf32, #tpu.memory_space<vmem>>) dst(%dma_wait3A_104 : memref<128x128xf32, #tpu.memory_space<vmem_shared>>)
      tpu.yield
    }) : () -> ()
    %add3A_42 = arith.constant 384 : i32
    %add3A_43 = arith.addi %mul3A_8, %add3A_42 : i32
    "tpu.region"() ({
      %run_scoped3A_96 = tpu.sem_alloc : memref<!tpu.dma_semaphore, #tpu.memory_space<semaphore_mem>>
      %dma_start3A_97 = arith.constant 0 : i32
      %dma_start3A_98 = tpu.memref_slice %arg12[%add3A_43, %dma_start3A_97] : memref<10112x128xf32, #tpu.memory_space<vmem_shared>> -> memref<128x128xf32, #tpu.memory_space<vmem_shared>>
      %dma_start3A_99 = arith.constant 0 : i32
      %dma_start3A_100 = tpu.memref_slice %arg12[%add3A_43, %dma_start3A_99] : memref<10112x128xf32, #tpu.memory_space<vmem_shared>> -> memref<128x128xf32, #tpu.memory_space<vmem_shared>>
      tpu.enqueue_dma source(%arg10 : memref<128x128xf32, #tpu.memory_space<vmem>>) target(%dma_start3A_100 : memref<128x128xf32, #tpu.memory_space<vmem_shared>>) target_semaphore(%run_scoped3A_96 : memref<!tpu.dma_semaphore, #tpu.memory_space<semaphore_mem>>)
      %dma_wait3A_101 = arith.constant 0 : i32
      %dma_wait3A_102 = tpu.memref_slice %arg12[%add3A_43, %dma_wait3A_101] : memref<10112x128xf32, #tpu.memory_space<vmem_shared>> -> memref<128x128xf32, #tpu.memory_space<vmem_shared>>
      %dma_wait3A_103 = arith.constant 0 : i32
      %dma_wait3A_104 = tpu.memref_slice %arg12[%add3A_43, %dma_wait3A_103] : memref<10112x128xf32, #tpu.memory_space<vmem_shared>> -> memref<128x128xf32, #tpu.memory_space<vmem_shared>>
      tpu.wait_dma2 semaphore(%run_scoped3A_96 : memref<!tpu.dma_semaphore, #tpu.memory_space<semaphore_mem>>) src(%arg10 : memref<128x128xf32, #tpu.memory_space<vmem>>) dst(%dma_wait3A_104 : memref<128x128xf32, #tpu.memory_space<vmem_shared>>)
      tpu.yield
    }) : () -> ()
    %add3A_44 = arith.constant 512 : i32
    %add3A_45 = arith.addi %mul3A_8, %add3A_44 : i32
    "tpu.region"() ({
      %run_scoped3A_96 = tpu.sem_alloc : memref<!tpu.dma_semaphore, #tpu.memory_space<semaphore_mem>>
      %dma_start3A_97 = arith.constant 0 : i32
      %dma_start3A_98 = arith.constant 0 : i32
      %dma_start3A_99 = tpu.memref_slice %arg10[%dma_start3A_97, %dma_start3A_98] : memref<128x128xf32, #tpu.memory_space<vmem>> -> memref<120x128xf32, #tpu.memory_space<vmem>>
      %dma_start3A_100 = arith.constant 0 : i32
      %dma_start3A_101 = tpu.memref_slice %arg12[%add3A_45, %dma_start3A_100] : memref<10112x128xf32, #tpu.memory_space<vmem_shared>> -> memref<120x128xf32, #tpu.memory_space<vmem_shared>>
      %dma_start3A_102 = arith.constant 0 : i32
      %dma_start3A_103 = tpu.memref_slice %arg12[%add3A_45, %dma_start3A_102] : memref<10112x128xf32, #tpu.memory_space<vmem_shared>> -> memref<120x128xf32, #tpu.memory_space<vmem_shared>>
      %dma_start3A_104 = arith.constant 0 : i32
      %dma_start3A_105 = arith.constant 0 : i32
      %dma_start3A_106 = tpu.memref_slice %arg10[%dma_start3A_104, %dma_start3A_105] : memref<128x128xf32, #tpu.memory_space<vmem>> -> memref<120x128xf32, #tpu.memory_space<vmem>>
      tpu.enqueue_dma source(%dma_start3A_106 : memref<120x128xf32, #tpu.memory_space<vmem>>) target(%dma_start3A_103 : memref<120x128xf32, #tpu.memory_space<vmem_shared>>) target_semaphore(%run_scoped3A_96 : memref<!tpu.dma_semaphore, #tpu.memory_space<semaphore_mem>>)
      %dma_wait3A_107 = arith.constant 0 : i32
      %dma_wait3A_108 = arith.constant 0 : i32
      %dma_wait3A_109 = tpu.memref_slice %arg10[%dma_wait3A_107, %dma_wait3A_108] : memref<128x128xf32, #tpu.memory_space<vmem>> -> memref<120x128xf32, #tpu.memory_space<vmem>>
      %dma_wait3A_110 = arith.constant 0 : i32
      %dma_wait3A_111 = tpu.memref_slice %arg12[%add3A_45, %dma_wait3A_110] : memref<10112x128xf32, #tpu.memory_space<vmem_shared>> -> memref<120x128xf32, #tpu.memory_space<vmem_shared>>
      %dma_wait3A_112 = arith.constant 0 : i32
      %dma_wait3A_113 = tpu.memref_slice %arg12[%add3A_45, %dma_wait3A_112] : memref<10112x128xf32, #tpu.memory_space<vmem_shared>> -> memref<120x128xf32, #tpu.memory_space<vmem_shared>>
      %dma_wait3A_114 = arith.constant 0 : i32
      %dma_wait3A_115 = arith.constant 0 : i32
      %dma_wait3A_116 = tpu.memref_slice %arg10[%dma_wait3A_114, %dma_wait3A_115] : memref<128x128xf32, #tpu.memory_space<vmem>> -> memref<120x128xf32, #tpu.memory_space<vmem>>
      tpu.wait_dma2 semaphore(%run_scoped3A_96 : memref<!tpu.dma_semaphore, #tpu.memory_space<semaphore_mem>>) src(%dma_wait3A_116 : memref<120x128xf32, #tpu.memory_space<vmem>>) dst(%dma_wait3A_113 : memref<120x128xf32, #tpu.memory_space<vmem_shared>>)
      tpu.yield
    }) : () -> ()
    %run_scoped3A_46 = arith.constant 0 : i32
    "tpu.region"() ({
      %run_scoped3A_96 = tpu.sem_alloc : memref<!tpu.dma_semaphore, #tpu.memory_space<semaphore_mem>>
      %dma_start3A_97 = arith.constant 0 : i32
      %dma_start3A_98 = arith.constant 0 : i32
      %dma_start3A_99 = tpu.memref_slice %arg4[%add3A, %run_scoped3A_46, %dma_start3A_97, %dma_start3A_98] : memref<32x2x40x128xi32, #tpu.memory_space<hbm>> -> memref<1x1x40x128xi32, #tpu.memory_space<hbm>>
      %dma_start3A_100 = tpu.memref_squeeze %dma_start3A_99 : memref<1x1x40x128xi32, #tpu.memory_space<hbm>> -> memref<40x128xi32, #tpu.memory_space<hbm>>
      %dma_start3A_101 = arith.constant 0 : i32
      %dma_start3A_102 = arith.constant 0 : i32
      %dma_start3A_103 = tpu.memref_slice %arg4[%add3A, %run_scoped3A_46, %dma_start3A_101, %dma_start3A_102] : memref<32x2x40x128xi32, #tpu.memory_space<hbm>> -> memref<1x1x40x128xi32, #tpu.memory_space<hbm>>
      %dma_start3A_104 = tpu.memref_squeeze %dma_start3A_103 : memref<1x1x40x128xi32, #tpu.memory_space<hbm>> -> memref<40x128xi32, #tpu.memory_space<hbm>>
      tpu.enqueue_dma source(%dma_start3A_104 : memref<40x128xi32, #tpu.memory_space<hbm>>) target(%arg8 : memref<40x128xi32, #tpu.memory_space<vmem>>) target_semaphore(%run_scoped3A_96 : memref<!tpu.dma_semaphore, #tpu.memory_space<semaphore_mem>>)
      %dma_wait3A_105 = arith.constant 0 : i32
      %dma_wait3A_106 = arith.constant 0 : i32
      %dma_wait3A_107 = tpu.memref_slice %arg4[%add3A, %run_scoped3A_46, %dma_wait3A_105, %dma_wait3A_106] : memref<32x2x40x128xi32, #tpu.memory_space<hbm>> -> memref<1x1x40x128xi32, #tpu.memory_space<hbm>>
      %dma_wait3A_108 = tpu.memref_squeeze %dma_wait3A_107 : memref<1x1x40x128xi32, #tpu.memory_space<hbm>> -> memref<40x128xi32, #tpu.memory_space<hbm>>
      %dma_wait3A_109 = arith.constant 0 : i32
      %dma_wait3A_110 = arith.constant 0 : i32
      %dma_wait3A_111 = tpu.memref_slice %arg4[%add3A, %run_scoped3A_46, %dma_wait3A_109, %dma_wait3A_110] : memref<32x2x40x128xi32, #tpu.memory_space<hbm>> -> memref<1x1x40x128xi32, #tpu.memory_space<hbm>>
      %dma_wait3A_112 = tpu.memref_squeeze %dma_wait3A_111 : memref<1x1x40x128xi32, #tpu.memory_space<hbm>> -> memref<40x128xi32, #tpu.memory_space<hbm>>
      tpu.wait_dma2 semaphore(%run_scoped3A_96 : memref<!tpu.dma_semaphore, #tpu.memory_space<semaphore_mem>>) src(%dma_wait3A_112 : memref<40x128xi32, #tpu.memory_space<hbm>>) dst(%arg8 : memref<40x128xi32, #tpu.memory_space<vmem>>)
      tpu.yield
    }) : () -> ()
    %barrier3A_47 = arith.constant 0 : index
    tpu.barrier barrier_id(%barrier3A_47)
    %dma_start3A_48 = arith.constant 0 : i32
    %dma_start3A_49 = tpu.memref_slice %arg7[%mul3A_5, %dma_start3A_48] : memref<327680x128xf32, #tpu.memory_space<hbm>> -> memref<128x128xf32, #tpu.memory_space<hbm>>
    %dma_start3A_50 = arith.constant 0 : i32
    %dma_start3A_51 = tpu.memref_slice %arg7[%mul3A_5, %dma_start3A_50] : memref<327680x128xf32, #tpu.memory_space<hbm>> -> memref<128x128xf32, #tpu.memory_space<hbm>>
    tpu.enqueue_dma source(%dma_start3A_51 : memref<128x128xf32, #tpu.memory_space<hbm>>) target(%arg10 : memref<128x128xf32, #tpu.memory_space<vmem>>) target_semaphore(%arg13 : memref<!tpu.dma_semaphore, #tpu.memory_space<semaphore_mem>>)
    %scan3A_52 = arith.constant 0 : i32
    %scan3A_53 = arith.constant 0 : i32
    %scan3A_54 = arith.constant 40 : i32
    %scan3A_55 = arith.addi %scan3A_53, %scan3A_54 : i32
    %scan3A_56 = arith.constant 1 : i32
    scf.for %scan3A_96 = %scan3A_53 to %scan3A_55 step %scan3A_56  : i32 {
      %mul3A_97 = arith.constant 2 : i32
      %mul3A_98 = arith.muli %mul3A_97, %scan3A_96 : i32
      %add3A_99 = arith.constant 0 : i32
      %add3A_100 = arith.addi %mul3A_98, %add3A_99 : i32
      %rem3A = arith.constant 40 : i32
      %rem3A_101 = arith.remsi %add3A_100, %rem3A : i32
      %add3A_102 = arith.constant 1 : i32
      %add3A_103 = arith.addi %add3A_100, %add3A_102 : i32
      %rem3A_104 = arith.constant 40 : i32
      %rem3A_105 = arith.remsi %add3A_103, %rem3A_104 : i32
      %dma_wait3A_106 = arith.constant 0 : i32
      %dma_wait3A_107 = tpu.memref_slice %arg7[%mul3A_5, %dma_wait3A_106] : memref<327680x128xf32, #tpu.memory_space<hbm>> -> memref<128x128xf32, #tpu.memory_space<hbm>>
      %dma_wait3A_108 = arith.constant 0 : i32
      %dma_wait3A_109 = tpu.memref_slice %arg7[%mul3A_5, %dma_wait3A_108] : memref<327680x128xf32, #tpu.memory_space<hbm>> -> memref<128x128xf32, #tpu.memory_space<hbm>>
      tpu.wait_dma2 semaphore(%arg13 : memref<!tpu.dma_semaphore, #tpu.memory_space<semaphore_mem>>) src(%dma_wait3A_109 : memref<128x128xf32, #tpu.memory_space<hbm>>) dst(%arg10 : memref<128x128xf32, #tpu.memory_space<vmem>>)
      %gt3A = arith.constant 0 : i32
      %gt3A_110 = arith.cmpi sgt, %scan3A_96, %gt3A : i32
      %convert_element_type3A_111 = arith.extui %gt3A_110 : i1 to i32
      %cond3A_112 = arith.constant 0 : i32
      %cond3A_113 = arith.cmpi ne, %convert_element_type3A_111, %cond3A_112 : i32
      scf.if %cond3A_113 {
        %dma_wait3A_165 = arith.constant 0 : i32
        %dma_wait3A_166 = tpu.memref_slice %arg8[%rem3A_101, %dma_wait3A_165] : memref<40x128xi32, #tpu.memory_space<vmem>> -> memref<1x128xi32, #tpu.memory_space<vmem>>
        %dma_wait3A_167 = tpu.memref_squeeze %dma_wait3A_166 : memref<1x128xi32, #tpu.memory_space<vmem>> -> memref<128xi32, #tpu.memory_space<vmem>>
        %dma_wait3A_168 = arith.constant 0 : i32
        %dma_wait3A_169 = arith.constant 0 : i32
        %dma_wait3A_170 = tpu.memref_slice %arg12[%dma_wait3A_168, %dma_wait3A_169] : memref<10112x128xf32, #tpu.memory_space<vmem_shared>> -> memref<10112x128xf32, #tpu.memory_space<vmem_shared>>
        tpu.wait_indirect_dma semaphore(%arg16 : memref<!tpu.dma_semaphore, #tpu.memory_space<semaphore_mem>>) src(%arg11 : memref<128x128xf32, #tpu.memory_space<vmem>>) dst(%dma_wait3A_170 : memref<10112x128xf32, #tpu.memory_space<vmem_shared>>)
      } else {
      }
      %eq3A_114 = arith.constant 20 : i32
      %eq3A_115 = arith.cmpi eq, %scan3A_96, %eq3A_114 : i32
      %convert_element_type3A_116 = arith.extui %eq3A_115 : i1 to i32
      %cond3A_117 = arith.constant 0 : i32
      %cond3A_118 = arith.cmpi ne, %convert_element_type3A_116, %cond3A_117 : i32
      scf.if %cond3A_118 {
        %run_scoped3A_165 = arith.constant 1 : i32
        "tpu.region"() ({
          %run_scoped3A_166 = tpu.sem_alloc : memref<!tpu.dma_semaphore, #tpu.memory_space<semaphore_mem>>
          %dma_start3A_167 = arith.constant 0 : i32
          %dma_start3A_168 = arith.constant 0 : i32
          %dma_start3A_169 = tpu.memref_slice %arg4[%add3A, %run_scoped3A_165, %dma_start3A_167, %dma_start3A_168] : memref<32x2x40x128xi32, #tpu.memory_space<hbm>> -> memref<1x1x40x128xi32, #tpu.memory_space<hbm>>
          %dma_start3A_170 = tpu.memref_squeeze %dma_start3A_169 : memref<1x1x40x128xi32, #tpu.memory_space<hbm>> -> memref<40x128xi32, #tpu.memory_space<hbm>>
          %dma_start3A_171 = arith.constant 0 : i32
          %dma_start3A_172 = arith.constant 0 : i32
          %dma_start3A_173 = tpu.memref_slice %arg4[%add3A, %run_scoped3A_165, %dma_start3A_171, %dma_start3A_172] : memref<32x2x40x128xi32, #tpu.memory_space<hbm>> -> memref<1x1x40x128xi32, #tpu.memory_space<hbm>>
          %dma_start3A_174 = tpu.memref_squeeze %dma_start3A_173 : memref<1x1x40x128xi32, #tpu.memory_space<hbm>> -> memref<40x128xi32, #tpu.memory_space<hbm>>
          tpu.enqueue_dma source(%dma_start3A_174 : memref<40x128xi32, #tpu.memory_space<hbm>>) target(%arg8 : memref<40x128xi32, #tpu.memory_space<vmem>>) target_semaphore(%run_scoped3A_166 : memref<!tpu.dma_semaphore, #tpu.memory_space<semaphore_mem>>)
          %dma_wait3A_175 = arith.constant 0 : i32
          %dma_wait3A_176 = arith.constant 0 : i32
          %dma_wait3A_177 = tpu.memref_slice %arg4[%add3A, %run_scoped3A_165, %dma_wait3A_175, %dma_wait3A_176] : memref<32x2x40x128xi32, #tpu.memory_space<hbm>> -> memref<1x1x40x128xi32, #tpu.memory_space<hbm>>
          %dma_wait3A_178 = tpu.memref_squeeze %dma_wait3A_177 : memref<1x1x40x128xi32, #tpu.memory_space<hbm>> -> memref<40x128xi32, #tpu.memory_space<hbm>>
          %dma_wait3A_179 = arith.constant 0 : i32
          %dma_wait3A_180 = arith.constant 0 : i32
          %dma_wait3A_181 = tpu.memref_slice %arg4[%add3A, %run_scoped3A_165, %dma_wait3A_179, %dma_wait3A_180] : memref<32x2x40x128xi32, #tpu.memory_space<hbm>> -> memref<1x1x40x128xi32, #tpu.memory_space<hbm>>
          %dma_wait3A_182 = tpu.memref_squeeze %dma_wait3A_181 : memref<1x1x40x128xi32, #tpu.memory_space<hbm>> -> memref<40x128xi32, #tpu.memory_space<hbm>>
          tpu.wait_dma2 semaphore(%run_scoped3A_166 : memref<!tpu.dma_semaphore, #tpu.memory_space<semaphore_mem>>) src(%dma_wait3A_182 : memref<40x128xi32, #tpu.memory_space<hbm>>) dst(%arg8 : memref<40x128xi32, #tpu.memory_space<vmem>>)
          tpu.yield
        }) : () -> ()
      } else {
      }
      %add3A_119 = arith.constant 1 : i32
      %add3A_120 = arith.addi %add3A_100, %add3A_119 : i32
      %mul3A_121 = arith.constant 128 : i32
      %mul3A_122 = arith.muli %add3A_120, %mul3A_121 : i32
      %add3A_123 = arith.addi %mul3A_5, %mul3A_122 : i32
      %dma_start3A_124 = arith.constant 0 : i32
      %dma_start3A_125 = tpu.memref_slice %arg7[%add3A_123, %dma_start3A_124] : memref<327680x128xf32, #tpu.memory_space<hbm>> -> memref<128x128xf32, #tpu.memory_space<hbm>>
      %dma_start3A_126 = arith.constant 0 : i32
      %dma_start3A_127 = tpu.memref_slice %arg7[%add3A_123, %dma_start3A_126] : memref<327680x128xf32, #tpu.memory_space<hbm>> -> memref<128x128xf32, #tpu.memory_space<hbm>>
      tpu.enqueue_dma source(%dma_start3A_127 : memref<128x128xf32, #tpu.memory_space<hbm>>) target(%arg11 : memref<128x128xf32, #tpu.memory_space<vmem>>) target_semaphore(%arg14 : memref<!tpu.dma_semaphore, #tpu.memory_space<semaphore_mem>>)
      %dma_start3A_128 = arith.constant 0 : i32
      %dma_start3A_129 = tpu.memref_slice %arg8[%rem3A_101, %dma_start3A_128] : memref<40x128xi32, #tpu.memory_space<vmem>> -> memref<1x128xi32, #tpu.memory_space<vmem>>
      %dma_start3A_130 = tpu.memref_squeeze %dma_start3A_129 : memref<1x128xi32, #tpu.memory_space<vmem>> -> memref<128xi32, #tpu.memory_space<vmem>>
      %dma_start3A_131 = arith.constant 0 : i32
      %dma_start3A_132 = arith.constant 0 : i32
      %dma_start3A_133 = tpu.memref_slice %arg12[%dma_start3A_131, %dma_start3A_132] : memref<10112x128xf32, #tpu.memory_space<vmem_shared>> -> memref<10112x128xf32, #tpu.memory_space<vmem_shared>>
      tpu.enqueue_indirect_dma source(%arg10 : memref<128x128xf32, #tpu.memory_space<vmem>>) target(%dma_start3A_133 : memref<10112x128xf32, #tpu.memory_space<vmem_shared>>) offsets(%dma_start3A_130 : memref<128xi32, #tpu.memory_space<vmem>>) semaphore(%arg15 : memref<!tpu.dma_semaphore, #tpu.memory_space<semaphore_mem>>) {add = true}
      %mul3A_134 = arith.constant 2 : i32
      %mul3A_135 = arith.muli %mul3A_134, %scan3A_96 : i32
      %add3A_136 = arith.constant 1 : i32
      %add3A_137 = arith.addi %mul3A_135, %add3A_136 : i32
      %rem3A_138 = arith.constant 40 : i32
      %rem3A_139 = arith.remsi %add3A_137, %rem3A_138 : i32
      %add3A_140 = arith.constant 1 : i32
      %add3A_141 = arith.addi %add3A_137, %add3A_140 : i32
      %rem3A_142 = arith.constant 40 : i32
      %rem3A_143 = arith.remsi %add3A_141, %rem3A_142 : i32
      %dma_wait3A_144 = arith.constant 0 : i32
      %dma_wait3A_145 = tpu.memref_slice %arg7[%mul3A_5, %dma_wait3A_144] : memref<327680x128xf32, #tpu.memory_space<hbm>> -> memref<128x128xf32, #tpu.memory_space<hbm>>
      %dma_wait3A_146 = arith.constant 0 : i32
      %dma_wait3A_147 = tpu.memref_slice %arg7[%mul3A_5, %dma_wait3A_146] : memref<327680x128xf32, #tpu.memory_space<hbm>> -> memref<128x128xf32, #tpu.memory_space<hbm>>
      tpu.wait_dma2 semaphore(%arg14 : memref<!tpu.dma_semaphore, #tpu.memory_space<semaphore_mem>>) src(%dma_wait3A_147 : memref<128x128xf32, #tpu.memory_space<hbm>>) dst(%arg11 : memref<128x128xf32, #tpu.memory_space<vmem>>)
      %dma_wait3A_148 = arith.constant 0 : i32
      %dma_wait3A_149 = tpu.memref_slice %arg8[%rem3A_139, %dma_wait3A_148] : memref<40x128xi32, #tpu.memory_space<vmem>> -> memref<1x128xi32, #tpu.memory_space<vmem>>
      %dma_wait3A_150 = tpu.memref_squeeze %dma_wait3A_149 : memref<1x128xi32, #tpu.memory_space<vmem>> -> memref<128xi32, #tpu.memory_space<vmem>>
      %dma_wait3A_151 = arith.constant 0 : i32
      %dma_wait3A_152 = arith.constant 0 : i32
      %dma_wait3A_153 = tpu.memref_slice %arg12[%dma_wait3A_151, %dma_wait3A_152] : memref<10112x128xf32, #tpu.memory_space<vmem_shared>> -> memref<10112x128xf32, #tpu.memory_space<vmem_shared>>
      tpu.wait_indirect_dma semaphore(%arg15 : memref<!tpu.dma_semaphore, #tpu.memory_space<semaphore_mem>>) src(%arg10 : memref<128x128xf32, #tpu.memory_space<vmem>>) dst(%dma_wait3A_153 : memref<10112x128xf32, #tpu.memory_space<vmem_shared>>)
      %lt3A_154 = arith.constant 39 : i32
      %lt3A_155 = arith.cmpi slt, %scan3A_96, %lt3A_154 : i32
      %convert_element_type3A_156 = arith.extui %lt3A_155 : i1 to i32
      %cond3A_157 = arith.constant 0 : i32
      %cond3A_158 = arith.cmpi ne, %convert_element_type3A_156, %cond3A_157 : i32
      scf.if %cond3A_158 {
        %add3A_165 = arith.constant 1 : i32
        %add3A_166 = arith.addi %add3A_137, %add3A_165 : i32
        %mul3A_167 = arith.constant 128 : i32
        %mul3A_168 = arith.muli %add3A_166, %mul3A_167 : i32
        %add3A_169 = arith.addi %mul3A_5, %mul3A_168 : i32
        %dma_start3A_170 = arith.constant 0 : i32
        %dma_start3A_171 = tpu.memref_slice %arg7[%add3A_169, %dma_start3A_170] : memref<327680x128xf32, #tpu.memory_space<hbm>> -> memref<128x128xf32, #tpu.memory_space<hbm>>
        %dma_start3A_172 = arith.constant 0 : i32
        %dma_start3A_173 = tpu.memref_slice %arg7[%add3A_169, %dma_start3A_172] : memref<327680x128xf32, #tpu.memory_space<hbm>> -> memref<128x128xf32, #tpu.memory_space<hbm>>
        tpu.enqueue_dma source(%dma_start3A_173 : memref<128x128xf32, #tpu.memory_space<hbm>>) target(%arg10 : memref<128x128xf32, #tpu.memory_space<vmem>>) target_semaphore(%arg13 : memref<!tpu.dma_semaphore, #tpu.memory_space<semaphore_mem>>)
      } else {
      }
      %dma_start3A_159 = arith.constant 0 : i32
      %dma_start3A_160 = tpu.memref_slice %arg8[%rem3A_139, %dma_start3A_159] : memref<40x128xi32, #tpu.memory_space<vmem>> -> memref<1x128xi32, #tpu.memory_space<vmem>>
      %dma_start3A_161 = tpu.memref_squeeze %dma_start3A_160 : memref<1x128xi32, #tpu.memory_space<vmem>> -> memref<128xi32, #tpu.memory_space<vmem>>
      %dma_start3A_162 = arith.constant 0 : i32
      %dma_start3A_163 = arith.constant 0 : i32
      %dma_start3A_164 = tpu.memref_slice %arg12[%dma_start3A_162, %dma_start3A_163] : memref<10112x128xf32, #tpu.memory_space<vmem_shared>> -> memref<10112x128xf32, #tpu.memory_space<vmem_shared>>
      tpu.enqueue_indirect_dma source(%arg11 : memref<128x128xf32, #tpu.memory_space<vmem>>) target(%dma_start3A_164 : memref<10112x128xf32, #tpu.memory_space<vmem_shared>>) offsets(%dma_start3A_161 : memref<128xi32, #tpu.memory_space<vmem>>) semaphore(%arg16 : memref<!tpu.dma_semaphore, #tpu.memory_space<semaphore_mem>>) {add = true}
    }
    %scan3A_57 = arith.constant 40 : i32
    %dma_wait3A_58 = arith.constant 0 : i32
    %dma_wait3A_59 = arith.constant 0 : i32
    %dma_wait3A_60 = tpu.memref_slice %arg8[%dma_wait3A_58, %dma_wait3A_59] : memref<40x128xi32, #tpu.memory_space<vmem>> -> memref<1x128xi32, #tpu.memory_space<vmem>>
    %dma_wait3A_61 = tpu.memref_squeeze %dma_wait3A_60 : memref<1x128xi32, #tpu.memory_space<vmem>> -> memref<128xi32, #tpu.memory_space<vmem>>
    %dma_wait3A_62 = arith.constant 0 : i32
    %dma_wait3A_63 = arith.constant 0 : i32
    %dma_wait3A_64 = tpu.memref_slice %arg12[%dma_wait3A_62, %dma_wait3A_63] : memref<10112x128xf32, #tpu.memory_space<vmem_shared>> -> memref<10112x128xf32, #tpu.memory_space<vmem_shared>>
    tpu.wait_indirect_dma semaphore(%arg16 : memref<!tpu.dma_semaphore, #tpu.memory_space<semaphore_mem>>) src(%arg11 : memref<128x128xf32, #tpu.memory_space<vmem>>) dst(%dma_wait3A_64 : memref<10112x128xf32, #tpu.memory_space<vmem_shared>>)
    %barrier3A_65 = arith.constant 0 : index
    tpu.barrier barrier_id(%barrier3A_65)
    %mul3A_66 = arith.constant 624 : i32
    %mul3A_67 = arith.muli %arg1, %mul3A_66 : i32
    %mul3A_68 = arith.constant 10000 : i32
    %mul3A_69 = arith.muli %arg0, %mul3A_68 : i32
    %add3A_70 = arith.addi %mul3A_69, %mul3A_67 : i32
    %add3A_71 = arith.constant 0 : i32
    %add3A_72 = arith.addi %mul3A_67, %add3A_71 : i32
    "tpu.region"() ({
      %run_scoped3A_96 = tpu.sem_alloc : memref<!tpu.dma_semaphore, #tpu.memory_space<semaphore_mem>>
      %dma_start3A_97 = arith.constant 0 : i32
      %dma_start3A_98 = tpu.memref_slice %arg12[%add3A_72, %dma_start3A_97] : memref<10112x128xf32, #tpu.memory_space<vmem_shared>> -> memref<128x128xf32, #tpu.memory_space<vmem_shared>>
      %dma_start3A_99 = arith.constant 0 : i32
      %dma_start3A_100 = tpu.memref_slice %arg12[%add3A_72, %dma_start3A_99] : memref<10112x128xf32, #tpu.memory_space<vmem_shared>> -> memref<128x128xf32, #tpu.memory_space<vmem_shared>>
      tpu.enqueue_dma source(%dma_start3A_100 : memref<128x128xf32, #tpu.memory_space<vmem_shared>>) target(%arg10 : memref<128x128xf32, #tpu.memory_space<vmem>>) target_semaphore(%run_scoped3A_96 : memref<!tpu.dma_semaphore, #tpu.memory_space<semaphore_mem>>)
      %dma_wait3A_101 = arith.constant 0 : i32
      %dma_wait3A_102 = tpu.memref_slice %arg12[%add3A_72, %dma_wait3A_101] : memref<10112x128xf32, #tpu.memory_space<vmem_shared>> -> memref<128x128xf32, #tpu.memory_space<vmem_shared>>
      %dma_wait3A_103 = arith.constant 0 : i32
      %dma_wait3A_104 = tpu.memref_slice %arg12[%add3A_72, %dma_wait3A_103] : memref<10112x128xf32, #tpu.memory_space<vmem_shared>> -> memref<128x128xf32, #tpu.memory_space<vmem_shared>>
      tpu.wait_dma2 semaphore(%run_scoped3A_96 : memref<!tpu.dma_semaphore, #tpu.memory_space<semaphore_mem>>) src(%dma_wait3A_104 : memref<128x128xf32, #tpu.memory_space<vmem_shared>>) dst(%arg10 : memref<128x128xf32, #tpu.memory_space<vmem>>)
      tpu.yield
    }) : () -> ()
    %add3A_73 = arith.constant 0 : i32
    %add3A_74 = arith.addi %add3A_70, %add3A_73 : i32
    "tpu.region"() ({
      %run_scoped3A_96 = tpu.sem_alloc : memref<!tpu.dma_semaphore, #tpu.memory_space<semaphore_mem>>
      %dma_start3A_97 = arith.constant 0 : i32
      %dma_start3A_98 = tpu.memref_slice %arg6[%add3A_74, %dma_start3A_97] : memref<20000x128xf32, #tpu.memory_space<hbm>> -> memref<128x128xf32, #tpu.memory_space<hbm>>
      %dma_start3A_99 = arith.constant 0 : i32
      %dma_start3A_100 = tpu.memref_slice %arg6[%add3A_74, %dma_start3A_99] : memref<20000x128xf32, #tpu.memory_space<hbm>> -> memref<128x128xf32, #tpu.memory_space<hbm>>
      tpu.enqueue_dma source(%arg10 : memref<128x128xf32, #tpu.memory_space<vmem>>) target(%dma_start3A_100 : memref<128x128xf32, #tpu.memory_space<hbm>>) target_semaphore(%run_scoped3A_96 : memref<!tpu.dma_semaphore, #tpu.memory_space<semaphore_mem>>)
      %dma_wait3A_101 = arith.constant 0 : i32
      %dma_wait3A_102 = tpu.memref_slice %arg6[%add3A_74, %dma_wait3A_101] : memref<20000x128xf32, #tpu.memory_space<hbm>> -> memref<128x128xf32, #tpu.memory_space<hbm>>
      %dma_wait3A_103 = arith.constant 0 : i32
      %dma_wait3A_104 = tpu.memref_slice %arg6[%add3A_74, %dma_wait3A_103] : memref<20000x128xf32, #tpu.memory_space<hbm>> -> memref<128x128xf32, #tpu.memory_space<hbm>>
      tpu.wait_dma2 semaphore(%run_scoped3A_96 : memref<!tpu.dma_semaphore, #tpu.memory_space<semaphore_mem>>) src(%arg10 : memref<128x128xf32, #tpu.memory_space<vmem>>) dst(%dma_wait3A_104 : memref<128x128xf32, #tpu.memory_space<hbm>>)
      tpu.yield
    }) : () -> ()
    %add3A_75 = arith.constant 128 : i32
    %add3A_76 = arith.addi %mul3A_67, %add3A_75 : i32
    "tpu.region"() ({
      %run_scoped3A_96 = tpu.sem_alloc : memref<!tpu.dma_semaphore, #tpu.memory_space<semaphore_mem>>
      %dma_start3A_97 = arith.constant 0 : i32
      %dma_start3A_98 = tpu.memref_slice %arg12[%add3A_76, %dma_start3A_97] : memref<10112x128xf32, #tpu.memory_space<vmem_shared>> -> memref<128x128xf32, #tpu.memory_space<vmem_shared>>
      %dma_start3A_99 = arith.constant 0 : i32
      %dma_start3A_100 = tpu.memref_slice %arg12[%add3A_76, %dma_start3A_99] : memref<10112x128xf32, #tpu.memory_space<vmem_shared>> -> memref<128x128xf32, #tpu.memory_space<vmem_shared>>
      tpu.enqueue_dma source(%dma_start3A_100 : memref<128x128xf32, #tpu.memory_space<vmem_shared>>) target(%arg10 : memref<128x128xf32, #tpu.memory_space<vmem>>) target_semaphore(%run_scoped3A_96 : memref<!tpu.dma_semaphore, #tpu.memory_space<semaphore_mem>>)
      %dma_wait3A_101 = arith.constant 0 : i32
      %dma_wait3A_102 = tpu.memref_slice %arg12[%add3A_76, %dma_wait3A_101] : memref<10112x128xf32, #tpu.memory_space<vmem_shared>> -> memref<128x128xf32, #tpu.memory_space<vmem_shared>>
      %dma_wait3A_103 = arith.constant 0 : i32
      %dma_wait3A_104 = tpu.memref_slice %arg12[%add3A_76, %dma_wait3A_103] : memref<10112x128xf32, #tpu.memory_space<vmem_shared>> -> memref<128x128xf32, #tpu.memory_space<vmem_shared>>
      tpu.wait_dma2 semaphore(%run_scoped3A_96 : memref<!tpu.dma_semaphore, #tpu.memory_space<semaphore_mem>>) src(%dma_wait3A_104 : memref<128x128xf32, #tpu.memory_space<vmem_shared>>) dst(%arg10 : memref<128x128xf32, #tpu.memory_space<vmem>>)
      tpu.yield
    }) : () -> ()
    %add3A_77 = arith.constant 128 : i32
    %add3A_78 = arith.addi %add3A_70, %add3A_77 : i32
    "tpu.region"() ({
      %run_scoped3A_96 = tpu.sem_alloc : memref<!tpu.dma_semaphore, #tpu.memory_space<semaphore_mem>>
      %dma_start3A_97 = arith.constant 0 : i32
      %dma_start3A_98 = tpu.memref_slice %arg6[%add3A_78, %dma_start3A_97] : memref<20000x128xf32, #tpu.memory_space<hbm>> -> memref<128x128xf32, #tpu.memory_space<hbm>>
      %dma_start3A_99 = arith.constant 0 : i32
      %dma_start3A_100 = tpu.memref_slice %arg6[%add3A_78, %dma_start3A_99] : memref<20000x128xf32, #tpu.memory_space<hbm>> -> memref<128x128xf32, #tpu.memory_space<hbm>>
      tpu.enqueue_dma source(%arg10 : memref<128x128xf32, #tpu.memory_space<vmem>>) target(%dma_start3A_100 : memref<128x128xf32, #tpu.memory_space<hbm>>) target_semaphore(%run_scoped3A_96 : memref<!tpu.dma_semaphore, #tpu.memory_space<semaphore_mem>>)
      %dma_wait3A_101 = arith.constant 0 : i32
      %dma_wait3A_102 = tpu.memref_slice %arg6[%add3A_78, %dma_wait3A_101] : memref<20000x128xf32, #tpu.memory_space<hbm>> -> memref<128x128xf32, #tpu.memory_space<hbm>>
      %dma_wait3A_103 = arith.constant 0 : i32
      %dma_wait3A_104 = tpu.memref_slice %arg6[%add3A_78, %dma_wait3A_103] : memref<20000x128xf32, #tpu.memory_space<hbm>> -> memref<128x128xf32, #tpu.memory_space<hbm>>
      tpu.wait_dma2 semaphore(%run_scoped3A_96 : memref<!tpu.dma_semaphore, #tpu.memory_space<semaphore_mem>>) src(%arg10 : memref<128x128xf32, #tpu.memory_space<vmem>>) dst(%dma_wait3A_104 : memref<128x128xf32, #tpu.memory_space<hbm>>)
      tpu.yield
    }) : () -> ()
    %add3A_79 = arith.constant 256 : i32
    %add3A_80 = arith.addi %mul3A_67, %add3A_79 : i32
    "tpu.region"() ({
      %run_scoped3A_96 = tpu.sem_alloc : memref<!tpu.dma_semaphore, #tpu.memory_space<semaphore_mem>>
      %dma_start3A_97 = arith.constant 0 : i32
      %dma_start3A_98 = tpu.memref_slice %arg12[%add3A_80, %dma_start3A_97] : memref<10112x128xf32, #tpu.memory_space<vmem_shared>> -> memref<128x128xf32, #tpu.memory_space<vmem_shared>>
      %dma_start3A_99 = arith.constant 0 : i32
      %dma_start3A_100 = tpu.memref_slice %arg12[%add3A_80, %dma_start3A_99] : memref<10112x128xf32, #tpu.memory_space<vmem_shared>> -> memref<128x128xf32, #tpu.memory_space<vmem_shared>>
      tpu.enqueue_dma source(%dma_start3A_100 : memref<128x128xf32, #tpu.memory_space<vmem_shared>>) target(%arg10 : memref<128x128xf32, #tpu.memory_space<vmem>>) target_semaphore(%run_scoped3A_96 : memref<!tpu.dma_semaphore, #tpu.memory_space<semaphore_mem>>)
      %dma_wait3A_101 = arith.constant 0 : i32
      %dma_wait3A_102 = tpu.memref_slice %arg12[%add3A_80, %dma_wait3A_101] : memref<10112x128xf32, #tpu.memory_space<vmem_shared>> -> memref<128x128xf32, #tpu.memory_space<vmem_shared>>
      %dma_wait3A_103 = arith.constant 0 : i32
      %dma_wait3A_104 = tpu.memref_slice %arg12[%add3A_80, %dma_wait3A_103] : memref<10112x128xf32, #tpu.memory_space<vmem_shared>> -> memref<128x128xf32, #tpu.memory_space<vmem_shared>>
      tpu.wait_dma2 semaphore(%run_scoped3A_96 : memref<!tpu.dma_semaphore, #tpu.memory_space<semaphore_mem>>) src(%dma_wait3A_104 : memref<128x128xf32, #tpu.memory_space<vmem_shared>>) dst(%arg10 : memref<128x128xf32, #tpu.memory_space<vmem>>)
      tpu.yield
    }) : () -> ()
    %add3A_81 = arith.constant 256 : i32
    %add3A_82 = arith.addi %add3A_70, %add3A_81 : i32
    "tpu.region"() ({
      %run_scoped3A_96 = tpu.sem_alloc : memref<!tpu.dma_semaphore, #tpu.memory_space<semaphore_mem>>
      %dma_start3A_97 = arith.constant 0 : i32
      %dma_start3A_98 = tpu.memref_slice %arg6[%add3A_82, %dma_start3A_97] : memref<20000x128xf32, #tpu.memory_space<hbm>> -> memref<128x128xf32, #tpu.memory_space<hbm>>
      %dma_start3A_99 = arith.constant 0 : i32
      %dma_start3A_100 = tpu.memref_slice %arg6[%add3A_82, %dma_start3A_99] : memref<20000x128xf32, #tpu.memory_space<hbm>> -> memref<128x128xf32, #tpu.memory_space<hbm>>
      tpu.enqueue_dma source(%arg10 : memref<128x128xf32, #tpu.memory_space<vmem>>) target(%dma_start3A_100 : memref<128x128xf32, #tpu.memory_space<hbm>>) target_semaphore(%run_scoped3A_96 : memref<!tpu.dma_semaphore, #tpu.memory_space<semaphore_mem>>)
      %dma_wait3A_101 = arith.constant 0 : i32
      %dma_wait3A_102 = tpu.memref_slice %arg6[%add3A_82, %dma_wait3A_101] : memref<20000x128xf32, #tpu.memory_space<hbm>> -> memref<128x128xf32, #tpu.memory_space<hbm>>
      %dma_wait3A_103 = arith.constant 0 : i32
      %dma_wait3A_104 = tpu.memref_slice %arg6[%add3A_82, %dma_wait3A_103] : memref<20000x128xf32, #tpu.memory_space<hbm>> -> memref<128x128xf32, #tpu.memory_space<hbm>>
      tpu.wait_dma2 semaphore(%run_scoped3A_96 : memref<!tpu.dma_semaphore, #tpu.memory_space<semaphore_mem>>) src(%arg10 : memref<128x128xf32, #tpu.memory_space<vmem>>) dst(%dma_wait3A_104 : memref<128x128xf32, #tpu.memory_space<hbm>>)
      tpu.yield
    }) : () -> ()
    %add3A_83 = arith.constant 384 : i32
    %add3A_84 = arith.addi %mul3A_67, %add3A_83 : i32
    "tpu.region"() ({
      %run_scoped3A_96 = tpu.sem_alloc : memref<!tpu.dma_semaphore, #tpu.memory_space<semaphore_mem>>
      %dma_start3A_97 = arith.constant 0 : i32
      %dma_start3A_98 = tpu.memref_slice %arg12[%add3A_84, %dma_start3A_97] : memref<10112x128xf32, #tpu.memory_space<vmem_shared>> -> memref<128x128xf32, #tpu.memory_space<vmem_shared>>
      %dma_start3A_99 = arith.constant 0 : i32
      %dma_start3A_100 = tpu.memref_slice %arg12[%add3A_84, %dma_start3A_99] : memref<10112x128xf32, #tpu.memory_space<vmem_shared>> -> memref<128x128xf32, #tpu.memory_space<vmem_shared>>
      tpu.enqueue_dma source(%dma_start3A_100 : memref<128x128xf32, #tpu.memory_space<vmem_shared>>) target(%arg10 : memref<128x128xf32, #tpu.memory_space<vmem>>) target_semaphore(%run_scoped3A_96 : memref<!tpu.dma_semaphore, #tpu.memory_space<semaphore_mem>>)
      %dma_wait3A_101 = arith.constant 0 : i32
      %dma_wait3A_102 = tpu.memref_slice %arg12[%add3A_84, %dma_wait3A_101] : memref<10112x128xf32, #tpu.memory_space<vmem_shared>> -> memref<128x128xf32, #tpu.memory_space<vmem_shared>>
      %dma_wait3A_103 = arith.constant 0 : i32
      %dma_wait3A_104 = tpu.memref_slice %arg12[%add3A_84, %dma_wait3A_103] : memref<10112x128xf32, #tpu.memory_space<vmem_shared>> -> memref<128x128xf32, #tpu.memory_space<vmem_shared>>
      tpu.wait_dma2 semaphore(%run_scoped3A_96 : memref<!tpu.dma_semaphore, #tpu.memory_space<semaphore_mem>>) src(%dma_wait3A_104 : memref<128x128xf32, #tpu.memory_space<vmem_shared>>) dst(%arg10 : memref<128x128xf32, #tpu.memory_space<vmem>>)
      tpu.yield
    }) : () -> ()
    %add3A_85 = arith.constant 384 : i32
    %add3A_86 = arith.addi %add3A_70, %add3A_85 : i32
    "tpu.region"() ({
      %run_scoped3A_96 = tpu.sem_alloc : memref<!tpu.dma_semaphore, #tpu.memory_space<semaphore_mem>>
      %dma_start3A_97 = arith.constant 0 : i32
      %dma_start3A_98 = tpu.memref_slice %arg6[%add3A_86, %dma_start3A_97] : memref<20000x128xf32, #tpu.memory_space<hbm>> -> memref<128x128xf32, #tpu.memory_space<hbm>>
      %dma_start3A_99 = arith.constant 0 : i32
      %dma_start3A_100 = tpu.memref_slice %arg6[%add3A_86, %dma_start3A_99] : memref<20000x128xf32, #tpu.memory_space<hbm>> -> memref<128x128xf32, #tpu.memory_space<hbm>>
      tpu.enqueue_dma source(%arg10 : memref<128x128xf32, #tpu.memory_space<vmem>>) target(%dma_start3A_100 : memref<128x128xf32, #tpu.memory_space<hbm>>) target_semaphore(%run_scoped3A_96 : memref<!tpu.dma_semaphore, #tpu.memory_space<semaphore_mem>>)
      %dma_wait3A_101 = arith.constant 0 : i32
      %dma_wait3A_102 = tpu.memref_slice %arg6[%add3A_86, %dma_wait3A_101] : memref<20000x128xf32, #tpu.memory_space<hbm>> -> memref<128x128xf32, #tpu.memory_space<hbm>>
      %dma_wait3A_103 = arith.constant 0 : i32
      %dma_wait3A_104 = tpu.memref_slice %arg6[%add3A_86, %dma_wait3A_103] : memref<20000x128xf32, #tpu.memory_space<hbm>> -> memref<128x128xf32, #tpu.memory_space<hbm>>
      tpu.wait_dma2 semaphore(%run_scoped3A_96 : memref<!tpu.dma_semaphore, #tpu.memory_space<semaphore_mem>>) src(%arg10 : memref<128x128xf32, #tpu.memory_space<vmem>>) dst(%dma_wait3A_104 : memref<128x128xf32, #tpu.memory_space<hbm>>)
      tpu.yield
    }) : () -> ()
    %add3A_87 = arith.constant 512 : i32
    %add3A_88 = arith.addi %mul3A_67, %add3A_87 : i32
    "tpu.region"() ({
      %run_scoped3A_96 = tpu.sem_alloc : memref<!tpu.dma_semaphore, #tpu.memory_space<semaphore_mem>>
      %dma_start3A_97 = arith.constant 0 : i32
      %dma_start3A_98 = arith.constant 0 : i32
      %dma_start3A_99 = tpu.memref_slice %arg10[%dma_start3A_97, %dma_start3A_98] : memref<128x128xf32, #tpu.memory_space<vmem>> -> memref<112x128xf32, #tpu.memory_space<vmem>>
      %dma_start3A_100 = arith.constant 0 : i32
      %dma_start3A_101 = tpu.memref_slice %arg12[%add3A_88, %dma_start3A_100] : memref<10112x128xf32, #tpu.memory_space<vmem_shared>> -> memref<112x128xf32, #tpu.memory_space<vmem_shared>>
      %dma_start3A_102 = arith.constant 0 : i32
      %dma_start3A_103 = arith.constant 0 : i32
      %dma_start3A_104 = tpu.memref_slice %arg10[%dma_start3A_102, %dma_start3A_103] : memref<128x128xf32, #tpu.memory_space<vmem>> -> memref<112x128xf32, #tpu.memory_space<vmem>>
      %dma_start3A_105 = arith.constant 0 : i32
      %dma_start3A_106 = tpu.memref_slice %arg12[%add3A_88, %dma_start3A_105] : memref<10112x128xf32, #tpu.memory_space<vmem_shared>> -> memref<112x128xf32, #tpu.memory_space<vmem_shared>>
      tpu.enqueue_dma source(%dma_start3A_106 : memref<112x128xf32, #tpu.memory_space<vmem_shared>>) target(%dma_start3A_104 : memref<112x128xf32, #tpu.memory_space<vmem>>) target_semaphore(%run_scoped3A_96 : memref<!tpu.dma_semaphore, #tpu.memory_space<semaphore_mem>>)
      %dma_wait3A_107 = arith.constant 0 : i32
      %dma_wait3A_108 = arith.constant 0 : i32
      %dma_wait3A_109 = tpu.memref_slice %arg10[%dma_wait3A_107, %dma_wait3A_108] : memref<128x128xf32, #tpu.memory_space<vmem>> -> memref<112x128xf32, #tpu.memory_space<vmem>>
      %dma_wait3A_110 = arith.constant 0 : i32
      %dma_wait3A_111 = tpu.memref_slice %arg12[%add3A_88, %dma_wait3A_110] : memref<10112x128xf32, #tpu.memory_space<vmem_shared>> -> memref<112x128xf32, #tpu.memory_space<vmem_shared>>
      %dma_wait3A_112 = arith.constant 0 : i32
      %dma_wait3A_113 = arith.constant 0 : i32
      %dma_wait3A_114 = tpu.memref_slice %arg10[%dma_wait3A_112, %dma_wait3A_113] : memref<128x128xf32, #tpu.memory_space<vmem>> -> memref<112x128xf32, #tpu.memory_space<vmem>>
      %dma_wait3A_115 = arith.constant 0 : i32
      %dma_wait3A_116 = tpu.memref_slice %arg12[%add3A_88, %dma_wait3A_115] : memref<10112x128xf32, #tpu.memory_space<vmem_shared>> -> memref<112x128xf32, #tpu.memory_space<vmem_shared>>
      tpu.wait_dma2 semaphore(%run_scoped3A_96 : memref<!tpu.dma_semaphore, #tpu.memory_space<semaphore_mem>>) src(%dma_wait3A_116 : memref<112x128xf32, #tpu.memory_space<vmem_shared>>) dst(%dma_wait3A_114 : memref<112x128xf32, #tpu.memory_space<vmem>>)
      tpu.yield
    }) : () -> ()
    %add3A_89 = arith.constant 512 : i32
    %add3A_90 = arith.addi %add3A_70, %add3A_89 : i32
    "tpu.region"() ({
      %run_scoped3A_96 = tpu.sem_alloc : memref<!tpu.dma_semaphore, #tpu.memory_space<semaphore_mem>>
      %dma_start3A_97 = arith.constant 0 : i32
      %dma_start3A_98 = arith.constant 0 : i32
      %dma_start3A_99 = tpu.memref_slice %arg10[%dma_start3A_97, %dma_start3A_98] : memref<128x128xf32, #tpu.memory_space<vmem>> -> memref<112x128xf32, #tpu.memory_space<vmem>>
      %dma_start3A_100 = arith.constant 0 : i32
      %dma_start3A_101 = tpu.memref_slice %arg6[%add3A_90, %dma_start3A_100] : memref<20000x128xf32, #tpu.memory_space<hbm>> -> memref<112x128xf32, #tpu.memory_space<hbm>>
      %dma_start3A_102 = arith.constant 0 : i32
      %dma_start3A_103 = tpu.memref_slice %arg6[%add3A_90, %dma_start3A_102] : memref<20000x128xf32, #tpu.memory_space<hbm>> -> memref<112x128xf32, #tpu.memory_space<hbm>>
      %dma_start3A_104 = arith.constant 0 : i32
      %dma_start3A_105 = arith.constant 0 : i32
      %dma_start3A_106 = tpu.memref_slice %arg10[%dma_start3A_104, %dma_start3A_105] : memref<128x128xf32, #tpu.memory_space<vmem>> -> memref<112x128xf32, #tpu.memory_space<vmem>>
      tpu.enqueue_dma source(%dma_start3A_106 : memref<112x128xf32, #tpu.memory_space<vmem>>) target(%dma_start3A_103 : memref<112x128xf32, #tpu.memory_space<hbm>>) target_semaphore(%run_scoped3A_96 : memref<!tpu.dma_semaphore, #tpu.memory_space<semaphore_mem>>)
      %dma_wait3A_107 = arith.constant 0 : i32
      %dma_wait3A_108 = arith.constant 0 : i32
      %dma_wait3A_109 = tpu.memref_slice %arg10[%dma_wait3A_107, %dma_wait3A_108] : memref<128x128xf32, #tpu.memory_space<vmem>> -> memref<112x128xf32, #tpu.memory_space<vmem>>
      %dma_wait3A_110 = arith.constant 0 : i32
      %dma_wait3A_111 = tpu.memref_slice %arg6[%add3A_90, %dma_wait3A_110] : memref<20000x128xf32, #tpu.memory_space<hbm>> -> memref<112x128xf32, #tpu.memory_space<hbm>>
      %dma_wait3A_112 = arith.constant 0 : i32
      %dma_wait3A_113 = tpu.memref_slice %arg6[%add3A_90, %dma_wait3A_112] : memref<20000x128xf32, #tpu.memory_space<hbm>> -> memref<112x128xf32, #tpu.memory_space<hbm>>
      %dma_wait3A_114 = arith.constant 0 : i32
      %dma_wait3A_115 = arith.constant 0 : i32
      %dma_wait3A_116 = tpu.memref_slice %arg10[%dma_wait3A_114, %dma_wait3A_115] : memref<128x128xf32, #tpu.memory_space<vmem>> -> memref<112x128xf32, #tpu.memory_space<vmem>>
      tpu.wait_dma2 semaphore(%run_scoped3A_96 : memref<!tpu.dma_semaphore, #tpu.memory_space<semaphore_mem>>) src(%dma_wait3A_116 : memref<112x128xf32, #tpu.memory_space<vmem>>) dst(%dma_wait3A_113 : memref<112x128xf32, #tpu.memory_space<hbm>>)
      tpu.yield
    }) : () -> ()
    %eq3A_91 = arith.constant 0 : i32
    %eq3A_92 = arith.cmpi eq, %arg1, %eq3A_91 : i32
    %convert_element_type3A_93 = arith.extui %eq3A_92 : i1 to i32
    %cond3A_94 = arith.constant 0 : i32
    %cond3A_95 = arith.cmpi ne, %convert_element_type3A_93, %cond3A_94 : i32
    scf.if %cond3A_95 {
      "tpu.region"() ({
        %run_scoped3A_100 = tpu.sem_alloc : memref<!tpu.dma_semaphore, #tpu.memory_space<semaphore_mem>>
        %dma_start3A_101 = arith.constant 0 : i32
        %dma_start3A_102 = arith.constant 0 : i32
        %dma_start3A_103 = tpu.memref_slice %arg10[%dma_start3A_101, %dma_start3A_102] : memref<128x128xf32, #tpu.memory_space<vmem>> -> memref<16x128xf32, #tpu.memory_space<vmem>>
        %dma_start3A_104 = arith.constant 9984 : i32
        %dma_start3A_105 = arith.constant 0 : i32
        %dma_start3A_106 = tpu.memref_slice %arg12[%dma_start3A_104, %dma_start3A_105] : memref<10112x128xf32, #tpu.memory_space<vmem_shared>> -> memref<16x128xf32, #tpu.memory_space<vmem_shared>>
        %dma_start3A_107 = arith.constant 0 : i32
        %dma_start3A_108 = arith.constant 0 : i32
        %dma_start3A_109 = tpu.memref_slice %arg10[%dma_start3A_107, %dma_start3A_108] : memref<128x128xf32, #tpu.memory_space<vmem>> -> memref<16x128xf32, #tpu.memory_space<vmem>>
        %dma_start3A_110 = arith.constant 9984 : i32
        %dma_start3A_111 = arith.constant 0 : i32
        %dma_start3A_112 = tpu.memref_slice %arg12[%dma_start3A_110, %dma_start3A_111] : memref<10112x128xf32, #tpu.memory_space<vmem_shared>> -> memref<16x128xf32, #tpu.memory_space<vmem_shared>>
        tpu.enqueue_dma source(%dma_start3A_112 : memref<16x128xf32, #tpu.memory_space<vmem_shared>>) target(%dma_start3A_109 : memref<16x128xf32, #tpu.memory_space<vmem>>) target_semaphore(%run_scoped3A_100 : memref<!tpu.dma_semaphore, #tpu.memory_space<semaphore_mem>>)
        %dma_wait3A_113 = arith.constant 0 : i32
        %dma_wait3A_114 = arith.constant 0 : i32
        %dma_wait3A_115 = tpu.memref_slice %arg10[%dma_wait3A_113, %dma_wait3A_114] : memref<128x128xf32, #tpu.memory_space<vmem>> -> memref<16x128xf32, #tpu.memory_space<vmem>>
        %dma_wait3A_116 = arith.constant 9984 : i32
        %dma_wait3A_117 = arith.constant 0 : i32
        %dma_wait3A_118 = tpu.memref_slice %arg12[%dma_wait3A_116, %dma_wait3A_117] : memref<10112x128xf32, #tpu.memory_space<vmem_shared>> -> memref<16x128xf32, #tpu.memory_space<vmem_shared>>
        %dma_wait3A_119 = arith.constant 0 : i32
        %dma_wait3A_120 = arith.constant 0 : i32
        %dma_wait3A_121 = tpu.memref_slice %arg10[%dma_wait3A_119, %dma_wait3A_120] : memref<128x128xf32, #tpu.memory_space<vmem>> -> memref<16x128xf32, #tpu.memory_space<vmem>>
        %dma_wait3A_122 = arith.constant 9984 : i32
        %dma_wait3A_123 = arith.constant 0 : i32
        %dma_wait3A_124 = tpu.memref_slice %arg12[%dma_wait3A_122, %dma_wait3A_123] : memref<10112x128xf32, #tpu.memory_space<vmem_shared>> -> memref<16x128xf32, #tpu.memory_space<vmem_shared>>
        tpu.wait_dma2 semaphore(%run_scoped3A_100 : memref<!tpu.dma_semaphore, #tpu.memory_space<semaphore_mem>>) src(%dma_wait3A_124 : memref<16x128xf32, #tpu.memory_space<vmem_shared>>) dst(%dma_wait3A_121 : memref<16x128xf32, #tpu.memory_space<vmem>>)
        tpu.yield
      }) : () -> ()
      %mul3A_96 = arith.constant 10000 : i32
      %mul3A_97 = arith.muli %arg0, %mul3A_96 : i32
      %add3A_98 = arith.constant 9984 : i32
      %add3A_99 = arith.addi %mul3A_97, %add3A_98 : i32
      "tpu.region"() ({
        %run_scoped3A_100 = tpu.sem_alloc : memref<!tpu.dma_semaphore, #tpu.memory_space<semaphore_mem>>
        %dma_start3A_101 = arith.constant 0 : i32
        %dma_start3A_102 = arith.constant 0 : i32
        %dma_start3A_103 = tpu.memref_slice %arg10[%dma_start3A_101, %dma_start3A_102] : memref<128x128xf32, #tpu.memory_space<vmem>> -> memref<16x128xf32, #tpu.memory_space<vmem>>
        %dma_start3A_104 = arith.constant 0 : i32
        %dma_start3A_105 = tpu.memref_slice %arg6[%add3A_99, %dma_start3A_104] : memref<20000x128xf32, #tpu.memory_space<hbm>> -> memref<16x128xf32, #tpu.memory_space<hbm>>
        %dma_start3A_106 = arith.constant 0 : i32
        %dma_start3A_107 = tpu.memref_slice %arg6[%add3A_99, %dma_start3A_106] : memref<20000x128xf32, #tpu.memory_space<hbm>> -> memref<16x128xf32, #tpu.memory_space<hbm>>
        %dma_start3A_108 = arith.constant 0 : i32
        %dma_start3A_109 = arith.constant 0 : i32
        %dma_start3A_110 = tpu.memref_slice %arg10[%dma_start3A_108, %dma_start3A_109] : memref<128x128xf32, #tpu.memory_space<vmem>> -> memref<16x128xf32, #tpu.memory_space<vmem>>
        tpu.enqueue_dma source(%dma_start3A_110 : memref<16x128xf32, #tpu.memory_space<vmem>>) target(%dma_start3A_107 : memref<16x128xf32, #tpu.memory_space<hbm>>) target_semaphore(%run_scoped3A_100 : memref<!tpu.dma_semaphore, #tpu.memory_space<semaphore_mem>>)
        %dma_wait3A_111 = arith.constant 0 : i32
        %dma_wait3A_112 = arith.constant 0 : i32
        %dma_wait3A_113 = tpu.memref_slice %arg10[%dma_wait3A_111, %dma_wait3A_112] : memref<128x128xf32, #tpu.memory_space<vmem>> -> memref<16x128xf32, #tpu.memory_space<vmem>>
        %dma_wait3A_114 = arith.constant 0 : i32
        %dma_wait3A_115 = tpu.memref_slice %arg6[%add3A_99, %dma_wait3A_114] : memref<20000x128xf32, #tpu.memory_space<hbm>> -> memref<16x128xf32, #tpu.memory_space<hbm>>
        %dma_wait3A_116 = arith.constant 0 : i32
        %dma_wait3A_117 = tpu.memref_slice %arg6[%add3A_99, %dma_wait3A_116] : memref<20000x128xf32, #tpu.memory_space<hbm>> -> memref<16x128xf32, #tpu.memory_space<hbm>>
        %dma_wait3A_118 = arith.constant 0 : i32
        %dma_wait3A_119 = arith.constant 0 : i32
        %dma_wait3A_120 = tpu.memref_slice %arg10[%dma_wait3A_118, %dma_wait3A_119] : memref<128x128xf32, #tpu.memory_space<vmem>> -> memref<16x128xf32, #tpu.memory_space<vmem>>
        tpu.wait_dma2 semaphore(%run_scoped3A_100 : memref<!tpu.dma_semaphore, #tpu.memory_space<semaphore_mem>>) src(%dma_wait3A_120 : memref<16x128xf32, #tpu.memory_space<vmem>>) dst(%dma_wait3A_117 : memref<16x128xf32, #tpu.memory_space<hbm>>)
        tpu.yield
      }) : () -> ()
    } else {
    }
    return
  }
}

module attributes {stable_mosaic.version = 14 : i64} {
  func.func @_matmul_body(%arg0: i32, %arg1: memref<1000x128xf32, #tpu.memory_space<vmem>>, %arg2: memref<128x128xf32, #tpu.memory_space<vmem>>, %arg3: memref<1000x128xf32, #tpu.memory_space<vmem>>) attributes {dimension_semantics = [#tpu.dimension_semantics<arbitrary>], iteration_bounds = array<i64: 10>, scalar_prefetch = 0 : i64, scratch_operands = 0 : i64, tpu.core_type = #tpu.core_type<tc>, window_params = [{transform_indices = @transform_0, window_bounds = array<i64: 1000, 128>}, {pipeline_mode = #tpu.pipeline_mode<synchronous>, transform_indices = @transform_1, window_bounds = array<i64: 128, 128>}, {transform_indices = @transform_2, window_bounds = array<i64: 1000, 128>}]} {
    %get3A = arith.constant 0 : index
    %get3A_0 = arith.constant 0 : index
    %get3A_1 = vector.load %arg1[%get3A, %get3A_0] : memref<1000x128xf32, #tpu.memory_space<vmem>>, vector<1000x128xf32>
    %get3A_2 = arith.constant 0 : index
    %get3A_3 = arith.constant 0 : index
    %get3A_4 = vector.load %arg2[%get3A_2, %get3A_3] : memref<128x128xf32, #tpu.memory_space<vmem>>, vector<128x128xf32>
    %dot_general3A = arith.constant dense<0.000000e+00> : vector<1000x128xf32>
    %dot_general3A_5 = tpu.matmul %get3A_1, %get3A_4, %dot_general3A {dimension_numbers = #tpu.dot_dimension_numbers<[1], [0], [0], [1], [0, 0, 1, 1], [], []>, transpose_lhs_hint = false} : vector<1000x128xf32>, vector<128x128xf32>, vector<1000x128xf32> -> vector<1000x128xf32>
    %swap3A = arith.constant 0 : index
    %swap3A_6 = arith.constant 0 : index
    %swap3A_7 = vector.load %arg3[%swap3A, %swap3A_6] : memref<1000x128xf32, #tpu.memory_space<vmem>>, vector<1000x128xf32>
    tpu.vector_store %arg3[%swap3A, %swap3A_6], %dot_general3A_5 {strides = array<i32>} : memref<1000x128xf32, #tpu.memory_space<vmem>>, vector<1000x128xf32>,
    return
  }
  func.func @transform_0(%arg0: i32) -> (i32, i32) {
    %c0_i32 = arith.constant 0 : i32
    %c0_i32_0 = arith.constant 0 : i32
    return %arg0, %c0_i32 : i32, i32
  }
  func.func @transform_1(%arg0: i32) -> (i32, i32) {
    %c0_i32 = arith.constant 0 : i32
    %c0_i32_0 = arith.constant 0 : i32
    %c0_i32_1 = arith.constant 0 : i32
    return %c0_i32, %c0_i32_0 : i32, i32
  }
  func.func @transform_2(%arg0: i32) -> (i32, i32) {
    %c0_i32 = arith.constant 0 : i32
    %c0_i32_0 = arith.constant 0 : i32
    return %arg0, %c0_i32 : i32, i32
  }
}

module attributes {stable_mosaic.version = 14 : i64} {
  func.func @_combine_body(%arg0: i32, %arg1: memref<1000x128xf32, #tpu.memory_space<vmem>>, %arg2: memref<1000x128xf32, #tpu.memory_space<vmem>>, %arg3: memref<1x128xf32, #tpu.memory_space<vmem>>, %arg4: memref<1000x128xf32, #tpu.memory_space<vmem>>) attributes {dimension_semantics = [#tpu.dimension_semantics<arbitrary>], iteration_bounds = array<i64: 10>, scalar_prefetch = 0 : i64, scratch_operands = 0 : i64, tpu.core_type = #tpu.core_type<tc>, window_params = [{transform_indices = @transform_0, window_bounds = array<i64: 1000, 128>}, {transform_indices = @transform_1, window_bounds = array<i64: 1000, 128>}, {pipeline_mode = #tpu.pipeline_mode<synchronous>, transform_indices = @transform_2, window_bounds = array<i64: 1, 128>}, {transform_indices = @transform_3, window_bounds = array<i64: 1000, 128>}]} {
    %get3A = arith.constant 0 : index
    %get3A_0 = arith.constant 0 : index
    %get3A_1 = vector.load %arg1[%get3A, %get3A_0] : memref<1000x128xf32, #tpu.memory_space<vmem>>, vector<1000x128xf32>
    %get3A_2 = arith.constant 0 : index
    %get3A_3 = arith.constant 0 : index
    %get3A_4 = vector.load %arg2[%get3A_2, %get3A_3] : memref<1000x128xf32, #tpu.memory_space<vmem>>, vector<1000x128xf32>
    %add3A = arith.addf %get3A_1, %get3A_4 : vector<1000x128xf32>
    %get3A_5 = arith.constant 0 : index
    %get3A_6 = arith.constant 0 : index
    %get3A_7 = vector.load %arg3[%get3A_5, %get3A_6] : memref<1x128xf32, #tpu.memory_space<vmem>>, vector<1x128xf32>
    %add3A_8 = vector.broadcast %get3A_7 : vector<1x128xf32> to vector<1000x128xf32>
    %add3A_9 = arith.addf %add3A, %add3A_8 : vector<1000x128xf32>
    %swap3A = arith.constant 0 : index
    %swap3A_10 = arith.constant 0 : index
    %swap3A_11 = vector.load %arg4[%swap3A, %swap3A_10] : memref<1000x128xf32, #tpu.memory_space<vmem>>, vector<1000x128xf32>
    tpu.vector_store %arg4[%swap3A, %swap3A_10], %add3A_9 {strides = array<i32>} : memref<1000x128xf32, #tpu.memory_space<vmem>>, vector<1000x128xf32>,
    return
  }
  func.func @transform_0(%arg0: i32) -> (i32, i32) {
    %c0_i32 = arith.constant 0 : i32
    %c0_i32_0 = arith.constant 0 : i32
    return %arg0, %c0_i32 : i32, i32
  }
  func.func @transform_1(%arg0: i32) -> (i32, i32) {
    %add3A = arith.constant 10 : i32
    %add3A_0 = arith.addi %arg0, %add3A : i32
    %c0_i32 = arith.constant 0 : i32
    %c0_i32_1 = arith.constant 0 : i32
    return %add3A_0, %c0_i32 : i32, i32
  }
  func.func @transform_2(%arg0: i32) -> (i32, i32) {
    %c0_i32 = arith.constant 0 : i32
    %c0_i32_0 = arith.constant 0 : i32
    %c0_i32_1 = arith.constant 0 : i32
    return %c0_i32, %c0_i32_0 : i32, i32
  }
  func.func @transform_3(%arg0: i32) -> (i32, i32) {
    %c0_i32 = arith.constant 0 : i32
    %c0_i32_0 = arith.constant 0 : i32
    return %arg0, %c0_i32 : i32, i32
  }
}

</mosaic_0001>

<sc_bundles>
// kernel: kernel.5.cloned.1.call-start
scs
__scs_entry_jumppad:
0x0: {  	(pc) =	sbr.rel $0x88, $3  }
0x1: {  	(tag) =	ssettag $0x0;
	lr =	simm.s32 $0x1  }
0x2: {  	[smem:$0x3F9C] =	sst lr;
	_ =	strace $0xD0000000  }
0x3: {  	_ = 	snop  }
0x4: {  	_ = 	snop  }
0x5: {  	_ = 	snop  }
0x6: {  	_ = 	snop  }
0x7: {  	_ = 	snop  }
__scs_overlays_trampoline_lowered:
0x8: {  	[smem:$0x3FAB] =	sst s0  }
0x9: {  	[smem:$0x3FAC] =	sst s1  }
0xa: {  	[smem:$0x3FAD] =	sst s2  }
0xb: {  	[smem:$0x3FAE] =	sst s3  }
0xc: {  	[smem:$0x3FAF] =	sst s4  }
0xd: {  	[smem:$0x3FB0] =	sst s5  }
0xe: {  	[smem:$0x3FB1] =	sst s6  }
0xf: {  	[smem:$0x3FB2] =	sst s7  }
0x10: {  	[smem:$0x3FB3] =	sst s8  }
0x11: {  	[smem:$0x3FB4] =	sst s9;
	s0 =	simm.s32 @!p0 $0x0  }
0x12: {  	s1 =	sld [smem:$0x3F9A];
	s0 =	simm.s32 @p0 $0x1  }
0x13: {  	[smem:$0x3FB5] =	sst s0;
	s0 =	simm.s32 @!p1 $0x0  }
0x14: {  	s2 =	sld [smem:$0x3F99];
	s0 =	simm.s32 @p1 $0x1  }
0x15: {  	[smem:$0x3FB6] =	sst s0;
	s0 =	simm.s32 @!p2 $0x0  }
0x16: {  	s3 =	sld [smem:$0x3FDB];
	s0 =	simm.s32 @p2 $0x1  }
0x17: {  	s4 =	simm.s32 $0x1BF5;
	[smem:$0x3FB8] =	sst s0  }
0x18: {  	s0 =	sld [smem:$0x3F9B];
	_ =	swait.ge [sflag:s4], $0x0  }
0x19: {  	s7 =	sld [smem:$0x3F9C]  }
0x1a: {  	s8 =	sadd.s32 $0xFFFFE003, lr  }
0x1b: {  	s9 =	sadd.s32 $0xFFFFFEF7, lr;
	s5 =	simm.s32 $0xFFFFFFFF;
	p2 =	slt.u32 s8, $0xFFFFF086  }
0x1c: {  	p1 =	slt.u32 s9, $0xF7A;
	s5 =	simm.s32 @!p2 $0x0  }
0x1d: {  	s5 =	simm.s32 @p1 $0x1;
	p0 =	seq.s32 s7, s2  }
0x1e: {  	s7 =	smul.u32 @!p0 $0xF7A, s2;
	p2 =	seq.s32 @!p0 s5, $0x0  }
0x1f: {  	s9 =	smul.u32 $0xF7A, s1;
	s8 =	simm.s32 @!p0 $0x1BF5;
	p2 =	por !p2, p0  }
0x20: {  	[sflag:s8] =	ssyncset.s32 @!p0 $0xFFFFF086;
	s6 =	sadd.s32 @!p0 s3, s7;
	s7 =	simm.s32 @!p0 $0x108  }
0x21: {  	s3 =	sadd.s32 s3, s9;
	s6 =	sadd.s32 @!p0 $0x88, s6;
	s7 =	simm.s32 @p2 $0x1082  }
0x22: {  	[simem:s7], [sflag:s8] =	dma.local @!p0 [hbm:s6], $0xF7A  }
0x23: {  	s9 =	sor.u32 $0xD0000000, s2;
	s6 =	simm.s32 $0x108;
	_ =	swait.ge @!p0 [sflag:s8], $0x0  }
0x24: {  	s3 =	sadd.s32 $0x88, s3;
	s6 =	simm.s32 @!p1 $0x1082;
	[sflag:s4] =	ssyncset.s32 $0xFFFFF086  }
0x25: {  	[simem:s6], [sflag:s4] =	dma.local [hbm:s3], $0xF7A  }
0x26: {  	[smem:$0x3F9C] =	sst s1;
	(tag) =	ssettag s2;
	_ =	strace s9  }
0x27: {  	s1 =	sld [smem:$0x3FAC]  }
0x28: {  	s2 =	sld [smem:$0x3FAD]  }
0x29: {  	s4 =	sld [smem:$0x3FAF]  }
0x2a: {  	p0 =	seq.s32 s5, $0x0;
	s5 =	sld [smem:$0x3FB0]  }
0x2b: {  	s6 =	sld [smem:$0x3FB1]  }
0x2c: {  	s7 =	sld [smem:$0x3FB2]  }
0x2d: {  	s3 =	simm.s32 $0x108;
	s8 =	sld [smem:$0x3FB3]  }
0x2e: {  	s3 =	simm.s32 @!p0 $0x1082;
	s9 =	sld [smem:$0x3FB4]  }
0x2f: {  	lr =	sadd.s32 s0, s3;
	s0 =	sld [smem:$0x3FAB]  }
0x30: {  	s3 =	sld [smem:$0x3FAE]  }
0x31: {  	[smem:$0x3FB7] =	sst s10  }
0x32: {  	s10 =	sld [smem:$0x3FB5];
	_ =	sdelay $0x3  }
0x33: {  	p0 =	seq.s32 s10, $0x1;
	s10 =	sld [smem:$0x3FB7];
	_ =	sdelay $0x3  }
0x34: {  	[smem:$0x3FB7] =	sst s10  }
0x35: {  	s10 =	sld [smem:$0x3FB6];
	_ =	sdelay $0x3  }
0x36: {  	p1 =	seq.s32 s10, $0x1;
	s10 =	sld [smem:$0x3FB7];
	_ =	sdelay $0x3  }
0x37: {  	[smem:$0x3FB7] =	sst s10  }
0x38: {  	s10 =	sld [smem:$0x3FB8]  }
0x39: {  	_ = 	snop;
	(pc) =	sbr.ind lr, $3  }
0x3a: {  	_ = 	snop  }
0x3b: {  	_ = 	snop  }
0x3c: {  	p2 =	seq.s32 s10, $0x1;
	s10 =	sld [smem:$0x3FB7]  }
0x3d: {  	_ =	shalt  }
0x3e: {  	_ =	shalt  }
0x3f: {  	_ =	shalt  }
0x40: {  	_ =	shalt  }
0x41: {  	_ =	shalt  }
0x42: {  	_ =	shalt  }
0x43: {  	_ =	shalt  }
0x44: {  	_ =	shalt  }
0x45: {  	_ =	shalt  }
0x46: {  	_ =	shalt  }
0x47: {  	_ =	shalt  }
0x48: {  	_ =	shalt  }
0x49: {  	_ =	shalt  }
0x4a: {  	_ =	shalt  }
0x4b: {  	_ =	shalt  }
0x4c: {  	_ =	shalt  }
0x4d: {  	_ =	shalt  }
0x4e: {  	_ =	shalt  }
0x4f: {  	_ =	shalt  }
0x50: {  	_ =	shalt  }
0x51: {  	_ =	shalt  }
0x52: {  	_ =	shalt  }
0x53: {  	_ =	shalt  }
0x54: {  	_ =	shalt  }
0x55: {  	_ =	shalt  }
0x56: {  	_ =	shalt  }
0x57: {  	_ =	shalt  }
0x58: {  	_ =	shalt  }
0x59: {  	_ =	shalt  }
0x5a: {  	_ =	shalt  }
0x5b: {  	_ =	shalt  }
0x5c: {  	_ =	shalt  }
0x5d: {  	_ =	shalt  }
0x5e: {  	_ =	shalt  }
0x5f: {  	_ =	shalt  }
0x60: {  	_ =	shalt  }
0x61: {  	_ =	shalt  }
0x62: {  	_ =	shalt  }
0x63: {  	_ =	shalt  }
0x64: {  	_ =	shalt  }
0x65: {  	_ =	shalt  }
0x66: {  	_ =	shalt  }
0x67: {  	_ =	shalt  }
0x68: {  	_ =	shalt  }
0x69: {  	_ =	shalt  }
0x6a: {  	_ =	shalt  }
0x6b: {  	_ =	shalt  }
0x6c: {  	_ =	shalt  }
0x6d: {  	_ =	shalt  }
0x6e: {  	_ =	shalt  }
0x6f: {  	_ =	shalt  }
0x70: {  	_ =	shalt  }
0x71: {  	_ =	shalt  }
0x72: {  	_ =	shalt  }
0x73: {  	_ =	shalt  }
0x74: {  	_ =	shalt  }
0x75: {  	_ =	shalt  }
0x76: {  	_ =	shalt  }
0x77: {  	_ =	shalt  }
0x78: {  	_ =	shalt  }
0x79: {  	_ =	shalt  }
0x7a: {  	_ =	shalt  }
0x7b: {  	_ =	shalt  }
0x7c: {  	_ =	shalt  }
0x7d: {  	_ =	shalt  }
0x7e: {  	_ =	shalt  }
0x7f: {  	_ =	shalt  }
0x80: {  	_ =	shalt  }
0x81: {  	_ =	shalt  }
0x82: {  	_ =	shalt  }
0x83: {  	_ =	shalt  }
0x84: {  	_ =	shalt  }
0x85: {  	_ =	shalt  }
0x86: {  	_ =	shalt  }
0x87: {  	_ =	shalt  }
.Lfunc_end0:
.L_simem_size_0:
called_computation_lowered:
.L_overlay_start_0:
0x88: {  	s2 =	sld [smem:$0x3FD9]  }
0x89: {  	s3 =	sld [smem:$0x3FFE];
	_ =	sdelay $0x1  }
0x8a: {  	s1 =	srdreg.scid  }
0x8b: {  	s0 =	sand.u32 $0x1, s1  }
0x8c: {  	s17 =	sshll.u32 s0, $0xA;
	s2 =	sadd.s32 s3, s2  }
0x8d: {  	s2 =	sadd.s32 s2, s17  }
0x8e: {  	[smem:$0x3FC3] =	sst s2  }
0x8f: {  	_ = 	snop  }
0x90: {  	s2 =	sld [smem:$0x3FD0];
	(tm) =	ssettm $0x1  }
0x91: {  	s18 =	sld [smem:$0x3FFB];
	_ =	sdelay $0x3  }
0x92: {  	_ =	strace s18  }
0x93: {  	s3 =	sld [smem:$0x3FFC];
	_ =	sdelay $0x3  }
0x94: {  	_ =	strace s3  }
0x95: {  	s3 =	sld [smem:$0x3FFD];
	_ =	sdelay $0x3  }
0x96: {  	_ =	strace s3  }
0x97: {  	_ =	strace $0x8FFFFFFF  }
0x98: {  	s19 =	sld [smem:$0x3FDB];
	_ =	sdelay $0x1  }
0x99: {  	s4 =	simm.s32 $_scs_section_size  }
0x9a: {  	s5 =	simm.s32 $_size__tile_overlayer_lowered;
	s6 =	simm.s32 $_tile_overlayer_lowered  }
0x9b: {  	s22 =	simm.s32 $0x1BFF;
	s21 =	sshll.u32 s6, $0x1;
	s3 =	sadd.s32 s4, s19  }
0x9c: {  	s7 =	simm.s32 $0x0;
	s20 =	sshll.u32 s5, $0x1;
	s5 =	sadd.s32 s21, s3  }
0x9d: {  	[timem:s7], [sflag:s22] =	dma.local [hbm:s5], s20  }
0x9e: {  	_ =	swait.ge [sflag:s22], s20  }
0x9f: {  	s4 =	ssub.s32 $0x0, s20;
	[sflag:s22] =	ssyncset.done $0x0  }
0xa0: {  	[sflag:s22] =	ssyncadd.s32 s4;
	_ =	sdelay $0x1  }
0xa1: {  	s23 =	simm.s32 $0x1B8B  }
0xa2: {  	_ =	swait.ge [sflag:s23], $0x1  }
0xa3: {  	[sflag:s23] =	ssyncset.done $0x0  }
0xa4: {  	s25 =	simm.s32 $0x1B8E;
	s24 =	sld [smem:$0x3FFE];
	[sflag:s23] =	ssyncadd.s32 $0xFFFFFFFF  }
0xa5: {  	s26 =	simm.s32 $execute0_lowered;
	[smem:$0x3FD2] =	sst s25  }
0xa6: {  	s5 =	sshll.u32 s26, $0x1;
	_ =	strace $0x80000046;
	[dreg:$0x1] =	wrdreg $0xFFFFFFFF  }
0xa7: {  	s28 =	simm.s32 $_size_execute0_lowered;
	s3 =	sadd.s32 s3, s5;
	[dreg:$0x0] =	wrdreg $0x0  }
0xa8: {  	s5 =	sshll.u32 s28, $0x1;
	[dreg:$0x2] =	wrdreg s3  }
0xa9: {  	[dreg:$0x3] =	wrdreg s5  }
0xaa: {  	[dreg:$0x4] =	wrdreg $0xC0  }
0xab: {  	_ =	task [dreg:s7], $0x5FFFF  }
0xac: {  	[dreg:$0x1] =	wrdreg $0xFFFFFFFF  }
0xad: {  	[dreg:$0x0] =	wrdreg $0x60  }
0xae: {  	[dreg:$0x2] =	wrdreg s2  }
0xaf: {  	[dreg:$0x3] =	wrdreg s24  }
0xb0: {  	[dreg:$0x4] =	wrdreg $0xA8000  }
0xb1: {  	[dreg:$0x5] =	wrdreg $0x9  }
0xb2: {  	_ =	task.clear_ibuf [dreg:s7], $0x6FFFF;
	_ =	strace $0x90000046  }
0xb3: {  	s29 =	simm.s32 $0x9;
	_ =	strace $0x80000048  }
0xb4: {  	_ =	swait.ge [sflag:s29], $0x1  }
0xb5: {  	[sflag:s29] =	ssyncadd.s32 $0xFFFFFFFF  }
0xb6: {  	_ =	strace $0x90000048  }
0xb7: {  	_ =	sfence  }
0xb8: {  	s30 =	sld [smem:$0x0];
	_ =	sdelay $0x2  }
0xb9: {  	s31 =	sshll.u32 s1, $0xD;
	s1 =	sshrl.u32 s1, $0x2  }
0xba: {  	s3 =	sand.u32 $0x4000, s31;
	s1 =	sadd.s32 s1, s30  }
0xbb: {  	s0 =	sor.u32 s3, s0;
	s1 =	sshll.u32 s1, $0x11  }
0xbc: {  	s0 =	sor.u32 s1, s0  }
0xbd: {  	s0 =	sadd.s32 $0x8F2B, s0  }
0xbe: {  	[sflag:s0] =	ssyncadd.remote.s32 $0x1  }
0xbf: {  	_ =	sfence.sel $0xFFFF  }
0xc0: {  	[dreg:$0x0] =	wrdreg $0xFFFFFFFF;
	(pc) =	sbr.abs _section_cstart, $3  }
0xc1: {  	[dreg:$0x1] =	wrdreg $0xFFFFFFFF  }
0xc2: {  	_ =	task.clear_ibuf [dreg:s7], $0x2FFFF;
	_ =	strace $0x9FFFFFFF  }
0xc3: {  	(tm) =	ssettm $0x7FFFFFFF  }
tec
execute0_lowered:
.L_overlay_start_1:
0x0: {  	(tag) =	ssettag $0x1  }
0x1: {  	s0 =	rddreg [dreg:$0x0]  }
0x2: {  	s3 =	rddreg [dreg:$0x1]  }
0x3: {  	s1 =	rddreg [dreg:$0x2];
	s2 =	simm.s32 $0x0  }
0x4: {  	s4 =	srdreg.scid;
	s20 =	stileid.u32;
	s28 =	simm.s32 $0x4  }
0x5: {  	s29 =	simm.s32 $0x0;
	[smem:$0x7FF] =	sst s2;
	s15 =	smul.u32 $0x4F000, s20  }
0x6: {  	s5 =	sand.u32 $0x1, s4;
	s11 =	sshll.u32 s20, $0x1;
	s22 =	smul.u32 $0x4E000, s20  }
0x7: {  	s6 =	sadd.s32 $0xB200, s3;
	s10 =	sadd.s32 $0x1200, s3;
	s24 =	smul.u32 $0x50000, s20  }
0x8: {  	s13 =	sadd.s32 $0x51F200, s3;
	s4 =	sadd.s32 $0x1F200, s3;
	s30 =	smul.u32 $0x280000, s20  }
0x9: {  	p1 =	seq.s32 s20, $0xF;
	p0 =	sne.s32 s20, $0x0;
	s19 =	smul.u32 $0x2710, s5  }
0xa: {  	_ =	strace $0x80000047;
	s9 =	sor.u32 s5, s11;
	s23 =	smul.u32 $0x138800, s5  }
0xb: {  	s11 =	sadd.s32 $0x15200, s3;
	s12 =	ssub.s32 $0x2, s5;
	s26 =	smul.u32 $0x28000, s5  }
0xc: {  	s5 =	smul.u32 $0x140000, s5;
	s8 =	sshrl.u32 s12, $0x1;
	s18 =	sshrl.u32 s15, $0x2  }
0xd: {  	s7 =	smul.u32 $0x2800, s9;
	s3 =	ssub.s32 s12, s8;
	s8 =	sadd.s32 s18, s1  }
0xe: {  	s12 =	smul.u32 $0x2780, s20;
	s25 =	sshrl.u32 s23, $0x3;
	s21 =	sadd.s32 $0x4000, s8  }
0xf: {  	s14 =	sshrl.u32 s7, $0x3;
	s31 =	sadd.s32 $0x8000, s8;
	[dreg:$0x8] =	wrdreg s21  }
0x10: {  	s7 =	smul.u32 $0x140000, s9;
	s3 =	smax.u32 s3, $0x1;
	[dreg:$0xa] =	wrdreg s31  }
0x11: {  	s9 =	smul.u32 $0x28000, s9;
	s23 =	sadd.s32 $0x10000, s8;
	[dreg:$0xc] =	wrdreg s3  }
0x12: {  	s16 =	sadd.s32 s6, s14;
	s17 =	sadd.s32 s11, s14;
	[dreg:$0x12] =	wrdreg s23  }
0x13: {  	s12 =	sadd.s32 s0, s12;
	s15 =	sadd.s32 $0x280, s14;
	[dreg:$0x4] =	wrdreg s16  }
0x14: {  	s0 =	sadd.s32 $0x25080, s0;
	s14 =	sadd.s32 s10, s14;
	[dreg:$0x5] =	wrdreg s17  }
0x15: {  	[dreg:$0x6] =	wrdreg s12;
	s17 =	sadd.s32 $0x128400, s1;
	s16 =	smul.u32 $0x270, s20  }
0x16: {  	[dreg:$0x7] =	wrdreg s0;
	s11 =	sadd.s32 s11, s15;
	s12 =	sadd.s32 s6, s15  }
0x17: {  	[dreg:$0x9] =	wrdreg s14;
	s15 =	sadd.s32 s10, s15;
	s10 =	sadd.s32 s24, s4  }
0x18: {  	s6 =	sshrl.u32 s22, $0x2;
	s18 =	sadd.s32 s4, s9;
	s9 =	sadd.s32 s5, s30  }
0x19: {  	s22 =	sadd.s32 $0xC000, s8;
	s20 =	simm.s32 $0x2800;
	s10 =	sadd.s32 s26, s10  }
0x1a: {  	[dreg:$0x11] =	wrdreg s22;
	s22 =	simm.s32 $0x6800;
	s0 =	sadd.s32 s16, s19  }
0x1b: {  	s19 =	sadd.s32 s6, s1;
	s21 =	sadd.s32 $0x2000, s10;
	s10 =	sadd.s32 $0x138000, s1  }
0x1c: {  	s0 =	sshll.u32 s0, $0x4;
	[dreg:$0xe] =	wrdreg s21;
	s24 =	sadd.s32 $0x4000, s19  }
0x1d: {  	s26 =	sadd.s32 $0x8000, s19;
	s31 =	sadd.s32 $0xC000, s19;
	s6 =	sadd.s32 $0x10000, s19  }
0x1e: {  	s21 =	simm.s32 $0x1;
	s16 =	sadd.s32 s13, s0;
	[dreg:$0x13] =	wrdreg s24  }
0x1f: {  	s0 =	sadd.s32 s13, s25;
	s13 =	sshrl.u32 s7, $0x3;
	[dreg:$0x15] =	wrdreg s26  }
0x20: {  	[dreg:$0x17] =	wrdreg s31;
	s26 =	simm.s32 $0x3;
	s0 =	sadd.s32 $0x27000, s0  }
0x21: {  	s14 =	sadd.s32 s13, s4;
	s25 =	sadd.s32 $0x800, s16;
	s30 =	sadd.s32 $0x1000, s16  }
0x22: {  	v0 =	vimm.s32 $0x0;
	v1 =	vimm.s32 $0x1;
	s5 =	sadd.s32 $0x1800, s16;
	s13 =	sadd.s32 $0x1000, s18;
	[dreg:$0xb] =	wrdreg s0  }
.Ltmp0:
0x23: {  	v2 =	vimm.s32 $0x2;
	v3 =	vimm.s32 $0x3;
	v4 =	vimm.s32 $0x4;
	s0 =	sor.u32 $0xC000, s9;
	[dreg:$0x14] =	wrdreg s25;
	(pc) =	sbr.rel .LBB2_1-.Ltmp0, $4  }
0x24: {  	v5 =	vimm.s32 $0x5;
	v6 =	vimm.s32 $0x6;
	v7 =	vimm.s32 $0x7;
	s3 =	sadd.s32 $0x800, s14;
	[dreg:$0x16] =	wrdreg s30;
	s0 =	sshrl.u32 s0, $0x3  }
0x25: {  	v8 =	vimm.s32 $0x8;
	v9 =	vimm.s32 $0x9;
	v10 =	vimm.s32 $0xA;
	s9 =	sadd.s32 $0x2000, s16;
	[dreg:$0xd] =	wrdreg s3;
	s0 =	sadd.s32 s0, s4  }
0x26: {  	v11 =	vimm.s32 $0xB;
	v12 =	vimm.s32 $0xC;
	v13 =	vimm.s32 $0xD;
	s14 =	simm.s32 $0x5;
	[dreg:$0xf] =	wrdreg s0;
	s0 =	sshrl.u32 @p1 s17, $0x3  }
0x27: {  	v14 =	vimm.s32 $0xE;
	v15 =	vimm.s32 $0xF;
	v16 =	vimm.f32 $0.0e+00;
	s25 =	simm.s32 $0x2;
	s17 =	simm.s32 $0x80;
	[dreg:$0x10] =	wrdreg s0  }
.LBB2_12:
0x28: {  	s0 =	simm.s32 $0x1380  }
0x29: {  	[spmem:s1] =	stream.indirect.scatter.add.f32 [tilespmem:s22], [sflag:$0x4], $0x80, s0, s17, $0xb8;
	[tilespmem:$0x1E400] =	vst v63  }
0x2a: {  	_ =	swait.ge [sflag:s28], $0x4000  }
0x2b: {  	[sflag:s28] =	ssyncset.done $0x0  }
0x2c: {  	[sflag:s28] =	ssyncadd.s32 $0xFFFFC000  }
0x2d: {  	[bflag:$0x0] =	sbarrier.arrive $0xFFFF  }
0x2e: {  	[tilespmem:s20], [sflag:$0x5] =	stream.linear.gather [spmem:s19], $0x4000, $0x38;
	[tilespmem:$0x1E400] =	vst v63  }
0x2f: {  	_ =	swait.ge [sflag:s14], $0x4000  }
0x30: {  	[sflag:s14] =	ssyncset.done $0x0  }
0x31: {  	[sflag:s14] =	ssyncadd.s32 $0xFFFFC000  }
0x32: {  	[hbm4b:s16+s2] =	stream.linear.scatter [tilespmem:s20], [sflag:$0x5], $0x4000, $0x38;
	[tilespmem:$0x1E400] =	vst v63  }
0x33: {  	_ =	swait.ge [sflag:s14], $0x4000  }
0x34: {  	[sflag:s14] =	ssyncset.done $0x0  }
0x35: {  	s31 =	rddreg [dreg:$0x13];
	[sflag:s14] =	ssyncadd.s32 $0xFFFFC000  }
0x36: {  	[tilespmem:s20], [sflag:$0x5] =	stream.linear.gather [spmem:s31], $0x4000, $0x38;
	[tilespmem:$0x1E400] =	vst v63  }
0x37: {  	_ =	swait.ge [sflag:s14], $0x4000  }
0x38: {  	[sflag:s14] =	ssyncset.done $0x0  }
0x39: {  	s3 =	rddreg [dreg:$0x14];
	[sflag:s14] =	ssyncadd.s32 $0xFFFFC000  }
0x3a: {  	[hbm4b:s3+s2] =	stream.linear.scatter [tilespmem:s20], [sflag:$0x5], $0x4000, $0x38;
	[tilespmem:$0x1E400] =	vst v63  }
0x3b: {  	_ =	swait.ge [sflag:s14], $0x4000  }
0x3c: {  	[sflag:s14] =	ssyncset.done $0x0  }
0x3d: {  	s23 =	rddreg [dreg:$0x15];
	[sflag:s14] =	ssyncadd.s32 $0xFFFFC000  }
0x3e: {  	[tilespmem:s20], [sflag:$0x5] =	stream.linear.gather [spmem:s23], $0x4000, $0x38;
	[tilespmem:$0x1E400] =	vst v63  }
0x3f: {  	_ =	swait.ge [sflag:s14], $0x4000  }
0x40: {  	[sflag:s14] =	ssyncset.done $0x0  }
0x41: {  	s24 =	rddreg [dreg:$0x16];
	[sflag:s14] =	ssyncadd.s32 $0xFFFFC000  }
0x42: {  	[hbm4b:s24+s2] =	stream.linear.scatter [tilespmem:s20], [sflag:$0x5], $0x4000, $0x38;
	[tilespmem:$0x1E400] =	vst v63  }
0x43: {  	_ =	swait.ge [sflag:s14], $0x4000  }
0x44: {  	[sflag:s14] =	ssyncset.done $0x0  }
0x45: {  	s30 =	rddreg [dreg:$0x17];
	[sflag:s14] =	ssyncadd.s32 $0xFFFFC000  }
0x46: {  	[tilespmem:s20], [sflag:$0x5] =	stream.linear.gather [spmem:s30], $0x4000, $0x38;
	[tilespmem:$0x1E400] =	vst v63  }
0x47: {  	_ =	swait.ge [sflag:s14], $0x4000  }
0x48: {  	[sflag:s14] =	ssyncset.done $0x0  }
0x49: {  	[sflag:s14] =	ssyncadd.s32 $0xFFFFC000  }
0x4a: {  	[hbm4b:s5+s2] =	stream.linear.scatter [tilespmem:s20], [sflag:$0x5], $0x4000, $0x38;
	[tilespmem:$0x1E400] =	vst v63  }
0x4b: {  	_ =	swait.ge [sflag:s14], $0x4000  }
0x4c: {  	[sflag:s14] =	ssyncset.done $0x0  }
0x4d: {  	[sflag:s14] =	ssyncadd.s32 $0xFFFFC000  }
0x4e: {  	[tilespmem:s20], [sflag:$0x5] =	stream.linear.gather [spmem:s6], $0x3800, $0x38;
	[tilespmem:$0x1E400] =	vst v63  }
0x4f: {  	_ =	swait.ge [sflag:s14], $0x3800  }
0x50: {  	[sflag:s14] =	ssyncset.done $0x0  }
0x51: {  	[sflag:s14] =	ssyncadd.s32 $0xFFFFC800  }
0x52: {  	[hbm4b:s9+s2] =	stream.linear.scatter [tilespmem:s20], [sflag:$0x5], $0x3800, $0x38;
	[tilespmem:$0x1E400] =	vst v63  }
0x53: {  	_ =	swait.ge [sflag:s14], $0x3800  }
0x54: {  	[sflag:s14] =	ssyncset.done $0x0  }
0x55: {  	s0 =	simm.s32 @!p0 $0x2800;
	s3 =	simm.s32 @!p0 $0x5;
	[sflag:s14] =	ssyncadd.s32 $0xFFFFC800  }
0x56: {  	[tilespmem:s0], [sflag:$0x5] =	stream.linear.gather @!p0 [spmem:s10], $0x800, $0x38;
	[tilespmem:$0x1E400] =	vst v63  }
0x57: {  	_ =	swait.ge @!p0 [sflag:s3], $0x800  }
0x58: {  	[sflag:s3] =	ssyncset.done @!p0 $0x0  }
0x59: {  	s23 =	simm.s32 @!p0 $0x0;
	s24 =	rddreg [dreg:$0xb];
	[sflag:s3] =	ssyncadd.s32 @!p0 $0xFFFFF800  }
0x5a: {  	[hbm4b:s24+s23] =	stream.linear.scatter @!p0 [tilespmem:s0], [sflag:$0x5], $0x800, $0x38;
	[tilespmem:$0x1E400] =	vst v63  }
0x5b: {  	_ =	swait.ge @!p0 [sflag:s3], $0x800  }
0x5c: {  	s29 =	sadd.s32 $0x1, s29;
	s31 =	rddreg [dreg:$0xc]  }
0x5d: {  	p2 =	sne.s32 s29, s31  }
.Ltmp1:
0x5e: {  	_ = 	snop;
	(pc) =	sbr.rel @!p2 .LBB2_13-.Ltmp1, $3  }
0x5f: {  	_ =	sdelay $0x1  }
0x60: {  	[sflag:s3] =	ssyncset.done @!p0 $0x0  }
0x61: {  	[sflag:s3] =	ssyncadd.s32 @!p0 $0xFFFFF800  }
.LBB2_1:
0x62: {  	s0 =	rddreg [dreg:$0x4]  }
0x63: {  	[tilespmem:s2], [sflag:$0x5] =	stream.linear.gather [hbm4b:s0+s2], $0x1400, $0x38;
	[tilespmem:$0x1E400] =	vst v63  }
0x64: {  	_ =	swait.ge [sflag:s14], $0x1400  }
0x65: {  	[sflag:s14] =	ssyncset.done $0x0  }
0x66: {  	s3 =	simm.s32 $0x1400;
	s31 =	rddreg [dreg:$0x5];
	[sflag:s14] =	ssyncadd.s32 $0xFFFFEC00  }
0x67: {  	[tilespmem:s3], [sflag:$0x5] =	stream.linear.gather [hbm4b:s31+s2], $0x1400, $0x38;
	[tilespmem:$0x1E400] =	vst v63  }
0x68: {  	_ =	swait.ge [sflag:s14], $0x1400  }
0x69: {  	[sflag:s14] =	ssyncset.done $0x0;
	s3 =	rddreg [dreg:$0x7]  }
0x6a: {  	s0 =	simm.s32 @p1 $0x1FC5;
	s23 =	rddreg [dreg:$0x10];
	[sflag:s14] =	ssyncadd.s32 $0xFFFFEC00  }
0x6b: {  	[spmem:s23], [sflag:s0] =	dma.local @p1 [hbm:s3], $0x2080  }
0x6c: {  	s0 =	simm.s32 @p1 $0x5  }
0x6d: {  	s3 =	stileid.u32;
	_ =	swait.ge @p1 [sflag:s0], $0x2080  }
0x6e: {  	s3 =	sshll.u32 @!p1 s3, $0x6;
	[sflag:s0] =	ssyncset.done @p1 $0x0;
	s23 =	rddreg [dreg:$0x6]  }
0x6f: {  	[sflag:s0] =	ssyncadd.s32 @p1 $0xFFFFDF80;
	s0 =	sor.u32 @!p1 $0x1C05, s3;
	s3 =	sshrl.u32 @!p1 s8, $0x3  }
0x70: {  	[spmem:s3], [sflag:s0] =	dma.local @!p1 [hbm:s23], $0x2780  }
0x71: {  	s0 =	simm.s32 @!p1 $0x5  }
0x72: {  	_ =	swait.ge @!p1 [sflag:s0], $0x2780  }
0x73: {  	[sflag:s0] =	ssyncset.done @!p1 $0x0  }
0x74: {  	[sflag:s0] =	ssyncadd.s32 @!p1 $0xFFFFD880  }
0x75: {  	s30 =	simm.s32 $0x0;
	[bflag:$0x0] =	sbarrier.arrive $0xFFFF  }
0x76: {  	[tilespmem:s20], [sflag:$0x1] =	stream.indirect.gather [spmem:s1], $0x80, s2, s17, $0xb8;
	[tilespmem:$0x1E400] =	vst v63  }
.LBB2_2:
0x77: {  	_ =	swait.ge [sflag:s21], $0x4000  }
0x78: {  	p2 =	seq.s32 s30, $0x0;
	[sflag:s21] =	ssyncset.done $0x0  }
0x79: {  	s0 =	simm.s32 @!p2 $0x4;
	[sflag:s21] =	ssyncadd.s32 $0xFFFFC000  }
0x7a: {  	p3 =	sne.s32 @!p2 s30, $0x14;
	_ =	swait.ge @!p2 [sflag:s0], $0x4000  }
0x7b: {  	p3 =	por p3, p2;
	[sflag:s0] =	ssyncset.done @!p2 $0x0  }
0x7c: {  	s3 =	simm.s32 @!p3 $0x1400;
	[sflag:s0] =	ssyncadd.s32 @!p2 $0xFFFFC000;
	s0 =	simm.s32 @!p3 $0x0  }
0x7d: {  	[tilespmem:s3], [sflag:$0x5] =	stream.linear.gather @!p3 [hbm4b:s11+s0], $0x1400, $0x38;
	[tilespmem:$0x1E400] =	vst v63  }
0x7e: {  	s23 =	sshll.u32 s30, $0x1;
	s31 =	sshllo.u32 s30, $0x1;
	s0 =	simm.s32 @!p3 $0x5  }
0x7f: {  	p2 =	slt.u32 s30, $0x14;
	s3 =	sadd.s32 $0xFFFFFFD9, s23;
	_ =	swait.ge @!p3 [sflag:s0], $0x1400  }
0x80: {  	s3 =	smov.u32 @p2 s31;
	[sflag:s0] =	ssyncset.done @!p3 $0x0  }
0x81: {  	[sflag:s0] =	ssyncadd.s32 @!p3 $0xFFFFEC00;
	s0 =	sshll.u32 s3, $0x7;
	s3 =	sshll.u32 s30, $0xA  }
0x82: {  	s24 =	sadd.s32 $0xFFFFB000, s3  }
0x83: {  	s24 =	smov.u32 @p2 s3  }
0x84: {  	s3 =	sshra.s32 s24, $0x2  }
0x85: {  	s24 =	sadd.s32 $0x1400, s3  }
0x86: {  	v17 =	vmov s24  }
0x87: {  	[tilespmem:s22], [sflag:$0x2] =	stream.indirect.gather [spmem:s1], $0x80, s0, s17, $0xb8;
	[tilespmem:$0x1E400] =	vst v63  }
0x88: {  	s3 =	simm.s32 $0x0  }
.LBB2_3:
0x89: {  	s24 =	sshll.u32 s3, $0x4  }
0x8a: {  	s24 =	sand.u32 $0x3FFFFFF0, s24  }
0x8b: {  	v18 =	vld.idx.msk [tilespmem:v17+s24+$0x0 ss:$0x1], $0xffff;
	s24 =	sshll.u32 s3, $0xB  }
0x8c: {  	s24 =	sand.u32 $0x3FFFF800, s24  }
0x8d: {  	v19 =	vld [tilespmem:s24+$0x2800]  }
0x8e: {  	v20 =	vld [tilespmem:s24+$0x2810]  }
0x8f: {  	v21 =	vld [tilespmem:s24+$0x2820]  }
0x90: {  	v23 =	vld [tilespmem:s24+$0x2830];
	v22 =	vperm.xlane v18, v0  }
0x91: {  	v24 =	vld [tilespmem:s24+$0x2840]  }
0x92: {  	v25 =	vld [tilespmem:s24+$0x2850];
	v19 =	vmul.f32 v19, v22  }
0x93: {  	v26 =	vld [tilespmem:s24+$0x2860];
	v20 =	vmul.f32 v20, v22  }
0x94: {  	v43 =	vld [tilespmem:s24+$0x2870];
	[tilespmem:s24+$0x2800] =	vst v19;
	v19 =	vmul.f32 v21, v22  }
0x95: {  	v45 =	vld [tilespmem:s24+$0x2880];
	v44 =	vmul.f32 v23, v22;
	[tilespmem:s24+$0x2810] =	vst v20  }
0x96: {  	v46 =	vld [tilespmem:s24+$0x2890];
	[tilespmem:s24+$0x2820] =	vst v19;
	v19 =	vmul.f32 v24, v22  }
0x97: {  	v48 =	vld [tilespmem:s24+$0x28A0];
	v47 =	vmul.f32 v25, v22;
	[tilespmem:s24+$0x2830] =	vst v44  }
0x98: {  	v27 =	vld [tilespmem:s24+$0x28B0];
	v49 =	vperm.xlane v18, v1;
	[tilespmem:s24+$0x2840] =	vst v19;
	v19 =	vmul.f32 v26, v22  }
0x99: {  	v51 =	vld [tilespmem:s24+$0x28C0];
	v50 =	vmul.f32 v43, v22;
	[tilespmem:s24+$0x2850] =	vst v47  }
0x9a: {  	v52 =	vld [tilespmem:s24+$0x28D0];
	[tilespmem:s24+$0x2860] =	vst v19;
	v19 =	vmul.f32 v45, v49  }
0x9b: {  	v54 =	vld [tilespmem:s24+$0x28E0];
	v53 =	vmul.f32 v46, v49;
	[tilespmem:s24+$0x2870] =	vst v50  }
0x9c: {  	v55 =	vld [tilespmem:s24+$0x28F0];
	[tilespmem:s24+$0x2880] =	vst v19;
	v19 =	vmul.f32 v48, v49  }
0x9d: {  	v57 =	vld [tilespmem:s24+$0x2900];
	v56 =	vmul.f32 v27, v49;
	[tilespmem:s24+$0x2890] =	vst v53  }
0x9e: {  	v58 =	vld [tilespmem:s24+$0x2910];
	[tilespmem:s24+$0x28A0] =	vst v19;
	v19 =	vmul.f32 v51, v49  }
0x9f: {  	v60 =	vld [tilespmem:s24+$0x2920];
	v59 =	vmul.f32 v52, v49;
	[tilespmem:s24+$0x28B0] =	vst v56  }
0xa0: {  	v62 =	vld [tilespmem:s24+$0x2930];
	v61 =	vperm.xlane v18, v2;
	[tilespmem:s24+$0x28C0] =	vst v19;
	v19 =	vmul.f32 v54, v49  }
0xa1: {  	v28 =	vld [tilespmem:s24+$0x2940];
	v63 =	vmul.f32 v55, v49;
	[tilespmem:s24+$0x28D0] =	vst v59  }
0xa2: {  	v29 =	vld [tilespmem:s24+$0x2950];
	[tilespmem:s24+$0x28E0] =	vst v19;
	v19 =	vmul.f32 v57, v61  }
0xa3: {  	v31 =	vld [tilespmem:s24+$0x2960];
	v30 =	vmul.f32 v58, v61;
	[tilespmem:s24+$0x28F0] =	vst v63  }
0xa4: {  	v32 =	vld [tilespmem:s24+$0x2970];
	[tilespmem:s24+$0x2900] =	vst v19;
	v19 =	vmul.f32 v60, v61  }
0xa5: {  	v34 =	vld [tilespmem:s24+$0x2980];
	v33 =	vmul.f32 v62, v61;
	[tilespmem:s24+$0x2910] =	vst v30  }
0xa6: {  	v35 =	vld [tilespmem:s24+$0x2990];
	[tilespmem:s24+$0x2920] =	vst v19;
	v19 =	vmul.f32 v28, v61  }
0xa7: {  	v37 =	vld [tilespmem:s24+$0x29A0];
	v36 =	vmul.f32 v29, v61;
	[tilespmem:s24+$0x2930] =	vst v33  }
0xa8: {  	v39 =	vld [tilespmem:s24+$0x29B0];
	v38 =	vperm.xlane v18, v3;
	[tilespmem:s24+$0x2940] =	vst v19;
	v19 =	vmul.f32 v31, v61  }
0xa9: {  	v41 =	vld [tilespmem:s24+$0x29C0];
	v40 =	vmul.f32 v32, v61;
	[tilespmem:s24+$0x2950] =	vst v36  }
0xaa: {  	v45 =	vld [tilespmem:s24+$0x29F0];
	[tilespmem:s24+$0x2960] =	vst v19;
	v19 =	vmul.f32 v34, v38  }
0xab: {  	v43 =	vmul.f32 v35, v38;
	[tilespmem:s24+$0x2970] =	vst v40;
	v44 =	vld [tilespmem:s24+$0x29E0]  }
0xac: {  	v42 =	vld [tilespmem:s24+$0x29D0];
	[tilespmem:s24+$0x2980] =	vst v19;
	v19 =	vmul.f32 v37, v38  }
0xad: {  	v46 =	vmul.f32 v39, v38;
	[tilespmem:s24+$0x2990] =	vst v43;
	v47 =	vld [tilespmem:s24+$0x2A00]  }
0xae: {  	v52 =	vld [tilespmem:s24+$0x2A30];
	[tilespmem:s24+$0x29A0] =	vst v19;
	v19 =	vmul.f32 v41, v38  }
0xaf: {  	[tilespmem:s24+$0x29B0] =	vst v46;
	v50 =	vld [tilespmem:s24+$0x2A20];
	v53 =	vmul.f32 v45, v38  }
0xb0: {  	v55 =	vld [tilespmem:s24+$0x2A50];
	v51 =	vperm.xlane v18, v4;
	[tilespmem:s24+$0x29C0] =	vst v19;
	v19 =	vmul.f32 v44, v38  }
0xb1: {  	v49 =	vmul.f32 v42, v38;
	v54 =	vld [tilespmem:s24+$0x2A40];
	[tilespmem:s24+$0x29F0] =	vst v53  }
0xb2: {  	v58 =	vld [tilespmem:s24+$0x2A70];
	[tilespmem:s24+$0x29E0] =	vst v19;
	v19 =	vmul.f32 v47, v51  }
0xb3: {  	v59 =	vmul.f32 v52, v51;
	[tilespmem:s24+$0x29D0] =	vst v49;
	v57 =	vld [tilespmem:s24+$0x2A60]  }
0xb4: {  	v48 =	vld [tilespmem:s24+$0x2A10];
	[tilespmem:s24+$0x2A00] =	vst v19;
	v19 =	vmul.f32 v50, v51  }
0xb5: {  	v62 =	vmul.f32 v55, v51;
	[tilespmem:s24+$0x2A30] =	vst v59;
	v60 =	vld [tilespmem:s24+$0x2A80]  }
0xb6: {  	v40 =	vld [tilespmem:s24+$0x2B10];
	[tilespmem:s24+$0x2A20] =	vst v19;
	v19 =	vmul.f32 v54, v51  }
0xb7: {  	v63 =	vld [tilespmem:s24+$0x2AA0];
	v32 =	vmul.f32 v58, v51;
	[tilespmem:s24+$0x2A50] =	vst v62  }
0xb8: {  	v30 =	vperm.xlane v18, v5;
	v61 =	vld [tilespmem:s24+$0x2A90];
	[tilespmem:s24+$0x2A40] =	vst v19;
	v19 =	vmul.f32 v57, v51  }
0xb9: {  	v33 =	vld [tilespmem:s24+$0x2AC0];
	v43 =	vperm.xlane v18, v6;
	v56 =	vmul.f32 v48, v51;
	[tilespmem:s24+$0x2A70] =	vst v32  }
0xba: {  	v53 =	vld [tilespmem:s24+$0x2B90];
	[tilespmem:s24+$0x2A60] =	vst v19;
	v19 =	vmul.f32 v60, v30  }
0xbb: {  	v36 =	vld [tilespmem:s24+$0x2AE0];
	v48 =	vmul.f32 v40, v43;
	[tilespmem:s24+$0x2A10] =	vst v56  }
0xbc: {  	v31 =	vld [tilespmem:s24+$0x2AB0];
	[tilespmem:s24+$0x2A80] =	vst v19;
	v19 =	vmul.f32 v63, v30  }
0xbd: {  	v39 =	vld [tilespmem:s24+$0x2B00];
	[tilespmem:s24+$0x2B10] =	vst v48;
	v56 =	vperm.xlane v18, v7;
	v35 =	vmul.f32 v61, v30  }
0xbe: {  	v34 =	vld [tilespmem:s24+$0x2AD0];
	[tilespmem:s24+$0x2AA0] =	vst v19;
	v19 =	vmul.f32 v33, v30  }
0xbf: {  	v42 =	vld [tilespmem:s24+$0x2B20];
	v61 =	vmul.f32 v53, v56;
	[tilespmem:s24+$0x2A90] =	vst v35  }
0xc0: {  	v37 =	vld [tilespmem:s24+$0x2AF0];
	[tilespmem:s24+$0x2AC0] =	vst v19;
	v19 =	vmul.f32 v36, v30  }
0xc1: {  	v46 =	vld [tilespmem:s24+$0x2B40];
	[tilespmem:s24+$0x2B90] =	vst v61;
	v38 =	vmul.f32 v31, v30  }
0xc2: {  	v47 =	vld [tilespmem:s24+$0x2B50];
	[tilespmem:s24+$0x2AE0] =	vst v19;
	v19 =	vmul.f32 v39, v43  }
0xc3: {  	v49 =	vld [tilespmem:s24+$0x2B60];
	v41 =	vmul.f32 v34, v30;
	[tilespmem:s24+$0x2AB0] =	vst v38  }
0xc4: {  	v38 =	vld [tilespmem:s24+$0x2C50];
	[tilespmem:s24+$0x2B00] =	vst v19;
	v19 =	vmul.f32 v42, v43  }
0xc5: {  	v52 =	vld [tilespmem:s24+$0x2B80];
	[tilespmem:s24+$0x2AD0] =	vst v41;
	v45 =	vmul.f32 v37, v30  }
0xc6: {  	v44 =	vld [tilespmem:s24+$0x2B30];
	[tilespmem:s24+$0x2B20] =	vst v19;
	v19 =	vmul.f32 v46, v43  }
0xc7: {  	v55 =	vld [tilespmem:s24+$0x2BA0];
	v34 =	vperm.xlane v18, v8;
	[tilespmem:s24+$0x2AF0] =	vst v45;
	v54 =	vmul.f32 v47, v43  }
0xc8: {  	v50 =	vld [tilespmem:s24+$0x2B70];
	[tilespmem:s24+$0x2B40] =	vst v19;
	v19 =	vmul.f32 v49, v43  }
0xc9: {  	v59 =	vld [tilespmem:s24+$0x2BC0];
	v45 =	vmul.f32 v38, v34;
	[tilespmem:s24+$0x2B50] =	vst v54  }
0xca: {  	v57 =	vld [tilespmem:s24+$0x2BB0];
	[tilespmem:s24+$0x2B60] =	vst v19;
	v19 =	vmul.f32 v52, v56  }
0xcb: {  	v62 =	vld [tilespmem:s24+$0x2BE0];
	v51 =	vmul.f32 v44, v43;
	[tilespmem:s24+$0x2C50] =	vst v45  }
0xcc: {  	v60 =	vld [tilespmem:s24+$0x2BD0];
	[tilespmem:s24+$0x2B80] =	vst v19;
	v19 =	vmul.f32 v55, v56  }
0xcd: {  	v58 =	vmul.f32 v50, v43;
	[tilespmem:s24+$0x2B30] =	vst v51;
	v30 =	vld [tilespmem:s24+$0x2C00]  }
0xce: {  	v51 =	vld [tilespmem:s24+$0x2CD0];
	[tilespmem:s24+$0x2BA0] =	vst v19;
	v19 =	vmul.f32 v59, v56  }
0xcf: {  	[tilespmem:s24+$0x2B70] =	vst v58;
	v29 =	vmul.f32 v57, v56;
	v33 =	vld [tilespmem:s24+$0x2C20]  }
0xd0: {  	v63 =	vld [tilespmem:s24+$0x2BF0];
	[tilespmem:s24+$0x2BC0] =	vst v19;
	v19 =	vmul.f32 v62, v56  }
0xd1: {  	v37 =	vld [tilespmem:s24+$0x2C40];
	v47 =	vperm.xlane v18, v9;
	[tilespmem:s24+$0x2BB0] =	vst v29;
	v32 =	vmul.f32 v60, v56  }
0xd2: {  	v61 =	vld [tilespmem:s24+$0x2D30];
	[tilespmem:s24+$0x2BE0] =	vst v19;
	v19 =	vmul.f32 v30, v34  }
0xd3: {  	v40 =	vld [tilespmem:s24+$0x2C60];
	v58 =	vmul.f32 v51, v47;
	[tilespmem:s24+$0x2BD0] =	vst v32  }
0xd4: {  	v31 =	vld [tilespmem:s24+$0x2C10];
	[tilespmem:s24+$0x2C00] =	vst v19;
	v19 =	vmul.f32 v33, v34  }
0xd5: {  	v60 =	vperm.xlane v18, v10;
	v36 =	vmul.f32 v63, v56;
	[tilespmem:s24+$0x2CD0] =	vst v58;
	v43 =	vld [tilespmem:s24+$0x2C80]  }
0xd6: {  	v57 =	vld [tilespmem:s24+$0x2D10];
	[tilespmem:s24+$0x2C20] =	vst v19;
	v19 =	vmul.f32 v37, v34  }
0xd7: {  	v32 =	vmul.f32 v61, v60;
	[tilespmem:s24+$0x2BF0] =	vst v36;
	v46 =	vld [tilespmem:s24+$0x2CA0]  }
0xd8: {  	v35 =	vld [tilespmem:s24+$0x2C30];
	[tilespmem:s24+$0x2C40] =	vst v19;
	v19 =	vmul.f32 v40, v34  }
0xd9: {  	v50 =	vld [tilespmem:s24+$0x2CC0];
	v39 =	vmul.f32 v31, v34;
	[tilespmem:s24+$0x2D30] =	vst v32  }
0xda: {  	v28 =	vld [tilespmem:s24+$0x2D50];
	[tilespmem:s24+$0x2C60] =	vst v19;
	v19 =	vmul.f32 v43, v47  }
0xdb: {  	v53 =	vld [tilespmem:s24+$0x2CE0];
	v29 =	vmul.f32 v57, v60;
	[tilespmem:s24+$0x2C10] =	vst v39  }
0xdc: {  	v31 =	vld [tilespmem:s24+$0x2D70];
	[tilespmem:s24+$0x2C80] =	vst v19;
	v19 =	vmul.f32 v46, v47  }
0xdd: {  	v42 =	vmul.f32 v35, v34;
	[tilespmem:s24+$0x2D10] =	vst v29;
	v56 =	vld [tilespmem:s24+$0x2D00]  }
0xde: {  	v41 =	vld [tilespmem:s24+$0x2C70];
	[tilespmem:s24+$0x2CA0] =	vst v19;
	v19 =	vmul.f32 v50, v47  }
0xdf: {  	v35 =	vmul.f32 v28, v60;
	[tilespmem:s24+$0x2C30] =	vst v42;
	v59 =	vld [tilespmem:s24+$0x2D20]  }
0xe0: {  	v44 =	vld [tilespmem:s24+$0x2C90];
	[tilespmem:s24+$0x2CC0] =	vst v19;
	v19 =	vmul.f32 v53, v47  }
0xe1: {  	v63 =	vld [tilespmem:s24+$0x2D40];
	[tilespmem:s24+$0x2D50] =	vst v35;
	v39 =	vmul.f32 v31, v60  }
0xe2: {  	v48 =	vld [tilespmem:s24+$0x2CB0];
	[tilespmem:s24+$0x2CE0] =	vst v19;
	v19 =	vmul.f32 v56, v60  }
0xe3: {  	v49 =	vmul.f32 v41, v34;
	[tilespmem:s24+$0x2D70] =	vst v39;
	v30 =	vld [tilespmem:s24+$0x2D60]  }
0xe4: {  	v54 =	vld [tilespmem:s24+$0x2CF0];
	[tilespmem:s24+$0x2D00] =	vst v19;
	v19 =	vmul.f32 v59, v60  }
0xe5: {  	[tilespmem:s24+$0x2C70] =	vst v49;
	v52 =	vmul.f32 v44, v47;
	v33 =	vld [tilespmem:s24+$0x2D80]  }
0xe6: {  	v38 =	vld [tilespmem:s24+$0x2DB0];
	[tilespmem:s24+$0x2D20] =	vst v19;
	v19 =	vmul.f32 v63, v60  }
0xe7: {  	v36 =	vld [tilespmem:s24+$0x2DA0];
	[tilespmem:s24+$0x2C90] =	vst v52;
	v55 =	vmul.f32 v48, v47  }
0xe8: {  	v41 =	vld [tilespmem:s24+$0x2DD0];
	v37 =	vperm.xlane v18, v11;
	[tilespmem:s24+$0x2D40] =	vst v19;
	v19 =	vmul.f32 v30, v60  }
0xe9: {  	[tilespmem:s24+$0x2CB0] =	vst v55;
	v62 =	vmul.f32 v54, v47;
	v40 =	vld [tilespmem:s24+$0x2DC0]  }
0xea: {  	v44 =	vld [tilespmem:s24+$0x2DF0];
	[tilespmem:s24+$0x2D60] =	vst v19;
	v19 =	vmul.f32 v33, v37  }
0xeb: {  	[tilespmem:s24+$0x2CF0] =	vst v62;
	v45 =	vmul.f32 v38, v37;
	v43 =	vld [tilespmem:s24+$0x2DE0]  }
0xec: {  	v34 =	vld [tilespmem:s24+$0x2D90];
	[tilespmem:s24+$0x2D80] =	vst v19;
	v19 =	vmul.f32 v36, v37  }
0xed: {  	v48 =	vmul.f32 v41, v37;
	[tilespmem:s24+$0x2DB0] =	vst v45;
	v46 =	vld [tilespmem:s24+$0x2E00]  }
0xee: {  	v51 =	vld [tilespmem:s24+$0x2E30];
	[tilespmem:s24+$0x2DA0] =	vst v19;
	v19 =	vmul.f32 v40, v37  }
0xef: {  	v49 =	vld [tilespmem:s24+$0x2E20];
	v52 =	vmul.f32 v44, v37;
	[tilespmem:s24+$0x2DD0] =	vst v48  }
0xf0: {  	v54 =	vld [tilespmem:s24+$0x2E50];
	v50 =	vperm.xlane v18, v12;
	[tilespmem:s24+$0x2DC0] =	vst v19;
	v19 =	vmul.f32 v43, v37  }
0xf1: {  	[tilespmem:s24+$0x2DF0] =	vst v52;
	v42 =	vmul.f32 v34, v37;
	v53 =	vld [tilespmem:s24+$0x2E40]  }
0xf2: {  	v57 =	vld [tilespmem:s24+$0x2E70];
	[tilespmem:s24+$0x2DE0] =	vst v19;
	v19 =	vmul.f32 v46, v50  }
0xf3: {  	[tilespmem:s24+$0x2D90] =	vst v42;
	v58 =	vmul.f32 v51, v50;
	v56 =	vld [tilespmem:s24+$0x2E60]  }
0xf4: {  	v47 =	vld [tilespmem:s24+$0x2E10];
	[tilespmem:s24+$0x2E00] =	vst v19;
	v19 =	vmul.f32 v49, v50  }
0xf5: {  	v61 =	vmul.f32 v54, v50;
	[tilespmem:s24+$0x2E30] =	vst v58;
	v59 =	vld [tilespmem:s24+$0x2E80]  }
0xf6: {  	v39 =	vld [tilespmem:s24+$0x2F10];
	[tilespmem:s24+$0x2E20] =	vst v19;
	v19 =	vmul.f32 v53, v50  }
0xf7: {  	v62 =	vld [tilespmem:s24+$0x2EA0];
	v31 =	vmul.f32 v57, v50;
	[tilespmem:s24+$0x2E50] =	vst v61  }
0xf8: {  	v63 =	vperm.xlane v18, v13;
	v60 =	vld [tilespmem:s24+$0x2E90];
	[tilespmem:s24+$0x2E40] =	vst v19;
	v19 =	vmul.f32 v56, v50  }
0xf9: {  	v32 =	vld [tilespmem:s24+$0x2EC0];
	v42 =	vperm.xlane v18, v14;
	[tilespmem:s24+$0x2E70] =	vst v31;
	v55 =	vmul.f32 v47, v50  }
0xfa: {  	v33 =	vld [tilespmem:s24+$0x2ED0];
	[tilespmem:s24+$0x2E60] =	vst v19;
	v19 =	vmul.f32 v59, v63  }
0xfb: {  	v35 =	vld [tilespmem:s24+$0x2EE0];
	v47 =	vmul.f32 v39, v42;
	[tilespmem:s24+$0x2E10] =	vst v55  }
0xfc: {  	v30 =	vld [tilespmem:s24+$0x2EB0];
	[tilespmem:s24+$0x2E80] =	vst v19;
	v19 =	vmul.f32 v62, v63  }
0xfd: {  	v38 =	vld [tilespmem:s24+$0x2F00];
	[tilespmem:s24+$0x2F10] =	vst v47;
	v34 =	vmul.f32 v60, v63  }
0xfe: {  	v36 =	vld [tilespmem:s24+$0x2EF0];
	[tilespmem:s24+$0x2EA0] =	vst v19;
	v19 =	vmul.f32 v32, v63  }
0xff: {  	v41 =	vld [tilespmem:s24+$0x2F20];
	[tilespmem:s24+$0x2E90] =	vst v34;
	v40 =	vmul.f32 v33, v63  }
0x100: {  	v46 =	vld [tilespmem:s24+$0x2F50];
	[tilespmem:s24+$0x2EC0] =	vst v19;
	v19 =	vmul.f32 v35, v63  }
0x101: {  	v45 =	vld [tilespmem:s24+$0x2F40];
	v37 =	vmul.f32 v30, v63;
	[tilespmem:s24+$0x2ED0] =	vst v40  }
0x102: {  	v43 =	vld [tilespmem:s24+$0x2F30];
	[tilespmem:s24+$0x2EE0] =	vst v19;
	v19 =	vmul.f32 v38, v42  }
0x103: {  	v48 =	vld [tilespmem:s24+$0x2F60];
	v44 =	vmul.f32 v36, v63;
	[tilespmem:s24+$0x2EB0] =	vst v37  }
0x104: {  	v49 =	vld [tilespmem:s24+$0x2F70];
	[tilespmem:s24+$0x2F00] =	vst v19;
	v19 =	vmul.f32 v41, v42  }
0x105: {  	v51 =	vld [tilespmem:s24+$0x2F80];
	[tilespmem:s24+$0x2EF0] =	vst v44;
	v53 =	vmul.f32 v46, v42  }
0x106: {  	v52 =	vld [tilespmem:s24+$0x2F90];
	[tilespmem:s24+$0x2F20] =	vst v19;
	v19 =	vmul.f32 v45, v42  }
0x107: {  	v54 =	vld [tilespmem:s24+$0x2FA0];
	v50 =	vmul.f32 v43, v42;
	[tilespmem:s24+$0x2F50] =	vst v53  }
0x108: {  	v18 =	vperm.xlane v18, v15;
	v55 =	vld [tilespmem:s24+$0x2FB0];
	[tilespmem:s24+$0x2F40] =	vst v19;
	v19 =	vmul.f32 v48, v42  }
0x109: {  	v57 =	vld [tilespmem:s24+$0x2FC0];
	v56 =	vmul.f32 v49, v42;
	[tilespmem:s24+$0x2F30] =	vst v50  }
0x10a: {  	v58 =	vld [tilespmem:s24+$0x2FD0];
	[tilespmem:s24+$0x2F60] =	vst v19;
	v19 =	vmul.f32 v51, v18  }
0x10b: {  	v60 =	vld [tilespmem:s24+$0x2FE0];
	v59 =	vmul.f32 v52, v18;
	[tilespmem:s24+$0x2F70] =	vst v56  }
0x10c: {  	v61 =	vld [tilespmem:s24+$0x2FF0];
	[tilespmem:s24+$0x2F80] =	vst v19;
	v19 =	vmul.f32 v54, v18  }
0x10d: {  	[tilespmem:s24+$0x2F90] =	vst v59;
	v62 =	vmul.f32 v55, v18  }
0x10e: {  	p2 =	sne.s32 s3, $0x7;
	[tilespmem:s24+$0x2FA0] =	vst v19;
	v19 =	vmul.f32 v57, v18  }
.Ltmp2:
0x10f: {  	[tilespmem:s24+$0x2FB0] =	vst v62;
	v63 =	vmul.f32 v58, v18;
	(pc) =	sbr.rel @p2 .LBB2_3-.Ltmp2, $4  }
0x110: {  	[tilespmem:s24+$0x2FC0] =	vst v19;
	v19 =	vmul.f32 v60, v18  }
0x111: {  	[tilespmem:s24+$0x2FD0] =	vst v63;
	v18 =	vmul.f32 v61, v18  }
0x112: {  	[tilespmem:s24+$0x2FE0] =	vst v19  }
0x113: {  	s3 =	sadd.s32 $0x1, s3;
	[tilespmem:s24+$0x2FF0] =	vst v18  }
0x114: {  	s3 =	sshll.u32 s30, $0xF  }
0x115: {  	s3 =	sadd.s32 s7, s3  }
0x116: {  	s3 =	sshrl.u32 s3, $0x3  }
0x117: {  	s3 =	sadd.s32 s4, s3  }
0x118: {  	[hbm4b:s3+s2] =	stream.linear.scatter [tilespmem:s20], [sflag:$0x3], $0x4000, $0x38;
	[tilespmem:$0x1E400] =	vst v63  }
0x119: {  	_ =	swait.ge [sflag:s25], $0x4000  }
0x11a: {  	s3 =	sadd.s32 $0x2, s23;
	[sflag:s25] =	ssyncset.done $0x0  }
0x11b: {  	p2 =	seq.s32 s30, $0x27;
	s23 =	smulhi.u32 $0x66666667, s3;
	[sflag:s25] =	ssyncadd.s32 $0xFFFFC000  }
0x11c: {  	p3 =	sne.s32 @!p2 s30, $0x13;
	_ =	swait.ge [sflag:s26], $0x4000  }
0x11d: {  	p3 =	por p3, p2;
	s23 =	sshrl.u32 s23, $0x4;
	[sflag:s26] =	ssyncset.done $0x0  }
0x11e: {  	s24 =	simm.s32 @!p3 $0x0;
	s23 =	smul.u32 $0x28, s23;
	[sflag:s26] =	ssyncadd.s32 $0xFFFFC000  }
0x11f: {  	[tilespmem:s24], [sflag:$0x5] =	stream.linear.gather @!p3 [hbm4b:s12+s24], $0x1400, $0x38;
	[tilespmem:$0x1E400] =	vst v63  }
0x120: {  	s24 =	simm.s32 @!p3 $0x5  }
0x121: {  	s3 =	ssub.s32 s3, s23;
	_ =	swait.ge @!p3 [sflag:s24], $0x1400  }
0x122: {  	s23 =	simm.s32 @!p2 $0x80;
	s3 =	sshll.u32 @!p2 s3, $0x7;
	[sflag:s24] =	ssyncset.done @!p3 $0x0  }
0x123: {  	s3 =	sand.u32 @!p2 $0x3FFFFF80, s3;
	[sflag:s24] =	ssyncadd.s32 @!p3 $0xFFFFEC00;
	s24 =	simm.s32 @!p2 $0x2800  }
0x124: {  	[tilespmem:s24], [sflag:$0x1] =	stream.indirect.gather @!p2 [spmem:s1], $0x80, s3, s23, $0xb8;
	[tilespmem:$0x1E400] =	vst v63  }
0x125: {  	s24 =	sadd.s32 $0x1400, s0  }
0x126: {  	v17 =	vmov s24;
	_ =	sdelay $0x1  }
0x127: {  	s0 =	simm.s32 $0x0  }
.LBB2_5:
0x128: {  	s3 =	sshll.u32 s0, $0x4  }
0x129: {  	s3 =	sand.u32 $0x3FFFFFF0, s3  }
0x12a: {  	s24 =	sshll.u32 s0, $0xB;
	v18 =	vld.idx.msk [tilespmem:v17+s3+$0x0 ss:$0x1], $0xffff  }
0x12b: {  	s3 =	sand.u32 $0x3FFFF800, s24  }
0x12c: {  	v19 =	vld [tilespmem:s3+$0x6800]  }
0x12d: {  	v20 =	vld [tilespmem:s3+$0x6810]  }
0x12e: {  	v21 =	vld [tilespmem:s3+$0x6820]  }
0x12f: {  	v23 =	vld [tilespmem:s3+$0x6830];
	v22 =	vperm.xlane v18, v0  }
0x130: {  	v24 =	vld [tilespmem:s3+$0x6840]  }
0x131: {  	v25 =	vld [tilespmem:s3+$0x6850];
	v19 =	vmul.f32 v19, v22  }
0x132: {  	v26 =	vld [tilespmem:s3+$0x6860];
	v20 =	vmul.f32 v20, v22  }
0x133: {  	v43 =	vld [tilespmem:s3+$0x6870];
	[tilespmem:s3+$0x6800] =	vst v19;
	v19 =	vmul.f32 v21, v22  }
0x134: {  	v45 =	vld [tilespmem:s3+$0x6880];
	v44 =	vmul.f32 v23, v22;
	[tilespmem:s3+$0x6810] =	vst v20  }
0x135: {  	v46 =	vld [tilespmem:s3+$0x6890];
	[tilespmem:s3+$0x6820] =	vst v19;
	v19 =	vmul.f32 v24, v22  }
0x136: {  	v48 =	vld [tilespmem:s3+$0x68A0];
	v47 =	vmul.f32 v25, v22;
	[tilespmem:s3+$0x6830] =	vst v44  }
0x137: {  	v27 =	vld [tilespmem:s3+$0x68B0];
	v49 =	vperm.xlane v18, v1;
	[tilespmem:s3+$0x6840] =	vst v19;
	v19 =	vmul.f32 v26, v22  }
0x138: {  	v51 =	vld [tilespmem:s3+$0x68C0];
	v50 =	vmul.f32 v43, v22;
	[tilespmem:s3+$0x6850] =	vst v47  }
0x139: {  	v52 =	vld [tilespmem:s3+$0x68D0];
	[tilespmem:s3+$0x6860] =	vst v19;
	v19 =	vmul.f32 v45, v49  }
0x13a: {  	v54 =	vld [tilespmem:s3+$0x68E0];
	v53 =	vmul.f32 v46, v49;
	[tilespmem:s3+$0x6870] =	vst v50  }
0x13b: {  	v55 =	vld [tilespmem:s3+$0x68F0];
	[tilespmem:s3+$0x6880] =	vst v19;
	v19 =	vmul.f32 v48, v49  }
0x13c: {  	v57 =	vld [tilespmem:s3+$0x6900];
	v56 =	vmul.f32 v27, v49;
	[tilespmem:s3+$0x6890] =	vst v53  }
0x13d: {  	v58 =	vld [tilespmem:s3+$0x6910];
	[tilespmem:s3+$0x68A0] =	vst v19;
	v19 =	vmul.f32 v51, v49  }
0x13e: {  	v60 =	vld [tilespmem:s3+$0x6920];
	v59 =	vmul.f32 v52, v49;
	[tilespmem:s3+$0x68B0] =	vst v56  }
0x13f: {  	v62 =	vld [tilespmem:s3+$0x6930];
	v61 =	vperm.xlane v18, v2;
	[tilespmem:s3+$0x68C0] =	vst v19;
	v19 =	vmul.f32 v54, v49  }
0x140: {  	v28 =	vld [tilespmem:s3+$0x6940];
	v63 =	vmul.f32 v55, v49;
	[tilespmem:s3+$0x68D0] =	vst v59  }
0x141: {  	v29 =	vld [tilespmem:s3+$0x6950];
	[tilespmem:s3+$0x68E0] =	vst v19;
	v19 =	vmul.f32 v57, v61  }
0x142: {  	v31 =	vld [tilespmem:s3+$0x6960];
	v30 =	vmul.f32 v58, v61;
	[tilespmem:s3+$0x68F0] =	vst v63  }
0x143: {  	v32 =	vld [tilespmem:s3+$0x6970];
	[tilespmem:s3+$0x6900] =	vst v19;
	v19 =	vmul.f32 v60, v61  }
0x144: {  	v34 =	vld [tilespmem:s3+$0x6980];
	v33 =	vmul.f32 v62, v61;
	[tilespmem:s3+$0x6910] =	vst v30  }
0x145: {  	v35 =	vld [tilespmem:s3+$0x6990];
	[tilespmem:s3+$0x6920] =	vst v19;
	v19 =	vmul.f32 v28, v61  }
0x146: {  	v37 =	vld [tilespmem:s3+$0x69A0];
	v36 =	vmul.f32 v29, v61;
	[tilespmem:s3+$0x6930] =	vst v33  }
0x147: {  	v39 =	vld [tilespmem:s3+$0x69B0];
	v38 =	vperm.xlane v18, v3;
	[tilespmem:s3+$0x6940] =	vst v19;
	v19 =	vmul.f32 v31, v61  }
0x148: {  	v41 =	vld [tilespmem:s3+$0x69C0];
	v40 =	vmul.f32 v32, v61;
	[tilespmem:s3+$0x6950] =	vst v36  }
0x149: {  	v45 =	vld [tilespmem:s3+$0x69F0];
	[tilespmem:s3+$0x6960] =	vst v19;
	v19 =	vmul.f32 v34, v38  }
0x14a: {  	v43 =	vmul.f32 v35, v38;
	[tilespmem:s3+$0x6970] =	vst v40;
	v44 =	vld [tilespmem:s3+$0x69E0]  }
0x14b: {  	v42 =	vld [tilespmem:s3+$0x69D0];
	[tilespmem:s3+$0x6980] =	vst v19;
	v19 =	vmul.f32 v37, v38  }
0x14c: {  	v46 =	vmul.f32 v39, v38;
	[tilespmem:s3+$0x6990] =	vst v43;
	v47 =	vld [tilespmem:s3+$0x6A00]  }
0x14d: {  	v52 =	vld [tilespmem:s3+$0x6A30];
	[tilespmem:s3+$0x69A0] =	vst v19;
	v19 =	vmul.f32 v41, v38  }
0x14e: {  	[tilespmem:s3+$0x69B0] =	vst v46;
	v50 =	vld [tilespmem:s3+$0x6A20];
	v53 =	vmul.f32 v45, v38  }
0x14f: {  	v55 =	vld [tilespmem:s3+$0x6A50];
	v51 =	vperm.xlane v18, v4;
	[tilespmem:s3+$0x69C0] =	vst v19;
	v19 =	vmul.f32 v44, v38  }
0x150: {  	v49 =	vmul.f32 v42, v38;
	v54 =	vld [tilespmem:s3+$0x6A40];
	[tilespmem:s3+$0x69F0] =	vst v53  }
0x151: {  	v58 =	vld [tilespmem:s3+$0x6A70];
	[tilespmem:s3+$0x69E0] =	vst v19;
	v19 =	vmul.f32 v47, v51  }
0x152: {  	v59 =	vmul.f32 v52, v51;
	[tilespmem:s3+$0x69D0] =	vst v49;
	v57 =	vld [tilespmem:s3+$0x6A60]  }
0x153: {  	v48 =	vld [tilespmem:s3+$0x6A10];
	[tilespmem:s3+$0x6A00] =	vst v19;
	v19 =	vmul.f32 v50, v51  }
0x154: {  	v62 =	vmul.f32 v55, v51;
	[tilespmem:s3+$0x6A30] =	vst v59;
	v60 =	vld [tilespmem:s3+$0x6A80]  }
0x155: {  	v40 =	vld [tilespmem:s3+$0x6B10];
	[tilespmem:s3+$0x6A20] =	vst v19;
	v19 =	vmul.f32 v54, v51  }
0x156: {  	v63 =	vld [tilespmem:s3+$0x6AA0];
	v32 =	vmul.f32 v58, v51;
	[tilespmem:s3+$0x6A50] =	vst v62  }
0x157: {  	v30 =	vperm.xlane v18, v5;
	v61 =	vld [tilespmem:s3+$0x6A90];
	[tilespmem:s3+$0x6A40] =	vst v19;
	v19 =	vmul.f32 v57, v51  }
0x158: {  	v33 =	vld [tilespmem:s3+$0x6AC0];
	v43 =	vperm.xlane v18, v6;
	v56 =	vmul.f32 v48, v51;
	[tilespmem:s3+$0x6A70] =	vst v32  }
0x159: {  	v53 =	vld [tilespmem:s3+$0x6B90];
	[tilespmem:s3+$0x6A60] =	vst v19;
	v19 =	vmul.f32 v60, v30  }
0x15a: {  	v36 =	vld [tilespmem:s3+$0x6AE0];
	v48 =	vmul.f32 v40, v43;
	[tilespmem:s3+$0x6A10] =	vst v56  }
0x15b: {  	v31 =	vld [tilespmem:s3+$0x6AB0];
	[tilespmem:s3+$0x6A80] =	vst v19;
	v19 =	vmul.f32 v63, v30  }
0x15c: {  	v39 =	vld [tilespmem:s3+$0x6B00];
	[tilespmem:s3+$0x6B10] =	vst v48;
	v56 =	vperm.xlane v18, v7;
	v35 =	vmul.f32 v61, v30  }
0x15d: {  	v34 =	vld [tilespmem:s3+$0x6AD0];
	[tilespmem:s3+$0x6AA0] =	vst v19;
	v19 =	vmul.f32 v33, v30  }
0x15e: {  	v42 =	vld [tilespmem:s3+$0x6B20];
	v61 =	vmul.f32 v53, v56;
	[tilespmem:s3+$0x6A90] =	vst v35  }
0x15f: {  	v37 =	vld [tilespmem:s3+$0x6AF0];
	[tilespmem:s3+$0x6AC0] =	vst v19;
	v19 =	vmul.f32 v36, v30  }
0x160: {  	v46 =	vld [tilespmem:s3+$0x6B40];
	[tilespmem:s3+$0x6B90] =	vst v61;
	v38 =	vmul.f32 v31, v30  }
0x161: {  	v47 =	vld [tilespmem:s3+$0x6B50];
	[tilespmem:s3+$0x6AE0] =	vst v19;
	v19 =	vmul.f32 v39, v43  }
0x162: {  	v49 =	vld [tilespmem:s3+$0x6B60];
	v41 =	vmul.f32 v34, v30;
	[tilespmem:s3+$0x6AB0] =	vst v38  }
0x163: {  	v38 =	vld [tilespmem:s3+$0x6C50];
	[tilespmem:s3+$0x6B00] =	vst v19;
	v19 =	vmul.f32 v42, v43  }
0x164: {  	v52 =	vld [tilespmem:s3+$0x6B80];
	[tilespmem:s3+$0x6AD0] =	vst v41;
	v45 =	vmul.f32 v37, v30  }
0x165: {  	v44 =	vld [tilespmem:s3+$0x6B30];
	[tilespmem:s3+$0x6B20] =	vst v19;
	v19 =	vmul.f32 v46, v43  }
0x166: {  	v55 =	vld [tilespmem:s3+$0x6BA0];
	v34 =	vperm.xlane v18, v8;
	[tilespmem:s3+$0x6AF0] =	vst v45;
	v54 =	vmul.f32 v47, v43  }
0x167: {  	v50 =	vld [tilespmem:s3+$0x6B70];
	[tilespmem:s3+$0x6B40] =	vst v19;
	v19 =	vmul.f32 v49, v43  }
0x168: {  	v59 =	vld [tilespmem:s3+$0x6BC0];
	v45 =	vmul.f32 v38, v34;
	[tilespmem:s3+$0x6B50] =	vst v54  }
0x169: {  	v57 =	vld [tilespmem:s3+$0x6BB0];
	[tilespmem:s3+$0x6B60] =	vst v19;
	v19 =	vmul.f32 v52, v56  }
0x16a: {  	v62 =	vld [tilespmem:s3+$0x6BE0];
	v51 =	vmul.f32 v44, v43;
	[tilespmem:s3+$0x6C50] =	vst v45  }
0x16b: {  	v60 =	vld [tilespmem:s3+$0x6BD0];
	[tilespmem:s3+$0x6B80] =	vst v19;
	v19 =	vmul.f32 v55, v56  }
0x16c: {  	v58 =	vmul.f32 v50, v43;
	[tilespmem:s3+$0x6B30] =	vst v51;
	v30 =	vld [tilespmem:s3+$0x6C00]  }
0x16d: {  	v51 =	vld [tilespmem:s3+$0x6CD0];
	[tilespmem:s3+$0x6BA0] =	vst v19;
	v19 =	vmul.f32 v59, v56  }
0x16e: {  	[tilespmem:s3+$0x6B70] =	vst v58;
	v29 =	vmul.f32 v57, v56;
	v33 =	vld [tilespmem:s3+$0x6C20]  }
0x16f: {  	v63 =	vld [tilespmem:s3+$0x6BF0];
	[tilespmem:s3+$0x6BC0] =	vst v19;
	v19 =	vmul.f32 v62, v56  }
0x170: {  	v37 =	vld [tilespmem:s3+$0x6C40];
	v47 =	vperm.xlane v18, v9;
	[tilespmem:s3+$0x6BB0] =	vst v29;
	v32 =	vmul.f32 v60, v56  }
0x171: {  	v61 =	vld [tilespmem:s3+$0x6D30];
	[tilespmem:s3+$0x6BE0] =	vst v19;
	v19 =	vmul.f32 v30, v34  }
0x172: {  	v40 =	vld [tilespmem:s3+$0x6C60];
	v58 =	vmul.f32 v51, v47;
	[tilespmem:s3+$0x6BD0] =	vst v32  }
0x173: {  	v31 =	vld [tilespmem:s3+$0x6C10];
	[tilespmem:s3+$0x6C00] =	vst v19;
	v19 =	vmul.f32 v33, v34  }
0x174: {  	v60 =	vperm.xlane v18, v10;
	v36 =	vmul.f32 v63, v56;
	[tilespmem:s3+$0x6CD0] =	vst v58;
	v43 =	vld [tilespmem:s3+$0x6C80]  }
0x175: {  	v57 =	vld [tilespmem:s3+$0x6D10];
	[tilespmem:s3+$0x6C20] =	vst v19;
	v19 =	vmul.f32 v37, v34  }
0x176: {  	v32 =	vmul.f32 v61, v60;
	[tilespmem:s3+$0x6BF0] =	vst v36;
	v46 =	vld [tilespmem:s3+$0x6CA0]  }
0x177: {  	v35 =	vld [tilespmem:s3+$0x6C30];
	[tilespmem:s3+$0x6C40] =	vst v19;
	v19 =	vmul.f32 v40, v34  }
0x178: {  	v50 =	vld [tilespmem:s3+$0x6CC0];
	v39 =	vmul.f32 v31, v34;
	[tilespmem:s3+$0x6D30] =	vst v32  }
0x179: {  	v28 =	vld [tilespmem:s3+$0x6D50];
	[tilespmem:s3+$0x6C60] =	vst v19;
	v19 =	vmul.f32 v43, v47  }
0x17a: {  	v53 =	vld [tilespmem:s3+$0x6CE0];
	v29 =	vmul.f32 v57, v60;
	[tilespmem:s3+$0x6C10] =	vst v39  }
0x17b: {  	v31 =	vld [tilespmem:s3+$0x6D70];
	[tilespmem:s3+$0x6C80] =	vst v19;
	v19 =	vmul.f32 v46, v47  }
0x17c: {  	v42 =	vmul.f32 v35, v34;
	[tilespmem:s3+$0x6D10] =	vst v29;
	v56 =	vld [tilespmem:s3+$0x6D00]  }
0x17d: {  	v41 =	vld [tilespmem:s3+$0x6C70];
	[tilespmem:s3+$0x6CA0] =	vst v19;
	v19 =	vmul.f32 v50, v47  }
0x17e: {  	v35 =	vmul.f32 v28, v60;
	[tilespmem:s3+$0x6C30] =	vst v42;
	v59 =	vld [tilespmem:s3+$0x6D20]  }
0x17f: {  	v44 =	vld [tilespmem:s3+$0x6C90];
	[tilespmem:s3+$0x6CC0] =	vst v19;
	v19 =	vmul.f32 v53, v47  }
0x180: {  	v63 =	vld [tilespmem:s3+$0x6D40];
	[tilespmem:s3+$0x6D50] =	vst v35;
	v39 =	vmul.f32 v31, v60  }
0x181: {  	v48 =	vld [tilespmem:s3+$0x6CB0];
	[tilespmem:s3+$0x6CE0] =	vst v19;
	v19 =	vmul.f32 v56, v60  }
0x182: {  	v49 =	vmul.f32 v41, v34;
	[tilespmem:s3+$0x6D70] =	vst v39;
	v30 =	vld [tilespmem:s3+$0x6D60]  }
0x183: {  	v54 =	vld [tilespmem:s3+$0x6CF0];
	[tilespmem:s3+$0x6D00] =	vst v19;
	v19 =	vmul.f32 v59, v60  }
0x184: {  	[tilespmem:s3+$0x6C70] =	vst v49;
	v52 =	vmul.f32 v44, v47;
	v33 =	vld [tilespmem:s3+$0x6D80]  }
0x185: {  	v38 =	vld [tilespmem:s3+$0x6DB0];
	[tilespmem:s3+$0x6D20] =	vst v19;
	v19 =	vmul.f32 v63, v60  }
0x186: {  	v36 =	vld [tilespmem:s3+$0x6DA0];
	[tilespmem:s3+$0x6C90] =	vst v52;
	v55 =	vmul.f32 v48, v47  }
0x187: {  	v41 =	vld [tilespmem:s3+$0x6DD0];
	v37 =	vperm.xlane v18, v11;
	[tilespmem:s3+$0x6D40] =	vst v19;
	v19 =	vmul.f32 v30, v60  }
0x188: {  	[tilespmem:s3+$0x6CB0] =	vst v55;
	v62 =	vmul.f32 v54, v47;
	v40 =	vld [tilespmem:s3+$0x6DC0]  }
0x189: {  	v44 =	vld [tilespmem:s3+$0x6DF0];
	[tilespmem:s3+$0x6D60] =	vst v19;
	v19 =	vmul.f32 v33, v37  }
0x18a: {  	[tilespmem:s3+$0x6CF0] =	vst v62;
	v45 =	vmul.f32 v38, v37;
	v43 =	vld [tilespmem:s3+$0x6DE0]  }
0x18b: {  	v34 =	vld [tilespmem:s3+$0x6D90];
	[tilespmem:s3+$0x6D80] =	vst v19;
	v19 =	vmul.f32 v36, v37  }
0x18c: {  	v48 =	vmul.f32 v41, v37;
	[tilespmem:s3+$0x6DB0] =	vst v45;
	v46 =	vld [tilespmem:s3+$0x6E00]  }
0x18d: {  	v51 =	vld [tilespmem:s3+$0x6E30];
	[tilespmem:s3+$0x6DA0] =	vst v19;
	v19 =	vmul.f32 v40, v37  }
0x18e: {  	v49 =	vld [tilespmem:s3+$0x6E20];
	v52 =	vmul.f32 v44, v37;
	[tilespmem:s3+$0x6DD0] =	vst v48  }
0x18f: {  	v54 =	vld [tilespmem:s3+$0x6E50];
	v50 =	vperm.xlane v18, v12;
	[tilespmem:s3+$0x6DC0] =	vst v19;
	v19 =	vmul.f32 v43, v37  }
0x190: {  	[tilespmem:s3+$0x6DF0] =	vst v52;
	v42 =	vmul.f32 v34, v37;
	v53 =	vld [tilespmem:s3+$0x6E40]  }
0x191: {  	v57 =	vld [tilespmem:s3+$0x6E70];
	[tilespmem:s3+$0x6DE0] =	vst v19;
	v19 =	vmul.f32 v46, v50  }
0x192: {  	[tilespmem:s3+$0x6D90] =	vst v42;
	v58 =	vmul.f32 v51, v50;
	v56 =	vld [tilespmem:s3+$0x6E60]  }
0x193: {  	v47 =	vld [tilespmem:s3+$0x6E10];
	[tilespmem:s3+$0x6E00] =	vst v19;
	v19 =	vmul.f32 v49, v50  }
0x194: {  	v61 =	vmul.f32 v54, v50;
	[tilespmem:s3+$0x6E30] =	vst v58;
	v59 =	vld [tilespmem:s3+$0x6E80]  }
0x195: {  	v39 =	vld [tilespmem:s3+$0x6F10];
	[tilespmem:s3+$0x6E20] =	vst v19;
	v19 =	vmul.f32 v53, v50  }
0x196: {  	v62 =	vld [tilespmem:s3+$0x6EA0];
	v31 =	vmul.f32 v57, v50;
	[tilespmem:s3+$0x6E50] =	vst v61  }
0x197: {  	v63 =	vperm.xlane v18, v13;
	v60 =	vld [tilespmem:s3+$0x6E90];
	[tilespmem:s3+$0x6E40] =	vst v19;
	v19 =	vmul.f32 v56, v50  }
0x198: {  	v32 =	vld [tilespmem:s3+$0x6EC0];
	v42 =	vperm.xlane v18, v14;
	[tilespmem:s3+$0x6E70] =	vst v31;
	v55 =	vmul.f32 v47, v50  }
0x199: {  	v33 =	vld [tilespmem:s3+$0x6ED0];
	[tilespmem:s3+$0x6E60] =	vst v19;
	v19 =	vmul.f32 v59, v63  }
0x19a: {  	v35 =	vld [tilespmem:s3+$0x6EE0];
	v47 =	vmul.f32 v39, v42;
	[tilespmem:s3+$0x6E10] =	vst v55  }
0x19b: {  	v30 =	vld [tilespmem:s3+$0x6EB0];
	[tilespmem:s3+$0x6E80] =	vst v19;
	v19 =	vmul.f32 v62, v63  }
0x19c: {  	v38 =	vld [tilespmem:s3+$0x6F00];
	[tilespmem:s3+$0x6F10] =	vst v47;
	v34 =	vmul.f32 v60, v63  }
0x19d: {  	v36 =	vld [tilespmem:s3+$0x6EF0];
	[tilespmem:s3+$0x6EA0] =	vst v19;
	v19 =	vmul.f32 v32, v63  }
0x19e: {  	v41 =	vld [tilespmem:s3+$0x6F20];
	[tilespmem:s3+$0x6E90] =	vst v34;
	v40 =	vmul.f32 v33, v63  }
0x19f: {  	v46 =	vld [tilespmem:s3+$0x6F50];
	[tilespmem:s3+$0x6EC0] =	vst v19;
	v19 =	vmul.f32 v35, v63  }
0x1a0: {  	v45 =	vld [tilespmem:s3+$0x6F40];
	v37 =	vmul.f32 v30, v63;
	[tilespmem:s3+$0x6ED0] =	vst v40  }
0x1a1: {  	v43 =	vld [tilespmem:s3+$0x6F30];
	[tilespmem:s3+$0x6EE0] =	vst v19;
	v19 =	vmul.f32 v38, v42  }
0x1a2: {  	v48 =	vld [tilespmem:s3+$0x6F60];
	v44 =	vmul.f32 v36, v63;
	[tilespmem:s3+$0x6EB0] =	vst v37  }
0x1a3: {  	v49 =	vld [tilespmem:s3+$0x6F70];
	[tilespmem:s3+$0x6F00] =	vst v19;
	v19 =	vmul.f32 v41, v42  }
0x1a4: {  	v51 =	vld [tilespmem:s3+$0x6F80];
	[tilespmem:s3+$0x6EF0] =	vst v44;
	v53 =	vmul.f32 v46, v42  }
0x1a5: {  	v52 =	vld [tilespmem:s3+$0x6F90];
	[tilespmem:s3+$0x6F20] =	vst v19;
	v19 =	vmul.f32 v45, v42  }
0x1a6: {  	v54 =	vld [tilespmem:s3+$0x6FA0];
	v50 =	vmul.f32 v43, v42;
	[tilespmem:s3+$0x6F50] =	vst v53  }
0x1a7: {  	v18 =	vperm.xlane v18, v15;
	v55 =	vld [tilespmem:s3+$0x6FB0];
	[tilespmem:s3+$0x6F40] =	vst v19;
	v19 =	vmul.f32 v48, v42  }
0x1a8: {  	v57 =	vld [tilespmem:s3+$0x6FC0];
	v56 =	vmul.f32 v49, v42;
	[tilespmem:s3+$0x6F30] =	vst v50  }
0x1a9: {  	v58 =	vld [tilespmem:s3+$0x6FD0];
	[tilespmem:s3+$0x6F60] =	vst v19;
	v19 =	vmul.f32 v51, v18  }
0x1aa: {  	v60 =	vld [tilespmem:s3+$0x6FE0];
	v59 =	vmul.f32 v52, v18;
	[tilespmem:s3+$0x6F70] =	vst v56  }
0x1ab: {  	v61 =	vld [tilespmem:s3+$0x6FF0];
	[tilespmem:s3+$0x6F80] =	vst v19;
	v19 =	vmul.f32 v54, v18  }
0x1ac: {  	[tilespmem:s3+$0x6F90] =	vst v59;
	v62 =	vmul.f32 v55, v18  }
0x1ad: {  	p2 =	sne.s32 s0, $0x7;
	[tilespmem:s3+$0x6FA0] =	vst v19;
	v19 =	vmul.f32 v57, v18  }
.Ltmp3:
0x1ae: {  	[tilespmem:s3+$0x6FB0] =	vst v62;
	v63 =	vmul.f32 v58, v18;
	(pc) =	sbr.rel @p2 .LBB2_5-.Ltmp3, $4  }
0x1af: {  	[tilespmem:s3+$0x6FC0] =	vst v19;
	v19 =	vmul.f32 v60, v18  }
0x1b0: {  	[tilespmem:s3+$0x6FD0] =	vst v63;
	v18 =	vmul.f32 v61, v18  }
0x1b1: {  	[tilespmem:s3+$0x6FE0] =	vst v19  }
0x1b2: {  	s0 =	sadd.s32 $0x1, s0;
	[tilespmem:s3+$0x6FF0] =	vst v18  }
0x1b3: {  	s30 =	sadd.s32 $0x1, s30  }
0x1b4: {  	p2 =	sne.s32 s30, $0x28  }
.Ltmp4:
0x1b5: {  	s0 =	sshll.u32 s31, $0xE;
	(pc) =	sbr.rel @p2 .LBB2_2-.Ltmp4, $4  }
0x1b6: {  	s0 =	sadd.s32 s7, s0  }
0x1b7: {  	s0 =	sshrl.u32 s0, $0x3  }
0x1b8: {  	s0 =	sadd.s32 s4, s0  }
0x1b9: {  	[hbm4b:s0+s2] =	stream.linear.scatter [tilespmem:s22], [sflag:$0x4], $0x4000, $0x38;
	[tilespmem:$0x1E400] =	vst v63  }
0x1ba: {  	_ =	swait.ge [sflag:s28], $0x4000  }
0x1bb: {  	[sflag:s28] =	ssyncset.done $0x0  }
0x1bc: {  	[sflag:s28] =	ssyncadd.s32 $0xFFFFC000  }
0x1bd: {  	s0 =	simm.s32 $0x0;
	s3 =	simm.s32 $0x200;
	[bflag:$0x0] =	sbarrier.arrive $0xFFFF  }
.LBB2_8:
0x1be: {  	p2 =	sne.s32 s3, $0xFE00;
	[tilespmem:s0+$0x2870] =	vst v16  }
0x1bf: {  	[tilespmem:s0+$0x2800] =	vst v16  }
0x1c0: {  	[tilespmem:s0+$0x2810] =	vst v16  }
.Ltmp5:
0x1c1: {  	[tilespmem:s0+$0x2820] =	vst v16;
	(pc) =	sbr.rel @p2 .LBB2_8-.Ltmp5, $4  }
0x1c2: {  	[tilespmem:s0+$0x2830] =	vst v16  }
0x1c3: {  	[tilespmem:s0+$0x2840] =	vst v16  }
0x1c4: {  	[tilespmem:s0+$0x2850] =	vst v16  }
0x1c5: {  	[tilespmem:s0+$0x2860] =	vst v16;
	s0 =	sshra.s32 s3, $0x2;
	s3 =	sadd.s32 $0x200, s3  }
0x1c6: {  	[tilespmem:s0+$0x2870] =	vst v16  }
0x1c7: {  	[tilespmem:s0+$0x2800] =	vst v16  }
0x1c8: {  	[tilespmem:s0+$0x2810] =	vst v16  }
0x1c9: {  	[tilespmem:s0+$0x2820] =	vst v16  }
0x1ca: {  	[tilespmem:s0+$0x2830] =	vst v16  }
0x1cb: {  	[tilespmem:s0+$0x2840] =	vst v16  }
0x1cc: {  	[tilespmem:s0+$0x2850] =	vst v16  }
0x1cd: {  	[tilespmem:s0+$0x2860] =	vst v16  }
0x1ce: {  	[spmem:s8] =	stream.linear.scatter [tilespmem:s20], [sflag:$0x5], $0x4000, $0x38;
	[tilespmem:$0x1E400] =	vst v63  }
0x1cf: {  	_ =	swait.ge [sflag:s14], $0x4000  }
0x1d0: {  	[sflag:s14] =	ssyncset.done $0x0  }
0x1d1: {  	s31 =	rddreg [dreg:$0x8];
	[sflag:s14] =	ssyncadd.s32 $0xFFFFC000  }
0x1d2: {  	[spmem:s31] =	stream.linear.scatter [tilespmem:s20], [sflag:$0x5], $0x4000, $0x38;
	[tilespmem:$0x1E400] =	vst v63  }
0x1d3: {  	_ =	swait.ge [sflag:s14], $0x4000  }
0x1d4: {  	[sflag:s14] =	ssyncset.done $0x0  }
0x1d5: {  	s3 =	rddreg [dreg:$0xa];
	[sflag:s14] =	ssyncadd.s32 $0xFFFFC000  }
0x1d6: {  	[spmem:s3] =	stream.linear.scatter [tilespmem:s20], [sflag:$0x5], $0x4000, $0x38;
	[tilespmem:$0x1E400] =	vst v63  }
0x1d7: {  	_ =	swait.ge [sflag:s14], $0x4000  }
0x1d8: {  	[sflag:s14] =	ssyncset.done $0x0  }
0x1d9: {  	s23 =	rddreg [dreg:$0x11];
	[sflag:s14] =	ssyncadd.s32 $0xFFFFC000  }
0x1da: {  	[spmem:s23] =	stream.linear.scatter [tilespmem:s20], [sflag:$0x5], $0x4000, $0x38;
	[tilespmem:$0x1E400] =	vst v63  }
0x1db: {  	_ =	swait.ge [sflag:s14], $0x4000  }
0x1dc: {  	[sflag:s14] =	ssyncset.done $0x0  }
0x1dd: {  	s24 =	rddreg [dreg:$0x12];
	[sflag:s14] =	ssyncadd.s32 $0xFFFFC000  }
0x1de: {  	[spmem:s24] =	stream.linear.scatter [tilespmem:s20], [sflag:$0x5], $0x3C00, $0x38;
	[tilespmem:$0x1E400] =	vst v63  }
0x1df: {  	_ =	swait.ge [sflag:s14], $0x3C00  }
0x1e0: {  	[sflag:s14] =	ssyncset.done $0x0  }
0x1e1: {  	s31 =	rddreg [dreg:$0x9];
	[sflag:s14] =	ssyncadd.s32 $0xFFFFC400  }
0x1e2: {  	[tilespmem:s2], [sflag:$0x5] =	stream.linear.gather [hbm4b:s31+s2], $0x1400, $0x38;
	[tilespmem:$0x1E400] =	vst v63  }
0x1e3: {  	_ =	swait.ge [sflag:s14], $0x1400  }
0x1e4: {  	[sflag:s14] =	ssyncset.done $0x0  }
0x1e5: {  	[sflag:s14] =	ssyncadd.s32 $0xFFFFEC00  }
0x1e6: {  	s0 =	simm.s32 $0x1;
	[bflag:$0x0] =	sbarrier.arrive $0xFFFF  }
0x1e7: {  	[tilespmem:s20], [sflag:$0x1] =	stream.linear.gather [hbm4b:s18+s2], $0x4000, $0x38;
	[tilespmem:$0x1E400] =	vst v63  }
0x1e8: {  	_ =	swait.ge [sflag:s0], $0x4000  }
0x1e9: {  	[sflag:s0] =	ssyncset.done $0x0  }
0x1ea: {  	s3 =	rddreg [dreg:$0xd];
	[sflag:s0] =	ssyncadd.s32 $0xFFFFC000  }
0x1eb: {  	[tilespmem:s22], [sflag:$0x2] =	stream.linear.gather [hbm4b:s3+s2], $0x4000, $0x38;
	[tilespmem:$0x1E400] =	vst v63  }
0x1ec: {  	_ = 	snop  }
0x1ed: {  	[spmem:s1] =	stream.indirect.scatter.add.f32 [tilespmem:s20], [sflag:$0x3], $0x80, s2, s17, $0xb8;
	[tilespmem:$0x1E400] =	vst v63  }
0x1ee: {  	_ =	swait.ge [sflag:s25], $0x4000  }
0x1ef: {  	[sflag:s25] =	ssyncset.done $0x0  }
0x1f0: {  	s3 =	simm.s32 $0x3;
	[sflag:s25] =	ssyncadd.s32 $0xFFFFC000  }
0x1f1: {  	_ =	swait.ge [sflag:s3], $0x4000  }
0x1f2: {  	[sflag:s3] =	ssyncset.done $0x0  }
0x1f3: {  	s24 =	rddreg [dreg:$0xf];
	[sflag:s3] =	ssyncadd.s32 $0xFFFFC000  }
0x1f4: {  	[tilespmem:s20], [sflag:$0x1] =	stream.linear.gather [hbm4b:s13+s2], $0x4000, $0x38;
	[tilespmem:$0x1E400] =	vst v63  }
0x1f5: {  	s23 =	simm.s32 $0x400;
	s30 =	rddreg [dreg:$0xe]  }
0x1f6: {  	[spmem:s1] =	stream.indirect.scatter.add.f32 [tilespmem:s22], [sflag:$0x4], $0x80, s17, s17, $0xb8;
	[tilespmem:$0x1E400] =	vst v63  }
.LBB2_10:
0x1f7: {  	_ =	swait.ge [sflag:s21], $0x4000  }
0x1f8: {  	[sflag:s21] =	ssyncset.done $0x0  }
0x1f9: {  	[sflag:s21] =	ssyncadd.s32 $0xFFFFC000  }
0x1fa: {  	_ =	swait.ge [sflag:s28], $0x4000  }
0x1fb: {  	p2 =	sne.s32 s23, $0x5000;
	[sflag:s28] =	ssyncset.done $0x0  }
0x1fc: {  	s31 =	simm.s32 @!p2 $0x0;
	[sflag:s28] =	ssyncadd.s32 $0xFFFFC000  }
0x1fd: {  	[tilespmem:s31], [sflag:$0x5] =	stream.linear.gather @!p2 [hbm4b:s15+s31], $0x1400, $0x38;
	[tilespmem:$0x1E400] =	vst v63  }
0x1fe: {  	s31 =	simm.s32 @!p2 $0x5  }
0x1ff: {  	_ =	swait.ge @!p2 [sflag:s31], $0x1400  }
0x200: {  	[sflag:s31] =	ssyncset.done @!p2 $0x0  }
0x201: {  	[sflag:s31] =	ssyncadd.s32 @!p2 $0xFFFFEC00;
	p2 =	slt.u32 s0, $0x14;
	s31 =	sadd.s32 $0xFFFFB000, s23  }
0x202: {  	[tilespmem:s22], [sflag:$0x2] =	stream.linear.gather [hbm4b:s24+s2], $0x4000, $0x38;
	[tilespmem:$0x1E400] =	vst v63  }
0x203: {  	s31 =	smov.u32 @p2 s23  }
0x204: {  	s31 =	sshra.s32 s31, $0x2  }
0x205: {  	[spmem:s1] =	stream.indirect.scatter.add.f32 [tilespmem:s20], [sflag:$0x3], $0x80, s31, s17, $0xb8;
	[tilespmem:$0x1E400] =	vst v63  }
0x206: {  	p3 =	seq.s32 s23, $0x9C00;
	_ =	swait.ge [sflag:s25], $0x4000  }
.Ltmp6:
0x207: {  	[sflag:s25] =	ssyncset.done $0x0;
	(pc) =	sbr.rel @p3 .LBB2_12-.Ltmp6, $4  }
0x208: {  	[sflag:s25] =	ssyncadd.s32 $0xFFFFC000  }
0x209: {  	_ =	swait.ge [sflag:s26], $0x4000  }
0x20a: {  	[sflag:s26] =	ssyncset.done $0x0  }
0x20b: {  	[sflag:s26] =	ssyncadd.s32 $0xFFFFC000  }
0x20c: {  	[tilespmem:s20], [sflag:$0x1] =	stream.linear.gather [hbm4b:s30+s2], $0x4000, $0x38;
	[tilespmem:$0x1E400] =	vst v63  }
.Ltmp7:
0x20d: {  	s31 =	sadd.s32 $0xFFFFFFD8, s3;
	(pc) =	sbr.rel .LBB2_10-.Ltmp7, $4  }
0x20e: {  	s0 =	sadd.s32 $0x1, s0;
	s31 =	smov.u32 @p2 s3  }
0x20f: {  	s30 =	sadd.s32 $0x1000, s30;
	s23 =	sadd.s32 $0x400, s23;
	s31 =	sshll.u32 s31, $0x7  }
0x210: {  	s24 =	sadd.s32 $0x1000, s24;
	s3 =	sadd.s32 $0x2, s3;
	s31 =	sand.u32 $0x3FFFFF80, s31  }
0x211: {  	[spmem:s1] =	stream.indirect.scatter.add.f32 [tilespmem:s22], [sflag:$0x4], $0x80, s31, s17, $0xb8;
	[tilespmem:$0x1E400] =	vst v63  }
.LBB2_13:
0x212: {  	_ =	sfence.sel $0x180000  }
0x213: {  	[bflag:$0x0] =	sbarrier.arrive $0xFFFF  }
0x214: {  	_ =	strace $0x90000047  }
0x215: {  	[bflag:$0x2] =	sbarrier.arrive $0xFFFF  }
0x216: {  	s0 =	rddreg [dreg:$0x3]  }
0x217: {  	s0 =	sadd.s32 @!p0 $0x100000, s0  }
0x218: {  	[sflag:s0] =	ssyncadd.tile.s32 @!p0 $0x1;
	_ =	shalt  }
.Lfunc_end2:
_tile_overlayer_lowered:
.L_overlay_start_2:
0x219: {  	(tag) =	ssettag $0x2  }
0x21a: {  	s0 =	rddreg [dreg:$0x0];
	s2 =	stileid.u32  }
0x21b: {  	s1 =	rddreg [dreg:$0x1];
	p0 =	sne.s32 s2, $0x0  }
0x21c: {  	s3 =	rddreg [dreg:$0x2];
	[bflag:$0x3] =	sbarrier.arrive $0xFFFF;
	s2 =	simm.s32 @!p0 $0x1C05  }
0x21d: {  	[timem:s3], [sflag:s2] =	dma.local @!p0 [hbm:s0], s1  }
0x21e: {  	s0 =	simm.s32 @!p0 $0x5  }
0x21f: {  	_ =	swait.ge @!p0 [sflag:s0], s1  }
0x220: {  	s1 =	ssub.s32 @!p0 $0x0, s1;
	[sflag:s0] =	ssyncset.done @!p0 $0x0  }
0x221: {  	[sflag:s0] =	ssyncadd.s32 @!p0 s1  }
0x222: {  	[bflag:$0x3] =	sbarrier.arrive $0xFFFF  }
0x223: {  	_ =	shalt  }

</sc_bundles>
